<compile_context>
chip_gen: v7x
topology: tpu7x:2x2x1
jax: 0.10.2.dev20260603
libtpu: 0.0.44.dev20260713+nightly
codegen_flags: <defaults>
</compile_context>

<pallas_src>
import functools
import math

import jax
import jax.numpy as jnp
import numpy as np
from jax import lax
from jax.experimental import pallas as pl
from jax.experimental.pallas import tpu as pltpu
from jax.experimental.pallas import tpu_sc as plsc

NUM_HEADS = 4
HEAD_SIZE = 96
HP = 128
CLUSTER_SIZE = 128
B = 4
L = 4096
C = 384
PAD = 160


def _static_layout():
    n_cluster = max(L // CLUSTER_SIZE, 1)
    np.random.seed(0)
    labels = np.random.randint(0, n_cluster, size=L)
    index = np.argsort(labels, kind='stable')
    window_sizes = np.bincount(labels).tolist()
    sizes = []
    for size in window_sizes:
        if size >= CLUSTER_SIZE * 2:
            num_splits = size // CLUSTER_SIZE
            quotient = size // num_splits
            remainder = size % num_splits
            sizes.extend([quotient + 1 if i < remainder else quotient
                          for i in range(num_splits)])
        else:
            sizes.append(size)
    sizes = [s for s in sizes if s > 0]
    nw = len(sizes)
    starts = np.concatenate([[0], np.cumsum(sizes)]).astype(np.int64)
    assert starts[-1] == L and max(sizes) <= PAD

    lp = nw * PAD
    slot_src = np.zeros(lp, dtype=np.int64)
    for w in range(nw):
        s, e = starts[w], starts[w + 1]
        rows = index[s:e]
        slot_src[w * PAD: w * PAD + (e - s)] = rows
        slot_src[w * PAD + (e - s): (w + 1) * PAD] = rows[0]
    gin = (np.arange(B)[:, None] * L + slot_src[None, :]).reshape(-1).astype(np.int32)

    pos_slot = np.zeros(L, dtype=np.int64)
    for w in range(nw):
        s, e = starts[w], starts[w + 1]
        pos_slot[s:e] = w * PAD + np.arange(e - s)
    gout = (np.arange(B)[:, None] * lp + pos_slot[None, :]).reshape(-1).astype(np.int32)

    bias = np.zeros((nw, 1, PAD), dtype=np.float32)
    for w in range(nw):
        bias[w, 0, sizes[w]:] = -1e30
    return nw, gin, gout, bias


_NW, _GIN, _GOUT, _BIAS = _static_layout()
_LP = _NW * PAD


@functools.lru_cache(maxsize=None)
def _sc_row_gather(n_out, n_tab, cols):
    info = plsc.get_sparse_core_info()
    nworkers = info.num_cores * info.num_subcores
    per_w = n_out // nworkers
    chunk = 128
    assert n_out % nworkers == 0 and per_w % 8 == 0
    chunks = [chunk] * (per_w // chunk)
    if per_w % chunk:
        chunks.append(per_w % chunk)
    offs = [sum(chunks[:i]) for i in range(len(chunks))]
    mesh = plsc.VectorSubcoreMesh(core_axis_name="c", subcore_axis_name="s")

    @functools.partial(
        pl.kernel, mesh=mesh,
        out_type=jax.ShapeDtypeStruct((n_out, cols), jnp.float32),
        scratch_types=[
            pltpu.VMEM((per_w,), jnp.int32),
            pltpu.VMEM((2, chunk, cols), jnp.float32),
            pltpu.SemaphoreType.DMA,
            pltpu.SemaphoreType.DMA,
            pltpu.SemaphoreType.DMA,
            pltpu.SemaphoreType.DMA,
        ],
    )
    def gather(table_hbm, idx_hbm, out_hbm, idx_v, rows_v,
               sg0, sg1, ss0, ss1):
        wid = lax.axis_index("s") * info.num_cores + lax.axis_index("c")
        base = wid * per_w
        pltpu.sync_copy(idx_hbm.at[pl.ds(base, per_w)], idx_v)
        sgs, sss = [sg0, sg1], [ss0, ss1]
        n = len(chunks)

        def fire(c):
            p = c & 1
            return pltpu.async_copy(
                table_hbm.at[idx_v.at[pl.ds(offs[c], chunks[c])]],
                rows_v.at[p, pl.ds(0, chunks[c])], sgs[p])

        gh = [None] * n
        sh = [None] * n
        waited = [False] * n
        gh[0] = fire(0)
        if n > 1:
            gh[1] = fire(1)
        for c in range(n):
            p = c & 1
            gh[c].wait()
            sh[c] = pltpu.async_copy(
                rows_v.at[p, pl.ds(0, chunks[c])],
                out_hbm.at[pl.ds(base + offs[c], chunks[c])], sss[p])
            if c + 2 < n:
                sh[c].wait()
                waited[c] = True
                gh[c + 2] = fire(c + 2)
        for c in range(n):
            if sh[c] is not None and not waited[c]:
                sh[c].wait()

    return gather


WPS = 4


def _fused_body(xsp_ref, wq_ref, bq_ref, bias_ref, wo_ref, bo_ref, out_ref):
    xall = xsp_ref[...].reshape(B * WPS * PAD, C).astype(jnp.bfloat16)
    qkv = jnp.dot(xall, wq_ref[...], preferred_element_type=jnp.float32)
    qkv = (qkv + bq_ref[0]).astype(jnp.bfloat16)
    oparts = []
    for b in range(B):
        for w in range(WPS):
            qkvb = qkv[(b * WPS + w) * PAD:(b * WPS + w + 1) * PAD]
            bias = bias_ref[w]
            for h in range(NUM_HEADS):
                q = qkvb[:, h * HP:(h + 1) * HP]
                k = qkvb[:, (NUM_HEADS + h) * HP:(NUM_HEADS + h + 1) * HP]
                v = qkvb[:, (2 * NUM_HEADS + h) * HP:(2 * NUM_HEADS + h + 1) * HP]
                s = lax.dot_general(q, k, (((1,), (1,)), ((), ())),
                                    preferred_element_type=jnp.float32)
                e = jnp.exp(s + bias)
                p = e / jnp.sum(e, axis=-1, keepdims=True)
                oparts.append(jnp.dot(p.astype(jnp.bfloat16), v,
                                      preferred_element_type=jnp.float32
                                      ).astype(jnp.bfloat16))
    ocat = jnp.concatenate(
        [jnp.concatenate(oparts[g * NUM_HEADS:(g + 1) * NUM_HEADS], axis=1)
         for g in range(B * WPS)], axis=0)
    res = jnp.dot(ocat, wo_ref[...], preferred_element_type=jnp.float32)
    out_ref[...] = (res + bo_ref[0]).reshape(B, WPS * PAD, C) + xsp_ref[...]


def _fused_body_alias(xsp_ref, wq_ref, bq_ref, bias_ref, wo_ref, bo_ref,
                      hfull_ref, out_ref):
    del hfull_ref
    _fused_body(xsp_ref, wq_ref, bq_ref, bias_ref, wo_ref, bo_ref, out_ref)


def kernel(x, W_qkv, b_qkv, W_out, b_out):
    scale = 1.0 / math.sqrt(HEAD_SIZE)
    qkv_scale = jnp.array([scale, 1.0, 1.0], jnp.float32)[:, None, None]
    wq = jnp.zeros((C, 3, NUM_HEADS, HP), jnp.float32)
    wq = wq.at[:, :, :, :HEAD_SIZE].set(
        W_qkv.reshape(C, 3, NUM_HEADS, HEAD_SIZE) * qkv_scale[None])
    wq = wq.reshape(C, 3 * NUM_HEADS * HP).astype(jnp.bfloat16)
    bq = jnp.zeros((3, NUM_HEADS, HP), jnp.float32)
    bq = bq.at[:, :, :HEAD_SIZE].set(
        b_qkv.reshape(3, NUM_HEADS, HEAD_SIZE) * qkv_scale)
    bq = bq.reshape(1, 3 * NUM_HEADS * HP).astype(jnp.bfloat16)
    wo = jnp.zeros((NUM_HEADS, HP, C), jnp.float32)
    wo = wo.at[:, :HEAD_SIZE, :].set(W_out.reshape(NUM_HEADS, HEAD_SIZE, C))
    wo = wo.reshape(NUM_HEADS * HP, C).astype(jnp.bfloat16)

    half = _NW // 2
    hl = half * PAD
    x2d = x.reshape(B * L, C)
    gin = jnp.asarray(_GIN).reshape(B, _NW, PAD)
    bias = jnp.asarray(_BIAS)
    bo2d = b_out.reshape(1, -1)
    gath = _sc_row_gather(B * hl, B * L, C)

    xs0 = gath(x2d, gin[:, :half].reshape(-1)).reshape(B, hl, C)
    xs1 = gath(x2d, gin[:, half:].reshape(-1)).reshape(B, hl, C)

    common_specs = [
        pl.BlockSpec((C, 3 * NUM_HEADS * HP), lambda w: (0, 0)),
        pl.BlockSpec((1, 3 * NUM_HEADS * HP), lambda w: (0, 0)),
        pl.BlockSpec((WPS, 1, PAD), lambda w: (w, 0, 0)),
        pl.BlockSpec((NUM_HEADS * HP, C), lambda w: (0, 0)),
        pl.BlockSpec((1, C), lambda w: (0, 0)),
    ]
    h0 = pl.pallas_call(
        _fused_body,
        grid=(half // WPS,),
        in_specs=[pl.BlockSpec((B, WPS * PAD, C), lambda w: (0, w, 0))]
        + common_specs,
        out_specs=pl.BlockSpec((B, WPS * PAD, C), lambda w: (0, w, 0)),
        out_shape=jax.ShapeDtypeStruct((B, _LP, C), jnp.float32),
    )(xs0, wq, bq, bias[:half], wo, bo2d)
    h_pad = pl.pallas_call(
        _fused_body_alias,
        grid=(half // WPS,),
        in_specs=[pl.BlockSpec((B, WPS * PAD, C), lambda w: (0, w, 0))]
        + common_specs
        + [pl.BlockSpec(memory_space=pl.ANY)],
        out_specs=pl.BlockSpec((B, WPS * PAD, C),
                               lambda w: (0, w + _NW // (2 * WPS), 0)),
        out_shape=jax.ShapeDtypeStruct((B, _LP, C), jnp.float32),
        input_output_aliases={6: 0},
    )(xs1, wq, bq, bias[half:], wo, bo2d, h0)

    out = _sc_row_gather(B * L, B * _LP, C)(
        h_pad.reshape(B * _LP, C), jnp.asarray(_GOUT))
    return out.reshape(B, L, C)

# --- scband reference (transcript-rebuilt; emitter-appended) ---
"""Pipeline reference for scband-cluster-local-attention-77807627535045 (READ-ONLY COPY).

The authoritative reference and input builder live on the scoring server;
editing this copy changes nothing except your own understanding.
"""

import math
import jax, jax.numpy as jnp
import numpy as np

NUM_HEADS = 4
HEAD_SIZE = 96
CLUSTER_SIZE = 128


def _make_windows(L):
    # feature_weight == -1 path: random cluster labels, deterministic seed
    n_cluster = L // CLUSTER_SIZE
    if n_cluster == 0:
        n_cluster = 1
    np.random.seed(0)
    labels = np.random.randint(0, n_cluster, size=L)
    index = np.argsort(labels, kind='stable')
    window_sizes = np.bincount(labels).tolist()
    window_sizes_new = []
    for size in window_sizes:
        if size >= CLUSTER_SIZE * 2:
            num_splits = size // CLUSTER_SIZE
            quotient = size // num_splits
            remainder = size % num_splits
            result = [quotient + 1 if i < remainder else quotient for i in range(num_splits)]
            window_sizes_new.extend(result)
        else:
            window_sizes_new.append(size)
    return index, window_sizes_new


def setup_inputs(seed: int = 0) -> dict:
    key = jax.random.key(seed)
    k1, k2, k3 = jax.random.split(key, 3)
    x = jax.random.normal(k1, (4, 4096, 384), dtype=jnp.float32)
    inner_dim = NUM_HEADS * HEAD_SIZE  # 384
    W_qkv = jax.random.normal(k2, (384, inner_dim * 3), dtype=jnp.float32) * 0.02
    b_qkv = jnp.zeros((inner_dim * 3,), dtype=jnp.float32)
    W_out = jax.random.normal(k3, (inner_dim, 384), dtype=jnp.float32) * 0.02
    b_out = jnp.zeros((384,), dtype=jnp.float32)
    return {"x": x, "W_qkv": W_qkv, "b_qkv": b_qkv, "W_out": W_out, "b_out": b_out}


def reference(x, W_qkv, b_qkv, W_out, b_out):
    B, L, C = x.shape
    index, window_sizes = _make_windows(L)
    idx = jnp.asarray(index, dtype=jnp.int32)
    # permute tokens into cluster-sorted order (gather)
    xs = jnp.take(x, idx, axis=1)
    qkv = xs @ W_qkv + b_qkv
    qs, ks, vs = jnp.split(qkv, 3, axis=-1)
    def to_heads(t):
        return jnp.transpose(t.reshape(B, L, NUM_HEADS, HEAD_SIZE), (0, 2, 1, 3))
    qs, ks, vs = to_heads(qs), to_heads(ks), to_heads(vs)
    outs = []
    now = 0
    scale = 1.0 / math.sqrt(HEAD_SIZE)
    for w in window_sizes:
        if w == 0:
            continue
        q = qs[:, :, now:now + w]
        k = ks[:, :, now:now + w]
        v = vs[:, :, now:now + w]
        scores = jnp.matmul(q, jnp.swapaxes(k, -1, -2)) * scale
        probs = jax.nn.softmax(scores, axis=-1)  # dropout: eval mode (identity)
        outs.append(jnp.matmul(probs, v))
        now += w
    h = jnp.concatenate(outs, axis=2)  # [B, H, L, d]
    h = jnp.transpose(h, (0, 2, 1, 3)).reshape(B, L, NUM_HEADS * HEAD_SIZE)
    h = h @ W_out + b_out + xs
    return h

if __name__ == "__main__":
    import jax
    _d = setup_inputs()
    print(jax.jit(kernel)(*tuple(_d.values())))

</pallas_src>

<mosaic_0001>
#map = affine_map<(d0, d1) -> (0, 0)>
#map1 = affine_map<(d0, d1) -> (0)>
module attributes {stable_mosaic.version = 14 : i64} {
  func.func @gather(%arg0: i32, %arg1: i32, %arg2: memref<16384x384xf32, #tpu.memory_space<hbm>>, %arg3: memref<10240xi32, #tpu.memory_space<hbm>>, %arg4: memref<10240x384xf32, #tpu.memory_space<hbm>>, %arg5: memref<320xi32, #tpu.memory_space<vmem>>, %arg6: memref<2x128x384xf32, #tpu.memory_space<vmem>>, %arg7: memref<!tpu.dma_semaphore, #tpu.memory_space<semaphore_mem>>, %arg8: memref<!tpu.dma_semaphore, #tpu.memory_space<semaphore_mem>>, %arg9: memref<!tpu.dma_semaphore, #tpu.memory_space<semaphore_mem>>, %arg10: memref<!tpu.dma_semaphore, #tpu.memory_space<semaphore_mem>>) attributes {dimension_semantics = [#tpu.dimension_semantics<core_parallel>, #tpu.dimension_semantics<subcore_parallel>], iteration_bounds = array<i64: 2, 16>, scalar_prefetch = 0 : i64, scratch_operands = 6 : i64, tpu.core_type = #tpu.core_type<sc_vector_subcore>, window_params = [{transform_indices = #map}, {transform_indices = #map1}, {transform_indices = #map}]} {
    %mul3A = arith.constant 2 : i32
    %mul3A_0 = arith.muli %arg1, %mul3A : i32
    %add3A = arith.addi %mul3A_0, %arg0 : i32
    %mul3A_1 = arith.constant 320 : i32
    %mul3A_2 = arith.muli %add3A, %mul3A_1 : i32
    "tpu.region"() ({
      %run_scoped3A = tpu.sem_alloc : memref<!tpu.dma_semaphore, #tpu.memory_space<semaphore_mem>>
      %dma_start3A_145 = tpu.memref_slice %arg3[%mul3A_2] : memref<10240xi32, #tpu.memory_space<hbm>> -> memref<320xi32, #tpu.memory_space<hbm>>
      %dma_start3A_146 = tpu.memref_slice %arg3[%mul3A_2] : memref<10240xi32, #tpu.memory_space<hbm>> -> memref<320xi32, #tpu.memory_space<hbm>>
      tpu.enqueue_dma source(%dma_start3A_146 : memref<320xi32, #tpu.memory_space<hbm>>) target(%arg5 : memref<320xi32, #tpu.memory_space<vmem>>) target_semaphore(%run_scoped3A : memref<!tpu.dma_semaphore, #tpu.memory_space<semaphore_mem>>)
      %dma_wait3A_147 = tpu.memref_slice %arg3[%mul3A_2] : memref<10240xi32, #tpu.memory_space<hbm>> -> memref<320xi32, #tpu.memory_space<hbm>>
      %dma_wait3A_148 = tpu.memref_slice %arg3[%mul3A_2] : memref<10240xi32, #tpu.memory_space<hbm>> -> memref<320xi32, #tpu.memory_space<hbm>>
      tpu.wait_dma2 semaphore(%run_scoped3A : memref<!tpu.dma_semaphore, #tpu.memory_space<semaphore_mem>>) src(%dma_wait3A_148 : memref<320xi32, #tpu.memory_space<hbm>>) dst(%arg5 : memref<320xi32, #tpu.memory_space<vmem>>)
      tpu.yield
    }) : () -> ()
    %dma_start3A = arith.constant 0 : i32
    %dma_start3A_3 = arith.constant 0 : i32
    %dma_start3A_4 = arith.constant 0 : i32
    %dma_start3A_5 = tpu.memref_slice %arg6[%dma_start3A, %dma_start3A_3, %dma_start3A_4] : memref<2x128x384xf32, #tpu.memory_space<vmem>> -> memref<1x128x384xf32, #tpu.memory_space<vmem>>
    %dma_start3A_6 = tpu.memref_squeeze %dma_start3A_5 : memref<1x128x384xf32, #tpu.memory_space<vmem>> -> memref<128x384xf32, #tpu.memory_space<vmem>>
    %dma_start3A_7 = arith.constant 0 : i32
    %dma_start3A_8 = tpu.memref_slice %arg5[%dma_start3A_7] : memref<320xi32, #tpu.memory_space<vmem>> -> memref<128xi32, #tpu.memory_space<vmem>>
    %dma_start3A_9 = arith.constant 0 : i32
    %dma_start3A_10 = arith.constant 0 : i32
    %dma_start3A_11 = tpu.memref_slice %arg2[%dma_start3A_9, %dma_start3A_10] : memref<16384x384xf32, #tpu.memory_space<hbm>> -> memref<16384x384xf32, #tpu.memory_space<hbm>>
    tpu.enqueue_indirect_dma source(%dma_start3A_11 : memref<16384x384xf32, #tpu.memory_space<hbm>>) target(%dma_start3A_6 : memref<128x384xf32, #tpu.memory_space<vmem>>) offsets(%dma_start3A_8 : memref<128xi32, #tpu.memory_space<vmem>>) semaphore(%arg7 : memref<!tpu.dma_semaphore, #tpu.memory_space<semaphore_mem>>)
    %dma_start3A_12 = arith.constant 1 : i32
    %dma_start3A_13 = arith.constant 0 : i32
    %dma_start3A_14 = arith.constant 0 : i32
    %dma_start3A_15 = tpu.memref_slice %arg6[%dma_start3A_12, %dma_start3A_13, %dma_start3A_14] : memref<2x128x384xf32, #tpu.memory_space<vmem>> -> memref<1x128x384xf32, #tpu.memory_space<vmem>>
    %dma_start3A_16 = tpu.memref_squeeze %dma_start3A_15 : memref<1x128x384xf32, #tpu.memory_space<vmem>> -> memref<128x384xf32, #tpu.memory_space<vmem>>
    %dma_start3A_17 = arith.constant 128 : i32
    %dma_start3A_18 = tpu.memref_slice %arg5[%dma_start3A_17] : memref<320xi32, #tpu.memory_space<vmem>> -> memref<128xi32, #tpu.memory_space<vmem>>
    %dma_start3A_19 = arith.constant 0 : i32
    %dma_start3A_20 = arith.constant 0 : i32
    %dma_start3A_21 = tpu.memref_slice %arg2[%dma_start3A_19, %dma_start3A_20] : memref<16384x384xf32, #tpu.memory_space<hbm>> -> memref<16384x384xf32, #tpu.memory_space<hbm>>
    tpu.enqueue_indirect_dma source(%dma_start3A_21 : memref<16384x384xf32, #tpu.memory_space<hbm>>) target(%dma_start3A_16 : memref<128x384xf32, #tpu.memory_space<vmem>>) offsets(%dma_start3A_18 : memref<128xi32, #tpu.memory_space<vmem>>) semaphore(%arg8 : memref<!tpu.dma_semaphore, #tpu.memory_space<semaphore_mem>>)
    %dma_wait3A = arith.constant 0 : i32
    %dma_wait3A_22 = arith.constant 0 : i32
    %dma_wait3A_23 = arith.constant 0 : i32
    %dma_wait3A_24 = tpu.memref_slice %arg6[%dma_wait3A, %dma_wait3A_22, %dma_wait3A_23] : memref<2x128x384xf32, #tpu.memory_space<vmem>> -> memref<1x128x384xf32, #tpu.memory_space<vmem>>
    %dma_wait3A_25 = tpu.memref_squeeze %dma_wait3A_24 : memref<1x128x384xf32, #tpu.memory_space<vmem>> -> memref<128x384xf32, #tpu.memory_space<vmem>>
    %dma_wait3A_26 = arith.constant 0 : i32
    %dma_wait3A_27 = tpu.memref_slice %arg5[%dma_wait3A_26] : memref<320xi32, #tpu.memory_space<vmem>> -> memref<128xi32, #tpu.memory_space<vmem>>
    %dma_wait3A_28 = arith.constant 0 : i32
    %dma_wait3A_29 = arith.constant 0 : i32
    %dma_wait3A_30 = tpu.memref_slice %arg2[%dma_wait3A_28, %dma_wait3A_29] : memref<16384x384xf32, #tpu.memory_space<hbm>> -> memref<16384x384xf32, #tpu.memory_space<hbm>>
    tpu.wait_indirect_dma semaphore(%arg7 : memref<!tpu.dma_semaphore, #tpu.memory_space<semaphore_mem>>) src(%dma_wait3A_30 : memref<16384x384xf32, #tpu.memory_space<hbm>>) dst(%dma_wait3A_25 : memref<128x384xf32, #tpu.memory_space<vmem>>)
    %add3A_31 = arith.constant 0 : i32
    %add3A_32 = arith.addi %mul3A_2, %add3A_31 : i32
    %dma_start3A_33 = arith.constant 0 : i32
    %dma_start3A_34 = arith.constant 0 : i32
    %dma_start3A_35 = arith.constant 0 : i32
    %dma_start3A_36 = tpu.memref_slice %arg6[%dma_start3A_33, %dma_start3A_34, %dma_start3A_35] : memref<2x128x384xf32, #tpu.memory_space<vmem>> -> memref<1x128x384xf32, #tpu.memory_space<vmem>>
    %dma_start3A_37 = tpu.memref_squeeze %dma_start3A_36 : memref<1x128x384xf32, #tpu.memory_space<vmem>> -> memref<128x384xf32, #tpu.memory_space<vmem>>
    %dma_start3A_38 = arith.constant 0 : i32
    %dma_start3A_39 = tpu.memref_slice %arg4[%add3A_32, %dma_start3A_38] : memref<10240x384xf32, #tpu.memory_space<hbm>> -> memref<128x384xf32, #tpu.memory_space<hbm>>
    %dma_start3A_40 = arith.constant 0 : i32
    %dma_start3A_41 = tpu.memref_slice %arg4[%add3A_32, %dma_start3A_40] : memref<10240x384xf32, #tpu.memory_space<hbm>> -> memref<128x384xf32, #tpu.memory_space<hbm>>
    %dma_start3A_42 = arith.constant 0 : i32
    %dma_start3A_43 = arith.constant 0 : i32
    %dma_start3A_44 = tpu.memref_slice %arg6[%dma_start3A_33, %dma_start3A_42, %dma_start3A_43] : memref<2x128x384xf32, #tpu.memory_space<vmem>> -> memref<1x128x384xf32, #tpu.memory_space<vmem>>
    %dma_start3A_45 = tpu.memref_squeeze %dma_start3A_44 : memref<1x128x384xf32, #tpu.memory_space<vmem>> -> memref<128x384xf32, #tpu.memory_space<vmem>>
    tpu.enqueue_dma source(%dma_start3A_45 : memref<128x384xf32, #tpu.memory_space<vmem>>) target(%dma_start3A_41 : memref<128x384xf32, #tpu.memory_space<hbm>>) target_semaphore(%arg9 : memref<!tpu.dma_semaphore, #tpu.memory_space<semaphore_mem>>)
    %dma_wait3A_46 = arith.constant 0 : i32
    %dma_wait3A_47 = arith.constant 0 : i32
    %dma_wait3A_48 = arith.constant 0 : i32
    %dma_wait3A_49 = tpu.memref_slice %arg6[%dma_wait3A_46, %dma_wait3A_47, %dma_wait3A_48] : memref<2x128x384xf32, #tpu.memory_space<vmem>> -> memref<1x128x384xf32, #tpu.memory_space<vmem>>
    %dma_wait3A_50 = tpu.memref_squeeze %dma_wait3A_49 : memref<1x128x384xf32, #tpu.memory_space<vmem>> -> memref<128x384xf32, #tpu.memory_space<vmem>>
    %dma_wait3A_51 = arith.constant 0 : i32
    %dma_wait3A_52 = tpu.memref_slice %arg4[%add3A_32, %dma_wait3A_51] : memref<10240x384xf32, #tpu.memory_space<hbm>> -> memref<128x384xf32, #tpu.memory_space<hbm>>
    %dma_wait3A_53 = arith.constant 0 : i32
    %dma_wait3A_54 = tpu.memref_slice %arg4[%add3A_32, %dma_wait3A_53] : memref<10240x384xf32, #tpu.memory_space<hbm>> -> memref<128x384xf32, #tpu.memory_space<hbm>>
    %dma_wait3A_55 = arith.constant 0 : i32
    %dma_wait3A_56 = arith.constant 0 : i32
    %dma_wait3A_57 = tpu.memref_slice %arg6[%dma_wait3A_46, %dma_wait3A_55, %dma_wait3A_56] : memref<2x128x384xf32, #tpu.memory_space<vmem>> -> memref<1x128x384xf32, #tpu.memory_space<vmem>>
    %dma_wait3A_58 = tpu.memref_squeeze %dma_wait3A_57 : memref<1x128x384xf32, #tpu.memory_space<vmem>> -> memref<128x384xf32, #tpu.memory_space<vmem>>
    tpu.wait_dma2 semaphore(%arg9 : memref<!tpu.dma_semaphore, #tpu.memory_space<semaphore_mem>>) src(%dma_wait3A_58 : memref<128x384xf32, #tpu.memory_space<vmem>>) dst(%dma_wait3A_54 : memref<128x384xf32, #tpu.memory_space<hbm>>)
    %dma_start3A_59 = arith.constant 0 : i32
    %dma_start3A_60 = arith.constant 0 : i32
    %dma_start3A_61 = arith.constant 0 : i32
    %dma_start3A_62 = tpu.memref_slice %arg6[%dma_start3A_59, %dma_start3A_60, %dma_start3A_61] : memref<2x128x384xf32, #tpu.memory_space<vmem>> -> memref<1x64x384xf32, #tpu.memory_space<vmem>>
    %dma_start3A_63 = tpu.memref_squeeze %dma_start3A_62 : memref<1x64x384xf32, #tpu.memory_space<vmem>> -> memref<64x384xf32, #tpu.memory_space<vmem>>
    %dma_start3A_64 = arith.constant 256 : i32
    %dma_start3A_65 = tpu.memref_slice %arg5[%dma_start3A_64] : memref<320xi32, #tpu.memory_space<vmem>> -> memref<64xi32, #tpu.memory_space<vmem>>
    %dma_start3A_66 = arith.constant 0 : i32
    %dma_start3A_67 = arith.constant 0 : i32
    %dma_start3A_68 = tpu.memref_slice %arg2[%dma_start3A_66, %dma_start3A_67] : memref<16384x384xf32, #tpu.memory_space<hbm>> -> memref<16384x384xf32, #tpu.memory_space<hbm>>
    tpu.enqueue_indirect_dma source(%dma_start3A_68 : memref<16384x384xf32, #tpu.memory_space<hbm>>) target(%dma_start3A_63 : memref<64x384xf32, #tpu.memory_space<vmem>>) offsets(%dma_start3A_65 : memref<64xi32, #tpu.memory_space<vmem>>) semaphore(%arg7 : memref<!tpu.dma_semaphore, #tpu.memory_space<semaphore_mem>>)
    %dma_wait3A_69 = arith.constant 1 : i32
    %dma_wait3A_70 = arith.constant 0 : i32
    %dma_wait3A_71 = arith.constant 0 : i32
    %dma_wait3A_72 = tpu.memref_slice %arg6[%dma_wait3A_69, %dma_wait3A_70, %dma_wait3A_71] : memref<2x128x384xf32, #tpu.memory_space<vmem>> -> memref<1x128x384xf32, #tpu.memory_space<vmem>>
    %dma_wait3A_73 = tpu.memref_squeeze %dma_wait3A_72 : memref<1x128x384xf32, #tpu.memory_space<vmem>> -> memref<128x384xf32, #tpu.memory_space<vmem>>
    %dma_wait3A_74 = arith.constant 128 : i32
    %dma_wait3A_75 = tpu.memref_slice %arg5[%dma_wait3A_74] : memref<320xi32, #tpu.memory_space<vmem>> -> memref<128xi32, #tpu.memory_space<vmem>>
    %dma_wait3A_76 = arith.constant 0 : i32
    %dma_wait3A_77 = arith.constant 0 : i32
    %dma_wait3A_78 = tpu.memref_slice %arg2[%dma_wait3A_76, %dma_wait3A_77] : memref<16384x384xf32, #tpu.memory_space<hbm>> -> memref<16384x384xf32, #tpu.memory_space<hbm>>
    tpu.wait_indirect_dma semaphore(%arg8 : memref<!tpu.dma_semaphore, #tpu.memory_space<semaphore_mem>>) src(%dma_wait3A_78 : memref<16384x384xf32, #tpu.memory_space<hbm>>) dst(%dma_wait3A_73 : memref<128x384xf32, #tpu.memory_space<vmem>>)
    %add3A_79 = arith.constant 128 : i32
    %add3A_80 = arith.addi %mul3A_2, %add3A_79 : i32
    %dma_start3A_81 = arith.constant 1 : i32
    %dma_start3A_82 = arith.constant 0 : i32
    %dma_start3A_83 = arith.constant 0 : i32
    %dma_start3A_84 = tpu.memref_slice %arg6[%dma_start3A_81, %dma_start3A_82, %dma_start3A_83] : memref<2x128x384xf32, #tpu.memory_space<vmem>> -> memref<1x128x384xf32, #tpu.memory_space<vmem>>
    %dma_start3A_85 = tpu.memref_squeeze %dma_start3A_84 : memref<1x128x384xf32, #tpu.memory_space<vmem>> -> memref<128x384xf32, #tpu.memory_space<vmem>>
    %dma_start3A_86 = arith.constant 0 : i32
    %dma_start3A_87 = tpu.memref_slice %arg4[%add3A_80, %dma_start3A_86] : memref<10240x384xf32, #tpu.memory_space<hbm>> -> memref<128x384xf32, #tpu.memory_space<hbm>>
    %dma_start3A_88 = arith.constant 0 : i32
    %dma_start3A_89 = tpu.memref_slice %arg4[%add3A_80, %dma_start3A_88] : memref<10240x384xf32, #tpu.memory_space<hbm>> -> memref<128x384xf32, #tpu.memory_space<hbm>>
    %dma_start3A_90 = arith.constant 0 : i32
    %dma_start3A_91 = arith.constant 0 : i32
    %dma_start3A_92 = tpu.memref_slice %arg6[%dma_start3A_81, %dma_start3A_90, %dma_start3A_91] : memref<2x128x384xf32, #tpu.memory_space<vmem>> -> memref<1x128x384xf32, #tpu.memory_space<vmem>>
    %dma_start3A_93 = tpu.memref_squeeze %dma_start3A_92 : memref<1x128x384xf32, #tpu.memory_space<vmem>> -> memref<128x384xf32, #tpu.memory_space<vmem>>
    tpu.enqueue_dma source(%dma_start3A_93 : memref<128x384xf32, #tpu.memory_space<vmem>>) target(%dma_start3A_89 : memref<128x384xf32, #tpu.memory_space<hbm>>) target_semaphore(%arg10 : memref<!tpu.dma_semaphore, #tpu.memory_space<semaphore_mem>>)
    %dma_wait3A_94 = arith.constant 0 : i32
    %dma_wait3A_95 = arith.constant 0 : i32
    %dma_wait3A_96 = arith.constant 0 : i32
    %dma_wait3A_97 = tpu.memref_slice %arg6[%dma_wait3A_94, %dma_wait3A_95, %dma_wait3A_96] : memref<2x128x384xf32, #tpu.memory_space<vmem>> -> memref<1x64x384xf32, #tpu.memory_space<vmem>>
    %dma_wait3A_98 = tpu.memref_squeeze %dma_wait3A_97 : memref<1x64x384xf32, #tpu.memory_space<vmem>> -> memref<64x384xf32, #tpu.memory_space<vmem>>
    %dma_wait3A_99 = arith.constant 256 : i32
    %dma_wait3A_100 = tpu.memref_slice %arg5[%dma_wait3A_99] : memref<320xi32, #tpu.memory_space<vmem>> -> memref<64xi32, #tpu.memory_space<vmem>>
    %dma_wait3A_101 = arith.constant 0 : i32
    %dma_wait3A_102 = arith.constant 0 : i32
    %dma_wait3A_103 = tpu.memref_slice %arg2[%dma_wait3A_101, %dma_wait3A_102] : memref<16384x384xf32, #tpu.memory_space<hbm>> -> memref<16384x384xf32, #tpu.memory_space<hbm>>
    tpu.wait_indirect_dma semaphore(%arg7 : memref<!tpu.dma_semaphore, #tpu.memory_space<semaphore_mem>>) src(%dma_wait3A_103 : memref<16384x384xf32, #tpu.memory_space<hbm>>) dst(%dma_wait3A_98 : memref<64x384xf32, #tpu.memory_space<vmem>>)
    %add3A_104 = arith.constant 256 : i32
    %add3A_105 = arith.addi %mul3A_2, %add3A_104 : i32
    %dma_start3A_106 = arith.constant 0 : i32
    %dma_start3A_107 = arith.constant 0 : i32
    %dma_start3A_108 = arith.constant 0 : i32
    %dma_start3A_109 = tpu.memref_slice %arg6[%dma_start3A_106, %dma_start3A_107, %dma_start3A_108] : memref<2x128x384xf32, #tpu.memory_space<vmem>> -> memref<1x64x384xf32, #tpu.memory_space<vmem>>
    %dma_start3A_110 = tpu.memref_squeeze %dma_start3A_109 : memref<1x64x384xf32, #tpu.memory_space<vmem>> -> memref<64x384xf32, #tpu.memory_space<vmem>>
    %dma_start3A_111 = arith.constant 0 : i32
    %dma_start3A_112 = tpu.memref_slice %arg4[%add3A_105, %dma_start3A_111] : memref<10240x384xf32, #tpu.memory_space<hbm>> -> memref<64x384xf32, #tpu.memory_space<hbm>>
    %dma_start3A_113 = arith.constant 0 : i32
    %dma_start3A_114 = tpu.memref_slice %arg4[%add3A_105, %dma_start3A_113] : memref<10240x384xf32, #tpu.memory_space<hbm>> -> memref<64x384xf32, #tpu.memory_space<hbm>>
    %dma_start3A_115 = arith.constant 0 : i32
    %dma_start3A_116 = arith.constant 0 : i32
    %dma_start3A_117 = tpu.memref_slice %arg6[%dma_start3A_106, %dma_start3A_115, %dma_start3A_116] : memref<2x128x384xf32, #tpu.memory_space<vmem>> -> memref<1x64x384xf32, #tpu.memory_space<vmem>>
    %dma_start3A_118 = tpu.memref_squeeze %dma_start3A_117 : memref<1x64x384xf32, #tpu.memory_space<vmem>> -> memref<64x384xf32, #tpu.memory_space<vmem>>
    tpu.enqueue_dma source(%dma_start3A_118 : memref<64x384xf32, #tpu.memory_space<vmem>>) target(%dma_start3A_114 : memref<64x384xf32, #tpu.memory_space<hbm>>) target_semaphore(%arg9 : memref<!tpu.dma_semaphore, #tpu.memory_space<semaphore_mem>>)
    %dma_wait3A_119 = arith.constant 1 : i32
    %dma_wait3A_120 = arith.constant 0 : i32
    %dma_wait3A_121 = arith.constant 0 : i32
    %dma_wait3A_122 = tpu.memref_slice %arg6[%dma_wait3A_119, %dma_wait3A_120, %dma_wait3A_121] : memref<2x128x384xf32, #tpu.memory_space<vmem>> -> memref<1x128x384xf32, #tpu.memory_space<vmem>>
    %dma_wait3A_123 = tpu.memref_squeeze %dma_wait3A_122 : memref<1x128x384xf32, #tpu.memory_space<vmem>> -> memref<128x384xf32, #tpu.memory_space<vmem>>
    %dma_wait3A_124 = arith.constant 0 : i32
    %dma_wait3A_125 = tpu.memref_slice %arg4[%add3A_80, %dma_wait3A_124] : memref<10240x384xf32, #tpu.memory_space<hbm>> -> memref<128x384xf32, #tpu.memory_space<hbm>>
    %dma_wait3A_126 = arith.constant 0 : i32
    %dma_wait3A_127 = tpu.memref_slice %arg4[%add3A_80, %dma_wait3A_126] : memref<10240x384xf32, #tpu.memory_space<hbm>> -> memref<128x384xf32, #tpu.memory_space<hbm>>
    %dma_wait3A_128 = arith.constant 0 : i32
    %dma_wait3A_129 = arith.constant 0 : i32
    %dma_wait3A_130 = tpu.memref_slice %arg6[%dma_wait3A_119, %dma_wait3A_128, %dma_wait3A_129] : memref<2x128x384xf32, #tpu.memory_space<vmem>> -> memref<1x128x384xf32, #tpu.memory_space<vmem>>
    %dma_wait3A_131 = tpu.memref_squeeze %dma_wait3A_130 : memref<1x128x384xf32, #tpu.memory_space<vmem>> -> memref<128x384xf32, #tpu.memory_space<vmem>>
    tpu.wait_dma2 semaphore(%arg10 : memref<!tpu.dma_semaphore, #tpu.memory_space<semaphore_mem>>) src(%dma_wait3A_131 : memref<128x384xf32, #tpu.memory_space<vmem>>) dst(%dma_wait3A_127 : memref<128x384xf32, #tpu.memory_space<hbm>>)
    %dma_wait3A_132 = arith.constant 0 : i32
    %dma_wait3A_133 = arith.constant 0 : i32
    %dma_wait3A_134 = arith.constant 0 : i32
    %dma_wait3A_135 = tpu.memref_slice %arg6[%dma_wait3A_132, %dma_wait3A_133, %dma_wait3A_134] : memref<2x128x384xf32, #tpu.memory_space<vmem>> -> memref<1x64x384xf32, #tpu.memory_space<vmem>>
    %dma_wait3A_136 = tpu.memref_squeeze %dma_wait3A_135 : memref<1x64x384xf32, #tpu.memory_space<vmem>> -> memref<64x384xf32, #tpu.memory_space<vmem>>
    %dma_wait3A_137 = arith.constant 0 : i32
    %dma_wait3A_138 = tpu.memref_slice %arg4[%add3A_105, %dma_wait3A_137] : memref<10240x384xf32, #tpu.memory_space<hbm>> -> memref<64x384xf32, #tpu.memory_space<hbm>>
    %dma_wait3A_139 = arith.constant 0 : i32
    %dma_wait3A_140 = tpu.memref_slice %arg4[%add3A_105, %dma_wait3A_139] : memref<10240x384xf32, #tpu.memory_space<hbm>> -> memref<64x384xf32, #tpu.memory_space<hbm>>
    %dma_wait3A_141 = arith.constant 0 : i32
    %dma_wait3A_142 = arith.constant 0 : i32
    %dma_wait3A_143 = tpu.memref_slice %arg6[%dma_wait3A_132, %dma_wait3A_141, %dma_wait3A_142] : memref<2x128x384xf32, #tpu.memory_space<vmem>> -> memref<1x64x384xf32, #tpu.memory_space<vmem>>
    %dma_wait3A_144 = tpu.memref_squeeze %dma_wait3A_143 : memref<1x64x384xf32, #tpu.memory_space<vmem>> -> memref<64x384xf32, #tpu.memory_space<vmem>>
    tpu.wait_dma2 semaphore(%arg9 : memref<!tpu.dma_semaphore, #tpu.memory_space<semaphore_mem>>) src(%dma_wait3A_144 : memref<64x384xf32, #tpu.memory_space<vmem>>) dst(%dma_wait3A_140 : memref<64x384xf32, #tpu.memory_space<hbm>>)
    return
  }
}

#map = affine_map<(d0, d1) -> (0, 0)>
#map1 = affine_map<(d0, d1) -> (0)>
module attributes {stable_mosaic.version = 14 : i64} {
  func.func @gather(%arg0: i32, %arg1: i32, %arg2: memref<16384x384xf32, #tpu.memory_space<hbm>>, %arg3: memref<10240xi32, #tpu.memory_space<hbm>>, %arg4: memref<10240x384xf32, #tpu.memory_space<hbm>>, %arg5: memref<320xi32, #tpu.memory_space<vmem>>, %arg6: memref<2x128x384xf32, #tpu.memory_space<vmem>>, %arg7: memref<!tpu.dma_semaphore, #tpu.memory_space<semaphore_mem>>, %arg8: memref<!tpu.dma_semaphore, #tpu.memory_space<semaphore_mem>>, %arg9: memref<!tpu.dma_semaphore, #tpu.memory_space<semaphore_mem>>, %arg10: memref<!tpu.dma_semaphore, #tpu.memory_space<semaphore_mem>>) attributes {dimension_semantics = [#tpu.dimension_semantics<core_parallel>, #tpu.dimension_semantics<subcore_parallel>], iteration_bounds = array<i64: 2, 16>, scalar_prefetch = 0 : i64, scratch_operands = 6 : i64, tpu.core_type = #tpu.core_type<sc_vector_subcore>, window_params = [{transform_indices = #map}, {transform_indices = #map1}, {transform_indices = #map}]} {
    %mul3A = arith.constant 2 : i32
    %mul3A_0 = arith.muli %arg1, %mul3A : i32
    %add3A = arith.addi %mul3A_0, %arg0 : i32
    %mul3A_1 = arith.constant 320 : i32
    %mul3A_2 = arith.muli %add3A, %mul3A_1 : i32
    "tpu.region"() ({
      %run_scoped3A = tpu.sem_alloc : memref<!tpu.dma_semaphore, #tpu.memory_space<semaphore_mem>>
      %dma_start3A_145 = tpu.memref_slice %arg3[%mul3A_2] : memref<10240xi32, #tpu.memory_space<hbm>> -> memref<320xi32, #tpu.memory_space<hbm>>
      %dma_start3A_146 = tpu.memref_slice %arg3[%mul3A_2] : memref<10240xi32, #tpu.memory_space<hbm>> -> memref<320xi32, #tpu.memory_space<hbm>>
      tpu.enqueue_dma source(%dma_start3A_146 : memref<320xi32, #tpu.memory_space<hbm>>) target(%arg5 : memref<320xi32, #tpu.memory_space<vmem>>) target_semaphore(%run_scoped3A : memref<!tpu.dma_semaphore, #tpu.memory_space<semaphore_mem>>)
      %dma_wait3A_147 = tpu.memref_slice %arg3[%mul3A_2] : memref<10240xi32, #tpu.memory_space<hbm>> -> memref<320xi32, #tpu.memory_space<hbm>>
      %dma_wait3A_148 = tpu.memref_slice %arg3[%mul3A_2] : memref<10240xi32, #tpu.memory_space<hbm>> -> memref<320xi32, #tpu.memory_space<hbm>>
      tpu.wait_dma2 semaphore(%run_scoped3A : memref<!tpu.dma_semaphore, #tpu.memory_space<semaphore_mem>>) src(%dma_wait3A_148 : memref<320xi32, #tpu.memory_space<hbm>>) dst(%arg5 : memref<320xi32, #tpu.memory_space<vmem>>)
      tpu.yield
    }) : () -> ()
    %dma_start3A = arith.constant 0 : i32
    %dma_start3A_3 = arith.constant 0 : i32
    %dma_start3A_4 = arith.constant 0 : i32
    %dma_start3A_5 = tpu.memref_slice %arg6[%dma_start3A, %dma_start3A_3, %dma_start3A_4] : memref<2x128x384xf32, #tpu.memory_space<vmem>> -> memref<1x128x384xf32, #tpu.memory_space<vmem>>
    %dma_start3A_6 = tpu.memref_squeeze %dma_start3A_5 : memref<1x128x384xf32, #tpu.memory_space<vmem>> -> memref<128x384xf32, #tpu.memory_space<vmem>>
    %dma_start3A_7 = arith.constant 0 : i32
    %dma_start3A_8 = tpu.memref_slice %arg5[%dma_start3A_7] : memref<320xi32, #tpu.memory_space<vmem>> -> memref<128xi32, #tpu.memory_space<vmem>>
    %dma_start3A_9 = arith.constant 0 : i32
    %dma_start3A_10 = arith.constant 0 : i32
    %dma_start3A_11 = tpu.memref_slice %arg2[%dma_start3A_9, %dma_start3A_10] : memref<16384x384xf32, #tpu.memory_space<hbm>> -> memref<16384x384xf32, #tpu.memory_space<hbm>>
    tpu.enqueue_indirect_dma source(%dma_start3A_11 : memref<16384x384xf32, #tpu.memory_space<hbm>>) target(%dma_start3A_6 : memref<128x384xf32, #tpu.memory_space<vmem>>) offsets(%dma_start3A_8 : memref<128xi32, #tpu.memory_space<vmem>>) semaphore(%arg7 : memref<!tpu.dma_semaphore, #tpu.memory_space<semaphore_mem>>)
    %dma_start3A_12 = arith.constant 1 : i32
    %dma_start3A_13 = arith.constant 0 : i32
    %dma_start3A_14 = arith.constant 0 : i32
    %dma_start3A_15 = tpu.memref_slice %arg6[%dma_start3A_12, %dma_start3A_13, %dma_start3A_14] : memref<2x128x384xf32, #tpu.memory_space<vmem>> -> memref<1x128x384xf32, #tpu.memory_space<vmem>>
    %dma_start3A_16 = tpu.memref_squeeze %dma_start3A_15 : memref<1x128x384xf32, #tpu.memory_space<vmem>> -> memref<128x384xf32, #tpu.memory_space<vmem>>
    %dma_start3A_17 = arith.constant 128 : i32
    %dma_start3A_18 = tpu.memref_slice %arg5[%dma_start3A_17] : memref<320xi32, #tpu.memory_space<vmem>> -> memref<128xi32, #tpu.memory_space<vmem>>
    %dma_start3A_19 = arith.constant 0 : i32
    %dma_start3A_20 = arith.constant 0 : i32
    %dma_start3A_21 = tpu.memref_slice %arg2[%dma_start3A_19, %dma_start3A_20] : memref<16384x384xf32, #tpu.memory_space<hbm>> -> memref<16384x384xf32, #tpu.memory_space<hbm>>
    tpu.enqueue_indirect_dma source(%dma_start3A_21 : memref<16384x384xf32, #tpu.memory_space<hbm>>) target(%dma_start3A_16 : memref<128x384xf32, #tpu.memory_space<vmem>>) offsets(%dma_start3A_18 : memref<128xi32, #tpu.memory_space<vmem>>) semaphore(%arg8 : memref<!tpu.dma_semaphore, #tpu.memory_space<semaphore_mem>>)
    %dma_wait3A = arith.constant 0 : i32
    %dma_wait3A_22 = arith.constant 0 : i32
    %dma_wait3A_23 = arith.constant 0 : i32
    %dma_wait3A_24 = tpu.memref_slice %arg6[%dma_wait3A, %dma_wait3A_22, %dma_wait3A_23] : memref<2x128x384xf32, #tpu.memory_space<vmem>> -> memref<1x128x384xf32, #tpu.memory_space<vmem>>
    %dma_wait3A_25 = tpu.memref_squeeze %dma_wait3A_24 : memref<1x128x384xf32, #tpu.memory_space<vmem>> -> memref<128x384xf32, #tpu.memory_space<vmem>>
    %dma_wait3A_26 = arith.constant 0 : i32
    %dma_wait3A_27 = tpu.memref_slice %arg5[%dma_wait3A_26] : memref<320xi32, #tpu.memory_space<vmem>> -> memref<128xi32, #tpu.memory_space<vmem>>
    %dma_wait3A_28 = arith.constant 0 : i32
    %dma_wait3A_29 = arith.constant 0 : i32
    %dma_wait3A_30 = tpu.memref_slice %arg2[%dma_wait3A_28, %dma_wait3A_29] : memref<16384x384xf32, #tpu.memory_space<hbm>> -> memref<16384x384xf32, #tpu.memory_space<hbm>>
    tpu.wait_indirect_dma semaphore(%arg7 : memref<!tpu.dma_semaphore, #tpu.memory_space<semaphore_mem>>) src(%dma_wait3A_30 : memref<16384x384xf32, #tpu.memory_space<hbm>>) dst(%dma_wait3A_25 : memref<128x384xf32, #tpu.memory_space<vmem>>)
    %add3A_31 = arith.constant 0 : i32
    %add3A_32 = arith.addi %mul3A_2, %add3A_31 : i32
    %dma_start3A_33 = arith.constant 0 : i32
    %dma_start3A_34 = arith.constant 0 : i32
    %dma_start3A_35 = arith.constant 0 : i32
    %dma_start3A_36 = tpu.memref_slice %arg6[%dma_start3A_33, %dma_start3A_34, %dma_start3A_35] : memref<2x128x384xf32, #tpu.memory_space<vmem>> -> memref<1x128x384xf32, #tpu.memory_space<vmem>>
    %dma_start3A_37 = tpu.memref_squeeze %dma_start3A_36 : memref<1x128x384xf32, #tpu.memory_space<vmem>> -> memref<128x384xf32, #tpu.memory_space<vmem>>
    %dma_start3A_38 = arith.constant 0 : i32
    %dma_start3A_39 = tpu.memref_slice %arg4[%add3A_32, %dma_start3A_38] : memref<10240x384xf32, #tpu.memory_space<hbm>> -> memref<128x384xf32, #tpu.memory_space<hbm>>
    %dma_start3A_40 = arith.constant 0 : i32
    %dma_start3A_41 = tpu.memref_slice %arg4[%add3A_32, %dma_start3A_40] : memref<10240x384xf32, #tpu.memory_space<hbm>> -> memref<128x384xf32, #tpu.memory_space<hbm>>
    %dma_start3A_42 = arith.constant 0 : i32
    %dma_start3A_43 = arith.constant 0 : i32
    %dma_start3A_44 = tpu.memref_slice %arg6[%dma_start3A_33, %dma_start3A_42, %dma_start3A_43] : memref<2x128x384xf32, #tpu.memory_space<vmem>> -> memref<1x128x384xf32, #tpu.memory_space<vmem>>
    %dma_start3A_45 = tpu.memref_squeeze %dma_start3A_44 : memref<1x128x384xf32, #tpu.memory_space<vmem>> -> memref<128x384xf32, #tpu.memory_space<vmem>>
    tpu.enqueue_dma source(%dma_start3A_45 : memref<128x384xf32, #tpu.memory_space<vmem>>) target(%dma_start3A_41 : memref<128x384xf32, #tpu.memory_space<hbm>>) target_semaphore(%arg9 : memref<!tpu.dma_semaphore, #tpu.memory_space<semaphore_mem>>)
    %dma_wait3A_46 = arith.constant 0 : i32
    %dma_wait3A_47 = arith.constant 0 : i32
    %dma_wait3A_48 = arith.constant 0 : i32
    %dma_wait3A_49 = tpu.memref_slice %arg6[%dma_wait3A_46, %dma_wait3A_47, %dma_wait3A_48] : memref<2x128x384xf32, #tpu.memory_space<vmem>> -> memref<1x128x384xf32, #tpu.memory_space<vmem>>
    %dma_wait3A_50 = tpu.memref_squeeze %dma_wait3A_49 : memref<1x128x384xf32, #tpu.memory_space<vmem>> -> memref<128x384xf32, #tpu.memory_space<vmem>>
    %dma_wait3A_51 = arith.constant 0 : i32
    %dma_wait3A_52 = tpu.memref_slice %arg4[%add3A_32, %dma_wait3A_51] : memref<10240x384xf32, #tpu.memory_space<hbm>> -> memref<128x384xf32, #tpu.memory_space<hbm>>
    %dma_wait3A_53 = arith.constant 0 : i32
    %dma_wait3A_54 = tpu.memref_slice %arg4[%add3A_32, %dma_wait3A_53] : memref<10240x384xf32, #tpu.memory_space<hbm>> -> memref<128x384xf32, #tpu.memory_space<hbm>>
    %dma_wait3A_55 = arith.constant 0 : i32
    %dma_wait3A_56 = arith.constant 0 : i32
    %dma_wait3A_57 = tpu.memref_slice %arg6[%dma_wait3A_46, %dma_wait3A_55, %dma_wait3A_56] : memref<2x128x384xf32, #tpu.memory_space<vmem>> -> memref<1x128x384xf32, #tpu.memory_space<vmem>>
    %dma_wait3A_58 = tpu.memref_squeeze %dma_wait3A_57 : memref<1x128x384xf32, #tpu.memory_space<vmem>> -> memref<128x384xf32, #tpu.memory_space<vmem>>
    tpu.wait_dma2 semaphore(%arg9 : memref<!tpu.dma_semaphore, #tpu.memory_space<semaphore_mem>>) src(%dma_wait3A_58 : memref<128x384xf32, #tpu.memory_space<vmem>>) dst(%dma_wait3A_54 : memref<128x384xf32, #tpu.memory_space<hbm>>)
    %dma_start3A_59 = arith.constant 0 : i32
    %dma_start3A_60 = arith.constant 0 : i32
    %dma_start3A_61 = arith.constant 0 : i32
    %dma_start3A_62 = tpu.memref_slice %arg6[%dma_start3A_59, %dma_start3A_60, %dma_start3A_61] : memref<2x128x384xf32, #tpu.memory_space<vmem>> -> memref<1x64x384xf32, #tpu.memory_space<vmem>>
    %dma_start3A_63 = tpu.memref_squeeze %dma_start3A_62 : memref<1x64x384xf32, #tpu.memory_space<vmem>> -> memref<64x384xf32, #tpu.memory_space<vmem>>
    %dma_start3A_64 = arith.constant 256 : i32
    %dma_start3A_65 = tpu.memref_slice %arg5[%dma_start3A_64] : memref<320xi32, #tpu.memory_space<vmem>> -> memref<64xi32, #tpu.memory_space<vmem>>
    %dma_start3A_66 = arith.constant 0 : i32
    %dma_start3A_67 = arith.constant 0 : i32
    %dma_start3A_68 = tpu.memref_slice %arg2[%dma_start3A_66, %dma_start3A_67] : memref<16384x384xf32, #tpu.memory_space<hbm>> -> memref<16384x384xf32, #tpu.memory_space<hbm>>
    tpu.enqueue_indirect_dma source(%dma_start3A_68 : memref<16384x384xf32, #tpu.memory_space<hbm>>) target(%dma_start3A_63 : memref<64x384xf32, #tpu.memory_space<vmem>>) offsets(%dma_start3A_65 : memref<64xi32, #tpu.memory_space<vmem>>) semaphore(%arg7 : memref<!tpu.dma_semaphore, #tpu.memory_space<semaphore_mem>>)
    %dma_wait3A_69 = arith.constant 1 : i32
    %dma_wait3A_70 = arith.constant 0 : i32
    %dma_wait3A_71 = arith.constant 0 : i32
    %dma_wait3A_72 = tpu.memref_slice %arg6[%dma_wait3A_69, %dma_wait3A_70, %dma_wait3A_71] : memref<2x128x384xf32, #tpu.memory_space<vmem>> -> memref<1x128x384xf32, #tpu.memory_space<vmem>>
    %dma_wait3A_73 = tpu.memref_squeeze %dma_wait3A_72 : memref<1x128x384xf32, #tpu.memory_space<vmem>> -> memref<128x384xf32, #tpu.memory_space<vmem>>
    %dma_wait3A_74 = arith.constant 128 : i32
    %dma_wait3A_75 = tpu.memref_slice %arg5[%dma_wait3A_74] : memref<320xi32, #tpu.memory_space<vmem>> -> memref<128xi32, #tpu.memory_space<vmem>>
    %dma_wait3A_76 = arith.constant 0 : i32
    %dma_wait3A_77 = arith.constant 0 : i32
    %dma_wait3A_78 = tpu.memref_slice %arg2[%dma_wait3A_76, %dma_wait3A_77] : memref<16384x384xf32, #tpu.memory_space<hbm>> -> memref<16384x384xf32, #tpu.memory_space<hbm>>
    tpu.wait_indirect_dma semaphore(%arg8 : memref<!tpu.dma_semaphore, #tpu.memory_space<semaphore_mem>>) src(%dma_wait3A_78 : memref<16384x384xf32, #tpu.memory_space<hbm>>) dst(%dma_wait3A_73 : memref<128x384xf32, #tpu.memory_space<vmem>>)
    %add3A_79 = arith.constant 128 : i32
    %add3A_80 = arith.addi %mul3A_2, %add3A_79 : i32
    %dma_start3A_81 = arith.constant 1 : i32
    %dma_start3A_82 = arith.constant 0 : i32
    %dma_start3A_83 = arith.constant 0 : i32
    %dma_start3A_84 = tpu.memref_slice %arg6[%dma_start3A_81, %dma_start3A_82, %dma_start3A_83] : memref<2x128x384xf32, #tpu.memory_space<vmem>> -> memref<1x128x384xf32, #tpu.memory_space<vmem>>
    %dma_start3A_85 = tpu.memref_squeeze %dma_start3A_84 : memref<1x128x384xf32, #tpu.memory_space<vmem>> -> memref<128x384xf32, #tpu.memory_space<vmem>>
    %dma_start3A_86 = arith.constant 0 : i32
    %dma_start3A_87 = tpu.memref_slice %arg4[%add3A_80, %dma_start3A_86] : memref<10240x384xf32, #tpu.memory_space<hbm>> -> memref<128x384xf32, #tpu.memory_space<hbm>>
    %dma_start3A_88 = arith.constant 0 : i32
    %dma_start3A_89 = tpu.memref_slice %arg4[%add3A_80, %dma_start3A_88] : memref<10240x384xf32, #tpu.memory_space<hbm>> -> memref<128x384xf32, #tpu.memory_space<hbm>>
    %dma_start3A_90 = arith.constant 0 : i32
    %dma_start3A_91 = arith.constant 0 : i32
    %dma_start3A_92 = tpu.memref_slice %arg6[%dma_start3A_81, %dma_start3A_90, %dma_start3A_91] : memref<2x128x384xf32, #tpu.memory_space<vmem>> -> memref<1x128x384xf32, #tpu.memory_space<vmem>>
    %dma_start3A_93 = tpu.memref_squeeze %dma_start3A_92 : memref<1x128x384xf32, #tpu.memory_space<vmem>> -> memref<128x384xf32, #tpu.memory_space<vmem>>
    tpu.enqueue_dma source(%dma_start3A_93 : memref<128x384xf32, #tpu.memory_space<vmem>>) target(%dma_start3A_89 : memref<128x384xf32, #tpu.memory_space<hbm>>) target_semaphore(%arg10 : memref<!tpu.dma_semaphore, #tpu.memory_space<semaphore_mem>>)
    %dma_wait3A_94 = arith.constant 0 : i32
    %dma_wait3A_95 = arith.constant 0 : i32
    %dma_wait3A_96 = arith.constant 0 : i32
    %dma_wait3A_97 = tpu.memref_slice %arg6[%dma_wait3A_94, %dma_wait3A_95, %dma_wait3A_96] : memref<2x128x384xf32, #tpu.memory_space<vmem>> -> memref<1x64x384xf32, #tpu.memory_space<vmem>>
    %dma_wait3A_98 = tpu.memref_squeeze %dma_wait3A_97 : memref<1x64x384xf32, #tpu.memory_space<vmem>> -> memref<64x384xf32, #tpu.memory_space<vmem>>
    %dma_wait3A_99 = arith.constant 256 : i32
    %dma_wait3A_100 = tpu.memref_slice %arg5[%dma_wait3A_99] : memref<320xi32, #tpu.memory_space<vmem>> -> memref<64xi32, #tpu.memory_space<vmem>>
    %dma_wait3A_101 = arith.constant 0 : i32
    %dma_wait3A_102 = arith.constant 0 : i32
    %dma_wait3A_103 = tpu.memref_slice %arg2[%dma_wait3A_101, %dma_wait3A_102] : memref<16384x384xf32, #tpu.memory_space<hbm>> -> memref<16384x384xf32, #tpu.memory_space<hbm>>
    tpu.wait_indirect_dma semaphore(%arg7 : memref<!tpu.dma_semaphore, #tpu.memory_space<semaphore_mem>>) src(%dma_wait3A_103 : memref<16384x384xf32, #tpu.memory_space<hbm>>) dst(%dma_wait3A_98 : memref<64x384xf32, #tpu.memory_space<vmem>>)
    %add3A_104 = arith.constant 256 : i32
    %add3A_105 = arith.addi %mul3A_2, %add3A_104 : i32
    %dma_start3A_106 = arith.constant 0 : i32
    %dma_start3A_107 = arith.constant 0 : i32
    %dma_start3A_108 = arith.constant 0 : i32
    %dma_start3A_109 = tpu.memref_slice %arg6[%dma_start3A_106, %dma_start3A_107, %dma_start3A_108] : memref<2x128x384xf32, #tpu.memory_space<vmem>> -> memref<1x64x384xf32, #tpu.memory_space<vmem>>
    %dma_start3A_110 = tpu.memref_squeeze %dma_start3A_109 : memref<1x64x384xf32, #tpu.memory_space<vmem>> -> memref<64x384xf32, #tpu.memory_space<vmem>>
    %dma_start3A_111 = arith.constant 0 : i32
    %dma_start3A_112 = tpu.memref_slice %arg4[%add3A_105, %dma_start3A_111] : memref<10240x384xf32, #tpu.memory_space<hbm>> -> memref<64x384xf32, #tpu.memory_space<hbm>>
    %dma_start3A_113 = arith.constant 0 : i32
    %dma_start3A_114 = tpu.memref_slice %arg4[%add3A_105, %dma_start3A_113] : memref<10240x384xf32, #tpu.memory_space<hbm>> -> memref<64x384xf32, #tpu.memory_space<hbm>>
    %dma_start3A_115 = arith.constant 0 : i32
    %dma_start3A_116 = arith.constant 0 : i32
    %dma_start3A_117 = tpu.memref_slice %arg6[%dma_start3A_106, %dma_start3A_115, %dma_start3A_116] : memref<2x128x384xf32, #tpu.memory_space<vmem>> -> memref<1x64x384xf32, #tpu.memory_space<vmem>>
    %dma_start3A_118 = tpu.memref_squeeze %dma_start3A_117 : memref<1x64x384xf32, #tpu.memory_space<vmem>> -> memref<64x384xf32, #tpu.memory_space<vmem>>
    tpu.enqueue_dma source(%dma_start3A_118 : memref<64x384xf32, #tpu.memory_space<vmem>>) target(%dma_start3A_114 : memref<64x384xf32, #tpu.memory_space<hbm>>) target_semaphore(%arg9 : memref<!tpu.dma_semaphore, #tpu.memory_space<semaphore_mem>>)
    %dma_wait3A_119 = arith.constant 1 : i32
    %dma_wait3A_120 = arith.constant 0 : i32
    %dma_wait3A_121 = arith.constant 0 : i32
    %dma_wait3A_122 = tpu.memref_slice %arg6[%dma_wait3A_119, %dma_wait3A_120, %dma_wait3A_121] : memref<2x128x384xf32, #tpu.memory_space<vmem>> -> memref<1x128x384xf32, #tpu.memory_space<vmem>>
    %dma_wait3A_123 = tpu.memref_squeeze %dma_wait3A_122 : memref<1x128x384xf32, #tpu.memory_space<vmem>> -> memref<128x384xf32, #tpu.memory_space<vmem>>
    %dma_wait3A_124 = arith.constant 0 : i32
    %dma_wait3A_125 = tpu.memref_slice %arg4[%add3A_80, %dma_wait3A_124] : memref<10240x384xf32, #tpu.memory_space<hbm>> -> memref<128x384xf32, #tpu.memory_space<hbm>>
    %dma_wait3A_126 = arith.constant 0 : i32
    %dma_wait3A_127 = tpu.memref_slice %arg4[%add3A_80, %dma_wait3A_126] : memref<10240x384xf32, #tpu.memory_space<hbm>> -> memref<128x384xf32, #tpu.memory_space<hbm>>
    %dma_wait3A_128 = arith.constant 0 : i32
    %dma_wait3A_129 = arith.constant 0 : i32
    %dma_wait3A_130 = tpu.memref_slice %arg6[%dma_wait3A_119, %dma_wait3A_128, %dma_wait3A_129] : memref<2x128x384xf32, #tpu.memory_space<vmem>> -> memref<1x128x384xf32, #tpu.memory_space<vmem>>
    %dma_wait3A_131 = tpu.memref_squeeze %dma_wait3A_130 : memref<1x128x384xf32, #tpu.memory_space<vmem>> -> memref<128x384xf32, #tpu.memory_space<vmem>>
    tpu.wait_dma2 semaphore(%arg10 : memref<!tpu.dma_semaphore, #tpu.memory_space<semaphore_mem>>) src(%dma_wait3A_131 : memref<128x384xf32, #tpu.memory_space<vmem>>) dst(%dma_wait3A_127 : memref<128x384xf32, #tpu.memory_space<hbm>>)
    %dma_wait3A_132 = arith.constant 0 : i32
    %dma_wait3A_133 = arith.constant 0 : i32
    %dma_wait3A_134 = arith.constant 0 : i32
    %dma_wait3A_135 = tpu.memref_slice %arg6[%dma_wait3A_132, %dma_wait3A_133, %dma_wait3A_134] : memref<2x128x384xf32, #tpu.memory_space<vmem>> -> memref<1x64x384xf32, #tpu.memory_space<vmem>>
    %dma_wait3A_136 = tpu.memref_squeeze %dma_wait3A_135 : memref<1x64x384xf32, #tpu.memory_space<vmem>> -> memref<64x384xf32, #tpu.memory_space<vmem>>
    %dma_wait3A_137 = arith.constant 0 : i32
    %dma_wait3A_138 = tpu.memref_slice %arg4[%add3A_105, %dma_wait3A_137] : memref<10240x384xf32, #tpu.memory_space<hbm>> -> memref<64x384xf32, #tpu.memory_space<hbm>>
    %dma_wait3A_139 = arith.constant 0 : i32
    %dma_wait3A_140 = tpu.memref_slice %arg4[%add3A_105, %dma_wait3A_139] : memref<10240x384xf32, #tpu.memory_space<hbm>> -> memref<64x384xf32, #tpu.memory_space<hbm>>
    %dma_wait3A_141 = arith.constant 0 : i32
    %dma_wait3A_142 = arith.constant 0 : i32
    %dma_wait3A_143 = tpu.memref_slice %arg6[%dma_wait3A_132, %dma_wait3A_141, %dma_wait3A_142] : memref<2x128x384xf32, #tpu.memory_space<vmem>> -> memref<1x64x384xf32, #tpu.memory_space<vmem>>
    %dma_wait3A_144 = tpu.memref_squeeze %dma_wait3A_143 : memref<1x64x384xf32, #tpu.memory_space<vmem>> -> memref<64x384xf32, #tpu.memory_space<vmem>>
    tpu.wait_dma2 semaphore(%arg9 : memref<!tpu.dma_semaphore, #tpu.memory_space<semaphore_mem>>) src(%dma_wait3A_144 : memref<64x384xf32, #tpu.memory_space<vmem>>) dst(%dma_wait3A_140 : memref<64x384xf32, #tpu.memory_space<hbm>>)
    return
  }
}

#map = affine_map<(d0, d1) -> (0, 0)>
#map1 = affine_map<(d0, d1) -> (0)>
module attributes {stable_mosaic.version = 14 : i64} {
  func.func @gather(%arg0: i32, %arg1: i32, %arg2: memref<20480x384xf32, #tpu.memory_space<hbm>>, %arg3: memref<16384xi32, #tpu.memory_space<hbm>>, %arg4: memref<16384x384xf32, #tpu.memory_space<hbm>>, %arg5: memref<512xi32, #tpu.memory_space<vmem>>, %arg6: memref<2x128x384xf32, #tpu.memory_space<vmem>>, %arg7: memref<!tpu.dma_semaphore, #tpu.memory_space<semaphore_mem>>, %arg8: memref<!tpu.dma_semaphore, #tpu.memory_space<semaphore_mem>>, %arg9: memref<!tpu.dma_semaphore, #tpu.memory_space<semaphore_mem>>, %arg10: memref<!tpu.dma_semaphore, #tpu.memory_space<semaphore_mem>>) attributes {dimension_semantics = [#tpu.dimension_semantics<core_parallel>, #tpu.dimension_semantics<subcore_parallel>], iteration_bounds = array<i64: 2, 16>, scalar_prefetch = 0 : i64, scratch_operands = 6 : i64, tpu.core_type = #tpu.core_type<sc_vector_subcore>, window_params = [{transform_indices = #map}, {transform_indices = #map1}, {transform_indices = #map}]} {
    %mul3A = arith.constant 2 : i32
    %mul3A_0 = arith.muli %arg1, %mul3A : i32
    %add3A = arith.addi %mul3A_0, %arg0 : i32
    %mul3A_1 = arith.constant 512 : i32
    %mul3A_2 = arith.muli %add3A, %mul3A_1 : i32
    "tpu.region"() ({
      %run_scoped3A = tpu.sem_alloc : memref<!tpu.dma_semaphore, #tpu.memory_space<semaphore_mem>>
      %dma_start3A_193 = tpu.memref_slice %arg3[%mul3A_2] : memref<16384xi32, #tpu.memory_space<hbm>> -> memref<512xi32, #tpu.memory_space<hbm>>
      %dma_start3A_194 = tpu.memref_slice %arg3[%mul3A_2] : memref<16384xi32, #tpu.memory_space<hbm>> -> memref<512xi32, #tpu.memory_space<hbm>>
      tpu.enqueue_dma source(%dma_start3A_194 : memref<512xi32, #tpu.memory_space<hbm>>) target(%arg5 : memref<512xi32, #tpu.memory_space<vmem>>) target_semaphore(%run_scoped3A : memref<!tpu.dma_semaphore, #tpu.memory_space<semaphore_mem>>)
      %dma_wait3A_195 = tpu.memref_slice %arg3[%mul3A_2] : memref<16384xi32, #tpu.memory_space<hbm>> -> memref<512xi32, #tpu.memory_space<hbm>>
      %dma_wait3A_196 = tpu.memref_slice %arg3[%mul3A_2] : memref<16384xi32, #tpu.memory_space<hbm>> -> memref<512xi32, #tpu.memory_space<hbm>>
      tpu.wait_dma2 semaphore(%run_scoped3A : memref<!tpu.dma_semaphore, #tpu.memory_space<semaphore_mem>>) src(%dma_wait3A_196 : memref<512xi32, #tpu.memory_space<hbm>>) dst(%arg5 : memref<512xi32, #tpu.memory_space<vmem>>)
      tpu.yield
    }) : () -> ()
    %dma_start3A = arith.constant 0 : i32
    %dma_start3A_3 = arith.constant 0 : i32
    %dma_start3A_4 = arith.constant 0 : i32
    %dma_start3A_5 = tpu.memref_slice %arg6[%dma_start3A, %dma_start3A_3, %dma_start3A_4] : memref<2x128x384xf32, #tpu.memory_space<vmem>> -> memref<1x128x384xf32, #tpu.memory_space<vmem>>
    %dma_start3A_6 = tpu.memref_squeeze %dma_start3A_5 : memref<1x128x384xf32, #tpu.memory_space<vmem>> -> memref<128x384xf32, #tpu.memory_space<vmem>>
    %dma_start3A_7 = arith.constant 0 : i32
    %dma_start3A_8 = tpu.memref_slice %arg5[%dma_start3A_7] : memref<512xi32, #tpu.memory_space<vmem>> -> memref<128xi32, #tpu.memory_space<vmem>>
    %dma_start3A_9 = arith.constant 0 : i32
    %dma_start3A_10 = arith.constant 0 : i32
    %dma_start3A_11 = tpu.memref_slice %arg2[%dma_start3A_9, %dma_start3A_10] : memref<20480x384xf32, #tpu.memory_space<hbm>> -> memref<20480x384xf32, #tpu.memory_space<hbm>>
    tpu.enqueue_indirect_dma source(%dma_start3A_11 : memref<20480x384xf32, #tpu.memory_space<hbm>>) target(%dma_start3A_6 : memref<128x384xf32, #tpu.memory_space<vmem>>) offsets(%dma_start3A_8 : memref<128xi32, #tpu.memory_space<vmem>>) semaphore(%arg7 : memref<!tpu.dma_semaphore, #tpu.memory_space<semaphore_mem>>)
    %dma_start3A_12 = arith.constant 1 : i32
    %dma_start3A_13 = arith.constant 0 : i32
    %dma_start3A_14 = arith.constant 0 : i32
    %dma_start3A_15 = tpu.memref_slice %arg6[%dma_start3A_12, %dma_start3A_13, %dma_start3A_14] : memref<2x128x384xf32, #tpu.memory_space<vmem>> -> memref<1x128x384xf32, #tpu.memory_space<vmem>>
    %dma_start3A_16 = tpu.memref_squeeze %dma_start3A_15 : memref<1x128x384xf32, #tpu.memory_space<vmem>> -> memref<128x384xf32, #tpu.memory_space<vmem>>
    %dma_start3A_17 = arith.constant 128 : i32
    %dma_start3A_18 = tpu.memref_slice %arg5[%dma_start3A_17] : memref<512xi32, #tpu.memory_space<vmem>> -> memref<128xi32, #tpu.memory_space<vmem>>
    %dma_start3A_19 = arith.constant 0 : i32
    %dma_start3A_20 = arith.constant 0 : i32
    %dma_start3A_21 = tpu.memref_slice %arg2[%dma_start3A_19, %dma_start3A_20] : memref<20480x384xf32, #tpu.memory_space<hbm>> -> memref<20480x384xf32, #tpu.memory_space<hbm>>
    tpu.enqueue_indirect_dma source(%dma_start3A_21 : memref<20480x384xf32, #tpu.memory_space<hbm>>) target(%dma_start3A_16 : memref<128x384xf32, #tpu.memory_space<vmem>>) offsets(%dma_start3A_18 : memref<128xi32, #tpu.memory_space<vmem>>) semaphore(%arg8 : memref<!tpu.dma_semaphore, #tpu.memory_space<semaphore_mem>>)
    %dma_wait3A = arith.constant 0 : i32
    %dma_wait3A_22 = arith.constant 0 : i32
    %dma_wait3A_23 = arith.constant 0 : i32
    %dma_wait3A_24 = tpu.memref_slice %arg6[%dma_wait3A, %dma_wait3A_22, %dma_wait3A_23] : memref<2x128x384xf32, #tpu.memory_space<vmem>> -> memref<1x128x384xf32, #tpu.memory_space<vmem>>
    %dma_wait3A_25 = tpu.memref_squeeze %dma_wait3A_24 : memref<1x128x384xf32, #tpu.memory_space<vmem>> -> memref<128x384xf32, #tpu.memory_space<vmem>>
    %dma_wait3A_26 = arith.constant 0 : i32
    %dma_wait3A_27 = tpu.memref_slice %arg5[%dma_wait3A_26] : memref<512xi32, #tpu.memory_space<vmem>> -> memref<128xi32, #tpu.memory_space<vmem>>
    %dma_wait3A_28 = arith.constant 0 : i32
    %dma_wait3A_29 = arith.constant 0 : i32
    %dma_wait3A_30 = tpu.memref_slice %arg2[%dma_wait3A_28, %dma_wait3A_29] : memref<20480x384xf32, #tpu.memory_space<hbm>> -> memref<20480x384xf32, #tpu.memory_space<hbm>>
    tpu.wait_indirect_dma semaphore(%arg7 : memref<!tpu.dma_semaphore, #tpu.memory_space<semaphore_mem>>) src(%dma_wait3A_30 : memref<20480x384xf32, #tpu.memory_space<hbm>>) dst(%dma_wait3A_25 : memref<128x384xf32, #tpu.memory_space<vmem>>)
    %add3A_31 = arith.constant 0 : i32
    %add3A_32 = arith.addi %mul3A_2, %add3A_31 : i32
    %dma_start3A_33 = arith.constant 0 : i32
    %dma_start3A_34 = arith.constant 0 : i32
    %dma_start3A_35 = arith.constant 0 : i32
    %dma_start3A_36 = tpu.memref_slice %arg6[%dma_start3A_33, %dma_start3A_34, %dma_start3A_35] : memref<2x128x384xf32, #tpu.memory_space<vmem>> -> memref<1x128x384xf32, #tpu.memory_space<vmem>>
    %dma_start3A_37 = tpu.memref_squeeze %dma_start3A_36 : memref<1x128x384xf32, #tpu.memory_space<vmem>> -> memref<128x384xf32, #tpu.memory_space<vmem>>
    %dma_start3A_38 = arith.constant 0 : i32
    %dma_start3A_39 = tpu.memref_slice %arg4[%add3A_32, %dma_start3A_38] : memref<16384x384xf32, #tpu.memory_space<hbm>> -> memref<128x384xf32, #tpu.memory_space<hbm>>
    %dma_start3A_40 = arith.constant 0 : i32
    %dma_start3A_41 = tpu.memref_slice %arg4[%add3A_32, %dma_start3A_40] : memref<16384x384xf32, #tpu.memory_space<hbm>> -> memref<128x384xf32, #tpu.memory_space<hbm>>
    %dma_start3A_42 = arith.constant 0 : i32
    %dma_start3A_43 = arith.constant 0 : i32
    %dma_start3A_44 = tpu.memref_slice %arg6[%dma_start3A_33, %dma_start3A_42, %dma_start3A_43] : memref<2x128x384xf32, #tpu.memory_space<vmem>> -> memref<1x128x384xf32, #tpu.memory_space<vmem>>
    %dma_start3A_45 = tpu.memref_squeeze %dma_start3A_44 : memref<1x128x384xf32, #tpu.memory_space<vmem>> -> memref<128x384xf32, #tpu.memory_space<vmem>>
    tpu.enqueue_dma source(%dma_start3A_45 : memref<128x384xf32, #tpu.memory_space<vmem>>) target(%dma_start3A_41 : memref<128x384xf32, #tpu.memory_space<hbm>>) target_semaphore(%arg9 : memref<!tpu.dma_semaphore, #tpu.memory_space<semaphore_mem>>)
    %dma_wait3A_46 = arith.constant 0 : i32
    %dma_wait3A_47 = arith.constant 0 : i32
    %dma_wait3A_48 = arith.constant 0 : i32
    %dma_wait3A_49 = tpu.memref_slice %arg6[%dma_wait3A_46, %dma_wait3A_47, %dma_wait3A_48] : memref<2x128x384xf32, #tpu.memory_space<vmem>> -> memref<1x128x384xf32, #tpu.memory_space<vmem>>
    %dma_wait3A_50 = tpu.memref_squeeze %dma_wait3A_49 : memref<1x128x384xf32, #tpu.memory_space<vmem>> -> memref<128x384xf32, #tpu.memory_space<vmem>>
    %dma_wait3A_51 = arith.constant 0 : i32
    %dma_wait3A_52 = tpu.memref_slice %arg4[%add3A_32, %dma_wait3A_51] : memref<16384x384xf32, #tpu.memory_space<hbm>> -> memref<128x384xf32, #tpu.memory_space<hbm>>
    %dma_wait3A_53 = arith.constant 0 : i32
    %dma_wait3A_54 = tpu.memref_slice %arg4[%add3A_32, %dma_wait3A_53] : memref<16384x384xf32, #tpu.memory_space<hbm>> -> memref<128x384xf32, #tpu.memory_space<hbm>>
    %dma_wait3A_55 = arith.constant 0 : i32
    %dma_wait3A_56 = arith.constant 0 : i32
    %dma_wait3A_57 = tpu.memref_slice %arg6[%dma_wait3A_46, %dma_wait3A_55, %dma_wait3A_56] : memref<2x128x384xf32, #tpu.memory_space<vmem>> -> memref<1x128x384xf32, #tpu.memory_space<vmem>>
    %dma_wait3A_58 = tpu.memref_squeeze %dma_wait3A_57 : memref<1x128x384xf32, #tpu.memory_space<vmem>> -> memref<128x384xf32, #tpu.memory_space<vmem>>
    tpu.wait_dma2 semaphore(%arg9 : memref<!tpu.dma_semaphore, #tpu.memory_space<semaphore_mem>>) src(%dma_wait3A_58 : memref<128x384xf32, #tpu.memory_space<vmem>>) dst(%dma_wait3A_54 : memref<128x384xf32, #tpu.memory_space<hbm>>)
    %dma_start3A_59 = arith.constant 0 : i32
    %dma_start3A_60 = arith.constant 0 : i32
    %dma_start3A_61 = arith.constant 0 : i32
    %dma_start3A_62 = tpu.memref_slice %arg6[%dma_start3A_59, %dma_start3A_60, %dma_start3A_61] : memref<2x128x384xf32, #tpu.memory_space<vmem>> -> memref<1x128x384xf32, #tpu.memory_space<vmem>>
    %dma_start3A_63 = tpu.memref_squeeze %dma_start3A_62 : memref<1x128x384xf32, #tpu.memory_space<vmem>> -> memref<128x384xf32, #tpu.memory_space<vmem>>
    %dma_start3A_64 = arith.constant 256 : i32
    %dma_start3A_65 = tpu.memref_slice %arg5[%dma_start3A_64] : memref<512xi32, #tpu.memory_space<vmem>> -> memref<128xi32, #tpu.memory_space<vmem>>
    %dma_start3A_66 = arith.constant 0 : i32
    %dma_start3A_67 = arith.constant 0 : i32
    %dma_start3A_68 = tpu.memref_slice %arg2[%dma_start3A_66, %dma_start3A_67] : memref<20480x384xf32, #tpu.memory_space<hbm>> -> memref<20480x384xf32, #tpu.memory_space<hbm>>
    tpu.enqueue_indirect_dma source(%dma_start3A_68 : memref<20480x384xf32, #tpu.memory_space<hbm>>) target(%dma_start3A_63 : memref<128x384xf32, #tpu.memory_space<vmem>>) offsets(%dma_start3A_65 : memref<128xi32, #tpu.memory_space<vmem>>) semaphore(%arg7 : memref<!tpu.dma_semaphore, #tpu.memory_space<semaphore_mem>>)
    %dma_wait3A_69 = arith.constant 1 : i32
    %dma_wait3A_70 = arith.constant 0 : i32
    %dma_wait3A_71 = arith.constant 0 : i32
    %dma_wait3A_72 = tpu.memref_slice %arg6[%dma_wait3A_69, %dma_wait3A_70, %dma_wait3A_71] : memref<2x128x384xf32, #tpu.memory_space<vmem>> -> memref<1x128x384xf32, #tpu.memory_space<vmem>>
    %dma_wait3A_73 = tpu.memref_squeeze %dma_wait3A_72 : memref<1x128x384xf32, #tpu.memory_space<vmem>> -> memref<128x384xf32, #tpu.memory_space<vmem>>
    %dma_wait3A_74 = arith.constant 128 : i32
    %dma_wait3A_75 = tpu.memref_slice %arg5[%dma_wait3A_74] : memref<512xi32, #tpu.memory_space<vmem>> -> memref<128xi32, #tpu.memory_space<vmem>>
    %dma_wait3A_76 = arith.constant 0 : i32
    %dma_wait3A_77 = arith.constant 0 : i32
    %dma_wait3A_78 = tpu.memref_slice %arg2[%dma_wait3A_76, %dma_wait3A_77] : memref<20480x384xf32, #tpu.memory_space<hbm>> -> memref<20480x384xf32, #tpu.memory_space<hbm>>
    tpu.wait_indirect_dma semaphore(%arg8 : memref<!tpu.dma_semaphore, #tpu.memory_space<semaphore_mem>>) src(%dma_wait3A_78 : memref<20480x384xf32, #tpu.memory_space<hbm>>) dst(%dma_wait3A_73 : memref<128x384xf32, #tpu.memory_space<vmem>>)
    %add3A_79 = arith.constant 128 : i32
    %add3A_80 = arith.addi %mul3A_2, %add3A_79 : i32
    %dma_start3A_81 = arith.constant 1 : i32
    %dma_start3A_82 = arith.constant 0 : i32
    %dma_start3A_83 = arith.constant 0 : i32
    %dma_start3A_84 = tpu.memref_slice %arg6[%dma_start3A_81, %dma_start3A_82, %dma_start3A_83] : memref<2x128x384xf32, #tpu.memory_space<vmem>> -> memref<1x128x384xf32, #tpu.memory_space<vmem>>
    %dma_start3A_85 = tpu.memref_squeeze %dma_start3A_84 : memref<1x128x384xf32, #tpu.memory_space<vmem>> -> memref<128x384xf32, #tpu.memory_space<vmem>>
    %dma_start3A_86 = arith.constant 0 : i32
    %dma_start3A_87 = tpu.memref_slice %arg4[%add3A_80, %dma_start3A_86] : memref<16384x384xf32, #tpu.memory_space<hbm>> -> memref<128x384xf32, #tpu.memory_space<hbm>>
    %dma_start3A_88 = arith.constant 0 : i32
    %dma_start3A_89 = tpu.memref_slice %arg4[%add3A_80, %dma_start3A_88] : memref<16384x384xf32, #tpu.memory_space<hbm>> -> memref<128x384xf32, #tpu.memory_space<hbm>>
    %dma_start3A_90 = arith.constant 0 : i32
    %dma_start3A_91 = arith.constant 0 : i32
    %dma_start3A_92 = tpu.memref_slice %arg6[%dma_start3A_81, %dma_start3A_90, %dma_start3A_91] : memref<2x128x384xf32, #tpu.memory_space<vmem>> -> memref<1x128x384xf32, #tpu.memory_space<vmem>>
    %dma_start3A_93 = tpu.memref_squeeze %dma_start3A_92 : memref<1x128x384xf32, #tpu.memory_space<vmem>> -> memref<128x384xf32, #tpu.memory_space<vmem>>
    tpu.enqueue_dma source(%dma_start3A_93 : memref<128x384xf32, #tpu.memory_space<vmem>>) target(%dma_start3A_89 : memref<128x384xf32, #tpu.memory_space<hbm>>) target_semaphore(%arg10 : memref<!tpu.dma_semaphore, #tpu.memory_space<semaphore_mem>>)
    %dma_wait3A_94 = arith.constant 1 : i32
    %dma_wait3A_95 = arith.constant 0 : i32
    %dma_wait3A_96 = arith.constant 0 : i32
    %dma_wait3A_97 = tpu.memref_slice %arg6[%dma_wait3A_94, %dma_wait3A_95, %dma_wait3A_96] : memref<2x128x384xf32, #tpu.memory_space<vmem>> -> memref<1x128x384xf32, #tpu.memory_space<vmem>>
    %dma_wait3A_98 = tpu.memref_squeeze %dma_wait3A_97 : memref<1x128x384xf32, #tpu.memory_space<vmem>> -> memref<128x384xf32, #tpu.memory_space<vmem>>
    %dma_wait3A_99 = arith.constant 0 : i32
    %dma_wait3A_100 = tpu.memref_slice %arg4[%add3A_80, %dma_wait3A_99] : memref<16384x384xf32, #tpu.memory_space<hbm>> -> memref<128x384xf32, #tpu.memory_space<hbm>>
    %dma_wait3A_101 = arith.constant 0 : i32
    %dma_wait3A_102 = tpu.memref_slice %arg4[%add3A_80, %dma_wait3A_101] : memref<16384x384xf32, #tpu.memory_space<hbm>> -> memref<128x384xf32, #tpu.memory_space<hbm>>
    %dma_wait3A_103 = arith.constant 0 : i32
    %dma_wait3A_104 = arith.constant 0 : i32
    %dma_wait3A_105 = tpu.memref_slice %arg6[%dma_wait3A_94, %dma_wait3A_103, %dma_wait3A_104] : memref<2x128x384xf32, #tpu.memory_space<vmem>> -> memref<1x128x384xf32, #tpu.memory_space<vmem>>
    %dma_wait3A_106 = tpu.memref_squeeze %dma_wait3A_105 : memref<1x128x384xf32, #tpu.memory_space<vmem>> -> memref<128x384xf32, #tpu.memory_space<vmem>>
    tpu.wait_dma2 semaphore(%arg10 : memref<!tpu.dma_semaphore, #tpu.memory_space<semaphore_mem>>) src(%dma_wait3A_106 : memref<128x384xf32, #tpu.memory_space<vmem>>) dst(%dma_wait3A_102 : memref<128x384xf32, #tpu.memory_space<hbm>>)
    %dma_start3A_107 = arith.constant 1 : i32
    %dma_start3A_108 = arith.constant 0 : i32
    %dma_start3A_109 = arith.constant 0 : i32
    %dma_start3A_110 = tpu.memref_slice %arg6[%dma_start3A_107, %dma_start3A_108, %dma_start3A_109] : memref<2x128x384xf32, #tpu.memory_space<vmem>> -> memref<1x128x384xf32, #tpu.memory_space<vmem>>
    %dma_start3A_111 = tpu.memref_squeeze %dma_start3A_110 : memref<1x128x384xf32, #tpu.memory_space<vmem>> -> memref<128x384xf32, #tpu.memory_space<vmem>>
    %dma_start3A_112 = arith.constant 384 : i32
    %dma_start3A_113 = tpu.memref_slice %arg5[%dma_start3A_112] : memref<512xi32, #tpu.memory_space<vmem>> -> memref<128xi32, #tpu.memory_space<vmem>>
    %dma_start3A_114 = arith.constant 0 : i32
    %dma_start3A_115 = arith.constant 0 : i32
    %dma_start3A_116 = tpu.memref_slice %arg2[%dma_start3A_114, %dma_start3A_115] : memref<20480x384xf32, #tpu.memory_space<hbm>> -> memref<20480x384xf32, #tpu.memory_space<hbm>>
    tpu.enqueue_indirect_dma source(%dma_start3A_116 : memref<20480x384xf32, #tpu.memory_space<hbm>>) target(%dma_start3A_111 : memref<128x384xf32, #tpu.memory_space<vmem>>) offsets(%dma_start3A_113 : memref<128xi32, #tpu.memory_space<vmem>>) semaphore(%arg8 : memref<!tpu.dma_semaphore, #tpu.memory_space<semaphore_mem>>)
    %dma_wait3A_117 = arith.constant 0 : i32
    %dma_wait3A_118 = arith.constant 0 : i32
    %dma_wait3A_119 = arith.constant 0 : i32
    %dma_wait3A_120 = tpu.memref_slice %arg6[%dma_wait3A_117, %dma_wait3A_118, %dma_wait3A_119] : memref<2x128x384xf32, #tpu.memory_space<vmem>> -> memref<1x128x384xf32, #tpu.memory_space<vmem>>
    %dma_wait3A_121 = tpu.memref_squeeze %dma_wait3A_120 : memref<1x128x384xf32, #tpu.memory_space<vmem>> -> memref<128x384xf32, #tpu.memory_space<vmem>>
    %dma_wait3A_122 = arith.constant 256 : i32
    %dma_wait3A_123 = tpu.memref_slice %arg5[%dma_wait3A_122] : memref<512xi32, #tpu.memory_space<vmem>> -> memref<128xi32, #tpu.memory_space<vmem>>
    %dma_wait3A_124 = arith.constant 0 : i32
    %dma_wait3A_125 = arith.constant 0 : i32
    %dma_wait3A_126 = tpu.memref_slice %arg2[%dma_wait3A_124, %dma_wait3A_125] : memref<20480x384xf32, #tpu.memory_space<hbm>> -> memref<20480x384xf32, #tpu.memory_space<hbm>>
    tpu.wait_indirect_dma semaphore(%arg7 : memref<!tpu.dma_semaphore, #tpu.memory_space<semaphore_mem>>) src(%dma_wait3A_126 : memref<20480x384xf32, #tpu.memory_space<hbm>>) dst(%dma_wait3A_121 : memref<128x384xf32, #tpu.memory_space<vmem>>)
    %add3A_127 = arith.constant 256 : i32
    %add3A_128 = arith.addi %mul3A_2, %add3A_127 : i32
    %dma_start3A_129 = arith.constant 0 : i32
    %dma_start3A_130 = arith.constant 0 : i32
    %dma_start3A_131 = arith.constant 0 : i32
    %dma_start3A_132 = tpu.memref_slice %arg6[%dma_start3A_129, %dma_start3A_130, %dma_start3A_131] : memref<2x128x384xf32, #tpu.memory_space<vmem>> -> memref<1x128x384xf32, #tpu.memory_space<vmem>>
    %dma_start3A_133 = tpu.memref_squeeze %dma_start3A_132 : memref<1x128x384xf32, #tpu.memory_space<vmem>> -> memref<128x384xf32, #tpu.memory_space<vmem>>
    %dma_start3A_134 = arith.constant 0 : i32
    %dma_start3A_135 = tpu.memref_slice %arg4[%add3A_128, %dma_start3A_134] : memref<16384x384xf32, #tpu.memory_space<hbm>> -> memref<128x384xf32, #tpu.memory_space<hbm>>
    %dma_start3A_136 = arith.constant 0 : i32
    %dma_start3A_137 = tpu.memref_slice %arg4[%add3A_128, %dma_start3A_136] : memref<16384x384xf32, #tpu.memory_space<hbm>> -> memref<128x384xf32, #tpu.memory_space<hbm>>
    %dma_start3A_138 = arith.constant 0 : i32
    %dma_start3A_139 = arith.constant 0 : i32
    %dma_start3A_140 = tpu.memref_slice %arg6[%dma_start3A_129, %dma_start3A_138, %dma_start3A_139] : memref<2x128x384xf32, #tpu.memory_space<vmem>> -> memref<1x128x384xf32, #tpu.memory_space<vmem>>
    %dma_start3A_141 = tpu.memref_squeeze %dma_start3A_140 : memref<1x128x384xf32, #tpu.memory_space<vmem>> -> memref<128x384xf32, #tpu.memory_space<vmem>>
    tpu.enqueue_dma source(%dma_start3A_141 : memref<128x384xf32, #tpu.memory_space<vmem>>) target(%dma_start3A_137 : memref<128x384xf32, #tpu.memory_space<hbm>>) target_semaphore(%arg9 : memref<!tpu.dma_semaphore, #tpu.memory_space<semaphore_mem>>)
    %dma_wait3A_142 = arith.constant 1 : i32
    %dma_wait3A_143 = arith.constant 0 : i32
    %dma_wait3A_144 = arith.constant 0 : i32
    %dma_wait3A_145 = tpu.memref_slice %arg6[%dma_wait3A_142, %dma_wait3A_143, %dma_wait3A_144] : memref<2x128x384xf32, #tpu.memory_space<vmem>> -> memref<1x128x384xf32, #tpu.memory_space<vmem>>
    %dma_wait3A_146 = tpu.memref_squeeze %dma_wait3A_145 : memref<1x128x384xf32, #tpu.memory_space<vmem>> -> memref<128x384xf32, #tpu.memory_space<vmem>>
    %dma_wait3A_147 = arith.constant 384 : i32
    %dma_wait3A_148 = tpu.memref_slice %arg5[%dma_wait3A_147] : memref<512xi32, #tpu.memory_space<vmem>> -> memref<128xi32, #tpu.memory_space<vmem>>
    %dma_wait3A_149 = arith.constant 0 : i32
    %dma_wait3A_150 = arith.constant 0 : i32
    %dma_wait3A_151 = tpu.memref_slice %arg2[%dma_wait3A_149, %dma_wait3A_150] : memref<20480x384xf32, #tpu.memory_space<hbm>> -> memref<20480x384xf32, #tpu.memory_space<hbm>>
    tpu.wait_indirect_dma semaphore(%arg8 : memref<!tpu.dma_semaphore, #tpu.memory_space<semaphore_mem>>) src(%dma_wait3A_151 : memref<20480x384xf32, #tpu.memory_space<hbm>>) dst(%dma_wait3A_146 : memref<128x384xf32, #tpu.memory_space<vmem>>)
    %add3A_152 = arith.constant 384 : i32
    %add3A_153 = arith.addi %mul3A_2, %add3A_152 : i32
    %dma_start3A_154 = arith.constant 1 : i32
    %dma_start3A_155 = arith.constant 0 : i32
    %dma_start3A_156 = arith.constant 0 : i32
    %dma_start3A_157 = tpu.memref_slice %arg6[%dma_start3A_154, %dma_start3A_155, %dma_start3A_156] : memref<2x128x384xf32, #tpu.memory_space<vmem>> -> memref<1x128x384xf32, #tpu.memory_space<vmem>>
    %dma_start3A_158 = tpu.memref_squeeze %dma_start3A_157 : memref<1x128x384xf32, #tpu.memory_space<vmem>> -> memref<128x384xf32, #tpu.memory_space<vmem>>
    %dma_start3A_159 = arith.constant 0 : i32
    %dma_start3A_160 = tpu.memref_slice %arg4[%add3A_153, %dma_start3A_159] : memref<16384x384xf32, #tpu.memory_space<hbm>> -> memref<128x384xf32, #tpu.memory_space<hbm>>
    %dma_start3A_161 = arith.constant 0 : i32
    %dma_start3A_162 = tpu.memref_slice %arg4[%add3A_153, %dma_start3A_161] : memref<16384x384xf32, #tpu.memory_space<hbm>> -> memref<128x384xf32, #tpu.memory_space<hbm>>
    %dma_start3A_163 = arith.constant 0 : i32
    %dma_start3A_164 = arith.constant 0 : i32
    %dma_start3A_165 = tpu.memref_slice %arg6[%dma_start3A_154, %dma_start3A_163, %dma_start3A_164] : memref<2x128x384xf32, #tpu.memory_space<vmem>> -> memref<1x128x384xf32, #tpu.memory_space<vmem>>
    %dma_start3A_166 = tpu.memref_squeeze %dma_start3A_165 : memref<1x128x384xf32, #tpu.memory_space<vmem>> -> memref<128x384xf32, #tpu.memory_space<vmem>>
    tpu.enqueue_dma source(%dma_start3A_166 : memref<128x384xf32, #tpu.memory_space<vmem>>) target(%dma_start3A_162 : memref<128x384xf32, #tpu.memory_space<hbm>>) target_semaphore(%arg10 : memref<!tpu.dma_semaphore, #tpu.memory_space<semaphore_mem>>)
    %dma_wait3A_167 = arith.constant 0 : i32
    %dma_wait3A_168 = arith.constant 0 : i32
    %dma_wait3A_169 = arith.constant 0 : i32
    %dma_wait3A_170 = tpu.memref_slice %arg6[%dma_wait3A_167, %dma_wait3A_168, %dma_wait3A_169] : memref<2x128x384xf32, #tpu.memory_space<vmem>> -> memref<1x128x384xf32, #tpu.memory_space<vmem>>
    %dma_wait3A_171 = tpu.memref_squeeze %dma_wait3A_170 : memref<1x128x384xf32, #tpu.memory_space<vmem>> -> memref<128x384xf32, #tpu.memory_space<vmem>>
    %dma_wait3A_172 = arith.constant 0 : i32
    %dma_wait3A_173 = tpu.memref_slice %arg4[%add3A_128, %dma_wait3A_172] : memref<16384x384xf32, #tpu.memory_space<hbm>> -> memref<128x384xf32, #tpu.memory_space<hbm>>
    %dma_wait3A_174 = arith.constant 0 : i32
    %dma_wait3A_175 = tpu.memref_slice %arg4[%add3A_128, %dma_wait3A_174] : memref<16384x384xf32, #tpu.memory_space<hbm>> -> memref<128x384xf32, #tpu.memory_space<hbm>>
    %dma_wait3A_176 = arith.constant 0 : i32
    %dma_wait3A_177 = arith.constant 0 : i32
    %dma_wait3A_178 = tpu.memref_slice %arg6[%dma_wait3A_167, %dma_wait3A_176, %dma_wait3A_177] : memref<2x128x384xf32, #tpu.memory_space<vmem>> -> memref<1x128x384xf32, #tpu.memory_space<vmem>>
    %dma_wait3A_179 = tpu.memref_squeeze %dma_wait3A_178 : memref<1x128x384xf32, #tpu.memory_space<vmem>> -> memref<128x384xf32, #tpu.memory_space<vmem>>
    tpu.wait_dma2 semaphore(%arg9 : memref<!tpu.dma_semaphore, #tpu.memory_space<semaphore_mem>>) src(%dma_wait3A_179 : memref<128x384xf32, #tpu.memory_space<vmem>>) dst(%dma_wait3A_175 : memref<128x384xf32, #tpu.memory_space<hbm>>)
    %dma_wait3A_180 = arith.constant 1 : i32
    %dma_wait3A_181 = arith.constant 0 : i32
    %dma_wait3A_182 = arith.constant 0 : i32
    %dma_wait3A_183 = tpu.memref_slice %arg6[%dma_wait3A_180, %dma_wait3A_181, %dma_wait3A_182] : memref<2x128x384xf32, #tpu.memory_space<vmem>> -> memref<1x128x384xf32, #tpu.memory_space<vmem>>
    %dma_wait3A_184 = tpu.memref_squeeze %dma_wait3A_183 : memref<1x128x384xf32, #tpu.memory_space<vmem>> -> memref<128x384xf32, #tpu.memory_space<vmem>>
    %dma_wait3A_185 = arith.constant 0 : i32
    %dma_wait3A_186 = tpu.memref_slice %arg4[%add3A_153, %dma_wait3A_185] : memref<16384x384xf32, #tpu.memory_space<hbm>> -> memref<128x384xf32, #tpu.memory_space<hbm>>
    %dma_wait3A_187 = arith.constant 0 : i32
    %dma_wait3A_188 = tpu.memref_slice %arg4[%add3A_153, %dma_wait3A_187] : memref<16384x384xf32, #tpu.memory_space<hbm>> -> memref<128x384xf32, #tpu.memory_space<hbm>>
    %dma_wait3A_189 = arith.constant 0 : i32
    %dma_wait3A_190 = arith.constant 0 : i32
    %dma_wait3A_191 = tpu.memref_slice %arg6[%dma_wait3A_180, %dma_wait3A_189, %dma_wait3A_190] : memref<2x128x384xf32, #tpu.memory_space<vmem>> -> memref<1x128x384xf32, #tpu.memory_space<vmem>>
    %dma_wait3A_192 = tpu.memref_squeeze %dma_wait3A_191 : memref<1x128x384xf32, #tpu.memory_space<vmem>> -> memref<128x384xf32, #tpu.memory_space<vmem>>
    tpu.wait_dma2 semaphore(%arg10 : memref<!tpu.dma_semaphore, #tpu.memory_space<semaphore_mem>>) src(%dma_wait3A_192 : memref<128x384xf32, #tpu.memory_space<vmem>>) dst(%dma_wait3A_188 : memref<128x384xf32, #tpu.memory_space<hbm>>)
    return
  }
}

module attributes {stable_mosaic.version = 14 : i64} {
  func.func @_fused_body(%arg0: i32, %arg1: memref<4x640x384xf32, #tpu.memory_space<vmem>>, %arg2: memref<384x1536xbf16, #tpu.memory_space<vmem>>, %arg3: memref<1x1536xbf16, #tpu.memory_space<vmem>>, %arg4: memref<4x1x160xf32, #tpu.memory_space<vmem>>, %arg5: memref<512x384xbf16, #tpu.memory_space<vmem>>, %arg6: memref<1x384xf32, #tpu.memory_space<vmem>>, %arg7: memref<4x640x384xf32, #tpu.memory_space<vmem>>) attributes {dimension_semantics = [#tpu.dimension_semantics<arbitrary>], iteration_bounds = array<i64: 4>, scalar_prefetch = 0 : i64, scratch_operands = 0 : i64, tpu.core_type = #tpu.core_type<tc>, window_params = [{transform_indices = @transform_0, window_bounds = array<i64: 4, 640, 384>}, {pipeline_mode = #tpu.pipeline_mode<synchronous>, transform_indices = @transform_1, window_bounds = array<i64: 384, 1536>}, {pipeline_mode = #tpu.pipeline_mode<synchronous>, transform_indices = @transform_2, window_bounds = array<i64: 1, 1536>}, {transform_indices = @transform_3, window_bounds = array<i64: 4, 1, 160>}, {pipeline_mode = #tpu.pipeline_mode<synchronous>, transform_indices = @transform_4, window_bounds = array<i64: 512, 384>}, {pipeline_mode = #tpu.pipeline_mode<synchronous>, transform_indices = @transform_5, window_bounds = array<i64: 1, 384>}, {transform_indices = @transform_6, window_bounds = array<i64: 4, 640, 384>}]} {
    %get3A = arith.constant 0 : index
    %get3A_0 = arith.constant 0 : index
    %get3A_1 = arith.constant 0 : index
    %get3A_2 = vector.load %arg1[%get3A, %get3A_0, %get3A_1] : memref<4x640x384xf32, #tpu.memory_space<vmem>>, vector<4x640x384xf32>
    %reshape3A = vector.shape_cast %get3A_2 : vector<4x640x384xf32> to vector<2560x384xf32>
    %convert_element_type3A = arith.truncf %reshape3A : vector<2560x384xf32> to vector<2560x384xbf16>
    %get3A_3 = arith.constant 0 : index
    %get3A_4 = arith.constant 0 : index
    %get3A_5 = vector.load %arg2[%get3A_3, %get3A_4] : memref<384x1536xbf16, #tpu.memory_space<vmem>>, vector<384x1536xbf16>
    %dot_general3A = arith.constant dense<0.000000e+00> : vector<2560x1536xf32>
    %dot_general3A_6 = tpu.matmul %convert_element_type3A, %get3A_5, %dot_general3A {dimension_numbers = #tpu.dot_dimension_numbers<[1], [0], [0], [1], [0, 0, 1, 1], [], []>, transpose_lhs_hint = false} : vector<2560x384xbf16>, vector<384x1536xbf16>, vector<2560x1536xf32> -> vector<2560x1536xf32>
    %get3A_7 = arith.constant 0 : index
    %get3A_8 = arith.constant 0 : index
    %get3A_9 = vector.load %arg3[%get3A_7, %get3A_8] : memref<1x1536xbf16, #tpu.memory_space<vmem>>, vector<1x1536xbf16>
    %get3A_10 = vector.shape_cast %get3A_9 : vector<1x1536xbf16> to vector<1536xbf16>
    %convert_element_type3A_11 = arith.extf %get3A_10 : vector<1536xbf16> to vector<1536xf32>
    %broadcast_in_dim3A = vector.shape_cast %convert_element_type3A_11 : vector<1536xf32> to vector<1x1536xf32>
    %add3A = vector.broadcast %broadcast_in_dim3A : vector<1x1536xf32> to vector<2560x1536xf32>
    %add3A_12 = arith.addf %dot_general3A_6, %add3A : vector<2560x1536xf32>
    %convert_element_type3A_13 = arith.truncf %add3A_12 : vector<2560x1536xf32> to vector<2560x1536xbf16>
    %slice3A = vector.extract_strided_slice %convert_element_type3A_13 {offsets = [0, 0], sizes = [160, 1536], strides = [1, 1]} : vector<2560x1536xbf16> to vector<160x1536xbf16>
    %get3A_14 = arith.constant 0 : index
    %get3A_15 = arith.constant 0 : index
    %get3A_16 = arith.constant 0 : index
    %get3A_17 = vector.load %arg4[%get3A_14, %get3A_15, %get3A_16] : memref<4x1x160xf32, #tpu.memory_space<vmem>>, vector<1x1x160xf32>
    %get3A_18 = vector.shape_cast %get3A_17 : vector<1x1x160xf32> to vector<1x160xf32>
    %slice3A_19 = vector.extract_strided_slice %slice3A {offsets = [0, 0], sizes = [160, 128], strides = [1, 1]} : vector<160x1536xbf16> to vector<160x128xbf16>
    %slice3A_20 = vector.extract_strided_slice %slice3A {offsets = [0, 512], sizes = [160, 128], strides = [1, 1]} : vector<160x1536xbf16> to vector<160x128xbf16>
    %slice3A_21 = vector.extract_strided_slice %slice3A {offsets = [0, 1024], sizes = [160, 128], strides = [1, 1]} : vector<160x1536xbf16> to vector<160x128xbf16>
    %dot_general3A_22 = arith.constant dense<0.000000e+00> : vector<160x160xf32>
    %dot_general3A_23 = tpu.matmul %slice3A_19, %slice3A_20, %dot_general3A_22 {dimension_numbers = #tpu.dot_dimension_numbers<[1], [1], [0], [0], [0, 0, 1, 0], [], []>, transpose_lhs_hint = false} : vector<160x128xbf16>, vector<160x128xbf16>, vector<160x160xf32> -> vector<160x160xf32>
    %add3A_24 = vector.broadcast %get3A_18 : vector<1x160xf32> to vector<160x160xf32>
    %add3A_25 = arith.addf %dot_general3A_23, %add3A_24 : vector<160x160xf32>
    %exp3A = math.exp %add3A_25 : vector<160x160xf32>
    %reduce_sum3A = arith.constant dense<0.000000e+00> : vector<160xf32>
    %reduce_sum3A_26 = vector.multi_reduction <add>, %exp3A, %reduce_sum3A [1] : vector<160x160xf32> to vector<160xf32>
    %broadcast_in_dim3A_27 = vector.shape_cast %reduce_sum3A_26 : vector<160xf32> to vector<160x1xf32>
    %div3A = vector.broadcast %broadcast_in_dim3A_27 : vector<160x1xf32> to vector<160x160xf32>
    %div3A_28 = arith.divf %exp3A, %div3A : vector<160x160xf32>
    %convert_element_type3A_29 = arith.truncf %div3A_28 : vector<160x160xf32> to vector<160x160xbf16>
    %dot_general3A_30 = arith.constant dense<0.000000e+00> : vector<160x128xf32>
    %dot_general3A_31 = tpu.matmul %convert_element_type3A_29, %slice3A_21, %dot_general3A_30 {dimension_numbers = #tpu.dot_dimension_numbers<[1], [0], [0], [1], [0, 0, 1, 1], [], []>, transpose_lhs_hint = false} : vector<160x160xbf16>, vector<160x128xbf16>, vector<160x128xf32> -> vector<160x128xf32>
    %convert_element_type3A_32 = arith.truncf %dot_general3A_31 : vector<160x128xf32> to vector<160x128xbf16>
    %slice3A_33 = vector.extract_strided_slice %slice3A {offsets = [0, 128], sizes = [160, 128], strides = [1, 1]} : vector<160x1536xbf16> to vector<160x128xbf16>
    %slice3A_34 = vector.extract_strided_slice %slice3A {offsets = [0, 640], sizes = [160, 128], strides = [1, 1]} : vector<160x1536xbf16> to vector<160x128xbf16>
    %slice3A_35 = vector.extract_strided_slice %slice3A {offsets = [0, 1152], sizes = [160, 128], strides = [1, 1]} : vector<160x1536xbf16> to vector<160x128xbf16>
    %dot_general3A_36 = arith.constant dense<0.000000e+00> : vector<160x160xf32>
    %dot_general3A_37 = tpu.matmul %slice3A_33, %slice3A_34, %dot_general3A_36 {dimension_numbers = #tpu.dot_dimension_numbers<[1], [1], [0], [0], [0, 0, 1, 0], [], []>, transpose_lhs_hint = false} : vector<160x128xbf16>, vector<160x128xbf16>, vector<160x160xf32> -> vector<160x160xf32>
    %add3A_38 = vector.broadcast %get3A_18 : vector<1x160xf32> to vector<160x160xf32>
    %add3A_39 = arith.addf %dot_general3A_37, %add3A_38 : vector<160x160xf32>
    %exp3A_40 = math.exp %add3A_39 : vector<160x160xf32>
    %reduce_sum3A_41 = arith.constant dense<0.000000e+00> : vector<160xf32>
    %reduce_sum3A_42 = vector.multi_reduction <add>, %exp3A_40, %reduce_sum3A_41 [1] : vector<160x160xf32> to vector<160xf32>
    %broadcast_in_dim3A_43 = vector.shape_cast %reduce_sum3A_42 : vector<160xf32> to vector<160x1xf32>
    %div3A_44 = vector.broadcast %broadcast_in_dim3A_43 : vector<160x1xf32> to vector<160x160xf32>
    %div3A_45 = arith.divf %exp3A_40, %div3A_44 : vector<160x160xf32>
    %convert_element_type3A_46 = arith.truncf %div3A_45 : vector<160x160xf32> to vector<160x160xbf16>
    %dot_general3A_47 = arith.constant dense<0.000000e+00> : vector<160x128xf32>
    %dot_general3A_48 = tpu.matmul %convert_element_type3A_46, %slice3A_35, %dot_general3A_47 {dimension_numbers = #tpu.dot_dimension_numbers<[1], [0], [0], [1], [0, 0, 1, 1], [], []>, transpose_lhs_hint = false} : vector<160x160xbf16>, vector<160x128xbf16>, vector<160x128xf32> -> vector<160x128xf32>
    %convert_element_type3A_49 = arith.truncf %dot_general3A_48 : vector<160x128xf32> to vector<160x128xbf16>
    %slice3A_50 = vector.extract_strided_slice %slice3A {offsets = [0, 256], sizes = [160, 128], strides = [1, 1]} : vector<160x1536xbf16> to vector<160x128xbf16>
    %slice3A_51 = vector.extract_strided_slice %slice3A {offsets = [0, 768], sizes = [160, 128], strides = [1, 1]} : vector<160x1536xbf16> to vector<160x128xbf16>
    %slice3A_52 = vector.extract_strided_slice %slice3A {offsets = [0, 1280], sizes = [160, 128], strides = [1, 1]} : vector<160x1536xbf16> to vector<160x128xbf16>
    %dot_general3A_53 = arith.constant dense<0.000000e+00> : vector<160x160xf32>
    %dot_general3A_54 = tpu.matmul %slice3A_50, %slice3A_51, %dot_general3A_53 {dimension_numbers = #tpu.dot_dimension_numbers<[1], [1], [0], [0], [0, 0, 1, 0], [], []>, transpose_lhs_hint = false} : vector<160x128xbf16>, vector<160x128xbf16>, vector<160x160xf32> -> vector<160x160xf32>
    %add3A_55 = vector.broadcast %get3A_18 : vector<1x160xf32> to vector<160x160xf32>
    %add3A_56 = arith.addf %dot_general3A_54, %add3A_55 : vector<160x160xf32>
    %exp3A_57 = math.exp %add3A_56 : vector<160x160xf32>
    %reduce_sum3A_58 = arith.constant dense<0.000000e+00> : vector<160xf32>
    %reduce_sum3A_59 = vector.multi_reduction <add>, %exp3A_57, %reduce_sum3A_58 [1] : vector<160x160xf32> to vector<160xf32>
    %broadcast_in_dim3A_60 = vector.shape_cast %reduce_sum3A_59 : vector<160xf32> to vector<160x1xf32>
    %div3A_61 = vector.broadcast %broadcast_in_dim3A_60 : vector<160x1xf32> to vector<160x160xf32>
    %div3A_62 = arith.divf %exp3A_57, %div3A_61 : vector<160x160xf32>
    %convert_element_type3A_63 = arith.truncf %div3A_62 : vector<160x160xf32> to vector<160x160xbf16>
    %dot_general3A_64 = arith.constant dense<0.000000e+00> : vector<160x128xf32>
    %dot_general3A_65 = tpu.matmul %convert_element_type3A_63, %slice3A_52, %dot_general3A_64 {dimension_numbers = #tpu.dot_dimension_numbers<[1], [0], [0], [1], [0, 0, 1, 1], [], []>, transpose_lhs_hint = false} : vector<160x160xbf16>, vector<160x128xbf16>, vector<160x128xf32> -> vector<160x128xf32>
    %convert_element_type3A_66 = arith.truncf %dot_general3A_65 : vector<160x128xf32> to vector<160x128xbf16>
    %slice3A_67 = vector.extract_strided_slice %slice3A {offsets = [0, 384], sizes = [160, 128], strides = [1, 1]} : vector<160x1536xbf16> to vector<160x128xbf16>
    %slice3A_68 = vector.extract_strided_slice %slice3A {offsets = [0, 896], sizes = [160, 128], strides = [1, 1]} : vector<160x1536xbf16> to vector<160x128xbf16>
    %slice3A_69 = vector.extract_strided_slice %slice3A {offsets = [0, 1408], sizes = [160, 128], strides = [1, 1]} : vector<160x1536xbf16> to vector<160x128xbf16>
    %dot_general3A_70 = arith.constant dense<0.000000e+00> : vector<160x160xf32>
    %dot_general3A_71 = tpu.matmul %slice3A_67, %slice3A_68, %dot_general3A_70 {dimension_numbers = #tpu.dot_dimension_numbers<[1], [1], [0], [0], [0, 0, 1, 0], [], []>, transpose_lhs_hint = false} : vector<160x128xbf16>, vector<160x128xbf16>, vector<160x160xf32> -> vector<160x160xf32>
    %add3A_72 = vector.broadcast %get3A_18 : vector<1x160xf32> to vector<160x160xf32>
    %add3A_73 = arith.addf %dot_general3A_71, %add3A_72 : vector<160x160xf32>
    %exp3A_74 = math.exp %add3A_73 : vector<160x160xf32>
    %reduce_sum3A_75 = arith.constant dense<0.000000e+00> : vector<160xf32>
    %reduce_sum3A_76 = vector.multi_reduction <add>, %exp3A_74, %reduce_sum3A_75 [1] : vector<160x160xf32> to vector<160xf32>
    %broadcast_in_dim3A_77 = vector.shape_cast %reduce_sum3A_76 : vector<160xf32> to vector<160x1xf32>
    %div3A_78 = vector.broadcast %broadcast_in_dim3A_77 : vector<160x1xf32> to vector<160x160xf32>
    %div3A_79 = arith.divf %exp3A_74, %div3A_78 : vector<160x160xf32>
    %convert_element_type3A_80 = arith.truncf %div3A_79 : vector<160x160xf32> to vector<160x160xbf16>
    %dot_general3A_81 = arith.constant dense<0.000000e+00> : vector<160x128xf32>
    %dot_general3A_82 = tpu.matmul %convert_element_type3A_80, %slice3A_69, %dot_general3A_81 {dimension_numbers = #tpu.dot_dimension_numbers<[1], [0], [0], [1], [0, 0, 1, 1], [], []>, transpose_lhs_hint = false} : vector<160x160xbf16>, vector<160x128xbf16>, vector<160x128xf32> -> vector<160x128xf32>
    %convert_element_type3A_83 = arith.truncf %dot_general3A_82 : vector<160x128xf32> to vector<160x128xbf16>
    %slice3A_84 = vector.extract_strided_slice %convert_element_type3A_13 {offsets = [160, 0], sizes = [160, 1536], strides = [1, 1]} : vector<2560x1536xbf16> to vector<160x1536xbf16>
    %get3A_85 = arith.constant 1 : index
    %get3A_86 = arith.constant 0 : index
    %get3A_87 = arith.constant 0 : index
    %get3A_88 = vector.load %arg4[%get3A_85, %get3A_86, %get3A_87] : memref<4x1x160xf32, #tpu.memory_space<vmem>>, vector<1x1x160xf32>
    %get3A_89 = vector.shape_cast %get3A_88 : vector<1x1x160xf32> to vector<1x160xf32>
    %slice3A_90 = vector.extract_strided_slice %slice3A_84 {offsets = [0, 0], sizes = [160, 128], strides = [1, 1]} : vector<160x1536xbf16> to vector<160x128xbf16>
    %slice3A_91 = vector.extract_strided_slice %slice3A_84 {offsets = [0, 512], sizes = [160, 128], strides = [1, 1]} : vector<160x1536xbf16> to vector<160x128xbf16>
    %slice3A_92 = vector.extract_strided_slice %slice3A_84 {offsets = [0, 1024], sizes = [160, 128], strides = [1, 1]} : vector<160x1536xbf16> to vector<160x128xbf16>
    %dot_general3A_93 = arith.constant dense<0.000000e+00> : vector<160x160xf32>
    %dot_general3A_94 = tpu.matmul %slice3A_90, %slice3A_91, %dot_general3A_93 {dimension_numbers = #tpu.dot_dimension_numbers<[1], [1], [0], [0], [0, 0, 1, 0], [], []>, transpose_lhs_hint = false} : vector<160x128xbf16>, vector<160x128xbf16>, vector<160x160xf32> -> vector<160x160xf32>
    %add3A_95 = vector.broadcast %get3A_89 : vector<1x160xf32> to vector<160x160xf32>
    %add3A_96 = arith.addf %dot_general3A_94, %add3A_95 : vector<160x160xf32>
    %exp3A_97 = math.exp %add3A_96 : vector<160x160xf32>
    %reduce_sum3A_98 = arith.constant dense<0.000000e+00> : vector<160xf32>
    %reduce_sum3A_99 = vector.multi_reduction <add>, %exp3A_97, %reduce_sum3A_98 [1] : vector<160x160xf32> to vector<160xf32>
    %broadcast_in_dim3A_100 = vector.shape_cast %reduce_sum3A_99 : vector<160xf32> to vector<160x1xf32>
    %div3A_101 = vector.broadcast %broadcast_in_dim3A_100 : vector<160x1xf32> to vector<160x160xf32>
    %div3A_102 = arith.divf %exp3A_97, %div3A_101 : vector<160x160xf32>
    %convert_element_type3A_103 = arith.truncf %div3A_102 : vector<160x160xf32> to vector<160x160xbf16>
    %dot_general3A_104 = arith.constant dense<0.000000e+00> : vector<160x128xf32>
    %dot_general3A_105 = tpu.matmul %convert_element_type3A_103, %slice3A_92, %dot_general3A_104 {dimension_numbers = #tpu.dot_dimension_numbers<[1], [0], [0], [1], [0, 0, 1, 1], [], []>, transpose_lhs_hint = false} : vector<160x160xbf16>, vector<160x128xbf16>, vector<160x128xf32> -> vector<160x128xf32>
    %convert_element_type3A_106 = arith.truncf %dot_general3A_105 : vector<160x128xf32> to vector<160x128xbf16>
    %slice3A_107 = vector.extract_strided_slice %slice3A_84 {offsets = [0, 128], sizes = [160, 128], strides = [1, 1]} : vector<160x1536xbf16> to vector<160x128xbf16>
    %slice3A_108 = vector.extract_strided_slice %slice3A_84 {offsets = [0, 640], sizes = [160, 128], strides = [1, 1]} : vector<160x1536xbf16> to vector<160x128xbf16>
    %slice3A_109 = vector.extract_strided_slice %slice3A_84 {offsets = [0, 1152], sizes = [160, 128], strides = [1, 1]} : vector<160x1536xbf16> to vector<160x128xbf16>
    %dot_general3A_110 = arith.constant dense<0.000000e+00> : vector<160x160xf32>
    %dot_general3A_111 = tpu.matmul %slice3A_107, %slice3A_108, %dot_general3A_110 {dimension_numbers = #tpu.dot_dimension_numbers<[1], [1], [0], [0], [0, 0, 1, 0], [], []>, transpose_lhs_hint = false} : vector<160x128xbf16>, vector<160x128xbf16>, vector<160x160xf32> -> vector<160x160xf32>
    %add3A_112 = vector.broadcast %get3A_89 : vector<1x160xf32> to vector<160x160xf32>
    %add3A_113 = arith.addf %dot_general3A_111, %add3A_112 : vector<160x160xf32>
    %exp3A_114 = math.exp %add3A_113 : vector<160x160xf32>
    %reduce_sum3A_115 = arith.constant dense<0.000000e+00> : vector<160xf32>
    %reduce_sum3A_116 = vector.multi_reduction <add>, %exp3A_114, %reduce_sum3A_115 [1] : vector<160x160xf32> to vector<160xf32>
    %broadcast_in_dim3A_117 = vector.shape_cast %reduce_sum3A_116 : vector<160xf32> to vector<160x1xf32>
    %div3A_118 = vector.broadcast %broadcast_in_dim3A_117 : vector<160x1xf32> to vector<160x160xf32>
    %div3A_119 = arith.divf %exp3A_114, %div3A_118 : vector<160x160xf32>
    %convert_element_type3A_120 = arith.truncf %div3A_119 : vector<160x160xf32> to vector<160x160xbf16>
    %dot_general3A_121 = arith.constant dense<0.000000e+00> : vector<160x128xf32>
    %dot_general3A_122 = tpu.matmul %convert_element_type3A_120, %slice3A_109, %dot_general3A_121 {dimension_numbers = #tpu.dot_dimension_numbers<[1], [0], [0], [1], [0, 0, 1, 1], [], []>, transpose_lhs_hint = false} : vector<160x160xbf16>, vector<160x128xbf16>, vector<160x128xf32> -> vector<160x128xf32>
    %convert_element_type3A_123 = arith.truncf %dot_general3A_122 : vector<160x128xf32> to vector<160x128xbf16>
    %slice3A_124 = vector.extract_strided_slice %slice3A_84 {offsets = [0, 256], sizes = [160, 128], strides = [1, 1]} : vector<160x1536xbf16> to vector<160x128xbf16>
    %slice3A_125 = vector.extract_strided_slice %slice3A_84 {offsets = [0, 768], sizes = [160, 128], strides = [1, 1]} : vector<160x1536xbf16> to vector<160x128xbf16>
    %slice3A_126 = vector.extract_strided_slice %slice3A_84 {offsets = [0, 1280], sizes = [160, 128], strides = [1, 1]} : vector<160x1536xbf16> to vector<160x128xbf16>
    %dot_general3A_127 = arith.constant dense<0.000000e+00> : vector<160x160xf32>
    %dot_general3A_128 = tpu.matmul %slice3A_124, %slice3A_125, %dot_general3A_127 {dimension_numbers = #tpu.dot_dimension_numbers<[1], [1], [0], [0], [0, 0, 1, 0], [], []>, transpose_lhs_hint = false} : vector<160x128xbf16>, vector<160x128xbf16>, vector<160x160xf32> -> vector<160x160xf32>
    %add3A_129 = vector.broadcast %get3A_89 : vector<1x160xf32> to vector<160x160xf32>
    %add3A_130 = arith.addf %dot_general3A_128, %add3A_129 : vector<160x160xf32>
    %exp3A_131 = math.exp %add3A_130 : vector<160x160xf32>
    %reduce_sum3A_132 = arith.constant dense<0.000000e+00> : vector<160xf32>
    %reduce_sum3A_133 = vector.multi_reduction <add>, %exp3A_131, %reduce_sum3A_132 [1] : vector<160x160xf32> to vector<160xf32>
    %broadcast_in_dim3A_134 = vector.shape_cast %reduce_sum3A_133 : vector<160xf32> to vector<160x1xf32>
    %div3A_135 = vector.broadcast %broadcast_in_dim3A_134 : vector<160x1xf32> to vector<160x160xf32>
    %div3A_136 = arith.divf %exp3A_131, %div3A_135 : vector<160x160xf32>
    %convert_element_type3A_137 = arith.truncf %div3A_136 : vector<160x160xf32> to vector<160x160xbf16>
    %dot_general3A_138 = arith.constant dense<0.000000e+00> : vector<160x128xf32>
    %dot_general3A_139 = tpu.matmul %convert_element_type3A_137, %slice3A_126, %dot_general3A_138 {dimension_numbers = #tpu.dot_dimension_numbers<[1], [0], [0], [1], [0, 0, 1, 1], [], []>, transpose_lhs_hint = false} : vector<160x160xbf16>, vector<160x128xbf16>, vector<160x128xf32> -> vector<160x128xf32>
    %convert_element_type3A_140 = arith.truncf %dot_general3A_139 : vector<160x128xf32> to vector<160x128xbf16>
    %slice3A_141 = vector.extract_strided_slice %slice3A_84 {offsets = [0, 384], sizes = [160, 128], strides = [1, 1]} : vector<160x1536xbf16> to vector<160x128xbf16>
    %slice3A_142 = vector.extract_strided_slice %slice3A_84 {offsets = [0, 896], sizes = [160, 128], strides = [1, 1]} : vector<160x1536xbf16> to vector<160x128xbf16>
    %slice3A_143 = vector.extract_strided_slice %slice3A_84 {offsets = [0, 1408], sizes = [160, 128], strides = [1, 1]} : vector<160x1536xbf16> to vector<160x128xbf16>
    %dot_general3A_144 = arith.constant dense<0.000000e+00> : vector<160x160xf32>
    %dot_general3A_145 = tpu.matmul %slice3A_141, %slice3A_142, %dot_general3A_144 {dimension_numbers = #tpu.dot_dimension_numbers<[1], [1], [0], [0], [0, 0, 1, 0], [], []>, transpose_lhs_hint = false} : vector<160x128xbf16>, vector<160x128xbf16>, vector<160x160xf32> -> vector<160x160xf32>
    %add3A_146 = vector.broadcast %get3A_89 : vector<1x160xf32> to vector<160x160xf32>
    %add3A_147 = arith.addf %dot_general3A_145, %add3A_146 : vector<160x160xf32>
    %exp3A_148 = math.exp %add3A_147 : vector<160x160xf32>
    %reduce_sum3A_149 = arith.constant dense<0.000000e+00> : vector<160xf32>
    %reduce_sum3A_150 = vector.multi_reduction <add>, %exp3A_148, %reduce_sum3A_149 [1] : vector<160x160xf32> to vector<160xf32>
    %broadcast_in_dim3A_151 = vector.shape_cast %reduce_sum3A_150 : vector<160xf32> to vector<160x1xf32>
    %div3A_152 = vector.broadcast %broadcast_in_dim3A_151 : vector<160x1xf32> to vector<160x160xf32>
    %div3A_153 = arith.divf %exp3A_148, %div3A_152 : vector<160x160xf32>
    %convert_element_type3A_154 = arith.truncf %div3A_153 : vector<160x160xf32> to vector<160x160xbf16>
    %dot_general3A_155 = arith.constant dense<0.000000e+00> : vector<160x128xf32>
    %dot_general3A_156 = tpu.matmul %convert_element_type3A_154, %slice3A_143, %dot_general3A_155 {dimension_numbers = #tpu.dot_dimension_numbers<[1], [0], [0], [1], [0, 0, 1, 1], [], []>, transpose_lhs_hint = false} : vector<160x160xbf16>, vector<160x128xbf16>, vector<160x128xf32> -> vector<160x128xf32>
    %convert_element_type3A_157 = arith.truncf %dot_general3A_156 : vector<160x128xf32> to vector<160x128xbf16>
    %slice3A_158 = vector.extract_strided_slice %convert_element_type3A_13 {offsets = [320, 0], sizes = [160, 1536], strides = [1, 1]} : vector<2560x1536xbf16> to vector<160x1536xbf16>
    %get3A_159 = arith.constant 2 : index
    %get3A_160 = arith.constant 0 : index
    %get3A_161 = arith.constant 0 : index
    %get3A_162 = vector.load %arg4[%get3A_159, %get3A_160, %get3A_161] : memref<4x1x160xf32, #tpu.memory_space<vmem>>, vector<1x1x160xf32>
    %get3A_163 = vector.shape_cast %get3A_162 : vector<1x1x160xf32> to vector<1x160xf32>
    %slice3A_164 = vector.extract_strided_slice %slice3A_158 {offsets = [0, 0], sizes = [160, 128], strides = [1, 1]} : vector<160x1536xbf16> to vector<160x128xbf16>
    %slice3A_165 = vector.extract_strided_slice %slice3A_158 {offsets = [0, 512], sizes = [160, 128], strides = [1, 1]} : vector<160x1536xbf16> to vector<160x128xbf16>
    %slice3A_166 = vector.extract_strided_slice %slice3A_158 {offsets = [0, 1024], sizes = [160, 128], strides = [1, 1]} : vector<160x1536xbf16> to vector<160x128xbf16>
    %dot_general3A_167 = arith.constant dense<0.000000e+00> : vector<160x160xf32>
    %dot_general3A_168 = tpu.matmul %slice3A_164, %slice3A_165, %dot_general3A_167 {dimension_numbers = #tpu.dot_dimension_numbers<[1], [1], [0], [0], [0, 0, 1, 0], [], []>, transpose_lhs_hint = false} : vector<160x128xbf16>, vector<160x128xbf16>, vector<160x160xf32> -> vector<160x160xf32>
    %add3A_169 = vector.broadcast %get3A_163 : vector<1x160xf32> to vector<160x160xf32>
    %add3A_170 = arith.addf %dot_general3A_168, %add3A_169 : vector<160x160xf32>
    %exp3A_171 = math.exp %add3A_170 : vector<160x160xf32>
    %reduce_sum3A_172 = arith.constant dense<0.000000e+00> : vector<160xf32>
    %reduce_sum3A_173 = vector.multi_reduction <add>, %exp3A_171, %reduce_sum3A_172 [1] : vector<160x160xf32> to vector<160xf32>
    %broadcast_in_dim3A_174 = vector.shape_cast %reduce_sum3A_173 : vector<160xf32> to vector<160x1xf32>
    %div3A_175 = vector.broadcast %broadcast_in_dim3A_174 : vector<160x1xf32> to vector<160x160xf32>
    %div3A_176 = arith.divf %exp3A_171, %div3A_175 : vector<160x160xf32>
    %convert_element_type3A_177 = arith.truncf %div3A_176 : vector<160x160xf32> to vector<160x160xbf16>
    %dot_general3A_178 = arith.constant dense<0.000000e+00> : vector<160x128xf32>
    %dot_general3A_179 = tpu.matmul %convert_element_type3A_177, %slice3A_166, %dot_general3A_178 {dimension_numbers = #tpu.dot_dimension_numbers<[1], [0], [0], [1], [0, 0, 1, 1], [], []>, transpose_lhs_hint = false} : vector<160x160xbf16>, vector<160x128xbf16>, vector<160x128xf32> -> vector<160x128xf32>
    %convert_element_type3A_180 = arith.truncf %dot_general3A_179 : vector<160x128xf32> to vector<160x128xbf16>
    %slice3A_181 = vector.extract_strided_slice %slice3A_158 {offsets = [0, 128], sizes = [160, 128], strides = [1, 1]} : vector<160x1536xbf16> to vector<160x128xbf16>
    %slice3A_182 = vector.extract_strided_slice %slice3A_158 {offsets = [0, 640], sizes = [160, 128], strides = [1, 1]} : vector<160x1536xbf16> to vector<160x128xbf16>
    %slice3A_183 = vector.extract_strided_slice %slice3A_158 {offsets = [0, 1152], sizes = [160, 128], strides = [1, 1]} : vector<160x1536xbf16> to vector<160x128xbf16>
    %dot_general3A_184 = arith.constant dense<0.000000e+00> : vector<160x160xf32>
    %dot_general3A_185 = tpu.matmul %slice3A_181, %slice3A_182, %dot_general3A_184 {dimension_numbers = #tpu.dot_dimension_numbers<[1], [1], [0], [0], [0, 0, 1, 0], [], []>, transpose_lhs_hint = false} : vector<160x128xbf16>, vector<160x128xbf16>, vector<160x160xf32> -> vector<160x160xf32>
    %add3A_186 = vector.broadcast %get3A_163 : vector<1x160xf32> to vector<160x160xf32>
    %add3A_187 = arith.addf %dot_general3A_185, %add3A_186 : vector<160x160xf32>
    %exp3A_188 = math.exp %add3A_187 : vector<160x160xf32>
    %reduce_sum3A_189 = arith.constant dense<0.000000e+00> : vector<160xf32>
    %reduce_sum3A_190 = vector.multi_reduction <add>, %exp3A_188, %reduce_sum3A_189 [1] : vector<160x160xf32> to vector<160xf32>
    %broadcast_in_dim3A_191 = vector.shape_cast %reduce_sum3A_190 : vector<160xf32> to vector<160x1xf32>
    %div3A_192 = vector.broadcast %broadcast_in_dim3A_191 : vector<160x1xf32> to vector<160x160xf32>
    %div3A_193 = arith.divf %exp3A_188, %div3A_192 : vector<160x160xf32>
    %convert_element_type3A_194 = arith.truncf %div3A_193 : vector<160x160xf32> to vector<160x160xbf16>
    %dot_general3A_195 = arith.constant dense<0.000000e+00> : vector<160x128xf32>
    %dot_general3A_196 = tpu.matmul %convert_element_type3A_194, %slice3A_183, %dot_general3A_195 {dimension_numbers = #tpu.dot_dimension_numbers<[1], [0], [0], [1], [0, 0, 1, 1], [], []>, transpose_lhs_hint = false} : vector<160x160xbf16>, vector<160x128xbf16>, vector<160x128xf32> -> vector<160x128xf32>
    %convert_element_type3A_197 = arith.truncf %dot_general3A_196 : vector<160x128xf32> to vector<160x128xbf16>
    %slice3A_198 = vector.extract_strided_slice %slice3A_158 {offsets = [0, 256], sizes = [160, 128], strides = [1, 1]} : vector<160x1536xbf16> to vector<160x128xbf16>
    %slice3A_199 = vector.extract_strided_slice %slice3A_158 {offsets = [0, 768], sizes = [160, 128], strides = [1, 1]} : vector<160x1536xbf16> to vector<160x128xbf16>
    %slice3A_200 = vector.extract_strided_slice %slice3A_158 {offsets = [0, 1280], sizes = [160, 128], strides = [1, 1]} : vector<160x1536xbf16> to vector<160x128xbf16>
    %dot_general3A_201 = arith.constant dense<0.000000e+00> : vector<160x160xf32>
    %dot_general3A_202 = tpu.matmul %slice3A_198, %slice3A_199, %dot_general3A_201 {dimension_numbers = #tpu.dot_dimension_numbers<[1], [1], [0], [0], [0, 0, 1, 0], [], []>, transpose_lhs_hint = false} : vector<160x128xbf16>, vector<160x128xbf16>, vector<160x160xf32> -> vector<160x160xf32>
    %add3A_203 = vector.broadcast %get3A_163 : vector<1x160xf32> to vector<160x160xf32>
    %add3A_204 = arith.addf %dot_general3A_202, %add3A_203 : vector<160x160xf32>
    %exp3A_205 = math.exp %add3A_204 : vector<160x160xf32>
    %reduce_sum3A_206 = arith.constant dense<0.000000e+00> : vector<160xf32>
    %reduce_sum3A_207 = vector.multi_reduction <add>, %exp3A_205, %reduce_sum3A_206 [1] : vector<160x160xf32> to vector<160xf32>
    %broadcast_in_dim3A_208 = vector.shape_cast %reduce_sum3A_207 : vector<160xf32> to vector<160x1xf32>
    %div3A_209 = vector.broadcast %broadcast_in_dim3A_208 : vector<160x1xf32> to vector<160x160xf32>
    %div3A_210 = arith.divf %exp3A_205, %div3A_209 : vector<160x160xf32>
    %convert_element_type3A_211 = arith.truncf %div3A_210 : vector<160x160xf32> to vector<160x160xbf16>
    %dot_general3A_212 = arith.constant dense<0.000000e+00> : vector<160x128xf32>
    %dot_general3A_213 = tpu.matmul %convert_element_type3A_211, %slice3A_200, %dot_general3A_212 {dimension_numbers = #tpu.dot_dimension_numbers<[1], [0], [0], [1], [0, 0, 1, 1], [], []>, transpose_lhs_hint = false} : vector<160x160xbf16>, vector<160x128xbf16>, vector<160x128xf32> -> vector<160x128xf32>
    %convert_element_type3A_214 = arith.truncf %dot_general3A_213 : vector<160x128xf32> to vector<160x128xbf16>
    %slice3A_215 = vector.extract_strided_slice %slice3A_158 {offsets = [0, 384], sizes = [160, 128], strides = [1, 1]} : vector<160x1536xbf16> to vector<160x128xbf16>
    %slice3A_216 = vector.extract_strided_slice %slice3A_158 {offsets = [0, 896], sizes = [160, 128], strides = [1, 1]} : vector<160x1536xbf16> to vector<160x128xbf16>
    %slice3A_217 = vector.extract_strided_slice %slice3A_158 {offsets = [0, 1408], sizes = [160, 128], strides = [1, 1]} : vector<160x1536xbf16> to vector<160x128xbf16>
    %dot_general3A_218 = arith.constant dense<0.000000e+00> : vector<160x160xf32>
    %dot_general3A_219 = tpu.matmul %slice3A_215, %slice3A_216, %dot_general3A_218 {dimension_numbers = #tpu.dot_dimension_numbers<[1], [1], [0], [0], [0, 0, 1, 0], [], []>, transpose_lhs_hint = false} : vector<160x128xbf16>, vector<160x128xbf16>, vector<160x160xf32> -> vector<160x160xf32>
    %add3A_220 = vector.broadcast %get3A_163 : vector<1x160xf32> to vector<160x160xf32>
    %add3A_221 = arith.addf %dot_general3A_219, %add3A_220 : vector<160x160xf32>
    %exp3A_222 = math.exp %add3A_221 : vector<160x160xf32>
    %reduce_sum3A_223 = arith.constant dense<0.000000e+00> : vector<160xf32>
    %reduce_sum3A_224 = vector.multi_reduction <add>, %exp3A_222, %reduce_sum3A_223 [1] : vector<160x160xf32> to vector<160xf32>
    %broadcast_in_dim3A_225 = vector.shape_cast %reduce_sum3A_224 : vector<160xf32> to vector<160x1xf32>
    %div3A_226 = vector.broadcast %broadcast_in_dim3A_225 : vector<160x1xf32> to vector<160x160xf32>
    %div3A_227 = arith.divf %exp3A_222, %div3A_226 : vector<160x160xf32>
    %convert_element_type3A_228 = arith.truncf %div3A_227 : vector<160x160xf32> to vector<160x160xbf16>
    %dot_general3A_229 = arith.constant dense<0.000000e+00> : vector<160x128xf32>
    %dot_general3A_230 = tpu.matmul %convert_element_type3A_228, %slice3A_217, %dot_general3A_229 {dimension_numbers = #tpu.dot_dimension_numbers<[1], [0], [0], [1], [0, 0, 1, 1], [], []>, transpose_lhs_hint = false} : vector<160x160xbf16>, vector<160x128xbf16>, vector<160x128xf32> -> vector<160x128xf32>
    %convert_element_type3A_231 = arith.truncf %dot_general3A_230 : vector<160x128xf32> to vector<160x128xbf16>
    %slice3A_232 = vector.extract_strided_slice %convert_element_type3A_13 {offsets = [480, 0], sizes = [160, 1536], strides = [1, 1]} : vector<2560x1536xbf16> to vector<160x1536xbf16>
    %get3A_233 = arith.constant 3 : index
    %get3A_234 = arith.constant 0 : index
    %get3A_235 = arith.constant 0 : index
    %get3A_236 = vector.load %arg4[%get3A_233, %get3A_234, %get3A_235] : memref<4x1x160xf32, #tpu.memory_space<vmem>>, vector<1x1x160xf32>
    %get3A_237 = vector.shape_cast %get3A_236 : vector<1x1x160xf32> to vector<1x160xf32>
    %slice3A_238 = vector.extract_strided_slice %slice3A_232 {offsets = [0, 0], sizes = [160, 128], strides = [1, 1]} : vector<160x1536xbf16> to vector<160x128xbf16>
    %slice3A_239 = vector.extract_strided_slice %slice3A_232 {offsets = [0, 512], sizes = [160, 128], strides = [1, 1]} : vector<160x1536xbf16> to vector<160x128xbf16>
    %slice3A_240 = vector.extract_strided_slice %slice3A_232 {offsets = [0, 1024], sizes = [160, 128], strides = [1, 1]} : vector<160x1536xbf16> to vector<160x128xbf16>
    %dot_general3A_241 = arith.constant dense<0.000000e+00> : vector<160x160xf32>
    %dot_general3A_242 = tpu.matmul %slice3A_238, %slice3A_239, %dot_general3A_241 {dimension_numbers = #tpu.dot_dimension_numbers<[1], [1], [0], [0], [0, 0, 1, 0], [], []>, transpose_lhs_hint = false} : vector<160x128xbf16>, vector<160x128xbf16>, vector<160x160xf32> -> vector<160x160xf32>
    %add3A_243 = vector.broadcast %get3A_237 : vector<1x160xf32> to vector<160x160xf32>
    %add3A_244 = arith.addf %dot_general3A_242, %add3A_243 : vector<160x160xf32>
    %exp3A_245 = math.exp %add3A_244 : vector<160x160xf32>
    %reduce_sum3A_246 = arith.constant dense<0.000000e+00> : vector<160xf32>
    %reduce_sum3A_247 = vector.multi_reduction <add>, %exp3A_245, %reduce_sum3A_246 [1] : vector<160x160xf32> to vector<160xf32>
    %broadcast_in_dim3A_248 = vector.shape_cast %reduce_sum3A_247 : vector<160xf32> to vector<160x1xf32>
    %div3A_249 = vector.broadcast %broadcast_in_dim3A_248 : vector<160x1xf32> to vector<160x160xf32>
    %div3A_250 = arith.divf %exp3A_245, %div3A_249 : vector<160x160xf32>
    %convert_element_type3A_251 = arith.truncf %div3A_250 : vector<160x160xf32> to vector<160x160xbf16>
    %dot_general3A_252 = arith.constant dense<0.000000e+00> : vector<160x128xf32>
    %dot_general3A_253 = tpu.matmul %convert_element_type3A_251, %slice3A_240, %dot_general3A_252 {dimension_numbers = #tpu.dot_dimension_numbers<[1], [0], [0], [1], [0, 0, 1, 1], [], []>, transpose_lhs_hint = false} : vector<160x160xbf16>, vector<160x128xbf16>, vector<160x128xf32> -> vector<160x128xf32>
    %convert_element_type3A_254 = arith.truncf %dot_general3A_253 : vector<160x128xf32> to vector<160x128xbf16>
    %slice3A_255 = vector.extract_strided_slice %slice3A_232 {offsets = [0, 128], sizes = [160, 128], strides = [1, 1]} : vector<160x1536xbf16> to vector<160x128xbf16>
    %slice3A_256 = vector.extract_strided_slice %slice3A_232 {offsets = [0, 640], sizes = [160, 128], strides = [1, 1]} : vector<160x1536xbf16> to vector<160x128xbf16>
    %slice3A_257 = vector.extract_strided_slice %slice3A_232 {offsets = [0, 1152], sizes = [160, 128], strides = [1, 1]} : vector<160x1536xbf16> to vector<160x128xbf16>
    %dot_general3A_258 = arith.constant dense<0.000000e+00> : vector<160x160xf32>
    %dot_general3A_259 = tpu.matmul %slice3A_255, %slice3A_256, %dot_general3A_258 {dimension_numbers = #tpu.dot_dimension_numbers<[1], [1], [0], [0], [0, 0, 1, 0], [], []>, transpose_lhs_hint = false} : vector<160x128xbf16>, vector<160x128xbf16>, vector<160x160xf32> -> vector<160x160xf32>
    %add3A_260 = vector.broadcast %get3A_237 : vector<1x160xf32> to vector<160x160xf32>
    %add3A_261 = arith.addf %dot_general3A_259, %add3A_260 : vector<160x160xf32>
    %exp3A_262 = math.exp %add3A_261 : vector<160x160xf32>
    %reduce_sum3A_263 = arith.constant dense<0.000000e+00> : vector<160xf32>
    %reduce_sum3A_264 = vector.multi_reduction <add>, %exp3A_262, %reduce_sum3A_263 [1] : vector<160x160xf32> to vector<160xf32>
    %broadcast_in_dim3A_265 = vector.shape_cast %reduce_sum3A_264 : vector<160xf32> to vector<160x1xf32>
    %div3A_266 = vector.broadcast %broadcast_in_dim3A_265 : vector<160x1xf32> to vector<160x160xf32>
    %div3A_267 = arith.divf %exp3A_262, %div3A_266 : vector<160x160xf32>
    %convert_element_type3A_268 = arith.truncf %div3A_267 : vector<160x160xf32> to vector<160x160xbf16>
    %dot_general3A_269 = arith.constant dense<0.000000e+00> : vector<160x128xf32>
    %dot_general3A_270 = tpu.matmul %convert_element_type3A_268, %slice3A_257, %dot_general3A_269 {dimension_numbers = #tpu.dot_dimension_numbers<[1], [0], [0], [1], [0, 0, 1, 1], [], []>, transpose_lhs_hint = false} : vector<160x160xbf16>, vector<160x128xbf16>, vector<160x128xf32> -> vector<160x128xf32>
    %convert_element_type3A_271 = arith.truncf %dot_general3A_270 : vector<160x128xf32> to vector<160x128xbf16>
    %slice3A_272 = vector.extract_strided_slice %slice3A_232 {offsets = [0, 256], sizes = [160, 128], strides = [1, 1]} : vector<160x1536xbf16> to vector<160x128xbf16>
    %slice3A_273 = vector.extract_strided_slice %slice3A_232 {offsets = [0, 768], sizes = [160, 128], strides = [1, 1]} : vector<160x1536xbf16> to vector<160x128xbf16>
    %slice3A_274 = vector.extract_strided_slice %slice3A_232 {offsets = [0, 1280], sizes = [160, 128], strides = [1, 1]} : vector<160x1536xbf16> to vector<160x128xbf16>
    %dot_general3A_275 = arith.constant dense<0.000000e+00> : vector<160x160xf32>
    %dot_general3A_276 = tpu.matmul %slice3A_272, %slice3A_273, %dot_general3A_275 {dimension_numbers = #tpu.dot_dimension_numbers<[1], [1], [0], [0], [0, 0, 1, 0], [], []>, transpose_lhs_hint = false} : vector<160x128xbf16>, vector<160x128xbf16>, vector<160x160xf32> -> vector<160x160xf32>
    %add3A_277 = vector.broadcast %get3A_237 : vector<1x160xf32> to vector<160x160xf32>
    %add3A_278 = arith.addf %dot_general3A_276, %add3A_277 : vector<160x160xf32>
    %exp3A_279 = math.exp %add3A_278 : vector<160x160xf32>
    %reduce_sum3A_280 = arith.constant dense<0.000000e+00> : vector<160xf32>
    %reduce_sum3A_281 = vector.multi_reduction <add>, %exp3A_279, %reduce_sum3A_280 [1] : vector<160x160xf32> to vector<160xf32>
    %broadcast_in_dim3A_282 = vector.shape_cast %reduce_sum3A_281 : vector<160xf32> to vector<160x1xf32>
    %div3A_283 = vector.broadcast %broadcast_in_dim3A_282 : vector<160x1xf32> to vector<160x160xf32>
    %div3A_284 = arith.divf %exp3A_279, %div3A_283 : vector<160x160xf32>
    %convert_element_type3A_285 = arith.truncf %div3A_284 : vector<160x160xf32> to vector<160x160xbf16>
    %dot_general3A_286 = arith.constant dense<0.000000e+00> : vector<160x128xf32>
    %dot_general3A_287 = tpu.matmul %convert_element_type3A_285, %slice3A_274, %dot_general3A_286 {dimension_numbers = #tpu.dot_dimension_numbers<[1], [0], [0], [1], [0, 0, 1, 1], [], []>, transpose_lhs_hint = false} : vector<160x160xbf16>, vector<160x128xbf16>, vector<160x128xf32> -> vector<160x128xf32>
    %convert_element_type3A_288 = arith.truncf %dot_general3A_287 : vector<160x128xf32> to vector<160x128xbf16>
    %slice3A_289 = vector.extract_strided_slice %slice3A_232 {offsets = [0, 384], sizes = [160, 128], strides = [1, 1]} : vector<160x1536xbf16> to vector<160x128xbf16>
    %slice3A_290 = vector.extract_strided_slice %slice3A_232 {offsets = [0, 896], sizes = [160, 128], strides = [1, 1]} : vector<160x1536xbf16> to vector<160x128xbf16>
    %slice3A_291 = vector.extract_strided_slice %slice3A_232 {offsets = [0, 1408], sizes = [160, 128], strides = [1, 1]} : vector<160x1536xbf16> to vector<160x128xbf16>
    %dot_general3A_292 = arith.constant dense<0.000000e+00> : vector<160x160xf32>
    %dot_general3A_293 = tpu.matmul %slice3A_289, %slice3A_290, %dot_general3A_292 {dimension_numbers = #tpu.dot_dimension_numbers<[1], [1], [0], [0], [0, 0, 1, 0], [], []>, transpose_lhs_hint = false} : vector<160x128xbf16>, vector<160x128xbf16>, vector<160x160xf32> -> vector<160x160xf32>
    %add3A_294 = vector.broadcast %get3A_237 : vector<1x160xf32> to vector<160x160xf32>
    %add3A_295 = arith.addf %dot_general3A_293, %add3A_294 : vector<160x160xf32>
    %exp3A_296 = math.exp %add3A_295 : vector<160x160xf32>
    %reduce_sum3A_297 = arith.constant dense<0.000000e+00> : vector<160xf32>
    %reduce_sum3A_298 = vector.multi_reduction <add>, %exp3A_296, %reduce_sum3A_297 [1] : vector<160x160xf32> to vector<160xf32>
    %broadcast_in_dim3A_299 = vector.shape_cast %reduce_sum3A_298 : vector<160xf32> to vector<160x1xf32>
    %div3A_300 = vector.broadcast %broadcast_in_dim3A_299 : vector<160x1xf32> to vector<160x160xf32>
    %div3A_301 = arith.divf %exp3A_296, %div3A_300 : vector<160x160xf32>
    %convert_element_type3A_302 = arith.truncf %div3A_301 : vector<160x160xf32> to vector<160x160xbf16>
    %dot_general3A_303 = arith.constant dense<0.000000e+00> : vector<160x128xf32>
    %dot_general3A_304 = tpu.matmul %convert_element_type3A_302, %slice3A_291, %dot_general3A_303 {dimension_numbers = #tpu.dot_dimension_numbers<[1], [0], [0], [1], [0, 0, 1, 1], [], []>, transpose_lhs_hint = false} : vector<160x160xbf16>, vector<160x128xbf16>, vector<160x128xf32> -> vector<160x128xf32>
    %convert_element_type3A_305 = arith.truncf %dot_general3A_304 : vector<160x128xf32> to vector<160x128xbf16>
    %slice3A_306 = vector.extract_strided_slice %convert_element_type3A_13 {offsets = [640, 0], sizes = [160, 1536], strides = [1, 1]} : vector<2560x1536xbf16> to vector<160x1536xbf16>
    %get3A_307 = arith.constant 0 : index
    %get3A_308 = arith.constant 0 : index
    %get3A_309 = arith.constant 0 : index
    %get3A_310 = vector.load %arg4[%get3A_307, %get3A_308, %get3A_309] : memref<4x1x160xf32, #tpu.memory_space<vmem>>, vector<1x1x160xf32>
    %get3A_311 = vector.shape_cast %get3A_310 : vector<1x1x160xf32> to vector<1x160xf32>
    %slice3A_312 = vector.extract_strided_slice %slice3A_306 {offsets = [0, 0], sizes = [160, 128], strides = [1, 1]} : vector<160x1536xbf16> to vector<160x128xbf16>
    %slice3A_313 = vector.extract_strided_slice %slice3A_306 {offsets = [0, 512], sizes = [160, 128], strides = [1, 1]} : vector<160x1536xbf16> to vector<160x128xbf16>
    %slice3A_314 = vector.extract_strided_slice %slice3A_306 {offsets = [0, 1024], sizes = [160, 128], strides = [1, 1]} : vector<160x1536xbf16> to vector<160x128xbf16>
    %dot_general3A_315 = arith.constant dense<0.000000e+00> : vector<160x160xf32>
    %dot_general3A_316 = tpu.matmul %slice3A_312, %slice3A_313, %dot_general3A_315 {dimension_numbers = #tpu.dot_dimension_numbers<[1], [1], [0], [0], [0, 0, 1, 0], [], []>, transpose_lhs_hint = false} : vector<160x128xbf16>, vector<160x128xbf16>, vector<160x160xf32> -> vector<160x160xf32>
    %add3A_317 = vector.broadcast %get3A_311 : vector<1x160xf32> to vector<160x160xf32>
    %add3A_318 = arith.addf %dot_general3A_316, %add3A_317 : vector<160x160xf32>
    %exp3A_319 = math.exp %add3A_318 : vector<160x160xf32>
    %reduce_sum3A_320 = arith.constant dense<0.000000e+00> : vector<160xf32>
    %reduce_sum3A_321 = vector.multi_reduction <add>, %exp3A_319, %reduce_sum3A_320 [1] : vector<160x160xf32> to vector<160xf32>
    %broadcast_in_dim3A_322 = vector.shape_cast %reduce_sum3A_321 : vector<160xf32> to vector<160x1xf32>
    %div3A_323 = vector.broadcast %broadcast_in_dim3A_322 : vector<160x1xf32> to vector<160x160xf32>
    %div3A_324 = arith.divf %exp3A_319, %div3A_323 : vector<160x160xf32>
    %convert_element_type3A_325 = arith.truncf %div3A_324 : vector<160x160xf32> to vector<160x160xbf16>
    %dot_general3A_326 = arith.constant dense<0.000000e+00> : vector<160x128xf32>
    %dot_general3A_327 = tpu.matmul %convert_element_type3A_325, %slice3A_314, %dot_general3A_326 {dimension_numbers = #tpu.dot_dimension_numbers<[1], [0], [0], [1], [0, 0, 1, 1], [], []>, transpose_lhs_hint = false} : vector<160x160xbf16>, vector<160x128xbf16>, vector<160x128xf32> -> vector<160x128xf32>
    %convert_element_type3A_328 = arith.truncf %dot_general3A_327 : vector<160x128xf32> to vector<160x128xbf16>
    %slice3A_329 = vector.extract_strided_slice %slice3A_306 {offsets = [0, 128], sizes = [160, 128], strides = [1, 1]} : vector<160x1536xbf16> to vector<160x128xbf16>
    %slice3A_330 = vector.extract_strided_slice %slice3A_306 {offsets = [0, 640], sizes = [160, 128], strides = [1, 1]} : vector<160x1536xbf16> to vector<160x128xbf16>
    %slice3A_331 = vector.extract_strided_slice %slice3A_306 {offsets = [0, 1152], sizes = [160, 128], strides = [1, 1]} : vector<160x1536xbf16> to vector<160x128xbf16>
    %dot_general3A_332 = arith.constant dense<0.000000e+00> : vector<160x160xf32>
    %dot_general3A_333 = tpu.matmul %slice3A_329, %slice3A_330, %dot_general3A_332 {dimension_numbers = #tpu.dot_dimension_numbers<[1], [1], [0], [0], [0, 0, 1, 0], [], []>, transpose_lhs_hint = false} : vector<160x128xbf16>, vector<160x128xbf16>, vector<160x160xf32> -> vector<160x160xf32>
    %add3A_334 = vector.broadcast %get3A_311 : vector<1x160xf32> to vector<160x160xf32>
    %add3A_335 = arith.addf %dot_general3A_333, %add3A_334 : vector<160x160xf32>
    %exp3A_336 = math.exp %add3A_335 : vector<160x160xf32>
    %reduce_sum3A_337 = arith.constant dense<0.000000e+00> : vector<160xf32>
    %reduce_sum3A_338 = vector.multi_reduction <add>, %exp3A_336, %reduce_sum3A_337 [1] : vector<160x160xf32> to vector<160xf32>
    %broadcast_in_dim3A_339 = vector.shape_cast %reduce_sum3A_338 : vector<160xf32> to vector<160x1xf32>
    %div3A_340 = vector.broadcast %broadcast_in_dim3A_339 : vector<160x1xf32> to vector<160x160xf32>
    %div3A_341 = arith.divf %exp3A_336, %div3A_340 : vector<160x160xf32>
    %convert_element_type3A_342 = arith.truncf %div3A_341 : vector<160x160xf32> to vector<160x160xbf16>
    %dot_general3A_343 = arith.constant dense<0.000000e+00> : vector<160x128xf32>
    %dot_general3A_344 = tpu.matmul %convert_element_type3A_342, %slice3A_331, %dot_general3A_343 {dimension_numbers = #tpu.dot_dimension_numbers<[1], [0], [0], [1], [0, 0, 1, 1], [], []>, transpose_lhs_hint = false} : vector<160x160xbf16>, vector<160x128xbf16>, vector<160x128xf32> -> vector<160x128xf32>
    %convert_element_type3A_345 = arith.truncf %dot_general3A_344 : vector<160x128xf32> to vector<160x128xbf16>
    %slice3A_346 = vector.extract_strided_slice %slice3A_306 {offsets = [0, 256], sizes = [160, 128], strides = [1, 1]} : vector<160x1536xbf16> to vector<160x128xbf16>
    %slice3A_347 = vector.extract_strided_slice %slice3A_306 {offsets = [0, 768], sizes = [160, 128], strides = [1, 1]} : vector<160x1536xbf16> to vector<160x128xbf16>
    %slice3A_348 = vector.extract_strided_slice %slice3A_306 {offsets = [0, 1280], sizes = [160, 128], strides = [1, 1]} : vector<160x1536xbf16> to vector<160x128xbf16>
    %dot_general3A_349 = arith.constant dense<0.000000e+00> : vector<160x160xf32>
    %dot_general3A_350 = tpu.matmul %slice3A_346, %slice3A_347, %dot_general3A_349 {dimension_numbers = #tpu.dot_dimension_numbers<[1], [1], [0], [0], [0, 0, 1, 0], [], []>, transpose_lhs_hint = false} : vector<160x128xbf16>, vector<160x128xbf16>, vector<160x160xf32> -> vector<160x160xf32>
    %add3A_351 = vector.broadcast %get3A_311 : vector<1x160xf32> to vector<160x160xf32>
    %add3A_352 = arith.addf %dot_general3A_350, %add3A_351 : vector<160x160xf32>
    %exp3A_353 = math.exp %add3A_352 : vector<160x160xf32>
    %reduce_sum3A_354 = arith.constant dense<0.000000e+00> : vector<160xf32>
    %reduce_sum3A_355 = vector.multi_reduction <add>, %exp3A_353, %reduce_sum3A_354 [1] : vector<160x160xf32> to vector<160xf32>
    %broadcast_in_dim3A_356 = vector.shape_cast %reduce_sum3A_355 : vector<160xf32> to vector<160x1xf32>
    %div3A_357 = vector.broadcast %broadcast_in_dim3A_356 : vector<160x1xf32> to vector<160x160xf32>
    %div3A_358 = arith.divf %exp3A_353, %div3A_357 : vector<160x160xf32>
    %convert_element_type3A_359 = arith.truncf %div3A_358 : vector<160x160xf32> to vector<160x160xbf16>
    %dot_general3A_360 = arith.constant dense<0.000000e+00> : vector<160x128xf32>
    %dot_general3A_361 = tpu.matmul %convert_element_type3A_359, %slice3A_348, %dot_general3A_360 {dimension_numbers = #tpu.dot_dimension_numbers<[1], [0], [0], [1], [0, 0, 1, 1], [], []>, transpose_lhs_hint = false} : vector<160x160xbf16>, vector<160x128xbf16>, vector<160x128xf32> -> vector<160x128xf32>
    %convert_element_type3A_362 = arith.truncf %dot_general3A_361 : vector<160x128xf32> to vector<160x128xbf16>
    %slice3A_363 = vector.extract_strided_slice %slice3A_306 {offsets = [0, 384], sizes = [160, 128], strides = [1, 1]} : vector<160x1536xbf16> to vector<160x128xbf16>
    %slice3A_364 = vector.extract_strided_slice %slice3A_306 {offsets = [0, 896], sizes = [160, 128], strides = [1, 1]} : vector<160x1536xbf16> to vector<160x128xbf16>
    %slice3A_365 = vector.extract_strided_slice %slice3A_306 {offsets = [0, 1408], sizes = [160, 128], strides = [1, 1]} : vector<160x1536xbf16> to vector<160x128xbf16>
    %dot_general3A_366 = arith.constant dense<0.000000e+00> : vector<160x160xf32>
    %dot_general3A_367 = tpu.matmul %slice3A_363, %slice3A_364, %dot_general3A_366 {dimension_numbers = #tpu.dot_dimension_numbers<[1], [1], [0], [0], [0, 0, 1, 0], [], []>, transpose_lhs_hint = false} : vector<160x128xbf16>, vector<160x128xbf16>, vector<160x160xf32> -> vector<160x160xf32>
    %add3A_368 = vector.broadcast %get3A_311 : vector<1x160xf32> to vector<160x160xf32>
    %add3A_369 = arith.addf %dot_general3A_367, %add3A_368 : vector<160x160xf32>
    %exp3A_370 = math.exp %add3A_369 : vector<160x160xf32>
    %reduce_sum3A_371 = arith.constant dense<0.000000e+00> : vector<160xf32>
    %reduce_sum3A_372 = vector.multi_reduction <add>, %exp3A_370, %reduce_sum3A_371 [1] : vector<160x160xf32> to vector<160xf32>
    %broadcast_in_dim3A_373 = vector.shape_cast %reduce_sum3A_372 : vector<160xf32> to vector<160x1xf32>
    %div3A_374 = vector.broadcast %broadcast_in_dim3A_373 : vector<160x1xf32> to vector<160x160xf32>
    %div3A_375 = arith.divf %exp3A_370, %div3A_374 : vector<160x160xf32>
    %convert_element_type3A_376 = arith.truncf %div3A_375 : vector<160x160xf32> to vector<160x160xbf16>
    %dot_general3A_377 = arith.constant dense<0.000000e+00> : vector<160x128xf32>
    %dot_general3A_378 = tpu.matmul %convert_element_type3A_376, %slice3A_365, %dot_general3A_377 {dimension_numbers = #tpu.dot_dimension_numbers<[1], [0], [0], [1], [0, 0, 1, 1], [], []>, transpose_lhs_hint = false} : vector<160x160xbf16>, vector<160x128xbf16>, vector<160x128xf32> -> vector<160x128xf32>
    %convert_element_type3A_379 = arith.truncf %dot_general3A_378 : vector<160x128xf32> to vector<160x128xbf16>
    %slice3A_380 = vector.extract_strided_slice %convert_element_type3A_13 {offsets = [800, 0], sizes = [160, 1536], strides = [1, 1]} : vector<2560x1536xbf16> to vector<160x1536xbf16>
    %get3A_381 = arith.constant 1 : index
    %get3A_382 = arith.constant 0 : index
    %get3A_383 = arith.constant 0 : index
    %get3A_384 = vector.load %arg4[%get3A_381, %get3A_382, %get3A_383] : memref<4x1x160xf32, #tpu.memory_space<vmem>>, vector<1x1x160xf32>
    %get3A_385 = vector.shape_cast %get3A_384 : vector<1x1x160xf32> to vector<1x160xf32>
    %slice3A_386 = vector.extract_strided_slice %slice3A_380 {offsets = [0, 0], sizes = [160, 128], strides = [1, 1]} : vector<160x1536xbf16> to vector<160x128xbf16>
    %slice3A_387 = vector.extract_strided_slice %slice3A_380 {offsets = [0, 512], sizes = [160, 128], strides = [1, 1]} : vector<160x1536xbf16> to vector<160x128xbf16>
    %slice3A_388 = vector.extract_strided_slice %slice3A_380 {offsets = [0, 1024], sizes = [160, 128], strides = [1, 1]} : vector<160x1536xbf16> to vector<160x128xbf16>
    %dot_general3A_389 = arith.constant dense<0.000000e+00> : vector<160x160xf32>
    %dot_general3A_390 = tpu.matmul %slice3A_386, %slice3A_387, %dot_general3A_389 {dimension_numbers = #tpu.dot_dimension_numbers<[1], [1], [0], [0], [0, 0, 1, 0], [], []>, transpose_lhs_hint = false} : vector<160x128xbf16>, vector<160x128xbf16>, vector<160x160xf32> -> vector<160x160xf32>
    %add3A_391 = vector.broadcast %get3A_385 : vector<1x160xf32> to vector<160x160xf32>
    %add3A_392 = arith.addf %dot_general3A_390, %add3A_391 : vector<160x160xf32>
    %exp3A_393 = math.exp %add3A_392 : vector<160x160xf32>
    %reduce_sum3A_394 = arith.constant dense<0.000000e+00> : vector<160xf32>
    %reduce_sum3A_395 = vector.multi_reduction <add>, %exp3A_393, %reduce_sum3A_394 [1] : vector<160x160xf32> to vector<160xf32>
    %broadcast_in_dim3A_396 = vector.shape_cast %reduce_sum3A_395 : vector<160xf32> to vector<160x1xf32>
    %div3A_397 = vector.broadcast %broadcast_in_dim3A_396 : vector<160x1xf32> to vector<160x160xf32>
    %div3A_398 = arith.divf %exp3A_393, %div3A_397 : vector<160x160xf32>
    %convert_element_type3A_399 = arith.truncf %div3A_398 : vector<160x160xf32> to vector<160x160xbf16>
    %dot_general3A_400 = arith.constant dense<0.000000e+00> : vector<160x128xf32>
    %dot_general3A_401 = tpu.matmul %convert_element_type3A_399, %slice3A_388, %dot_general3A_400 {dimension_numbers = #tpu.dot_dimension_numbers<[1], [0], [0], [1], [0, 0, 1, 1], [], []>, transpose_lhs_hint = false} : vector<160x160xbf16>, vector<160x128xbf16>, vector<160x128xf32> -> vector<160x128xf32>
    %convert_element_type3A_402 = arith.truncf %dot_general3A_401 : vector<160x128xf32> to vector<160x128xbf16>
    %slice3A_403 = vector.extract_strided_slice %slice3A_380 {offsets = [0, 128], sizes = [160, 128], strides = [1, 1]} : vector<160x1536xbf16> to vector<160x128xbf16>
    %slice3A_404 = vector.extract_strided_slice %slice3A_380 {offsets = [0, 640], sizes = [160, 128], strides = [1, 1]} : vector<160x1536xbf16> to vector<160x128xbf16>
    %slice3A_405 = vector.extract_strided_slice %slice3A_380 {offsets = [0, 1152], sizes = [160, 128], strides = [1, 1]} : vector<160x1536xbf16> to vector<160x128xbf16>
    %dot_general3A_406 = arith.constant dense<0.000000e+00> : vector<160x160xf32>
    %dot_general3A_407 = tpu.matmul %slice3A_403, %slice3A_404, %dot_general3A_406 {dimension_numbers = #tpu.dot_dimension_numbers<[1], [1], [0], [0], [0, 0, 1, 0], [], []>, transpose_lhs_hint = false} : vector<160x128xbf16>, vector<160x128xbf16>, vector<160x160xf32> -> vector<160x160xf32>
    %add3A_408 = vector.broadcast %get3A_385 : vector<1x160xf32> to vector<160x160xf32>
    %add3A_409 = arith.addf %dot_general3A_407, %add3A_408 : vector<160x160xf32>
    %exp3A_410 = math.exp %add3A_409 : vector<160x160xf32>
    %reduce_sum3A_411 = arith.constant dense<0.000000e+00> : vector<160xf32>
    %reduce_sum3A_412 = vector.multi_reduction <add>, %exp3A_410, %reduce_sum3A_411 [1] : vector<160x160xf32> to vector<160xf32>
    %broadcast_in_dim3A_413 = vector.shape_cast %reduce_sum3A_412 : vector<160xf32> to vector<160x1xf32>
    %div3A_414 = vector.broadcast %broadcast_in_dim3A_413 : vector<160x1xf32> to vector<160x160xf32>
    %div3A_415 = arith.divf %exp3A_410, %div3A_414 : vector<160x160xf32>
    %convert_element_type3A_416 = arith.truncf %div3A_415 : vector<160x160xf32> to vector<160x160xbf16>
    %dot_general3A_417 = arith.constant dense<0.000000e+00> : vector<160x128xf32>
    %dot_general3A_418 = tpu.matmul %convert_element_type3A_416, %slice3A_405, %dot_general3A_417 {dimension_numbers = #tpu.dot_dimension_numbers<[1], [0], [0], [1], [0, 0, 1, 1], [], []>, transpose_lhs_hint = false} : vector<160x160xbf16>, vector<160x128xbf16>, vector<160x128xf32> -> vector<160x128xf32>
    %convert_element_type3A_419 = arith.truncf %dot_general3A_418 : vector<160x128xf32> to vector<160x128xbf16>
    %slice3A_420 = vector.extract_strided_slice %slice3A_380 {offsets = [0, 256], sizes = [160, 128], strides = [1, 1]} : vector<160x1536xbf16> to vector<160x128xbf16>
    %slice3A_421 = vector.extract_strided_slice %slice3A_380 {offsets = [0, 768], sizes = [160, 128], strides = [1, 1]} : vector<160x1536xbf16> to vector<160x128xbf16>
    %slice3A_422 = vector.extract_strided_slice %slice3A_380 {offsets = [0, 1280], sizes = [160, 128], strides = [1, 1]} : vector<160x1536xbf16> to vector<160x128xbf16>
    %dot_general3A_423 = arith.constant dense<0.000000e+00> : vector<160x160xf32>
    %dot_general3A_424 = tpu.matmul %slice3A_420, %slice3A_421, %dot_general3A_423 {dimension_numbers = #tpu.dot_dimension_numbers<[1], [1], [0], [0], [0, 0, 1, 0], [], []>, transpose_lhs_hint = false} : vector<160x128xbf16>, vector<160x128xbf16>, vector<160x160xf32> -> vector<160x160xf32>
    %add3A_425 = vector.broadcast %get3A_385 : vector<1x160xf32> to vector<160x160xf32>
    %add3A_426 = arith.addf %dot_general3A_424, %add3A_425 : vector<160x160xf32>
    %exp3A_427 = math.exp %add3A_426 : vector<160x160xf32>
    %reduce_sum3A_428 = arith.constant dense<0.000000e+00> : vector<160xf32>
    %reduce_sum3A_429 = vector.multi_reduction <add>, %exp3A_427, %reduce_sum3A_428 [1] : vector<160x160xf32> to vector<160xf32>
    %broadcast_in_dim3A_430 = vector.shape_cast %reduce_sum3A_429 : vector<160xf32> to vector<160x1xf32>
    %div3A_431 = vector.broadcast %broadcast_in_dim3A_430 : vector<160x1xf32> to vector<160x160xf32>
    %div3A_432 = arith.divf %exp3A_427, %div3A_431 : vector<160x160xf32>
    %convert_element_type3A_433 = arith.truncf %div3A_432 : vector<160x160xf32> to vector<160x160xbf16>
    %dot_general3A_434 = arith.constant dense<0.000000e+00> : vector<160x128xf32>
    %dot_general3A_435 = tpu.matmul %convert_element_type3A_433, %slice3A_422, %dot_general3A_434 {dimension_numbers = #tpu.dot_dimension_numbers<[1], [0], [0], [1], [0, 0, 1, 1], [], []>, transpose_lhs_hint = false} : vector<160x160xbf16>, vector<160x128xbf16>, vector<160x128xf32> -> vector<160x128xf32>
    %convert_element_type3A_436 = arith.truncf %dot_general3A_435 : vector<160x128xf32> to vector<160x128xbf16>
    %slice3A_437 = vector.extract_strided_slice %slice3A_380 {offsets = [0, 384], sizes = [160, 128], strides = [1, 1]} : vector<160x1536xbf16> to vector<160x128xbf16>
    %slice3A_438 = vector.extract_strided_slice %slice3A_380 {offsets = [0, 896], sizes = [160, 128], strides = [1, 1]} : vector<160x1536xbf16> to vector<160x128xbf16>
    %slice3A_439 = vector.extract_strided_slice %slice3A_380 {offsets = [0, 1408], sizes = [160, 128], strides = [1, 1]} : vector<160x1536xbf16> to vector<160x128xbf16>
    %dot_general3A_440 = arith.constant dense<0.000000e+00> : vector<160x160xf32>
    %dot_general3A_441 = tpu.matmul %slice3A_437, %slice3A_438, %dot_general3A_440 {dimension_numbers = #tpu.dot_dimension_numbers<[1], [1], [0], [0], [0, 0, 1, 0], [], []>, transpose_lhs_hint = false} : vector<160x128xbf16>, vector<160x128xbf16>, vector<160x160xf32> -> vector<160x160xf32>
    %add3A_442 = vector.broadcast %get3A_385 : vector<1x160xf32> to vector<160x160xf32>
    %add3A_443 = arith.addf %dot_general3A_441, %add3A_442 : vector<160x160xf32>
    %exp3A_444 = math.exp %add3A_443 : vector<160x160xf32>
    %reduce_sum3A_445 = arith.constant dense<0.000000e+00> : vector<160xf32>
    %reduce_sum3A_446 = vector.multi_reduction <add>, %exp3A_444, %reduce_sum3A_445 [1] : vector<160x160xf32> to vector<160xf32>
    %broadcast_in_dim3A_447 = vector.shape_cast %reduce_sum3A_446 : vector<160xf32> to vector<160x1xf32>
    %div3A_448 = vector.broadcast %broadcast_in_dim3A_447 : vector<160x1xf32> to vector<160x160xf32>
    %div3A_449 = arith.divf %exp3A_444, %div3A_448 : vector<160x160xf32>
    %convert_element_type3A_450 = arith.truncf %div3A_449 : vector<160x160xf32> to vector<160x160xbf16>
    %dot_general3A_451 = arith.constant dense<0.000000e+00> : vector<160x128xf32>
    %dot_general3A_452 = tpu.matmul %convert_element_type3A_450, %slice3A_439, %dot_general3A_451 {dimension_numbers = #tpu.dot_dimension_numbers<[1], [0], [0], [1], [0, 0, 1, 1], [], []>, transpose_lhs_hint = false} : vector<160x160xbf16>, vector<160x128xbf16>, vector<160x128xf32> -> vector<160x128xf32>
    %convert_element_type3A_453 = arith.truncf %dot_general3A_452 : vector<160x128xf32> to vector<160x128xbf16>
    %slice3A_454 = vector.extract_strided_slice %convert_element_type3A_13 {offsets = [960, 0], sizes = [160, 1536], strides = [1, 1]} : vector<2560x1536xbf16> to vector<160x1536xbf16>
    %get3A_455 = arith.constant 2 : index
    %get3A_456 = arith.constant 0 : index
    %get3A_457 = arith.constant 0 : index
    %get3A_458 = vector.load %arg4[%get3A_455, %get3A_456, %get3A_457] : memref<4x1x160xf32, #tpu.memory_space<vmem>>, vector<1x1x160xf32>
    %get3A_459 = vector.shape_cast %get3A_458 : vector<1x1x160xf32> to vector<1x160xf32>
    %slice3A_460 = vector.extract_strided_slice %slice3A_454 {offsets = [0, 0], sizes = [160, 128], strides = [1, 1]} : vector<160x1536xbf16> to vector<160x128xbf16>
    %slice3A_461 = vector.extract_strided_slice %slice3A_454 {offsets = [0, 512], sizes = [160, 128], strides = [1, 1]} : vector<160x1536xbf16> to vector<160x128xbf16>
    %slice3A_462 = vector.extract_strided_slice %slice3A_454 {offsets = [0, 1024], sizes = [160, 128], strides = [1, 1]} : vector<160x1536xbf16> to vector<160x128xbf16>
    %dot_general3A_463 = arith.constant dense<0.000000e+00> : vector<160x160xf32>
    %dot_general3A_464 = tpu.matmul %slice3A_460, %slice3A_461, %dot_general3A_463 {dimension_numbers = #tpu.dot_dimension_numbers<[1], [1], [0], [0], [0, 0, 1, 0], [], []>, transpose_lhs_hint = false} : vector<160x128xbf16>, vector<160x128xbf16>, vector<160x160xf32> -> vector<160x160xf32>
    %add3A_465 = vector.broadcast %get3A_459 : vector<1x160xf32> to vector<160x160xf32>
    %add3A_466 = arith.addf %dot_general3A_464, %add3A_465 : vector<160x160xf32>
    %exp3A_467 = math.exp %add3A_466 : vector<160x160xf32>
    %reduce_sum3A_468 = arith.constant dense<0.000000e+00> : vector<160xf32>
    %reduce_sum3A_469 = vector.multi_reduction <add>, %exp3A_467, %reduce_sum3A_468 [1] : vector<160x160xf32> to vector<160xf32>
    %broadcast_in_dim3A_470 = vector.shape_cast %reduce_sum3A_469 : vector<160xf32> to vector<160x1xf32>
    %div3A_471 = vector.broadcast %broadcast_in_dim3A_470 : vector<160x1xf32> to vector<160x160xf32>
    %div3A_472 = arith.divf %exp3A_467, %div3A_471 : vector<160x160xf32>
    %convert_element_type3A_473 = arith.truncf %div3A_472 : vector<160x160xf32> to vector<160x160xbf16>
    %dot_general3A_474 = arith.constant dense<0.000000e+00> : vector<160x128xf32>
    %dot_general3A_475 = tpu.matmul %convert_element_type3A_473, %slice3A_462, %dot_general3A_474 {dimension_numbers = #tpu.dot_dimension_numbers<[1], [0], [0], [1], [0, 0, 1, 1], [], []>, transpose_lhs_hint = false} : vector<160x160xbf16>, vector<160x128xbf16>, vector<160x128xf32> -> vector<160x128xf32>
    %convert_element_type3A_476 = arith.truncf %dot_general3A_475 : vector<160x128xf32> to vector<160x128xbf16>
    %slice3A_477 = vector.extract_strided_slice %slice3A_454 {offsets = [0, 128], sizes = [160, 128], strides = [1, 1]} : vector<160x1536xbf16> to vector<160x128xbf16>
    %slice3A_478 = vector.extract_strided_slice %slice3A_454 {offsets = [0, 640], sizes = [160, 128], strides = [1, 1]} : vector<160x1536xbf16> to vector<160x128xbf16>
    %slice3A_479 = vector.extract_strided_slice %slice3A_454 {offsets = [0, 1152], sizes = [160, 128], strides = [1, 1]} : vector<160x1536xbf16> to vector<160x128xbf16>
    %dot_general3A_480 = arith.constant dense<0.000000e+00> : vector<160x160xf32>
    %dot_general3A_481 = tpu.matmul %slice3A_477, %slice3A_478, %dot_general3A_480 {dimension_numbers = #tpu.dot_dimension_numbers<[1], [1], [0], [0], [0, 0, 1, 0], [], []>, transpose_lhs_hint = false} : vector<160x128xbf16>, vector<160x128xbf16>, vector<160x160xf32> -> vector<160x160xf32>
    %add3A_482 = vector.broadcast %get3A_459 : vector<1x160xf32> to vector<160x160xf32>
    %add3A_483 = arith.addf %dot_general3A_481, %add3A_482 : vector<160x160xf32>
    %exp3A_484 = math.exp %add3A_483 : vector<160x160xf32>
    %reduce_sum3A_485 = arith.constant dense<0.000000e+00> : vector<160xf32>
    %reduce_sum3A_486 = vector.multi_reduction <add>, %exp3A_484, %reduce_sum3A_485 [1] : vector<160x160xf32> to vector<160xf32>
    %broadcast_in_dim3A_487 = vector.shape_cast %reduce_sum3A_486 : vector<160xf32> to vector<160x1xf32>
    %div3A_488 = vector.broadcast %broadcast_in_dim3A_487 : vector<160x1xf32> to vector<160x160xf32>
    %div3A_489 = arith.divf %exp3A_484, %div3A_488 : vector<160x160xf32>
    %convert_element_type3A_490 = arith.truncf %div3A_489 : vector<160x160xf32> to vector<160x160xbf16>
    %dot_general3A_491 = arith.constant dense<0.000000e+00> : vector<160x128xf32>
    %dot_general3A_492 = tpu.matmul %convert_element_type3A_490, %slice3A_479, %dot_general3A_491 {dimension_numbers = #tpu.dot_dimension_numbers<[1], [0], [0], [1], [0, 0, 1, 1], [], []>, transpose_lhs_hint = false} : vector<160x160xbf16>, vector<160x128xbf16>, vector<160x128xf32> -> vector<160x128xf32>
    %convert_element_type3A_493 = arith.truncf %dot_general3A_492 : vector<160x128xf32> to vector<160x128xbf16>
    %slice3A_494 = vector.extract_strided_slice %slice3A_454 {offsets = [0, 256], sizes = [160, 128], strides = [1, 1]} : vector<160x1536xbf16> to vector<160x128xbf16>
    %slice3A_495 = vector.extract_strided_slice %slice3A_454 {offsets = [0, 768], sizes = [160, 128], strides = [1, 1]} : vector<160x1536xbf16> to vector<160x128xbf16>
    %slice3A_496 = vector.extract_strided_slice %slice3A_454 {offsets = [0, 1280], sizes = [160, 128], strides = [1, 1]} : vector<160x1536xbf16> to vector<160x128xbf16>
    %dot_general3A_497 = arith.constant dense<0.000000e+00> : vector<160x160xf32>
    %dot_general3A_498 = tpu.matmul %slice3A_494, %slice3A_495, %dot_general3A_497 {dimension_numbers = #tpu.dot_dimension_numbers<[1], [1], [0], [0], [0, 0, 1, 0], [], []>, transpose_lhs_hint = false} : vector<160x128xbf16>, vector<160x128xbf16>, vector<160x160xf32> -> vector<160x160xf32>
    %add3A_499 = vector.broadcast %get3A_459 : vector<1x160xf32> to vector<160x160xf32>
    %add3A_500 = arith.addf %dot_general3A_498, %add3A_499 : vector<160x160xf32>
    %exp3A_501 = math.exp %add3A_500 : vector<160x160xf32>
    %reduce_sum3A_502 = arith.constant dense<0.000000e+00> : vector<160xf32>
    %reduce_sum3A_503 = vector.multi_reduction <add>, %exp3A_501, %reduce_sum3A_502 [1] : vector<160x160xf32> to vector<160xf32>
    %broadcast_in_dim3A_504 = vector.shape_cast %reduce_sum3A_503 : vector<160xf32> to vector<160x1xf32>
    %div3A_505 = vector.broadcast %broadcast_in_dim3A_504 : vector<160x1xf32> to vector<160x160xf32>
    %div3A_506 = arith.divf %exp3A_501, %div3A_505 : vector<160x160xf32>
    %convert_element_type3A_507 = arith.truncf %div3A_506 : vector<160x160xf32> to vector<160x160xbf16>
    %dot_general3A_508 = arith.constant dense<0.000000e+00> : vector<160x128xf32>
    %dot_general3A_509 = tpu.matmul %convert_element_type3A_507, %slice3A_496, %dot_general3A_508 {dimension_numbers = #tpu.dot_dimension_numbers<[1], [0], [0], [1], [0, 0, 1, 1], [], []>, transpose_lhs_hint = false} : vector<160x160xbf16>, vector<160x128xbf16>, vector<160x128xf32> -> vector<160x128xf32>
    %convert_element_type3A_510 = arith.truncf %dot_general3A_509 : vector<160x128xf32> to vector<160x128xbf16>
    %slice3A_511 = vector.extract_strided_slice %slice3A_454 {offsets = [0, 384], sizes = [160, 128], strides = [1, 1]} : vector<160x1536xbf16> to vector<160x128xbf16>
    %slice3A_512 = vector.extract_strided_slice %slice3A_454 {offsets = [0, 896], sizes = [160, 128], strides = [1, 1]} : vector<160x1536xbf16> to vector<160x128xbf16>
    %slice3A_513 = vector.extract_strided_slice %slice3A_454 {offsets = [0, 1408], sizes = [160, 128], strides = [1, 1]} : vector<160x1536xbf16> to vector<160x128xbf16>
    %dot_general3A_514 = arith.constant dense<0.000000e+00> : vector<160x160xf32>
    %dot_general3A_515 = tpu.matmul %slice3A_511, %slice3A_512, %dot_general3A_514 {dimension_numbers = #tpu.dot_dimension_numbers<[1], [1], [0], [0], [0, 0, 1, 0], [], []>, transpose_lhs_hint = false} : vector<160x128xbf16>, vector<160x128xbf16>, vector<160x160xf32> -> vector<160x160xf32>
    %add3A_516 = vector.broadcast %get3A_459 : vector<1x160xf32> to vector<160x160xf32>
    %add3A_517 = arith.addf %dot_general3A_515, %add3A_516 : vector<160x160xf32>
    %exp3A_518 = math.exp %add3A_517 : vector<160x160xf32>
    %reduce_sum3A_519 = arith.constant dense<0.000000e+00> : vector<160xf32>
    %reduce_sum3A_520 = vector.multi_reduction <add>, %exp3A_518, %reduce_sum3A_519 [1] : vector<160x160xf32> to vector<160xf32>
    %broadcast_in_dim3A_521 = vector.shape_cast %reduce_sum3A_520 : vector<160xf32> to vector<160x1xf32>
    %div3A_522 = vector.broadcast %broadcast_in_dim3A_521 : vector<160x1xf32> to vector<160x160xf32>
    %div3A_523 = arith.divf %exp3A_518, %div3A_522 : vector<160x160xf32>
    %convert_element_type3A_524 = arith.truncf %div3A_523 : vector<160x160xf32> to vector<160x160xbf16>
    %dot_general3A_525 = arith.constant dense<0.000000e+00> : vector<160x128xf32>
    %dot_general3A_526 = tpu.matmul %convert_element_type3A_524, %slice3A_513, %dot_general3A_525 {dimension_numbers = #tpu.dot_dimension_numbers<[1], [0], [0], [1], [0, 0, 1, 1], [], []>, transpose_lhs_hint = false} : vector<160x160xbf16>, vector<160x128xbf16>, vector<160x128xf32> -> vector<160x128xf32>
    %convert_element_type3A_527 = arith.truncf %dot_general3A_526 : vector<160x128xf32> to vector<160x128xbf16>
    %slice3A_528 = vector.extract_strided_slice %convert_element_type3A_13 {offsets = [1120, 0], sizes = [160, 1536], strides = [1, 1]} : vector<2560x1536xbf16> to vector<160x1536xbf16>
    %get3A_529 = arith.constant 3 : index
    %get3A_530 = arith.constant 0 : index
    %get3A_531 = arith.constant 0 : index
    %get3A_532 = vector.load %arg4[%get3A_529, %get3A_530, %get3A_531] : memref<4x1x160xf32, #tpu.memory_space<vmem>>, vector<1x1x160xf32>
    %get3A_533 = vector.shape_cast %get3A_532 : vector<1x1x160xf32> to vector<1x160xf32>
    %slice3A_534 = vector.extract_strided_slice %slice3A_528 {offsets = [0, 0], sizes = [160, 128], strides = [1, 1]} : vector<160x1536xbf16> to vector<160x128xbf16>
    %slice3A_535 = vector.extract_strided_slice %slice3A_528 {offsets = [0, 512], sizes = [160, 128], strides = [1, 1]} : vector<160x1536xbf16> to vector<160x128xbf16>
    %slice3A_536 = vector.extract_strided_slice %slice3A_528 {offsets = [0, 1024], sizes = [160, 128], strides = [1, 1]} : vector<160x1536xbf16> to vector<160x128xbf16>
    %dot_general3A_537 = arith.constant dense<0.000000e+00> : vector<160x160xf32>
    %dot_general3A_538 = tpu.matmul %slice3A_534, %slice3A_535, %dot_general3A_537 {dimension_numbers = #tpu.dot_dimension_numbers<[1], [1], [0], [0], [0, 0, 1, 0], [], []>, transpose_lhs_hint = false} : vector<160x128xbf16>, vector<160x128xbf16>, vector<160x160xf32> -> vector<160x160xf32>
    %add3A_539 = vector.broadcast %get3A_533 : vector<1x160xf32> to vector<160x160xf32>
    %add3A_540 = arith.addf %dot_general3A_538, %add3A_539 : vector<160x160xf32>
    %exp3A_541 = math.exp %add3A_540 : vector<160x160xf32>
    %reduce_sum3A_542 = arith.constant dense<0.000000e+00> : vector<160xf32>
    %reduce_sum3A_543 = vector.multi_reduction <add>, %exp3A_541, %reduce_sum3A_542 [1] : vector<160x160xf32> to vector<160xf32>
    %broadcast_in_dim3A_544 = vector.shape_cast %reduce_sum3A_543 : vector<160xf32> to vector<160x1xf32>
    %div3A_545 = vector.broadcast %broadcast_in_dim3A_544 : vector<160x1xf32> to vector<160x160xf32>
    %div3A_546 = arith.divf %exp3A_541, %div3A_545 : vector<160x160xf32>
    %convert_element_type3A_547 = arith.truncf %div3A_546 : vector<160x160xf32> to vector<160x160xbf16>
    %dot_general3A_548 = arith.constant dense<0.000000e+00> : vector<160x128xf32>
    %dot_general3A_549 = tpu.matmul %convert_element_type3A_547, %slice3A_536, %dot_general3A_548 {dimension_numbers = #tpu.dot_dimension_numbers<[1], [0], [0], [1], [0, 0, 1, 1], [], []>, transpose_lhs_hint = false} : vector<160x160xbf16>, vector<160x128xbf16>, vector<160x128xf32> -> vector<160x128xf32>
    %convert_element_type3A_550 = arith.truncf %dot_general3A_549 : vector<160x128xf32> to vector<160x128xbf16>
    %slice3A_551 = vector.extract_strided_slice %slice3A_528 {offsets = [0, 128], sizes = [160, 128], strides = [1, 1]} : vector<160x1536xbf16> to vector<160x128xbf16>
    %slice3A_552 = vector.extract_strided_slice %slice3A_528 {offsets = [0, 640], sizes = [160, 128], strides = [1, 1]} : vector<160x1536xbf16> to vector<160x128xbf16>
    %slice3A_553 = vector.extract_strided_slice %slice3A_528 {offsets = [0, 1152], sizes = [160, 128], strides = [1, 1]} : vector<160x1536xbf16> to vector<160x128xbf16>
    %dot_general3A_554 = arith.constant dense<0.000000e+00> : vector<160x160xf32>
    %dot_general3A_555 = tpu.matmul %slice3A_551, %slice3A_552, %dot_general3A_554 {dimension_numbers = #tpu.dot_dimension_numbers<[1], [1], [0], [0], [0, 0, 1, 0], [], []>, transpose_lhs_hint = false} : vector<160x128xbf16>, vector<160x128xbf16>, vector<160x160xf32> -> vector<160x160xf32>
    %add3A_556 = vector.broadcast %get3A_533 : vector<1x160xf32> to vector<160x160xf32>
    %add3A_557 = arith.addf %dot_general3A_555, %add3A_556 : vector<160x160xf32>
    %exp3A_558 = math.exp %add3A_557 : vector<160x160xf32>
    %reduce_sum3A_559 = arith.constant dense<0.000000e+00> : vector<160xf32>
    %reduce_sum3A_560 = vector.multi_reduction <add>, %exp3A_558, %reduce_sum3A_559 [1] : vector<160x160xf32> to vector<160xf32>
    %broadcast_in_dim3A_561 = vector.shape_cast %reduce_sum3A_560 : vector<160xf32> to vector<160x1xf32>
    %div3A_562 = vector.broadcast %broadcast_in_dim3A_561 : vector<160x1xf32> to vector<160x160xf32>
    %div3A_563 = arith.divf %exp3A_558, %div3A_562 : vector<160x160xf32>
    %convert_element_type3A_564 = arith.truncf %div3A_563 : vector<160x160xf32> to vector<160x160xbf16>
    %dot_general3A_565 = arith.constant dense<0.000000e+00> : vector<160x128xf32>
    %dot_general3A_566 = tpu.matmul %convert_element_type3A_564, %slice3A_553, %dot_general3A_565 {dimension_numbers = #tpu.dot_dimension_numbers<[1], [0], [0], [1], [0, 0, 1, 1], [], []>, transpose_lhs_hint = false} : vector<160x160xbf16>, vector<160x128xbf16>, vector<160x128xf32> -> vector<160x128xf32>
    %convert_element_type3A_567 = arith.truncf %dot_general3A_566 : vector<160x128xf32> to vector<160x128xbf16>
    %slice3A_568 = vector.extract_strided_slice %slice3A_528 {offsets = [0, 256], sizes = [160, 128], strides = [1, 1]} : vector<160x1536xbf16> to vector<160x128xbf16>
    %slice3A_569 = vector.extract_strided_slice %slice3A_528 {offsets = [0, 768], sizes = [160, 128], strides = [1, 1]} : vector<160x1536xbf16> to vector<160x128xbf16>
    %slice3A_570 = vector.extract_strided_slice %slice3A_528 {offsets = [0, 1280], sizes = [160, 128], strides = [1, 1]} : vector<160x1536xbf16> to vector<160x128xbf16>
    %dot_general3A_571 = arith.constant dense<0.000000e+00> : vector<160x160xf32>
    %dot_general3A_572 = tpu.matmul %slice3A_568, %slice3A_569, %dot_general3A_571 {dimension_numbers = #tpu.dot_dimension_numbers<[1], [1], [0], [0], [0, 0, 1, 0], [], []>, transpose_lhs_hint = false} : vector<160x128xbf16>, vector<160x128xbf16>, vector<160x160xf32> -> vector<160x160xf32>
    %add3A_573 = vector.broadcast %get3A_533 : vector<1x160xf32> to vector<160x160xf32>
    %add3A_574 = arith.addf %dot_general3A_572, %add3A_573 : vector<160x160xf32>
    %exp3A_575 = math.exp %add3A_574 : vector<160x160xf32>
    %reduce_sum3A_576 = arith.constant dense<0.000000e+00> : vector<160xf32>
    %reduce_sum3A_577 = vector.multi_reduction <add>, %exp3A_575, %reduce_sum3A_576 [1] : vector<160x160xf32> to vector<160xf32>
    %broadcast_in_dim3A_578 = vector.shape_cast %reduce_sum3A_577 : vector<160xf32> to vector<160x1xf32>
    %div3A_579 = vector.broadcast %broadcast_in_dim3A_578 : vector<160x1xf32> to vector<160x160xf32>
    %div3A_580 = arith.divf %exp3A_575, %div3A_579 : vector<160x160xf32>
    %convert_element_type3A_581 = arith.truncf %div3A_580 : vector<160x160xf32> to vector<160x160xbf16>
    %dot_general3A_582 = arith.constant dense<0.000000e+00> : vector<160x128xf32>
    %dot_general3A_583 = tpu.matmul %convert_element_type3A_581, %slice3A_570, %dot_general3A_582 {dimension_numbers = #tpu.dot_dimension_numbers<[1], [0], [0], [1], [0, 0, 1, 1], [], []>, transpose_lhs_hint = false} : vector<160x160xbf16>, vector<160x128xbf16>, vector<160x128xf32> -> vector<160x128xf32>
    %convert_element_type3A_584 = arith.truncf %dot_general3A_583 : vector<160x128xf32> to vector<160x128xbf16>
    %slice3A_585 = vector.extract_strided_slice %slice3A_528 {offsets = [0, 384], sizes = [160, 128], strides = [1, 1]} : vector<160x1536xbf16> to vector<160x128xbf16>
    %slice3A_586 = vector.extract_strided_slice %slice3A_528 {offsets = [0, 896], sizes = [160, 128], strides = [1, 1]} : vector<160x1536xbf16> to vector<160x128xbf16>
    %slice3A_587 = vector.extract_strided_slice %slice3A_528 {offsets = [0, 1408], sizes = [160, 128], strides = [1, 1]} : vector<160x1536xbf16> to vector<160x128xbf16>
    %dot_general3A_588 = arith.constant dense<0.000000e+00> : vector<160x160xf32>
    %dot_general3A_589 = tpu.matmul %slice3A_585, %slice3A_586, %dot_general3A_588 {dimension_numbers = #tpu.dot_dimension_numbers<[1], [1], [0], [0], [0, 0, 1, 0], [], []>, transpose_lhs_hint = false} : vector<160x128xbf16>, vector<160x128xbf16>, vector<160x160xf32> -> vector<160x160xf32>
    %add3A_590 = vector.broadcast %get3A_533 : vector<1x160xf32> to vector<160x160xf32>
    %add3A_591 = arith.addf %dot_general3A_589, %add3A_590 : vector<160x160xf32>
    %exp3A_592 = math.exp %add3A_591 : vector<160x160xf32>
    %reduce_sum3A_593 = arith.constant dense<0.000000e+00> : vector<160xf32>
    %reduce_sum3A_594 = vector.multi_reduction <add>, %exp3A_592, %reduce_sum3A_593 [1] : vector<160x160xf32> to vector<160xf32>
    %broadcast_in_dim3A_595 = vector.shape_cast %reduce_sum3A_594 : vector<160xf32> to vector<160x1xf32>
    %div3A_596 = vector.broadcast %broadcast_in_dim3A_595 : vector<160x1xf32> to vector<160x160xf32>
    %div3A_597 = arith.divf %exp3A_592, %div3A_596 : vector<160x160xf32>
    %convert_element_type3A_598 = arith.truncf %div3A_597 : vector<160x160xf32> to vector<160x160xbf16>
    %dot_general3A_599 = arith.constant dense<0.000000e+00> : vector<160x128xf32>
    %dot_general3A_600 = tpu.matmul %convert_element_type3A_598, %slice3A_587, %dot_general3A_599 {dimension_numbers = #tpu.dot_dimension_numbers<[1], [0], [0], [1], [0, 0, 1, 1], [], []>, transpose_lhs_hint = false} : vector<160x160xbf16>, vector<160x128xbf16>, vector<160x128xf32> -> vector<160x128xf32>
    %convert_element_type3A_601 = arith.truncf %dot_general3A_600 : vector<160x128xf32> to vector<160x128xbf16>
    %slice3A_602 = vector.extract_strided_slice %convert_element_type3A_13 {offsets = [1280, 0], sizes = [160, 1536], strides = [1, 1]} : vector<2560x1536xbf16> to vector<160x1536xbf16>
    %get3A_603 = arith.constant 0 : index
    %get3A_604 = arith.constant 0 : index
    %get3A_605 = arith.constant 0 : index
    %get3A_606 = vector.load %arg4[%get3A_603, %get3A_604, %get3A_605] : memref<4x1x160xf32, #tpu.memory_space<vmem>>, vector<1x1x160xf32>
    %get3A_607 = vector.shape_cast %get3A_606 : vector<1x1x160xf32> to vector<1x160xf32>
    %slice3A_608 = vector.extract_strided_slice %slice3A_602 {offsets = [0, 0], sizes = [160, 128], strides = [1, 1]} : vector<160x1536xbf16> to vector<160x128xbf16>
    %slice3A_609 = vector.extract_strided_slice %slice3A_602 {offsets = [0, 512], sizes = [160, 128], strides = [1, 1]} : vector<160x1536xbf16> to vector<160x128xbf16>
    %slice3A_610 = vector.extract_strided_slice %slice3A_602 {offsets = [0, 1024], sizes = [160, 128], strides = [1, 1]} : vector<160x1536xbf16> to vector<160x128xbf16>
    %dot_general3A_611 = arith.constant dense<0.000000e+00> : vector<160x160xf32>
    %dot_general3A_612 = tpu.matmul %slice3A_608, %slice3A_609, %dot_general3A_611 {dimension_numbers = #tpu.dot_dimension_numbers<[1], [1], [0], [0], [0, 0, 1, 0], [], []>, transpose_lhs_hint = false} : vector<160x128xbf16>, vector<160x128xbf16>, vector<160x160xf32> -> vector<160x160xf32>
    %add3A_613 = vector.broadcast %get3A_607 : vector<1x160xf32> to vector<160x160xf32>
    %add3A_614 = arith.addf %dot_general3A_612, %add3A_613 : vector<160x160xf32>
    %exp3A_615 = math.exp %add3A_614 : vector<160x160xf32>
    %reduce_sum3A_616 = arith.constant dense<0.000000e+00> : vector<160xf32>
    %reduce_sum3A_617 = vector.multi_reduction <add>, %exp3A_615, %reduce_sum3A_616 [1] : vector<160x160xf32> to vector<160xf32>
    %broadcast_in_dim3A_618 = vector.shape_cast %reduce_sum3A_617 : vector<160xf32> to vector<160x1xf32>
    %div3A_619 = vector.broadcast %broadcast_in_dim3A_618 : vector<160x1xf32> to vector<160x160xf32>
    %div3A_620 = arith.divf %exp3A_615, %div3A_619 : vector<160x160xf32>
    %convert_element_type3A_621 = arith.truncf %div3A_620 : vector<160x160xf32> to vector<160x160xbf16>
    %dot_general3A_622 = arith.constant dense<0.000000e+00> : vector<160x128xf32>
    %dot_general3A_623 = tpu.matmul %convert_element_type3A_621, %slice3A_610, %dot_general3A_622 {dimension_numbers = #tpu.dot_dimension_numbers<[1], [0], [0], [1], [0, 0, 1, 1], [], []>, transpose_lhs_hint = false} : vector<160x160xbf16>, vector<160x128xbf16>, vector<160x128xf32> -> vector<160x128xf32>
    %convert_element_type3A_624 = arith.truncf %dot_general3A_623 : vector<160x128xf32> to vector<160x128xbf16>
    %slice3A_625 = vector.extract_strided_slice %slice3A_602 {offsets = [0, 128], sizes = [160, 128], strides = [1, 1]} : vector<160x1536xbf16> to vector<160x128xbf16>
    %slice3A_626 = vector.extract_strided_slice %slice3A_602 {offsets = [0, 640], sizes = [160, 128], strides = [1, 1]} : vector<160x1536xbf16> to vector<160x128xbf16>
    %slice3A_627 = vector.extract_strided_slice %slice3A_602 {offsets = [0, 1152], sizes = [160, 128], strides = [1, 1]} : vector<160x1536xbf16> to vector<160x128xbf16>
    %dot_general3A_628 = arith.constant dense<0.000000e+00> : vector<160x160xf32>
    %dot_general3A_629 = tpu.matmul %slice3A_625, %slice3A_626, %dot_general3A_628 {dimension_numbers = #tpu.dot_dimension_numbers<[1], [1], [0], [0], [0, 0, 1, 0], [], []>, transpose_lhs_hint = false} : vector<160x128xbf16>, vector<160x128xbf16>, vector<160x160xf32> -> vector<160x160xf32>
    %add3A_630 = vector.broadcast %get3A_607 : vector<1x160xf32> to vector<160x160xf32>
    %add3A_631 = arith.addf %dot_general3A_629, %add3A_630 : vector<160x160xf32>
    %exp3A_632 = math.exp %add3A_631 : vector<160x160xf32>
    %reduce_sum3A_633 = arith.constant dense<0.000000e+00> : vector<160xf32>
    %reduce_sum3A_634 = vector.multi_reduction <add>, %exp3A_632, %reduce_sum3A_633 [1] : vector<160x160xf32> to vector<160xf32>
    %broadcast_in_dim3A_635 = vector.shape_cast %reduce_sum3A_634 : vector<160xf32> to vector<160x1xf32>
    %div3A_636 = vector.broadcast %broadcast_in_dim3A_635 : vector<160x1xf32> to vector<160x160xf32>
    %div3A_637 = arith.divf %exp3A_632, %div3A_636 : vector<160x160xf32>
    %convert_element_type3A_638 = arith.truncf %div3A_637 : vector<160x160xf32> to vector<160x160xbf16>
    %dot_general3A_639 = arith.constant dense<0.000000e+00> : vector<160x128xf32>
    %dot_general3A_640 = tpu.matmul %convert_element_type3A_638, %slice3A_627, %dot_general3A_639 {dimension_numbers = #tpu.dot_dimension_numbers<[1], [0], [0], [1], [0, 0, 1, 1], [], []>, transpose_lhs_hint = false} : vector<160x160xbf16>, vector<160x128xbf16>, vector<160x128xf32> -> vector<160x128xf32>
    %convert_element_type3A_641 = arith.truncf %dot_general3A_640 : vector<160x128xf32> to vector<160x128xbf16>
    %slice3A_642 = vector.extract_strided_slice %slice3A_602 {offsets = [0, 256], sizes = [160, 128], strides = [1, 1]} : vector<160x1536xbf16> to vector<160x128xbf16>
    %slice3A_643 = vector.extract_strided_slice %slice3A_602 {offsets = [0, 768], sizes = [160, 128], strides = [1, 1]} : vector<160x1536xbf16> to vector<160x128xbf16>
    %slice3A_644 = vector.extract_strided_slice %slice3A_602 {offsets = [0, 1280], sizes = [160, 128], strides = [1, 1]} : vector<160x1536xbf16> to vector<160x128xbf16>
    %dot_general3A_645 = arith.constant dense<0.000000e+00> : vector<160x160xf32>
    %dot_general3A_646 = tpu.matmul %slice3A_642, %slice3A_643, %dot_general3A_645 {dimension_numbers = #tpu.dot_dimension_numbers<[1], [1], [0], [0], [0, 0, 1, 0], [], []>, transpose_lhs_hint = false} : vector<160x128xbf16>, vector<160x128xbf16>, vector<160x160xf32> -> vector<160x160xf32>
    %add3A_647 = vector.broadcast %get3A_607 : vector<1x160xf32> to vector<160x160xf32>
    %add3A_648 = arith.addf %dot_general3A_646, %add3A_647 : vector<160x160xf32>
    %exp3A_649 = math.exp %add3A_648 : vector<160x160xf32>
    %reduce_sum3A_650 = arith.constant dense<0.000000e+00> : vector<160xf32>
    %reduce_sum3A_651 = vector.multi_reduction <add>, %exp3A_649, %reduce_sum3A_650 [1] : vector<160x160xf32> to vector<160xf32>
    %broadcast_in_dim3A_652 = vector.shape_cast %reduce_sum3A_651 : vector<160xf32> to vector<160x1xf32>
    %div3A_653 = vector.broadcast %broadcast_in_dim3A_652 : vector<160x1xf32> to vector<160x160xf32>
    %div3A_654 = arith.divf %exp3A_649, %div3A_653 : vector<160x160xf32>
    %convert_element_type3A_655 = arith.truncf %div3A_654 : vector<160x160xf32> to vector<160x160xbf16>
    %dot_general3A_656 = arith.constant dense<0.000000e+00> : vector<160x128xf32>
    %dot_general3A_657 = tpu.matmul %convert_element_type3A_655, %slice3A_644, %dot_general3A_656 {dimension_numbers = #tpu.dot_dimension_numbers<[1], [0], [0], [1], [0, 0, 1, 1], [], []>, transpose_lhs_hint = false} : vector<160x160xbf16>, vector<160x128xbf16>, vector<160x128xf32> -> vector<160x128xf32>
    %convert_element_type3A_658 = arith.truncf %dot_general3A_657 : vector<160x128xf32> to vector<160x128xbf16>
    %slice3A_659 = vector.extract_strided_slice %slice3A_602 {offsets = [0, 384], sizes = [160, 128], strides = [1, 1]} : vector<160x1536xbf16> to vector<160x128xbf16>
    %slice3A_660 = vector.extract_strided_slice %slice3A_602 {offsets = [0, 896], sizes = [160, 128], strides = [1, 1]} : vector<160x1536xbf16> to vector<160x128xbf16>
    %slice3A_661 = vector.extract_strided_slice %slice3A_602 {offsets = [0, 1408], sizes = [160, 128], strides = [1, 1]} : vector<160x1536xbf16> to vector<160x128xbf16>
    %dot_general3A_662 = arith.constant dense<0.000000e+00> : vector<160x160xf32>
    %dot_general3A_663 = tpu.matmul %slice3A_659, %slice3A_660, %dot_general3A_662 {dimension_numbers = #tpu.dot_dimension_numbers<[1], [1], [0], [0], [0, 0, 1, 0], [], []>, transpose_lhs_hint = false} : vector<160x128xbf16>, vector<160x128xbf16>, vector<160x160xf32> -> vector<160x160xf32>
    %add3A_664 = vector.broadcast %get3A_607 : vector<1x160xf32> to vector<160x160xf32>
    %add3A_665 = arith.addf %dot_general3A_663, %add3A_664 : vector<160x160xf32>
    %exp3A_666 = math.exp %add3A_665 : vector<160x160xf32>
    %reduce_sum3A_667 = arith.constant dense<0.000000e+00> : vector<160xf32>
    %reduce_sum3A_668 = vector.multi_reduction <add>, %exp3A_666, %reduce_sum3A_667 [1] : vector<160x160xf32> to vector<160xf32>
    %broadcast_in_dim3A_669 = vector.shape_cast %reduce_sum3A_668 : vector<160xf32> to vector<160x1xf32>
    %div3A_670 = vector.broadcast %broadcast_in_dim3A_669 : vector<160x1xf32> to vector<160x160xf32>
    %div3A_671 = arith.divf %exp3A_666, %div3A_670 : vector<160x160xf32>
    %convert_element_type3A_672 = arith.truncf %div3A_671 : vector<160x160xf32> to vector<160x160xbf16>
    %dot_general3A_673 = arith.constant dense<0.000000e+00> : vector<160x128xf32>
    %dot_general3A_674 = tpu.matmul %convert_element_type3A_672, %slice3A_661, %dot_general3A_673 {dimension_numbers = #tpu.dot_dimension_numbers<[1], [0], [0], [1], [0, 0, 1, 1], [], []>, transpose_lhs_hint = false} : vector<160x160xbf16>, vector<160x128xbf16>, vector<160x128xf32> -> vector<160x128xf32>
    %convert_element_type3A_675 = arith.truncf %dot_general3A_674 : vector<160x128xf32> to vector<160x128xbf16>
    %slice3A_676 = vector.extract_strided_slice %convert_element_type3A_13 {offsets = [1440, 0], sizes = [160, 1536], strides = [1, 1]} : vector<2560x1536xbf16> to vector<160x1536xbf16>
    %get3A_677 = arith.constant 1 : index
    %get3A_678 = arith.constant 0 : index
    %get3A_679 = arith.constant 0 : index
    %get3A_680 = vector.load %arg4[%get3A_677, %get3A_678, %get3A_679] : memref<4x1x160xf32, #tpu.memory_space<vmem>>, vector<1x1x160xf32>
    %get3A_681 = vector.shape_cast %get3A_680 : vector<1x1x160xf32> to vector<1x160xf32>
    %slice3A_682 = vector.extract_strided_slice %slice3A_676 {offsets = [0, 0], sizes = [160, 128], strides = [1, 1]} : vector<160x1536xbf16> to vector<160x128xbf16>
    %slice3A_683 = vector.extract_strided_slice %slice3A_676 {offsets = [0, 512], sizes = [160, 128], strides = [1, 1]} : vector<160x1536xbf16> to vector<160x128xbf16>
    %slice3A_684 = vector.extract_strided_slice %slice3A_676 {offsets = [0, 1024], sizes = [160, 128], strides = [1, 1]} : vector<160x1536xbf16> to vector<160x128xbf16>
    %dot_general3A_685 = arith.constant dense<0.000000e+00> : vector<160x160xf32>
    %dot_general3A_686 = tpu.matmul %slice3A_682, %slice3A_683, %dot_general3A_685 {dimension_numbers = #tpu.dot_dimension_numbers<[1], [1], [0], [0], [0, 0, 1, 0], [], []>, transpose_lhs_hint = false} : vector<160x128xbf16>, vector<160x128xbf16>, vector<160x160xf32> -> vector<160x160xf32>
    %add3A_687 = vector.broadcast %get3A_681 : vector<1x160xf32> to vector<160x160xf32>
    %add3A_688 = arith.addf %dot_general3A_686, %add3A_687 : vector<160x160xf32>
    %exp3A_689 = math.exp %add3A_688 : vector<160x160xf32>
    %reduce_sum3A_690 = arith.constant dense<0.000000e+00> : vector<160xf32>
    %reduce_sum3A_691 = vector.multi_reduction <add>, %exp3A_689, %reduce_sum3A_690 [1] : vector<160x160xf32> to vector<160xf32>
    %broadcast_in_dim3A_692 = vector.shape_cast %reduce_sum3A_691 : vector<160xf32> to vector<160x1xf32>
    %div3A_693 = vector.broadcast %broadcast_in_dim3A_692 : vector<160x1xf32> to vector<160x160xf32>
    %div3A_694 = arith.divf %exp3A_689, %div3A_693 : vector<160x160xf32>
    %convert_element_type3A_695 = arith.truncf %div3A_694 : vector<160x160xf32> to vector<160x160xbf16>
    %dot_general3A_696 = arith.constant dense<0.000000e+00> : vector<160x128xf32>
    %dot_general3A_697 = tpu.matmul %convert_element_type3A_695, %slice3A_684, %dot_general3A_696 {dimension_numbers = #tpu.dot_dimension_numbers<[1], [0], [0], [1], [0, 0, 1, 1], [], []>, transpose_lhs_hint = false} : vector<160x160xbf16>, vector<160x128xbf16>, vector<160x128xf32> -> vector<160x128xf32>
    %convert_element_type3A_698 = arith.truncf %dot_general3A_697 : vector<160x128xf32> to vector<160x128xbf16>
    %slice3A_699 = vector.extract_strided_slice %slice3A_676 {offsets = [0, 128], sizes = [160, 128], strides = [1, 1]} : vector<160x1536xbf16> to vector<160x128xbf16>
    %slice3A_700 = vector.extract_strided_slice %slice3A_676 {offsets = [0, 640], sizes = [160, 128], strides = [1, 1]} : vector<160x1536xbf16> to vector<160x128xbf16>
    %slice3A_701 = vector.extract_strided_slice %slice3A_676 {offsets = [0, 1152], sizes = [160, 128], strides = [1, 1]} : vector<160x1536xbf16> to vector<160x128xbf16>
    %dot_general3A_702 = arith.constant dense<0.000000e+00> : vector<160x160xf32>
    %dot_general3A_703 = tpu.matmul %slice3A_699, %slice3A_700, %dot_general3A_702 {dimension_numbers = #tpu.dot_dimension_numbers<[1], [1], [0], [0], [0, 0, 1, 0], [], []>, transpose_lhs_hint = false} : vector<160x128xbf16>, vector<160x128xbf16>, vector<160x160xf32> -> vector<160x160xf32>
    %add3A_704 = vector.broadcast %get3A_681 : vector<1x160xf32> to vector<160x160xf32>
    %add3A_705 = arith.addf %dot_general3A_703, %add3A_704 : vector<160x160xf32>
    %exp3A_706 = math.exp %add3A_705 : vector<160x160xf32>
    %reduce_sum3A_707 = arith.constant dense<0.000000e+00> : vector<160xf32>
    %reduce_sum3A_708 = vector.multi_reduction <add>, %exp3A_706, %reduce_sum3A_707 [1] : vector<160x160xf32> to vector<160xf32>
    %broadcast_in_dim3A_709 = vector.shape_cast %reduce_sum3A_708 : vector<160xf32> to vector<160x1xf32>
    %div3A_710 = vector.broadcast %broadcast_in_dim3A_709 : vector<160x1xf32> to vector<160x160xf32>
    %div3A_711 = arith.divf %exp3A_706, %div3A_710 : vector<160x160xf32>
    %convert_element_type3A_712 = arith.truncf %div3A_711 : vector<160x160xf32> to vector<160x160xbf16>
    %dot_general3A_713 = arith.constant dense<0.000000e+00> : vector<160x128xf32>
    %dot_general3A_714 = tpu.matmul %convert_element_type3A_712, %slice3A_701, %dot_general3A_713 {dimension_numbers = #tpu.dot_dimension_numbers<[1], [0], [0], [1], [0, 0, 1, 1], [], []>, transpose_lhs_hint = false} : vector<160x160xbf16>, vector<160x128xbf16>, vector<160x128xf32> -> vector<160x128xf32>
    %convert_element_type3A_715 = arith.truncf %dot_general3A_714 : vector<160x128xf32> to vector<160x128xbf16>
    %slice3A_716 = vector.extract_strided_slice %slice3A_676 {offsets = [0, 256], sizes = [160, 128], strides = [1, 1]} : vector<160x1536xbf16> to vector<160x128xbf16>
    %slice3A_717 = vector.extract_strided_slice %slice3A_676 {offsets = [0, 768], sizes = [160, 128], strides = [1, 1]} : vector<160x1536xbf16> to vector<160x128xbf16>
    %slice3A_718 = vector.extract_strided_slice %slice3A_676 {offsets = [0, 1280], sizes = [160, 128], strides = [1, 1]} : vector<160x1536xbf16> to vector<160x128xbf16>
    %dot_general3A_719 = arith.constant dense<0.000000e+00> : vector<160x160xf32>
    %dot_general3A_720 = tpu.matmul %slice3A_716, %slice3A_717, %dot_general3A_719 {dimension_numbers = #tpu.dot_dimension_numbers<[1], [1], [0], [0], [0, 0, 1, 0], [], []>, transpose_lhs_hint = false} : vector<160x128xbf16>, vector<160x128xbf16>, vector<160x160xf32> -> vector<160x160xf32>
    %add3A_721 = vector.broadcast %get3A_681 : vector<1x160xf32> to vector<160x160xf32>
    %add3A_722 = arith.addf %dot_general3A_720, %add3A_721 : vector<160x160xf32>
    %exp3A_723 = math.exp %add3A_722 : vector<160x160xf32>
    %reduce_sum3A_724 = arith.constant dense<0.000000e+00> : vector<160xf32>
    %reduce_sum3A_725 = vector.multi_reduction <add>, %exp3A_723, %reduce_sum3A_724 [1] : vector<160x160xf32> to vector<160xf32>
    %broadcast_in_dim3A_726 = vector.shape_cast %reduce_sum3A_725 : vector<160xf32> to vector<160x1xf32>
    %div3A_727 = vector.broadcast %broadcast_in_dim3A_726 : vector<160x1xf32> to vector<160x160xf32>
    %div3A_728 = arith.divf %exp3A_723, %div3A_727 : vector<160x160xf32>
    %convert_element_type3A_729 = arith.truncf %div3A_728 : vector<160x160xf32> to vector<160x160xbf16>
    %dot_general3A_730 = arith.constant dense<0.000000e+00> : vector<160x128xf32>
    %dot_general3A_731 = tpu.matmul %convert_element_type3A_729, %slice3A_718, %dot_general3A_730 {dimension_numbers = #tpu.dot_dimension_numbers<[1], [0], [0], [1], [0, 0, 1, 1], [], []>, transpose_lhs_hint = false} : vector<160x160xbf16>, vector<160x128xbf16>, vector<160x128xf32> -> vector<160x128xf32>
    %convert_element_type3A_732 = arith.truncf %dot_general3A_731 : vector<160x128xf32> to vector<160x128xbf16>
    %slice3A_733 = vector.extract_strided_slice %slice3A_676 {offsets = [0, 384], sizes = [160, 128], strides = [1, 1]} : vector<160x1536xbf16> to vector<160x128xbf16>
    %slice3A_734 = vector.extract_strided_slice %slice3A_676 {offsets = [0, 896], sizes = [160, 128], strides = [1, 1]} : vector<160x1536xbf16> to vector<160x128xbf16>
    %slice3A_735 = vector.extract_strided_slice %slice3A_676 {offsets = [0, 1408], sizes = [160, 128], strides = [1, 1]} : vector<160x1536xbf16> to vector<160x128xbf16>
    %dot_general3A_736 = arith.constant dense<0.000000e+00> : vector<160x160xf32>
    %dot_general3A_737 = tpu.matmul %slice3A_733, %slice3A_734, %dot_general3A_736 {dimension_numbers = #tpu.dot_dimension_numbers<[1], [1], [0], [0], [0, 0, 1, 0], [], []>, transpose_lhs_hint = false} : vector<160x128xbf16>, vector<160x128xbf16>, vector<160x160xf32> -> vector<160x160xf32>
    %add3A_738 = vector.broadcast %get3A_681 : vector<1x160xf32> to vector<160x160xf32>
    %add3A_739 = arith.addf %dot_general3A_737, %add3A_738 : vector<160x160xf32>
    %exp3A_740 = math.exp %add3A_739 : vector<160x160xf32>
    %reduce_sum3A_741 = arith.constant dense<0.000000e+00> : vector<160xf32>
    %reduce_sum3A_742 = vector.multi_reduction <add>, %exp3A_740, %reduce_sum3A_741 [1] : vector<160x160xf32> to vector<160xf32>
    %broadcast_in_dim3A_743 = vector.shape_cast %reduce_sum3A_742 : vector<160xf32> to vector<160x1xf32>
    %div3A_744 = vector.broadcast %broadcast_in_dim3A_743 : vector<160x1xf32> to vector<160x160xf32>
    %div3A_745 = arith.divf %exp3A_740, %div3A_744 : vector<160x160xf32>
    %convert_element_type3A_746 = arith.truncf %div3A_745 : vector<160x160xf32> to vector<160x160xbf16>
    %dot_general3A_747 = arith.constant dense<0.000000e+00> : vector<160x128xf32>
    %dot_general3A_748 = tpu.matmul %convert_element_type3A_746, %slice3A_735, %dot_general3A_747 {dimension_numbers = #tpu.dot_dimension_numbers<[1], [0], [0], [1], [0, 0, 1, 1], [], []>, transpose_lhs_hint = false} : vector<160x160xbf16>, vector<160x128xbf16>, vector<160x128xf32> -> vector<160x128xf32>
    %convert_element_type3A_749 = arith.truncf %dot_general3A_748 : vector<160x128xf32> to vector<160x128xbf16>
    %slice3A_750 = vector.extract_strided_slice %convert_element_type3A_13 {offsets = [1600, 0], sizes = [160, 1536], strides = [1, 1]} : vector<2560x1536xbf16> to vector<160x1536xbf16>
    %get3A_751 = arith.constant 2 : index
    %get3A_752 = arith.constant 0 : index
    %get3A_753 = arith.constant 0 : index
    %get3A_754 = vector.load %arg4[%get3A_751, %get3A_752, %get3A_753] : memref<4x1x160xf32, #tpu.memory_space<vmem>>, vector<1x1x160xf32>
    %get3A_755 = vector.shape_cast %get3A_754 : vector<1x1x160xf32> to vector<1x160xf32>
    %slice3A_756 = vector.extract_strided_slice %slice3A_750 {offsets = [0, 0], sizes = [160, 128], strides = [1, 1]} : vector<160x1536xbf16> to vector<160x128xbf16>
    %slice3A_757 = vector.extract_strided_slice %slice3A_750 {offsets = [0, 512], sizes = [160, 128], strides = [1, 1]} : vector<160x1536xbf16> to vector<160x128xbf16>
    %slice3A_758 = vector.extract_strided_slice %slice3A_750 {offsets = [0, 1024], sizes = [160, 128], strides = [1, 1]} : vector<160x1536xbf16> to vector<160x128xbf16>
    %dot_general3A_759 = arith.constant dense<0.000000e+00> : vector<160x160xf32>
    %dot_general3A_760 = tpu.matmul %slice3A_756, %slice3A_757, %dot_general3A_759 {dimension_numbers = #tpu.dot_dimension_numbers<[1], [1], [0], [0], [0, 0, 1, 0], [], []>, transpose_lhs_hint = false} : vector<160x128xbf16>, vector<160x128xbf16>, vector<160x160xf32> -> vector<160x160xf32>
    %add3A_761 = vector.broadcast %get3A_755 : vector<1x160xf32> to vector<160x160xf32>
    %add3A_762 = arith.addf %dot_general3A_760, %add3A_761 : vector<160x160xf32>
    %exp3A_763 = math.exp %add3A_762 : vector<160x160xf32>
    %reduce_sum3A_764 = arith.constant dense<0.000000e+00> : vector<160xf32>
    %reduce_sum3A_765 = vector.multi_reduction <add>, %exp3A_763, %reduce_sum3A_764 [1] : vector<160x160xf32> to vector<160xf32>
    %broadcast_in_dim3A_766 = vector.shape_cast %reduce_sum3A_765 : vector<160xf32> to vector<160x1xf32>
    %div3A_767 = vector.broadcast %broadcast_in_dim3A_766 : vector<160x1xf32> to vector<160x160xf32>
    %div3A_768 = arith.divf %exp3A_763, %div3A_767 : vector<160x160xf32>
    %convert_element_type3A_769 = arith.truncf %div3A_768 : vector<160x160xf32> to vector<160x160xbf16>
    %dot_general3A_770 = arith.constant dense<0.000000e+00> : vector<160x128xf32>
    %dot_general3A_771 = tpu.matmul %convert_element_type3A_769, %slice3A_758, %dot_general3A_770 {dimension_numbers = #tpu.dot_dimension_numbers<[1], [0], [0], [1], [0, 0, 1, 1], [], []>, transpose_lhs_hint = false} : vector<160x160xbf16>, vector<160x128xbf16>, vector<160x128xf32> -> vector<160x128xf32>
    %convert_element_type3A_772 = arith.truncf %dot_general3A_771 : vector<160x128xf32> to vector<160x128xbf16>
    %slice3A_773 = vector.extract_strided_slice %slice3A_750 {offsets = [0, 128], sizes = [160, 128], strides = [1, 1]} : vector<160x1536xbf16> to vector<160x128xbf16>
    %slice3A_774 = vector.extract_strided_slice %slice3A_750 {offsets = [0, 640], sizes = [160, 128], strides = [1, 1]} : vector<160x1536xbf16> to vector<160x128xbf16>
    %slice3A_775 = vector.extract_strided_slice %slice3A_750 {offsets = [0, 1152], sizes = [160, 128], strides = [1, 1]} : vector<160x1536xbf16> to vector<160x128xbf16>
    %dot_general3A_776 = arith.constant dense<0.000000e+00> : vector<160x160xf32>
    %dot_general3A_777 = tpu.matmul %slice3A_773, %slice3A_774, %dot_general3A_776 {dimension_numbers = #tpu.dot_dimension_numbers<[1], [1], [0], [0], [0, 0, 1, 0], [], []>, transpose_lhs_hint = false} : vector<160x128xbf16>, vector<160x128xbf16>, vector<160x160xf32> -> vector<160x160xf32>
    %add3A_778 = vector.broadcast %get3A_755 : vector<1x160xf32> to vector<160x160xf32>
    %add3A_779 = arith.addf %dot_general3A_777, %add3A_778 : vector<160x160xf32>
    %exp3A_780 = math.exp %add3A_779 : vector<160x160xf32>
    %reduce_sum3A_781 = arith.constant dense<0.000000e+00> : vector<160xf32>
    %reduce_sum3A_782 = vector.multi_reduction <add>, %exp3A_780, %reduce_sum3A_781 [1] : vector<160x160xf32> to vector<160xf32>
    %broadcast_in_dim3A_783 = vector.shape_cast %reduce_sum3A_782 : vector<160xf32> to vector<160x1xf32>
    %div3A_784 = vector.broadcast %broadcast_in_dim3A_783 : vector<160x1xf32> to vector<160x160xf32>
    %div3A_785 = arith.divf %exp3A_780, %div3A_784 : vector<160x160xf32>
    %convert_element_type3A_786 = arith.truncf %div3A_785 : vector<160x160xf32> to vector<160x160xbf16>
    %dot_general3A_787 = arith.constant dense<0.000000e+00> : vector<160x128xf32>
    %dot_general3A_788 = tpu.matmul %convert_element_type3A_786, %slice3A_775, %dot_general3A_787 {dimension_numbers = #tpu.dot_dimension_numbers<[1], [0], [0], [1], [0, 0, 1, 1], [], []>, transpose_lhs_hint = false} : vector<160x160xbf16>, vector<160x128xbf16>, vector<160x128xf32> -> vector<160x128xf32>
    %convert_element_type3A_789 = arith.truncf %dot_general3A_788 : vector<160x128xf32> to vector<160x128xbf16>
    %slice3A_790 = vector.extract_strided_slice %slice3A_750 {offsets = [0, 256], sizes = [160, 128], strides = [1, 1]} : vector<160x1536xbf16> to vector<160x128xbf16>
    %slice3A_791 = vector.extract_strided_slice %slice3A_750 {offsets = [0, 768], sizes = [160, 128], strides = [1, 1]} : vector<160x1536xbf16> to vector<160x128xbf16>
    %slice3A_792 = vector.extract_strided_slice %slice3A_750 {offsets = [0, 1280], sizes = [160, 128], strides = [1, 1]} : vector<160x1536xbf16> to vector<160x128xbf16>
    %dot_general3A_793 = arith.constant dense<0.000000e+00> : vector<160x160xf32>
    %dot_general3A_794 = tpu.matmul %slice3A_790, %slice3A_791, %dot_general3A_793 {dimension_numbers = #tpu.dot_dimension_numbers<[1], [1], [0], [0], [0, 0, 1, 0], [], []>, transpose_lhs_hint = false} : vector<160x128xbf16>, vector<160x128xbf16>, vector<160x160xf32> -> vector<160x160xf32>
    %add3A_795 = vector.broadcast %get3A_755 : vector<1x160xf32> to vector<160x160xf32>
    %add3A_796 = arith.addf %dot_general3A_794, %add3A_795 : vector<160x160xf32>
    %exp3A_797 = math.exp %add3A_796 : vector<160x160xf32>
    %reduce_sum3A_798 = arith.constant dense<0.000000e+00> : vector<160xf32>
    %reduce_sum3A_799 = vector.multi_reduction <add>, %exp3A_797, %reduce_sum3A_798 [1] : vector<160x160xf32> to vector<160xf32>
    %broadcast_in_dim3A_800 = vector.shape_cast %reduce_sum3A_799 : vector<160xf32> to vector<160x1xf32>
    %div3A_801 = vector.broadcast %broadcast_in_dim3A_800 : vector<160x1xf32> to vector<160x160xf32>
    %div3A_802 = arith.divf %exp3A_797, %div3A_801 : vector<160x160xf32>
    %convert_element_type3A_803 = arith.truncf %div3A_802 : vector<160x160xf32> to vector<160x160xbf16>
    %dot_general3A_804 = arith.constant dense<0.000000e+00> : vector<160x128xf32>
    %dot_general3A_805 = tpu.matmul %convert_element_type3A_803, %slice3A_792, %dot_general3A_804 {dimension_numbers = #tpu.dot_dimension_numbers<[1], [0], [0], [1], [0, 0, 1, 1], [], []>, transpose_lhs_hint = false} : vector<160x160xbf16>, vector<160x128xbf16>, vector<160x128xf32> -> vector<160x128xf32>
    %convert_element_type3A_806 = arith.truncf %dot_general3A_805 : vector<160x128xf32> to vector<160x128xbf16>
    %slice3A_807 = vector.extract_strided_slice %slice3A_750 {offsets = [0, 384], sizes = [160, 128], strides = [1, 1]} : vector<160x1536xbf16> to vector<160x128xbf16>
    %slice3A_808 = vector.extract_strided_slice %slice3A_750 {offsets = [0, 896], sizes = [160, 128], strides = [1, 1]} : vector<160x1536xbf16> to vector<160x128xbf16>
    %slice3A_809 = vector.extract_strided_slice %slice3A_750 {offsets = [0, 1408], sizes = [160, 128], strides = [1, 1]} : vector<160x1536xbf16> to vector<160x128xbf16>
    %dot_general3A_810 = arith.constant dense<0.000000e+00> : vector<160x160xf32>
    %dot_general3A_811 = tpu.matmul %slice3A_807, %slice3A_808, %dot_general3A_810 {dimension_numbers = #tpu.dot_dimension_numbers<[1], [1], [0], [0], [0, 0, 1, 0], [], []>, transpose_lhs_hint = false} : vector<160x128xbf16>, vector<160x128xbf16>, vector<160x160xf32> -> vector<160x160xf32>
    %add3A_812 = vector.broadcast %get3A_755 : vector<1x160xf32> to vector<160x160xf32>
    %add3A_813 = arith.addf %dot_general3A_811, %add3A_812 : vector<160x160xf32>
    %exp3A_814 = math.exp %add3A_813 : vector<160x160xf32>
    %reduce_sum3A_815 = arith.constant dense<0.000000e+00> : vector<160xf32>
    %reduce_sum3A_816 = vector.multi_reduction <add>, %exp3A_814, %reduce_sum3A_815 [1] : vector<160x160xf32> to vector<160xf32>
    %broadcast_in_dim3A_817 = vector.shape_cast %reduce_sum3A_816 : vector<160xf32> to vector<160x1xf32>
    %div3A_818 = vector.broadcast %broadcast_in_dim3A_817 : vector<160x1xf32> to vector<160x160xf32>
    %div3A_819 = arith.divf %exp3A_814, %div3A_818 : vector<160x160xf32>
    %convert_element_type3A_820 = arith.truncf %div3A_819 : vector<160x160xf32> to vector<160x160xbf16>
    %dot_general3A_821 = arith.constant dense<0.000000e+00> : vector<160x128xf32>
    %dot_general3A_822 = tpu.matmul %convert_element_type3A_820, %slice3A_809, %dot_general3A_821 {dimension_numbers = #tpu.dot_dimension_numbers<[1], [0], [0], [1], [0, 0, 1, 1], [], []>, transpose_lhs_hint = false} : vector<160x160xbf16>, vector<160x128xbf16>, vector<160x128xf32> -> vector<160x128xf32>
    %convert_element_type3A_823 = arith.truncf %dot_general3A_822 : vector<160x128xf32> to vector<160x128xbf16>
    %slice3A_824 = vector.extract_strided_slice %convert_element_type3A_13 {offsets = [1760, 0], sizes = [160, 1536], strides = [1, 1]} : vector<2560x1536xbf16> to vector<160x1536xbf16>
    %get3A_825 = arith.constant 3 : index
    %get3A_826 = arith.constant 0 : index
    %get3A_827 = arith.constant 0 : index
    %get3A_828 = vector.load %arg4[%get3A_825, %get3A_826, %get3A_827] : memref<4x1x160xf32, #tpu.memory_space<vmem>>, vector<1x1x160xf32>
    %get3A_829 = vector.shape_cast %get3A_828 : vector<1x1x160xf32> to vector<1x160xf32>
    %slice3A_830 = vector.extract_strided_slice %slice3A_824 {offsets = [0, 0], sizes = [160, 128], strides = [1, 1]} : vector<160x1536xbf16> to vector<160x128xbf16>
    %slice3A_831 = vector.extract_strided_slice %slice3A_824 {offsets = [0, 512], sizes = [160, 128], strides = [1, 1]} : vector<160x1536xbf16> to vector<160x128xbf16>
    %slice3A_832 = vector.extract_strided_slice %slice3A_824 {offsets = [0, 1024], sizes = [160, 128], strides = [1, 1]} : vector<160x1536xbf16> to vector<160x128xbf16>
    %dot_general3A_833 = arith.constant dense<0.000000e+00> : vector<160x160xf32>
    %dot_general3A_834 = tpu.matmul %slice3A_830, %slice3A_831, %dot_general3A_833 {dimension_numbers = #tpu.dot_dimension_numbers<[1], [1], [0], [0], [0, 0, 1, 0], [], []>, transpose_lhs_hint = false} : vector<160x128xbf16>, vector<160x128xbf16>, vector<160x160xf32> -> vector<160x160xf32>
    %add3A_835 = vector.broadcast %get3A_829 : vector<1x160xf32> to vector<160x160xf32>
    %add3A_836 = arith.addf %dot_general3A_834, %add3A_835 : vector<160x160xf32>
    %exp3A_837 = math.exp %add3A_836 : vector<160x160xf32>
    %reduce_sum3A_838 = arith.constant dense<0.000000e+00> : vector<160xf32>
    %reduce_sum3A_839 = vector.multi_reduction <add>, %exp3A_837, %reduce_sum3A_838 [1] : vector<160x160xf32> to vector<160xf32>
    %broadcast_in_dim3A_840 = vector.shape_cast %reduce_sum3A_839 : vector<160xf32> to vector<160x1xf32>
    %div3A_841 = vector.broadcast %broadcast_in_dim3A_840 : vector<160x1xf32> to vector<160x160xf32>
    %div3A_842 = arith.divf %exp3A_837, %div3A_841 : vector<160x160xf32>
    %convert_element_type3A_843 = arith.truncf %div3A_842 : vector<160x160xf32> to vector<160x160xbf16>
    %dot_general3A_844 = arith.constant dense<0.000000e+00> : vector<160x128xf32>
    %dot_general3A_845 = tpu.matmul %convert_element_type3A_843, %slice3A_832, %dot_general3A_844 {dimension_numbers = #tpu.dot_dimension_numbers<[1], [0], [0], [1], [0, 0, 1, 1], [], []>, transpose_lhs_hint = false} : vector<160x160xbf16>, vector<160x128xbf16>, vector<160x128xf32> -> vector<160x128xf32>
    %convert_element_type3A_846 = arith.truncf %dot_general3A_845 : vector<160x128xf32> to vector<160x128xbf16>
    %slice3A_847 = vector.extract_strided_slice %slice3A_824 {offsets = [0, 128], sizes = [160, 128], strides = [1, 1]} : vector<160x1536xbf16> to vector<160x128xbf16>
    %slice3A_848 = vector.extract_strided_slice %slice3A_824 {offsets = [0, 640], sizes = [160, 128], strides = [1, 1]} : vector<160x1536xbf16> to vector<160x128xbf16>
    %slice3A_849 = vector.extract_strided_slice %slice3A_824 {offsets = [0, 1152], sizes = [160, 128], strides = [1, 1]} : vector<160x1536xbf16> to vector<160x128xbf16>
    %dot_general3A_850 = arith.constant dense<0.000000e+00> : vector<160x160xf32>
    %dot_general3A_851 = tpu.matmul %slice3A_847, %slice3A_848, %dot_general3A_850 {dimension_numbers = #tpu.dot_dimension_numbers<[1], [1], [0], [0], [0, 0, 1, 0], [], []>, transpose_lhs_hint = false} : vector<160x128xbf16>, vector<160x128xbf16>, vector<160x160xf32> -> vector<160x160xf32>
    %add3A_852 = vector.broadcast %get3A_829 : vector<1x160xf32> to vector<160x160xf32>
    %add3A_853 = arith.addf %dot_general3A_851, %add3A_852 : vector<160x160xf32>
    %exp3A_854 = math.exp %add3A_853 : vector<160x160xf32>
    %reduce_sum3A_855 = arith.constant dense<0.000000e+00> : vector<160xf32>
    %reduce_sum3A_856 = vector.multi_reduction <add>, %exp3A_854, %reduce_sum3A_855 [1] : vector<160x160xf32> to vector<160xf32>
    %broadcast_in_dim3A_857 = vector.shape_cast %reduce_sum3A_856 : vector<160xf32> to vector<160x1xf32>
    %div3A_858 = vector.broadcast %broadcast_in_dim3A_857 : vector<160x1xf32> to vector<160x160xf32>
    %div3A_859 = arith.divf %exp3A_854, %div3A_858 : vector<160x160xf32>
    %convert_element_type3A_860 = arith.truncf %div3A_859 : vector<160x160xf32> to vector<160x160xbf16>
    %dot_general3A_861 = arith.constant dense<0.000000e+00> : vector<160x128xf32>
    %dot_general3A_862 = tpu.matmul %convert_element_type3A_860, %slice3A_849, %dot_general3A_861 {dimension_numbers = #tpu.dot_dimension_numbers<[1], [0], [0], [1], [0, 0, 1, 1], [], []>, transpose_lhs_hint = false} : vector<160x160xbf16>, vector<160x128xbf16>, vector<160x128xf32> -> vector<160x128xf32>
    %convert_element_type3A_863 = arith.truncf %dot_general3A_862 : vector<160x128xf32> to vector<160x128xbf16>
    %slice3A_864 = vector.extract_strided_slice %slice3A_824 {offsets = [0, 256], sizes = [160, 128], strides = [1, 1]} : vector<160x1536xbf16> to vector<160x128xbf16>
    %slice3A_865 = vector.extract_strided_slice %slice3A_824 {offsets = [0, 768], sizes = [160, 128], strides = [1, 1]} : vector<160x1536xbf16> to vector<160x128xbf16>
    %slice3A_866 = vector.extract_strided_slice %slice3A_824 {offsets = [0, 1280], sizes = [160, 128], strides = [1, 1]} : vector<160x1536xbf16> to vector<160x128xbf16>
    %dot_general3A_867 = arith.constant dense<0.000000e+00> : vector<160x160xf32>
    %dot_general3A_868 = tpu.matmul %slice3A_864, %slice3A_865, %dot_general3A_867 {dimension_numbers = #tpu.dot_dimension_numbers<[1], [1], [0], [0], [0, 0, 1, 0], [], []>, transpose_lhs_hint = false} : vector<160x128xbf16>, vector<160x128xbf16>, vector<160x160xf32> -> vector<160x160xf32>
    %add3A_869 = vector.broadcast %get3A_829 : vector<1x160xf32> to vector<160x160xf32>
    %add3A_870 = arith.addf %dot_general3A_868, %add3A_869 : vector<160x160xf32>
    %exp3A_871 = math.exp %add3A_870 : vector<160x160xf32>
    %reduce_sum3A_872 = arith.constant dense<0.000000e+00> : vector<160xf32>
    %reduce_sum3A_873 = vector.multi_reduction <add>, %exp3A_871, %reduce_sum3A_872 [1] : vector<160x160xf32> to vector<160xf32>
    %broadcast_in_dim3A_874 = vector.shape_cast %reduce_sum3A_873 : vector<160xf32> to vector<160x1xf32>
    %div3A_875 = vector.broadcast %broadcast_in_dim3A_874 : vector<160x1xf32> to vector<160x160xf32>
    %div3A_876 = arith.divf %exp3A_871, %div3A_875 : vector<160x160xf32>
    %convert_element_type3A_877 = arith.truncf %div3A_876 : vector<160x160xf32> to vector<160x160xbf16>
    %dot_general3A_878 = arith.constant dense<0.000000e+00> : vector<160x128xf32>
    %dot_general3A_879 = tpu.matmul %convert_element_type3A_877, %slice3A_866, %dot_general3A_878 {dimension_numbers = #tpu.dot_dimension_numbers<[1], [0], [0], [1], [0, 0, 1, 1], [], []>, transpose_lhs_hint = false} : vector<160x160xbf16>, vector<160x128xbf16>, vector<160x128xf32> -> vector<160x128xf32>
    %convert_element_type3A_880 = arith.truncf %dot_general3A_879 : vector<160x128xf32> to vector<160x128xbf16>
    %slice3A_881 = vector.extract_strided_slice %slice3A_824 {offsets = [0, 384], sizes = [160, 128], strides = [1, 1]} : vector<160x1536xbf16> to vector<160x128xbf16>
    %slice3A_882 = vector.extract_strided_slice %slice3A_824 {offsets = [0, 896], sizes = [160, 128], strides = [1, 1]} : vector<160x1536xbf16> to vector<160x128xbf16>
    %slice3A_883 = vector.extract_strided_slice %slice3A_824 {offsets = [0, 1408], sizes = [160, 128], strides = [1, 1]} : vector<160x1536xbf16> to vector<160x128xbf16>
    %dot_general3A_884 = arith.constant dense<0.000000e+00> : vector<160x160xf32>
    %dot_general3A_885 = tpu.matmul %slice3A_881, %slice3A_882, %dot_general3A_884 {dimension_numbers = #tpu.dot_dimension_numbers<[1], [1], [0], [0], [0, 0, 1, 0], [], []>, transpose_lhs_hint = false} : vector<160x128xbf16>, vector<160x128xbf16>, vector<160x160xf32> -> vector<160x160xf32>
    %add3A_886 = vector.broadcast %get3A_829 : vector<1x160xf32> to vector<160x160xf32>
    %add3A_887 = arith.addf %dot_general3A_885, %add3A_886 : vector<160x160xf32>
    %exp3A_888 = math.exp %add3A_887 : vector<160x160xf32>
    %reduce_sum3A_889 = arith.constant dense<0.000000e+00> : vector<160xf32>
    %reduce_sum3A_890 = vector.multi_reduction <add>, %exp3A_888, %reduce_sum3A_889 [1] : vector<160x160xf32> to vector<160xf32>
    %broadcast_in_dim3A_891 = vector.shape_cast %reduce_sum3A_890 : vector<160xf32> to vector<160x1xf32>
    %div3A_892 = vector.broadcast %broadcast_in_dim3A_891 : vector<160x1xf32> to vector<160x160xf32>
    %div3A_893 = arith.divf %exp3A_888, %div3A_892 : vector<160x160xf32>
    %convert_element_type3A_894 = arith.truncf %div3A_893 : vector<160x160xf32> to vector<160x160xbf16>
    %dot_general3A_895 = arith.constant dense<0.000000e+00> : vector<160x128xf32>
    %dot_general3A_896 = tpu.matmul %convert_element_type3A_894, %slice3A_883, %dot_general3A_895 {dimension_numbers = #tpu.dot_dimension_numbers<[1], [0], [0], [1], [0, 0, 1, 1], [], []>, transpose_lhs_hint = false} : vector<160x160xbf16>, vector<160x128xbf16>, vector<160x128xf32> -> vector<160x128xf32>
    %convert_element_type3A_897 = arith.truncf %dot_general3A_896 : vector<160x128xf32> to vector<160x128xbf16>
    %slice3A_898 = vector.extract_strided_slice %convert_element_type3A_13 {offsets = [1920, 0], sizes = [160, 1536], strides = [1, 1]} : vector<2560x1536xbf16> to vector<160x1536xbf16>
    %get3A_899 = arith.constant 0 : index
    %get3A_900 = arith.constant 0 : index
    %get3A_901 = arith.constant 0 : index
    %get3A_902 = vector.load %arg4[%get3A_899, %get3A_900, %get3A_901] : memref<4x1x160xf32, #tpu.memory_space<vmem>>, vector<1x1x160xf32>
    %get3A_903 = vector.shape_cast %get3A_902 : vector<1x1x160xf32> to vector<1x160xf32>
    %slice3A_904 = vector.extract_strided_slice %slice3A_898 {offsets = [0, 0], sizes = [160, 128], strides = [1, 1]} : vector<160x1536xbf16> to vector<160x128xbf16>
    %slice3A_905 = vector.extract_strided_slice %slice3A_898 {offsets = [0, 512], sizes = [160, 128], strides = [1, 1]} : vector<160x1536xbf16> to vector<160x128xbf16>
    %slice3A_906 = vector.extract_strided_slice %slice3A_898 {offsets = [0, 1024], sizes = [160, 128], strides = [1, 1]} : vector<160x1536xbf16> to vector<160x128xbf16>
    %dot_general3A_907 = arith.constant dense<0.000000e+00> : vector<160x160xf32>
    %dot_general3A_908 = tpu.matmul %slice3A_904, %slice3A_905, %dot_general3A_907 {dimension_numbers = #tpu.dot_dimension_numbers<[1], [1], [0], [0], [0, 0, 1, 0], [], []>, transpose_lhs_hint = false} : vector<160x128xbf16>, vector<160x128xbf16>, vector<160x160xf32> -> vector<160x160xf32>
    %add3A_909 = vector.broadcast %get3A_903 : vector<1x160xf32> to vector<160x160xf32>
    %add3A_910 = arith.addf %dot_general3A_908, %add3A_909 : vector<160x160xf32>
    %exp3A_911 = math.exp %add3A_910 : vector<160x160xf32>
    %reduce_sum3A_912 = arith.constant dense<0.000000e+00> : vector<160xf32>
    %reduce_sum3A_913 = vector.multi_reduction <add>, %exp3A_911, %reduce_sum3A_912 [1] : vector<160x160xf32> to vector<160xf32>
    %broadcast_in_dim3A_914 = vector.shape_cast %reduce_sum3A_913 : vector<160xf32> to vector<160x1xf32>
    %div3A_915 = vector.broadcast %broadcast_in_dim3A_914 : vector<160x1xf32> to vector<160x160xf32>
    %div3A_916 = arith.divf %exp3A_911, %div3A_915 : vector<160x160xf32>
    %convert_element_type3A_917 = arith.truncf %div3A_916 : vector<160x160xf32> to vector<160x160xbf16>
    %dot_general3A_918 = arith.constant dense<0.000000e+00> : vector<160x128xf32>
    %dot_general3A_919 = tpu.matmul %convert_element_type3A_917, %slice3A_906, %dot_general3A_918 {dimension_numbers = #tpu.dot_dimension_numbers<[1], [0], [0], [1], [0, 0, 1, 1], [], []>, transpose_lhs_hint = false} : vector<160x160xbf16>, vector<160x128xbf16>, vector<160x128xf32> -> vector<160x128xf32>
    %convert_element_type3A_920 = arith.truncf %dot_general3A_919 : vector<160x128xf32> to vector<160x128xbf16>
    %slice3A_921 = vector.extract_strided_slice %slice3A_898 {offsets = [0, 128], sizes = [160, 128], strides = [1, 1]} : vector<160x1536xbf16> to vector<160x128xbf16>
    %slice3A_922 = vector.extract_strided_slice %slice3A_898 {offsets = [0, 640], sizes = [160, 128], strides = [1, 1]} : vector<160x1536xbf16> to vector<160x128xbf16>
    %slice3A_923 = vector.extract_strided_slice %slice3A_898 {offsets = [0, 1152], sizes = [160, 128], strides = [1, 1]} : vector<160x1536xbf16> to vector<160x128xbf16>
    %dot_general3A_924 = arith.constant dense<0.000000e+00> : vector<160x160xf32>
    %dot_general3A_925 = tpu.matmul %slice3A_921, %slice3A_922, %dot_general3A_924 {dimension_numbers = #tpu.dot_dimension_numbers<[1], [1], [0], [0], [0, 0, 1, 0], [], []>, transpose_lhs_hint = false} : vector<160x128xbf16>, vector<160x128xbf16>, vector<160x160xf32> -> vector<160x160xf32>
    %add3A_926 = vector.broadcast %get3A_903 : vector<1x160xf32> to vector<160x160xf32>
    %add3A_927 = arith.addf %dot_general3A_925, %add3A_926 : vector<160x160xf32>
    %exp3A_928 = math.exp %add3A_927 : vector<160x160xf32>
    %reduce_sum3A_929 = arith.constant dense<0.000000e+00> : vector<160xf32>
    %reduce_sum3A_930 = vector.multi_reduction <add>, %exp3A_928, %reduce_sum3A_929 [1] : vector<160x160xf32> to vector<160xf32>
    %broadcast_in_dim3A_931 = vector.shape_cast %reduce_sum3A_930 : vector<160xf32> to vector<160x1xf32>
    %div3A_932 = vector.broadcast %broadcast_in_dim3A_931 : vector<160x1xf32> to vector<160x160xf32>
    %div3A_933 = arith.divf %exp3A_928, %div3A_932 : vector<160x160xf32>
    %convert_element_type3A_934 = arith.truncf %div3A_933 : vector<160x160xf32> to vector<160x160xbf16>
    %dot_general3A_935 = arith.constant dense<0.000000e+00> : vector<160x128xf32>
    %dot_general3A_936 = tpu.matmul %convert_element_type3A_934, %slice3A_923, %dot_general3A_935 {dimension_numbers = #tpu.dot_dimension_numbers<[1], [0], [0], [1], [0, 0, 1, 1], [], []>, transpose_lhs_hint = false} : vector<160x160xbf16>, vector<160x128xbf16>, vector<160x128xf32> -> vector<160x128xf32>
    %convert_element_type3A_937 = arith.truncf %dot_general3A_936 : vector<160x128xf32> to vector<160x128xbf16>
    %slice3A_938 = vector.extract_strided_slice %slice3A_898 {offsets = [0, 256], sizes = [160, 128], strides = [1, 1]} : vector<160x1536xbf16> to vector<160x128xbf16>
    %slice3A_939 = vector.extract_strided_slice %slice3A_898 {offsets = [0, 768], sizes = [160, 128], strides = [1, 1]} : vector<160x1536xbf16> to vector<160x128xbf16>
    %slice3A_940 = vector.extract_strided_slice %slice3A_898 {offsets = [0, 1280], sizes = [160, 128], strides = [1, 1]} : vector<160x1536xbf16> to vector<160x128xbf16>
    %dot_general3A_941 = arith.constant dense<0.000000e+00> : vector<160x160xf32>
    %dot_general3A_942 = tpu.matmul %slice3A_938, %slice3A_939, %dot_general3A_941 {dimension_numbers = #tpu.dot_dimension_numbers<[1], [1], [0], [0], [0, 0, 1, 0], [], []>, transpose_lhs_hint = false} : vector<160x128xbf16>, vector<160x128xbf16>, vector<160x160xf32> -> vector<160x160xf32>
    %add3A_943 = vector.broadcast %get3A_903 : vector<1x160xf32> to vector<160x160xf32>
    %add3A_944 = arith.addf %dot_general3A_942, %add3A_943 : vector<160x160xf32>
    %exp3A_945 = math.exp %add3A_944 : vector<160x160xf32>
    %reduce_sum3A_946 = arith.constant dense<0.000000e+00> : vector<160xf32>
    %reduce_sum3A_947 = vector.multi_reduction <add>, %exp3A_945, %reduce_sum3A_946 [1] : vector<160x160xf32> to vector<160xf32>
    %broadcast_in_dim3A_948 = vector.shape_cast %reduce_sum3A_947 : vector<160xf32> to vector<160x1xf32>
    %div3A_949 = vector.broadcast %broadcast_in_dim3A_948 : vector<160x1xf32> to vector<160x160xf32>
    %div3A_950 = arith.divf %exp3A_945, %div3A_949 : vector<160x160xf32>
    %convert_element_type3A_951 = arith.truncf %div3A_950 : vector<160x160xf32> to vector<160x160xbf16>
    %dot_general3A_952 = arith.constant dense<0.000000e+00> : vector<160x128xf32>
    %dot_general3A_953 = tpu.matmul %convert_element_type3A_951, %slice3A_940, %dot_general3A_952 {dimension_numbers = #tpu.dot_dimension_numbers<[1], [0], [0], [1], [0, 0, 1, 1], [], []>, transpose_lhs_hint = false} : vector<160x160xbf16>, vector<160x128xbf16>, vector<160x128xf32> -> vector<160x128xf32>
    %convert_element_type3A_954 = arith.truncf %dot_general3A_953 : vector<160x128xf32> to vector<160x128xbf16>
    %slice3A_955 = vector.extract_strided_slice %slice3A_898 {offsets = [0, 384], sizes = [160, 128], strides = [1, 1]} : vector<160x1536xbf16> to vector<160x128xbf16>
    %slice3A_956 = vector.extract_strided_slice %slice3A_898 {offsets = [0, 896], sizes = [160, 128], strides = [1, 1]} : vector<160x1536xbf16> to vector<160x128xbf16>
    %slice3A_957 = vector.extract_strided_slice %slice3A_898 {offsets = [0, 1408], sizes = [160, 128], strides = [1, 1]} : vector<160x1536xbf16> to vector<160x128xbf16>
    %dot_general3A_958 = arith.constant dense<0.000000e+00> : vector<160x160xf32>
    %dot_general3A_959 = tpu.matmul %slice3A_955, %slice3A_956, %dot_general3A_958 {dimension_numbers = #tpu.dot_dimension_numbers<[1], [1], [0], [0], [0, 0, 1, 0], [], []>, transpose_lhs_hint = false} : vector<160x128xbf16>, vector<160x128xbf16>, vector<160x160xf32> -> vector<160x160xf32>
    %add3A_960 = vector.broadcast %get3A_903 : vector<1x160xf32> to vector<160x160xf32>
    %add3A_961 = arith.addf %dot_general3A_959, %add3A_960 : vector<160x160xf32>
    %exp3A_962 = math.exp %add3A_961 : vector<160x160xf32>
    %reduce_sum3A_963 = arith.constant dense<0.000000e+00> : vector<160xf32>
    %reduce_sum3A_964 = vector.multi_reduction <add>, %exp3A_962, %reduce_sum3A_963 [1] : vector<160x160xf32> to vector<160xf32>
    %broadcast_in_dim3A_965 = vector.shape_cast %reduce_sum3A_964 : vector<160xf32> to vector<160x1xf32>
    %div3A_966 = vector.broadcast %broadcast_in_dim3A_965 : vector<160x1xf32> to vector<160x160xf32>
    %div3A_967 = arith.divf %exp3A_962, %div3A_966 : vector<160x160xf32>
    %convert_element_type3A_968 = arith.truncf %div3A_967 : vector<160x160xf32> to vector<160x160xbf16>
    %dot_general3A_969 = arith.constant dense<0.000000e+00> : vector<160x128xf32>
    %dot_general3A_970 = tpu.matmul %convert_element_type3A_968, %slice3A_957, %dot_general3A_969 {dimension_numbers = #tpu.dot_dimension_numbers<[1], [0], [0], [1], [0, 0, 1, 1], [], []>, transpose_lhs_hint = false} : vector<160x160xbf16>, vector<160x128xbf16>, vector<160x128xf32> -> vector<160x128xf32>
    %convert_element_type3A_971 = arith.truncf %dot_general3A_970 : vector<160x128xf32> to vector<160x128xbf16>
    %slice3A_972 = vector.extract_strided_slice %convert_element_type3A_13 {offsets = [2080, 0], sizes = [160, 1536], strides = [1, 1]} : vector<2560x1536xbf16> to vector<160x1536xbf16>
    %get3A_973 = arith.constant 1 : index
    %get3A_974 = arith.constant 0 : index
    %get3A_975 = arith.constant 0 : index
    %get3A_976 = vector.load %arg4[%get3A_973, %get3A_974, %get3A_975] : memref<4x1x160xf32, #tpu.memory_space<vmem>>, vector<1x1x160xf32>
    %get3A_977 = vector.shape_cast %get3A_976 : vector<1x1x160xf32> to vector<1x160xf32>
    %slice3A_978 = vector.extract_strided_slice %slice3A_972 {offsets = [0, 0], sizes = [160, 128], strides = [1, 1]} : vector<160x1536xbf16> to vector<160x128xbf16>
    %slice3A_979 = vector.extract_strided_slice %slice3A_972 {offsets = [0, 512], sizes = [160, 128], strides = [1, 1]} : vector<160x1536xbf16> to vector<160x128xbf16>
    %slice3A_980 = vector.extract_strided_slice %slice3A_972 {offsets = [0, 1024], sizes = [160, 128], strides = [1, 1]} : vector<160x1536xbf16> to vector<160x128xbf16>
    %dot_general3A_981 = arith.constant dense<0.000000e+00> : vector<160x160xf32>
    %dot_general3A_982 = tpu.matmul %slice3A_978, %slice3A_979, %dot_general3A_981 {dimension_numbers = #tpu.dot_dimension_numbers<[1], [1], [0], [0], [0, 0, 1, 0], [], []>, transpose_lhs_hint = false} : vector<160x128xbf16>, vector<160x128xbf16>, vector<160x160xf32> -> vector<160x160xf32>
    %add3A_983 = vector.broadcast %get3A_977 : vector<1x160xf32> to vector<160x160xf32>
    %add3A_984 = arith.addf %dot_general3A_982, %add3A_983 : vector<160x160xf32>
    %exp3A_985 = math.exp %add3A_984 : vector<160x160xf32>
    %reduce_sum3A_986 = arith.constant dense<0.000000e+00> : vector<160xf32>
    %reduce_sum3A_987 = vector.multi_reduction <add>, %exp3A_985, %reduce_sum3A_986 [1] : vector<160x160xf32> to vector<160xf32>
    %broadcast_in_dim3A_988 = vector.shape_cast %reduce_sum3A_987 : vector<160xf32> to vector<160x1xf32>
    %div3A_989 = vector.broadcast %broadcast_in_dim3A_988 : vector<160x1xf32> to vector<160x160xf32>
    %div3A_990 = arith.divf %exp3A_985, %div3A_989 : vector<160x160xf32>
    %convert_element_type3A_991 = arith.truncf %div3A_990 : vector<160x160xf32> to vector<160x160xbf16>
    %dot_general3A_992 = arith.constant dense<0.000000e+00> : vector<160x128xf32>
    %dot_general3A_993 = tpu.matmul %convert_element_type3A_991, %slice3A_980, %dot_general3A_992 {dimension_numbers = #tpu.dot_dimension_numbers<[1], [0], [0], [1], [0, 0, 1, 1], [], []>, transpose_lhs_hint = false} : vector<160x160xbf16>, vector<160x128xbf16>, vector<160x128xf32> -> vector<160x128xf32>
    %convert_element_type3A_994 = arith.truncf %dot_general3A_993 : vector<160x128xf32> to vector<160x128xbf16>
    %slice3A_995 = vector.extract_strided_slice %slice3A_972 {offsets = [0, 128], sizes = [160, 128], strides = [1, 1]} : vector<160x1536xbf16> to vector<160x128xbf16>
    %slice3A_996 = vector.extract_strided_slice %slice3A_972 {offsets = [0, 640], sizes = [160, 128], strides = [1, 1]} : vector<160x1536xbf16> to vector<160x128xbf16>
    %slice3A_997 = vector.extract_strided_slice %slice3A_972 {offsets = [0, 1152], sizes = [160, 128], strides = [1, 1]} : vector<160x1536xbf16> to vector<160x128xbf16>
    %dot_general3A_998 = arith.constant dense<0.000000e+00> : vector<160x160xf32>
    %dot_general3A_999 = tpu.matmul %slice3A_995, %slice3A_996, %dot_general3A_998 {dimension_numbers = #tpu.dot_dimension_numbers<[1], [1], [0], [0], [0, 0, 1, 0], [], []>, transpose_lhs_hint = false} : vector<160x128xbf16>, vector<160x128xbf16>, vector<160x160xf32> -> vector<160x160xf32>
    %add3A_1000 = vector.broadcast %get3A_977 : vector<1x160xf32> to vector<160x160xf32>
    %add3A_1001 = arith.addf %dot_general3A_999, %add3A_1000 : vector<160x160xf32>
    %exp3A_1002 = math.exp %add3A_1001 : vector<160x160xf32>
    %reduce_sum3A_1003 = arith.constant dense<0.000000e+00> : vector<160xf32>
    %reduce_sum3A_1004 = vector.multi_reduction <add>, %exp3A_1002, %reduce_sum3A_1003 [1] : vector<160x160xf32> to vector<160xf32>
    %broadcast_in_dim3A_1005 = vector.shape_cast %reduce_sum3A_1004 : vector<160xf32> to vector<160x1xf32>
    %div3A_1006 = vector.broadcast %broadcast_in_dim3A_1005 : vector<160x1xf32> to vector<160x160xf32>
    %div3A_1007 = arith.divf %exp3A_1002, %div3A_1006 : vector<160x160xf32>
    %convert_element_type3A_1008 = arith.truncf %div3A_1007 : vector<160x160xf32> to vector<160x160xbf16>
    %dot_general3A_1009 = arith.constant dense<0.000000e+00> : vector<160x128xf32>
    %dot_general3A_1010 = tpu.matmul %convert_element_type3A_1008, %slice3A_997, %dot_general3A_1009 {dimension_numbers = #tpu.dot_dimension_numbers<[1], [0], [0], [1], [0, 0, 1, 1], [], []>, transpose_lhs_hint = false} : vector<160x160xbf16>, vector<160x128xbf16>, vector<160x128xf32> -> vector<160x128xf32>
    %convert_element_type3A_1011 = arith.truncf %dot_general3A_1010 : vector<160x128xf32> to vector<160x128xbf16>
    %slice3A_1012 = vector.extract_strided_slice %slice3A_972 {offsets = [0, 256], sizes = [160, 128], strides = [1, 1]} : vector<160x1536xbf16> to vector<160x128xbf16>
    %slice3A_1013 = vector.extract_strided_slice %slice3A_972 {offsets = [0, 768], sizes = [160, 128], strides = [1, 1]} : vector<160x1536xbf16> to vector<160x128xbf16>
    %slice3A_1014 = vector.extract_strided_slice %slice3A_972 {offsets = [0, 1280], sizes = [160, 128], strides = [1, 1]} : vector<160x1536xbf16> to vector<160x128xbf16>
    %dot_general3A_1015 = arith.constant dense<0.000000e+00> : vector<160x160xf32>
    %dot_general3A_1016 = tpu.matmul %slice3A_1012, %slice3A_1013, %dot_general3A_1015 {dimension_numbers = #tpu.dot_dimension_numbers<[1], [1], [0], [0], [0, 0, 1, 0], [], []>, transpose_lhs_hint = false} : vector<160x128xbf16>, vector<160x128xbf16>, vector<160x160xf32> -> vector<160x160xf32>
    %add3A_1017 = vector.broadcast %get3A_977 : vector<1x160xf32> to vector<160x160xf32>
    %add3A_1018 = arith.addf %dot_general3A_1016, %add3A_1017 : vector<160x160xf32>
    %exp3A_1019 = math.exp %add3A_1018 : vector<160x160xf32>
    %reduce_sum3A_1020 = arith.constant dense<0.000000e+00> : vector<160xf32>
    %reduce_sum3A_1021 = vector.multi_reduction <add>, %exp3A_1019, %reduce_sum3A_1020 [1] : vector<160x160xf32> to vector<160xf32>
    %broadcast_in_dim3A_1022 = vector.shape_cast %reduce_sum3A_1021 : vector<160xf32> to vector<160x1xf32>
    %div3A_1023 = vector.broadcast %broadcast_in_dim3A_1022 : vector<160x1xf32> to vector<160x160xf32>
    %div3A_1024 = arith.divf %exp3A_1019, %div3A_1023 : vector<160x160xf32>
    %convert_element_type3A_1025 = arith.truncf %div3A_1024 : vector<160x160xf32> to vector<160x160xbf16>
    %dot_general3A_1026 = arith.constant dense<0.000000e+00> : vector<160x128xf32>
    %dot_general3A_1027 = tpu.matmul %convert_element_type3A_1025, %slice3A_1014, %dot_general3A_1026 {dimension_numbers = #tpu.dot_dimension_numbers<[1], [0], [0], [1], [0, 0, 1, 1], [], []>, transpose_lhs_hint = false} : vector<160x160xbf16>, vector<160x128xbf16>, vector<160x128xf32> -> vector<160x128xf32>
    %convert_element_type3A_1028 = arith.truncf %dot_general3A_1027 : vector<160x128xf32> to vector<160x128xbf16>
    %slice3A_1029 = vector.extract_strided_slice %slice3A_972 {offsets = [0, 384], sizes = [160, 128], strides = [1, 1]} : vector<160x1536xbf16> to vector<160x128xbf16>
    %slice3A_1030 = vector.extract_strided_slice %slice3A_972 {offsets = [0, 896], sizes = [160, 128], strides = [1, 1]} : vector<160x1536xbf16> to vector<160x128xbf16>
    %slice3A_1031 = vector.extract_strided_slice %slice3A_972 {offsets = [0, 1408], sizes = [160, 128], strides = [1, 1]} : vector<160x1536xbf16> to vector<160x128xbf16>
    %dot_general3A_1032 = arith.constant dense<0.000000e+00> : vector<160x160xf32>
    %dot_general3A_1033 = tpu.matmul %slice3A_1029, %slice3A_1030, %dot_general3A_1032 {dimension_numbers = #tpu.dot_dimension_numbers<[1], [1], [0], [0], [0, 0, 1, 0], [], []>, transpose_lhs_hint = false} : vector<160x128xbf16>, vector<160x128xbf16>, vector<160x160xf32> -> vector<160x160xf32>
    %add3A_1034 = vector.broadcast %get3A_977 : vector<1x160xf32> to vector<160x160xf32>
    %add3A_1035 = arith.addf %dot_general3A_1033, %add3A_1034 : vector<160x160xf32>
    %exp3A_1036 = math.exp %add3A_1035 : vector<160x160xf32>
    %reduce_sum3A_1037 = arith.constant dense<0.000000e+00> : vector<160xf32>
    %reduce_sum3A_1038 = vector.multi_reduction <add>, %exp3A_1036, %reduce_sum3A_1037 [1] : vector<160x160xf32> to vector<160xf32>
    %broadcast_in_dim3A_1039 = vector.shape_cast %reduce_sum3A_1038 : vector<160xf32> to vector<160x1xf32>
    %div3A_1040 = vector.broadcast %broadcast_in_dim3A_1039 : vector<160x1xf32> to vector<160x160xf32>
    %div3A_1041 = arith.divf %exp3A_1036, %div3A_1040 : vector<160x160xf32>
    %convert_element_type3A_1042 = arith.truncf %div3A_1041 : vector<160x160xf32> to vector<160x160xbf16>
    %dot_general3A_1043 = arith.constant dense<0.000000e+00> : vector<160x128xf32>
    %dot_general3A_1044 = tpu.matmul %convert_element_type3A_1042, %slice3A_1031, %dot_general3A_1043 {dimension_numbers = #tpu.dot_dimension_numbers<[1], [0], [0], [1], [0, 0, 1, 1], [], []>, transpose_lhs_hint = false} : vector<160x160xbf16>, vector<160x128xbf16>, vector<160x128xf32> -> vector<160x128xf32>
    %convert_element_type3A_1045 = arith.truncf %dot_general3A_1044 : vector<160x128xf32> to vector<160x128xbf16>
    %slice3A_1046 = vector.extract_strided_slice %convert_element_type3A_13 {offsets = [2240, 0], sizes = [160, 1536], strides = [1, 1]} : vector<2560x1536xbf16> to vector<160x1536xbf16>
    %get3A_1047 = arith.constant 2 : index
    %get3A_1048 = arith.constant 0 : index
    %get3A_1049 = arith.constant 0 : index
    %get3A_1050 = vector.load %arg4[%get3A_1047, %get3A_1048, %get3A_1049] : memref<4x1x160xf32, #tpu.memory_space<vmem>>, vector<1x1x160xf32>
    %get3A_1051 = vector.shape_cast %get3A_1050 : vector<1x1x160xf32> to vector<1x160xf32>
    %slice3A_1052 = vector.extract_strided_slice %slice3A_1046 {offsets = [0, 0], sizes = [160, 128], strides = [1, 1]} : vector<160x1536xbf16> to vector<160x128xbf16>
    %slice3A_1053 = vector.extract_strided_slice %slice3A_1046 {offsets = [0, 512], sizes = [160, 128], strides = [1, 1]} : vector<160x1536xbf16> to vector<160x128xbf16>
    %slice3A_1054 = vector.extract_strided_slice %slice3A_1046 {offsets = [0, 1024], sizes = [160, 128], strides = [1, 1]} : vector<160x1536xbf16> to vector<160x128xbf16>
    %dot_general3A_1055 = arith.constant dense<0.000000e+00> : vector<160x160xf32>
    %dot_general3A_1056 = tpu.matmul %slice3A_1052, %slice3A_1053, %dot_general3A_1055 {dimension_numbers = #tpu.dot_dimension_numbers<[1], [1], [0], [0], [0, 0, 1, 0], [], []>, transpose_lhs_hint = false} : vector<160x128xbf16>, vector<160x128xbf16>, vector<160x160xf32> -> vector<160x160xf32>
    %add3A_1057 = vector.broadcast %get3A_1051 : vector<1x160xf32> to vector<160x160xf32>
    %add3A_1058 = arith.addf %dot_general3A_1056, %add3A_1057 : vector<160x160xf32>
    %exp3A_1059 = math.exp %add3A_1058 : vector<160x160xf32>
    %reduce_sum3A_1060 = arith.constant dense<0.000000e+00> : vector<160xf32>
    %reduce_sum3A_1061 = vector.multi_reduction <add>, %exp3A_1059, %reduce_sum3A_1060 [1] : vector<160x160xf32> to vector<160xf32>
    %broadcast_in_dim3A_1062 = vector.shape_cast %reduce_sum3A_1061 : vector<160xf32> to vector<160x1xf32>
    %div3A_1063 = vector.broadcast %broadcast_in_dim3A_1062 : vector<160x1xf32> to vector<160x160xf32>
    %div3A_1064 = arith.divf %exp3A_1059, %div3A_1063 : vector<160x160xf32>
    %convert_element_type3A_1065 = arith.truncf %div3A_1064 : vector<160x160xf32> to vector<160x160xbf16>
    %dot_general3A_1066 = arith.constant dense<0.000000e+00> : vector<160x128xf32>
    %dot_general3A_1067 = tpu.matmul %convert_element_type3A_1065, %slice3A_1054, %dot_general3A_1066 {dimension_numbers = #tpu.dot_dimension_numbers<[1], [0], [0], [1], [0, 0, 1, 1], [], []>, transpose_lhs_hint = false} : vector<160x160xbf16>, vector<160x128xbf16>, vector<160x128xf32> -> vector<160x128xf32>
    %convert_element_type3A_1068 = arith.truncf %dot_general3A_1067 : vector<160x128xf32> to vector<160x128xbf16>
    %slice3A_1069 = vector.extract_strided_slice %slice3A_1046 {offsets = [0, 128], sizes = [160, 128], strides = [1, 1]} : vector<160x1536xbf16> to vector<160x128xbf16>
    %slice3A_1070 = vector.extract_strided_slice %slice3A_1046 {offsets = [0, 640], sizes = [160, 128], strides = [1, 1]} : vector<160x1536xbf16> to vector<160x128xbf16>
    %slice3A_1071 = vector.extract_strided_slice %slice3A_1046 {offsets = [0, 1152], sizes = [160, 128], strides = [1, 1]} : vector<160x1536xbf16> to vector<160x128xbf16>
    %dot_general3A_1072 = arith.constant dense<0.000000e+00> : vector<160x160xf32>
    %dot_general3A_1073 = tpu.matmul %slice3A_1069, %slice3A_1070, %dot_general3A_1072 {dimension_numbers = #tpu.dot_dimension_numbers<[1], [1], [0], [0], [0, 0, 1, 0], [], []>, transpose_lhs_hint = false} : vector<160x128xbf16>, vector<160x128xbf16>, vector<160x160xf32> -> vector<160x160xf32>
    %add3A_1074 = vector.broadcast %get3A_1051 : vector<1x160xf32> to vector<160x160xf32>
    %add3A_1075 = arith.addf %dot_general3A_1073, %add3A_1074 : vector<160x160xf32>
    %exp3A_1076 = math.exp %add3A_1075 : vector<160x160xf32>
    %reduce_sum3A_1077 = arith.constant dense<0.000000e+00> : vector<160xf32>
    %reduce_sum3A_1078 = vector.multi_reduction <add>, %exp3A_1076, %reduce_sum3A_1077 [1] : vector<160x160xf32> to vector<160xf32>
    %broadcast_in_dim3A_1079 = vector.shape_cast %reduce_sum3A_1078 : vector<160xf32> to vector<160x1xf32>
    %div3A_1080 = vector.broadcast %broadcast_in_dim3A_1079 : vector<160x1xf32> to vector<160x160xf32>
    %div3A_1081 = arith.divf %exp3A_1076, %div3A_1080 : vector<160x160xf32>
    %convert_element_type3A_1082 = arith.truncf %div3A_1081 : vector<160x160xf32> to vector<160x160xbf16>
    %dot_general3A_1083 = arith.constant dense<0.000000e+00> : vector<160x128xf32>
    %dot_general3A_1084 = tpu.matmul %convert_element_type3A_1082, %slice3A_1071, %dot_general3A_1083 {dimension_numbers = #tpu.dot_dimension_numbers<[1], [0], [0], [1], [0, 0, 1, 1], [], []>, transpose_lhs_hint = false} : vector<160x160xbf16>, vector<160x128xbf16>, vector<160x128xf32> -> vector<160x128xf32>
    %convert_element_type3A_1085 = arith.truncf %dot_general3A_1084 : vector<160x128xf32> to vector<160x128xbf16>
    %slice3A_1086 = vector.extract_strided_slice %slice3A_1046 {offsets = [0, 256], sizes = [160, 128], strides = [1, 1]} : vector<160x1536xbf16> to vector<160x128xbf16>
    %slice3A_1087 = vector.extract_strided_slice %slice3A_1046 {offsets = [0, 768], sizes = [160, 128], strides = [1, 1]} : vector<160x1536xbf16> to vector<160x128xbf16>
    %slice3A_1088 = vector.extract_strided_slice %slice3A_1046 {offsets = [0, 1280], sizes = [160, 128], strides = [1, 1]} : vector<160x1536xbf16> to vector<160x128xbf16>
    %dot_general3A_1089 = arith.constant dense<0.000000e+00> : vector<160x160xf32>
    %dot_general3A_1090 = tpu.matmul %slice3A_1086, %slice3A_1087, %dot_general3A_1089 {dimension_numbers = #tpu.dot_dimension_numbers<[1], [1], [0], [0], [0, 0, 1, 0], [], []>, transpose_lhs_hint = false} : vector<160x128xbf16>, vector<160x128xbf16>, vector<160x160xf32> -> vector<160x160xf32>
    %add3A_1091 = vector.broadcast %get3A_1051 : vector<1x160xf32> to vector<160x160xf32>
    %add3A_1092 = arith.addf %dot_general3A_1090, %add3A_1091 : vector<160x160xf32>
    %exp3A_1093 = math.exp %add3A_1092 : vector<160x160xf32>
    %reduce_sum3A_1094 = arith.constant dense<0.000000e+00> : vector<160xf32>
    %reduce_sum3A_1095 = vector.multi_reduction <add>, %exp3A_1093, %reduce_sum3A_1094 [1] : vector<160x160xf32> to vector<160xf32>
    %broadcast_in_dim3A_1096 = vector.shape_cast %reduce_sum3A_1095 : vector<160xf32> to vector<160x1xf32>
    %div3A_1097 = vector.broadcast %broadcast_in_dim3A_1096 : vector<160x1xf32> to vector<160x160xf32>
    %div3A_1098 = arith.divf %exp3A_1093, %div3A_1097 : vector<160x160xf32>
    %convert_element_type3A_1099 = arith.truncf %div3A_1098 : vector<160x160xf32> to vector<160x160xbf16>
    %dot_general3A_1100 = arith.constant dense<0.000000e+00> : vector<160x128xf32>
    %dot_general3A_1101 = tpu.matmul %convert_element_type3A_1099, %slice3A_1088, %dot_general3A_1100 {dimension_numbers = #tpu.dot_dimension_numbers<[1], [0], [0], [1], [0, 0, 1, 1], [], []>, transpose_lhs_hint = false} : vector<160x160xbf16>, vector<160x128xbf16>, vector<160x128xf32> -> vector<160x128xf32>
    %convert_element_type3A_1102 = arith.truncf %dot_general3A_1101 : vector<160x128xf32> to vector<160x128xbf16>
    %slice3A_1103 = vector.extract_strided_slice %slice3A_1046 {offsets = [0, 384], sizes = [160, 128], strides = [1, 1]} : vector<160x1536xbf16> to vector<160x128xbf16>
    %slice3A_1104 = vector.extract_strided_slice %slice3A_1046 {offsets = [0, 896], sizes = [160, 128], strides = [1, 1]} : vector<160x1536xbf16> to vector<160x128xbf16>
    %slice3A_1105 = vector.extract_strided_slice %slice3A_1046 {offsets = [0, 1408], sizes = [160, 128], strides = [1, 1]} : vector<160x1536xbf16> to vector<160x128xbf16>
    %dot_general3A_1106 = arith.constant dense<0.000000e+00> : vector<160x160xf32>
    %dot_general3A_1107 = tpu.matmul %slice3A_1103, %slice3A_1104, %dot_general3A_1106 {dimension_numbers = #tpu.dot_dimension_numbers<[1], [1], [0], [0], [0, 0, 1, 0], [], []>, transpose_lhs_hint = false} : vector<160x128xbf16>, vector<160x128xbf16>, vector<160x160xf32> -> vector<160x160xf32>
    %add3A_1108 = vector.broadcast %get3A_1051 : vector<1x160xf32> to vector<160x160xf32>
    %add3A_1109 = arith.addf %dot_general3A_1107, %add3A_1108 : vector<160x160xf32>
    %exp3A_1110 = math.exp %add3A_1109 : vector<160x160xf32>
    %reduce_sum3A_1111 = arith.constant dense<0.000000e+00> : vector<160xf32>
    %reduce_sum3A_1112 = vector.multi_reduction <add>, %exp3A_1110, %reduce_sum3A_1111 [1] : vector<160x160xf32> to vector<160xf32>
    %broadcast_in_dim3A_1113 = vector.shape_cast %reduce_sum3A_1112 : vector<160xf32> to vector<160x1xf32>
    %div3A_1114 = vector.broadcast %broadcast_in_dim3A_1113 : vector<160x1xf32> to vector<160x160xf32>
    %div3A_1115 = arith.divf %exp3A_1110, %div3A_1114 : vector<160x160xf32>
    %convert_element_type3A_1116 = arith.truncf %div3A_1115 : vector<160x160xf32> to vector<160x160xbf16>
    %dot_general3A_1117 = arith.constant dense<0.000000e+00> : vector<160x128xf32>
    %dot_general3A_1118 = tpu.matmul %convert_element_type3A_1116, %slice3A_1105, %dot_general3A_1117 {dimension_numbers = #tpu.dot_dimension_numbers<[1], [0], [0], [1], [0, 0, 1, 1], [], []>, transpose_lhs_hint = false} : vector<160x160xbf16>, vector<160x128xbf16>, vector<160x128xf32> -> vector<160x128xf32>
    %convert_element_type3A_1119 = arith.truncf %dot_general3A_1118 : vector<160x128xf32> to vector<160x128xbf16>
    %slice3A_1120 = vector.extract_strided_slice %convert_element_type3A_13 {offsets = [2400, 0], sizes = [160, 1536], strides = [1, 1]} : vector<2560x1536xbf16> to vector<160x1536xbf16>
    %get3A_1121 = arith.constant 3 : index
    %get3A_1122 = arith.constant 0 : index
    %get3A_1123 = arith.constant 0 : index
    %get3A_1124 = vector.load %arg4[%get3A_1121, %get3A_1122, %get3A_1123] : memref<4x1x160xf32, #tpu.memory_space<vmem>>, vector<1x1x160xf32>
    %get3A_1125 = vector.shape_cast %get3A_1124 : vector<1x1x160xf32> to vector<1x160xf32>
    %slice3A_1126 = vector.extract_strided_slice %slice3A_1120 {offsets = [0, 0], sizes = [160, 128], strides = [1, 1]} : vector<160x1536xbf16> to vector<160x128xbf16>
    %slice3A_1127 = vector.extract_strided_slice %slice3A_1120 {offsets = [0, 512], sizes = [160, 128], strides = [1, 1]} : vector<160x1536xbf16> to vector<160x128xbf16>
    %slice3A_1128 = vector.extract_strided_slice %slice3A_1120 {offsets = [0, 1024], sizes = [160, 128], strides = [1, 1]} : vector<160x1536xbf16> to vector<160x128xbf16>
    %dot_general3A_1129 = arith.constant dense<0.000000e+00> : vector<160x160xf32>
    %dot_general3A_1130 = tpu.matmul %slice3A_1126, %slice3A_1127, %dot_general3A_1129 {dimension_numbers = #tpu.dot_dimension_numbers<[1], [1], [0], [0], [0, 0, 1, 0], [], []>, transpose_lhs_hint = false} : vector<160x128xbf16>, vector<160x128xbf16>, vector<160x160xf32> -> vector<160x160xf32>
    %add3A_1131 = vector.broadcast %get3A_1125 : vector<1x160xf32> to vector<160x160xf32>
    %add3A_1132 = arith.addf %dot_general3A_1130, %add3A_1131 : vector<160x160xf32>
    %exp3A_1133 = math.exp %add3A_1132 : vector<160x160xf32>
    %reduce_sum3A_1134 = arith.constant dense<0.000000e+00> : vector<160xf32>
    %reduce_sum3A_1135 = vector.multi_reduction <add>, %exp3A_1133, %reduce_sum3A_1134 [1] : vector<160x160xf32> to vector<160xf32>
    %broadcast_in_dim3A_1136 = vector.shape_cast %reduce_sum3A_1135 : vector<160xf32> to vector<160x1xf32>
    %div3A_1137 = vector.broadcast %broadcast_in_dim3A_1136 : vector<160x1xf32> to vector<160x160xf32>
    %div3A_1138 = arith.divf %exp3A_1133, %div3A_1137 : vector<160x160xf32>
    %convert_element_type3A_1139 = arith.truncf %div3A_1138 : vector<160x160xf32> to vector<160x160xbf16>
    %dot_general3A_1140 = arith.constant dense<0.000000e+00> : vector<160x128xf32>
    %dot_general3A_1141 = tpu.matmul %convert_element_type3A_1139, %slice3A_1128, %dot_general3A_1140 {dimension_numbers = #tpu.dot_dimension_numbers<[1], [0], [0], [1], [0, 0, 1, 1], [], []>, transpose_lhs_hint = false} : vector<160x160xbf16>, vector<160x128xbf16>, vector<160x128xf32> -> vector<160x128xf32>
    %convert_element_type3A_1142 = arith.truncf %dot_general3A_1141 : vector<160x128xf32> to vector<160x128xbf16>
    %slice3A_1143 = vector.extract_strided_slice %slice3A_1120 {offsets = [0, 128], sizes = [160, 128], strides = [1, 1]} : vector<160x1536xbf16> to vector<160x128xbf16>
    %slice3A_1144 = vector.extract_strided_slice %slice3A_1120 {offsets = [0, 640], sizes = [160, 128], strides = [1, 1]} : vector<160x1536xbf16> to vector<160x128xbf16>
    %slice3A_1145 = vector.extract_strided_slice %slice3A_1120 {offsets = [0, 1152], sizes = [160, 128], strides = [1, 1]} : vector<160x1536xbf16> to vector<160x128xbf16>
    %dot_general3A_1146 = arith.constant dense<0.000000e+00> : vector<160x160xf32>
    %dot_general3A_1147 = tpu.matmul %slice3A_1143, %slice3A_1144, %dot_general3A_1146 {dimension_numbers = #tpu.dot_dimension_numbers<[1], [1], [0], [0], [0, 0, 1, 0], [], []>, transpose_lhs_hint = false} : vector<160x128xbf16>, vector<160x128xbf16>, vector<160x160xf32> -> vector<160x160xf32>
    %add3A_1148 = vector.broadcast %get3A_1125 : vector<1x160xf32> to vector<160x160xf32>
    %add3A_1149 = arith.addf %dot_general3A_1147, %add3A_1148 : vector<160x160xf32>
    %exp3A_1150 = math.exp %add3A_1149 : vector<160x160xf32>
    %reduce_sum3A_1151 = arith.constant dense<0.000000e+00> : vector<160xf32>
    %reduce_sum3A_1152 = vector.multi_reduction <add>, %exp3A_1150, %reduce_sum3A_1151 [1] : vector<160x160xf32> to vector<160xf32>
    %broadcast_in_dim3A_1153 = vector.shape_cast %reduce_sum3A_1152 : vector<160xf32> to vector<160x1xf32>
    %div3A_1154 = vector.broadcast %broadcast_in_dim3A_1153 : vector<160x1xf32> to vector<160x160xf32>
    %div3A_1155 = arith.divf %exp3A_1150, %div3A_1154 : vector<160x160xf32>
    %convert_element_type3A_1156 = arith.truncf %div3A_1155 : vector<160x160xf32> to vector<160x160xbf16>
    %dot_general3A_1157 = arith.constant dense<0.000000e+00> : vector<160x128xf32>
    %dot_general3A_1158 = tpu.matmul %convert_element_type3A_1156, %slice3A_1145, %dot_general3A_1157 {dimension_numbers = #tpu.dot_dimension_numbers<[1], [0], [0], [1], [0, 0, 1, 1], [], []>, transpose_lhs_hint = false} : vector<160x160xbf16>, vector<160x128xbf16>, vector<160x128xf32> -> vector<160x128xf32>
    %convert_element_type3A_1159 = arith.truncf %dot_general3A_1158 : vector<160x128xf32> to vector<160x128xbf16>
    %slice3A_1160 = vector.extract_strided_slice %slice3A_1120 {offsets = [0, 256], sizes = [160, 128], strides = [1, 1]} : vector<160x1536xbf16> to vector<160x128xbf16>
    %slice3A_1161 = vector.extract_strided_slice %slice3A_1120 {offsets = [0, 768], sizes = [160, 128], strides = [1, 1]} : vector<160x1536xbf16> to vector<160x128xbf16>
    %slice3A_1162 = vector.extract_strided_slice %slice3A_1120 {offsets = [0, 1280], sizes = [160, 128], strides = [1, 1]} : vector<160x1536xbf16> to vector<160x128xbf16>
    %dot_general3A_1163 = arith.constant dense<0.000000e+00> : vector<160x160xf32>
    %dot_general3A_1164 = tpu.matmul %slice3A_1160, %slice3A_1161, %dot_general3A_1163 {dimension_numbers = #tpu.dot_dimension_numbers<[1], [1], [0], [0], [0, 0, 1, 0], [], []>, transpose_lhs_hint = false} : vector<160x128xbf16>, vector<160x128xbf16>, vector<160x160xf32> -> vector<160x160xf32>
    %add3A_1165 = vector.broadcast %get3A_1125 : vector<1x160xf32> to vector<160x160xf32>
    %add3A_1166 = arith.addf %dot_general3A_1164, %add3A_1165 : vector<160x160xf32>
    %exp3A_1167 = math.exp %add3A_1166 : vector<160x160xf32>
    %reduce_sum3A_1168 = arith.constant dense<0.000000e+00> : vector<160xf32>
    %reduce_sum3A_1169 = vector.multi_reduction <add>, %exp3A_1167, %reduce_sum3A_1168 [1] : vector<160x160xf32> to vector<160xf32>
    %broadcast_in_dim3A_1170 = vector.shape_cast %reduce_sum3A_1169 : vector<160xf32> to vector<160x1xf32>
    %div3A_1171 = vector.broadcast %broadcast_in_dim3A_1170 : vector<160x1xf32> to vector<160x160xf32>
    %div3A_1172 = arith.divf %exp3A_1167, %div3A_1171 : vector<160x160xf32>
    %convert_element_type3A_1173 = arith.truncf %div3A_1172 : vector<160x160xf32> to vector<160x160xbf16>
    %dot_general3A_1174 = arith.constant dense<0.000000e+00> : vector<160x128xf32>
    %dot_general3A_1175 = tpu.matmul %convert_element_type3A_1173, %slice3A_1162, %dot_general3A_1174 {dimension_numbers = #tpu.dot_dimension_numbers<[1], [0], [0], [1], [0, 0, 1, 1], [], []>, transpose_lhs_hint = false} : vector<160x160xbf16>, vector<160x128xbf16>, vector<160x128xf32> -> vector<160x128xf32>
    %convert_element_type3A_1176 = arith.truncf %dot_general3A_1175 : vector<160x128xf32> to vector<160x128xbf16>
    %slice3A_1177 = vector.extract_strided_slice %slice3A_1120 {offsets = [0, 384], sizes = [160, 128], strides = [1, 1]} : vector<160x1536xbf16> to vector<160x128xbf16>
    %slice3A_1178 = vector.extract_strided_slice %slice3A_1120 {offsets = [0, 896], sizes = [160, 128], strides = [1, 1]} : vector<160x1536xbf16> to vector<160x128xbf16>
    %slice3A_1179 = vector.extract_strided_slice %slice3A_1120 {offsets = [0, 1408], sizes = [160, 128], strides = [1, 1]} : vector<160x1536xbf16> to vector<160x128xbf16>
    %dot_general3A_1180 = arith.constant dense<0.000000e+00> : vector<160x160xf32>
    %dot_general3A_1181 = tpu.matmul %slice3A_1177, %slice3A_1178, %dot_general3A_1180 {dimension_numbers = #tpu.dot_dimension_numbers<[1], [1], [0], [0], [0, 0, 1, 0], [], []>, transpose_lhs_hint = false} : vector<160x128xbf16>, vector<160x128xbf16>, vector<160x160xf32> -> vector<160x160xf32>
    %add3A_1182 = vector.broadcast %get3A_1125 : vector<1x160xf32> to vector<160x160xf32>
    %add3A_1183 = arith.addf %dot_general3A_1181, %add3A_1182 : vector<160x160xf32>
    %exp3A_1184 = math.exp %add3A_1183 : vector<160x160xf32>
    %reduce_sum3A_1185 = arith.constant dense<0.000000e+00> : vector<160xf32>
    %reduce_sum3A_1186 = vector.multi_reduction <add>, %exp3A_1184, %reduce_sum3A_1185 [1] : vector<160x160xf32> to vector<160xf32>
    %broadcast_in_dim3A_1187 = vector.shape_cast %reduce_sum3A_1186 : vector<160xf32> to vector<160x1xf32>
    %div3A_1188 = vector.broadcast %broadcast_in_dim3A_1187 : vector<160x1xf32> to vector<160x160xf32>
    %div3A_1189 = arith.divf %exp3A_1184, %div3A_1188 : vector<160x160xf32>
    %convert_element_type3A_1190 = arith.truncf %div3A_1189 : vector<160x160xf32> to vector<160x160xbf16>
    %dot_general3A_1191 = arith.constant dense<0.000000e+00> : vector<160x128xf32>
    %dot_general3A_1192 = tpu.matmul %convert_element_type3A_1190, %slice3A_1179, %dot_general3A_1191 {dimension_numbers = #tpu.dot_dimension_numbers<[1], [0], [0], [1], [0, 0, 1, 1], [], []>, transpose_lhs_hint = false} : vector<160x160xbf16>, vector<160x128xbf16>, vector<160x128xf32> -> vector<160x128xf32>
    %convert_element_type3A_1193 = arith.truncf %dot_general3A_1192 : vector<160x128xf32> to vector<160x128xbf16>
    %concatenate3A = tpu.concatenate %convert_element_type3A_32, %convert_element_type3A_49, %convert_element_type3A_66, %convert_element_type3A_83 in 1 : vector<160x128xbf16>, vector<160x128xbf16>, vector<160x128xbf16>, vector<160x128xbf16> -> vector<160x512xbf16>
    %concatenate3A_1194 = tpu.concatenate %convert_element_type3A_106, %convert_element_type3A_123, %convert_element_type3A_140, %convert_element_type3A_157 in 1 : vector<160x128xbf16>, vector<160x128xbf16>, vector<160x128xbf16>, vector<160x128xbf16> -> vector<160x512xbf16>
    %concatenate3A_1195 = tpu.concatenate %convert_element_type3A_180, %convert_element_type3A_197, %convert_element_type3A_214, %convert_element_type3A_231 in 1 : vector<160x128xbf16>, vector<160x128xbf16>, vector<160x128xbf16>, vector<160x128xbf16> -> vector<160x512xbf16>
    %concatenate3A_1196 = tpu.concatenate %convert_element_type3A_254, %convert_element_type3A_271, %convert_element_type3A_288, %convert_element_type3A_305 in 1 : vector<160x128xbf16>, vector<160x128xbf16>, vector<160x128xbf16>, vector<160x128xbf16> -> vector<160x512xbf16>
    %concatenate3A_1197 = tpu.concatenate %convert_element_type3A_328, %convert_element_type3A_345, %convert_element_type3A_362, %convert_element_type3A_379 in 1 : vector<160x128xbf16>, vector<160x128xbf16>, vector<160x128xbf16>, vector<160x128xbf16> -> vector<160x512xbf16>
    %concatenate3A_1198 = tpu.concatenate %convert_element_type3A_402, %convert_element_type3A_419, %convert_element_type3A_436, %convert_element_type3A_453 in 1 : vector<160x128xbf16>, vector<160x128xbf16>, vector<160x128xbf16>, vector<160x128xbf16> -> vector<160x512xbf16>
    %concatenate3A_1199 = tpu.concatenate %convert_element_type3A_476, %convert_element_type3A_493, %convert_element_type3A_510, %convert_element_type3A_527 in 1 : vector<160x128xbf16>, vector<160x128xbf16>, vector<160x128xbf16>, vector<160x128xbf16> -> vector<160x512xbf16>
    %concatenate3A_1200 = tpu.concatenate %convert_element_type3A_550, %convert_element_type3A_567, %convert_element_type3A_584, %convert_element_type3A_601 in 1 : vector<160x128xbf16>, vector<160x128xbf16>, vector<160x128xbf16>, vector<160x128xbf16> -> vector<160x512xbf16>
    %concatenate3A_1201 = tpu.concatenate %convert_element_type3A_624, %convert_element_type3A_641, %convert_element_type3A_658, %convert_element_type3A_675 in 1 : vector<160x128xbf16>, vector<160x128xbf16>, vector<160x128xbf16>, vector<160x128xbf16> -> vector<160x512xbf16>
    %concatenate3A_1202 = tpu.concatenate %convert_element_type3A_698, %convert_element_type3A_715, %convert_element_type3A_732, %convert_element_type3A_749 in 1 : vector<160x128xbf16>, vector<160x128xbf16>, vector<160x128xbf16>, vector<160x128xbf16> -> vector<160x512xbf16>
    %concatenate3A_1203 = tpu.concatenate %convert_element_type3A_772, %convert_element_type3A_789, %convert_element_type3A_806, %convert_element_type3A_823 in 1 : vector<160x128xbf16>, vector<160x128xbf16>, vector<160x128xbf16>, vector<160x128xbf16> -> vector<160x512xbf16>
    %concatenate3A_1204 = tpu.concatenate %convert_element_type3A_846, %convert_element_type3A_863, %convert_element_type3A_880, %convert_element_type3A_897 in 1 : vector<160x128xbf16>, vector<160x128xbf16>, vector<160x128xbf16>, vector<160x128xbf16> -> vector<160x512xbf16>
    %concatenate3A_1205 = tpu.concatenate %convert_element_type3A_920, %convert_element_type3A_937, %convert_element_type3A_954, %convert_element_type3A_971 in 1 : vector<160x128xbf16>, vector<160x128xbf16>, vector<160x128xbf16>, vector<160x128xbf16> -> vector<160x512xbf16>
    %concatenate3A_1206 = tpu.concatenate %convert_element_type3A_994, %convert_element_type3A_1011, %convert_element_type3A_1028, %convert_element_type3A_1045 in 1 : vector<160x128xbf16>, vector<160x128xbf16>, vector<160x128xbf16>, vector<160x128xbf16> -> vector<160x512xbf16>
    %concatenate3A_1207 = tpu.concatenate %convert_element_type3A_1068, %convert_element_type3A_1085, %convert_element_type3A_1102, %convert_element_type3A_1119 in 1 : vector<160x128xbf16>, vector<160x128xbf16>, vector<160x128xbf16>, vector<160x128xbf16> -> vector<160x512xbf16>
    %concatenate3A_1208 = tpu.concatenate %convert_element_type3A_1142, %convert_element_type3A_1159, %convert_element_type3A_1176, %convert_element_type3A_1193 in 1 : vector<160x128xbf16>, vector<160x128xbf16>, vector<160x128xbf16>, vector<160x128xbf16> -> vector<160x512xbf16>
    %concatenate3A_1209 = tpu.concatenate %concatenate3A, %concatenate3A_1194, %concatenate3A_1195, %concatenate3A_1196, %concatenate3A_1197, %concatenate3A_1198, %concatenate3A_1199, %concatenate3A_1200, %concatenate3A_1201, %concatenate3A_1202, %concatenate3A_1203, %concatenate3A_1204, %concatenate3A_1205, %concatenate3A_1206, %concatenate3A_1207, %concatenate3A_1208 in 0 : vector<160x512xbf16>, vector<160x512xbf16>, vector<160x512xbf16>, vector<160x512xbf16>, vector<160x512xbf16>, vector<160x512xbf16>, vector<160x512xbf16>, vector<160x512xbf16>, vector<160x512xbf16>, vector<160x512xbf16>, vector<160x512xbf16>, vector<160x512xbf16>, vector<160x512xbf16>, vector<160x512xbf16>, vector<160x512xbf16>, vector<160x512xbf16> -> vector<2560x512xbf16>
    %get3A_1210 = arith.constant 0 : index
    %get3A_1211 = arith.constant 0 : index
    %get3A_1212 = vector.load %arg5[%get3A_1210, %get3A_1211] : memref<512x384xbf16, #tpu.memory_space<vmem>>, vector<512x384xbf16>
    %dot_general3A_1213 = arith.constant dense<0.000000e+00> : vector<2560x384xf32>
    %dot_general3A_1214 = tpu.matmul %concatenate3A_1209, %get3A_1212, %dot_general3A_1213 {dimension_numbers = #tpu.dot_dimension_numbers<[1], [0], [0], [1], [0, 0, 1, 1], [], []>, transpose_lhs_hint = false} : vector<2560x512xbf16>, vector<512x384xbf16>, vector<2560x384xf32> -> vector<2560x384xf32>
    %get3A_1215 = arith.constant 0 : index
    %get3A_1216 = arith.constant 0 : index
    %get3A_1217 = vector.load %arg6[%get3A_1215, %get3A_1216] : memref<1x384xf32, #tpu.memory_space<vmem>>, vector<1x384xf32>
    %get3A_1218 = vector.shape_cast %get3A_1217 : vector<1x384xf32> to vector<384xf32>
    %broadcast_in_dim3A_1219 = vector.shape_cast %get3A_1218 : vector<384xf32> to vector<1x384xf32>
    %add3A_1220 = vector.broadcast %broadcast_in_dim3A_1219 : vector<1x384xf32> to vector<2560x384xf32>
    %add3A_1221 = arith.addf %dot_general3A_1214, %add3A_1220 : vector<2560x384xf32>
    %reshape3A_1222 = vector.shape_cast %add3A_1221 : vector<2560x384xf32> to vector<4x640x384xf32>
    %get3A_1223 = arith.constant 0 : index
    %get3A_1224 = arith.constant 0 : index
    %get3A_1225 = arith.constant 0 : index
    %get3A_1226 = vector.load %arg1[%get3A_1223, %get3A_1224, %get3A_1225] : memref<4x640x384xf32, #tpu.memory_space<vmem>>, vector<4x640x384xf32>
    %add3A_1227 = arith.addf %reshape3A_1222, %get3A_1226 : vector<4x640x384xf32>
    %swap3A = arith.constant 0 : index
    %swap3A_1228 = arith.constant 0 : index
    %swap3A_1229 = arith.constant 0 : index
    %swap3A_1230 = vector.load %arg7[%swap3A, %swap3A_1228, %swap3A_1229] : memref<4x640x384xf32, #tpu.memory_space<vmem>>, vector<4x640x384xf32>
    tpu.vector_store %arg7[%swap3A, %swap3A_1228, %swap3A_1229], %add3A_1227 {strides = array<i32>} : memref<4x640x384xf32, #tpu.memory_space<vmem>>, vector<4x640x384xf32>,
    return
  }
  func.func @transform_0(%arg0: i32) -> (i32, i32, i32) {
    %c0_i32 = arith.constant 0 : i32
    %c0_i32_0 = arith.constant 0 : i32
    %c0_i32_1 = arith.constant 0 : i32
    return %c0_i32, %arg0, %c0_i32_0 : i32, i32, i32
  }
  func.func @transform_1(%arg0: i32) -> (i32, i32) {
    %c0_i32 = arith.constant 0 : i32
    %c0_i32_0 = arith.constant 0 : i32
    %c0_i32_1 = arith.constant 0 : i32
    return %c0_i32, %c0_i32_0 : i32, i32
  }
  func.func @transform_2(%arg0: i32) -> (i32, i32) {
    %c0_i32 = arith.constant 0 : i32
    %c0_i32_0 = arith.constant 0 : i32
    %c0_i32_1 = arith.constant 0 : i32
    return %c0_i32, %c0_i32_0 : i32, i32
  }
  func.func @transform_3(%arg0: i32) -> (i32, i32, i32) {
    %c0_i32 = arith.constant 0 : i32
    %c0_i32_0 = arith.constant 0 : i32
    %c0_i32_1 = arith.constant 0 : i32
    return %arg0, %c0_i32, %c0_i32_0 : i32, i32, i32
  }
  func.func @transform_4(%arg0: i32) -> (i32, i32) {
    %c0_i32 = arith.constant 0 : i32
    %c0_i32_0 = arith.constant 0 : i32
    %c0_i32_1 = arith.constant 0 : i32
    return %c0_i32, %c0_i32_0 : i32, i32
  }
  func.func @transform_5(%arg0: i32) -> (i32, i32) {
    %c0_i32 = arith.constant 0 : i32
    %c0_i32_0 = arith.constant 0 : i32
    %c0_i32_1 = arith.constant 0 : i32
    return %c0_i32, %c0_i32_0 : i32, i32
  }
  func.func @transform_6(%arg0: i32) -> (i32, i32, i32) {
    %c0_i32 = arith.constant 0 : i32
    %c0_i32_0 = arith.constant 0 : i32
    %c0_i32_1 = arith.constant 0 : i32
    return %c0_i32, %arg0, %c0_i32_0 : i32, i32, i32
  }
}

module attributes {stable_mosaic.version = 14 : i64} {
  func.func @_fused_body_alias(%arg0: i32, %arg1: memref<4x640x384xf32, #tpu.memory_space<vmem>>, %arg2: memref<384x1536xbf16, #tpu.memory_space<vmem>>, %arg3: memref<1x1536xbf16, #tpu.memory_space<vmem>>, %arg4: memref<4x1x160xf32, #tpu.memory_space<vmem>>, %arg5: memref<512x384xbf16, #tpu.memory_space<vmem>>, %arg6: memref<1x384xf32, #tpu.memory_space<vmem>>, %arg7: memref<4x5120x384xf32, #tpu.memory_space<any>>, %arg8: memref<4x640x384xf32, #tpu.memory_space<vmem>>) attributes {dimension_semantics = [#tpu.dimension_semantics<arbitrary>], iteration_bounds = array<i64: 4>, scalar_prefetch = 0 : i64, scratch_operands = 0 : i64, tpu.core_type = #tpu.core_type<tc>, window_params = [{transform_indices = @transform_0, window_bounds = array<i64: 4, 640, 384>}, {pipeline_mode = #tpu.pipeline_mode<synchronous>, transform_indices = @transform_1, window_bounds = array<i64: 384, 1536>}, {pipeline_mode = #tpu.pipeline_mode<synchronous>, transform_indices = @transform_2, window_bounds = array<i64: 1, 1536>}, {transform_indices = @transform_3, window_bounds = array<i64: 4, 1, 160>}, {pipeline_mode = #tpu.pipeline_mode<synchronous>, transform_indices = @transform_4, window_bounds = array<i64: 512, 384>}, {pipeline_mode = #tpu.pipeline_mode<synchronous>, transform_indices = @transform_5, window_bounds = array<i64: 1, 384>}, {}, {transform_indices = @transform_7, window_bounds = array<i64: 4, 640, 384>}]} {
    %get3A = arith.constant 0 : index
    %get3A_0 = arith.constant 0 : index
    %get3A_1 = arith.constant 0 : index
    %get3A_2 = vector.load %arg1[%get3A, %get3A_0, %get3A_1] : memref<4x640x384xf32, #tpu.memory_space<vmem>>, vector<4x640x384xf32>
    %reshape3A = vector.shape_cast %get3A_2 : vector<4x640x384xf32> to vector<2560x384xf32>
    %convert_element_type3A = arith.truncf %reshape3A : vector<2560x384xf32> to vector<2560x384xbf16>
    %get3A_3 = arith.constant 0 : index
    %get3A_4 = arith.constant 0 : index
    %get3A_5 = vector.load %arg2[%get3A_3, %get3A_4] : memref<384x1536xbf16, #tpu.memory_space<vmem>>, vector<384x1536xbf16>
    %dot_general3A = arith.constant dense<0.000000e+00> : vector<2560x1536xf32>
    %dot_general3A_6 = tpu.matmul %convert_element_type3A, %get3A_5, %dot_general3A {dimension_numbers = #tpu.dot_dimension_numbers<[1], [0], [0], [1], [0, 0, 1, 1], [], []>, transpose_lhs_hint = false} : vector<2560x384xbf16>, vector<384x1536xbf16>, vector<2560x1536xf32> -> vector<2560x1536xf32>
    %get3A_7 = arith.constant 0 : index
    %get3A_8 = arith.constant 0 : index
    %get3A_9 = vector.load %arg3[%get3A_7, %get3A_8] : memref<1x1536xbf16, #tpu.memory_space<vmem>>, vector<1x1536xbf16>
    %get3A_10 = vector.shape_cast %get3A_9 : vector<1x1536xbf16> to vector<1536xbf16>
    %convert_element_type3A_11 = arith.extf %get3A_10 : vector<1536xbf16> to vector<1536xf32>
    %broadcast_in_dim3A = vector.shape_cast %convert_element_type3A_11 : vector<1536xf32> to vector<1x1536xf32>
    %add3A = vector.broadcast %broadcast_in_dim3A : vector<1x1536xf32> to vector<2560x1536xf32>
    %add3A_12 = arith.addf %dot_general3A_6, %add3A : vector<2560x1536xf32>
    %convert_element_type3A_13 = arith.truncf %add3A_12 : vector<2560x1536xf32> to vector<2560x1536xbf16>
    %slice3A = vector.extract_strided_slice %convert_element_type3A_13 {offsets = [0, 0], sizes = [160, 1536], strides = [1, 1]} : vector<2560x1536xbf16> to vector<160x1536xbf16>
    %get3A_14 = arith.constant 0 : index
    %get3A_15 = arith.constant 0 : index
    %get3A_16 = arith.constant 0 : index
    %get3A_17 = vector.load %arg4[%get3A_14, %get3A_15, %get3A_16] : memref<4x1x160xf32, #tpu.memory_space<vmem>>, vector<1x1x160xf32>
    %get3A_18 = vector.shape_cast %get3A_17 : vector<1x1x160xf32> to vector<1x160xf32>
    %slice3A_19 = vector.extract_strided_slice %slice3A {offsets = [0, 0], sizes = [160, 128], strides = [1, 1]} : vector<160x1536xbf16> to vector<160x128xbf16>
    %slice3A_20 = vector.extract_strided_slice %slice3A {offsets = [0, 512], sizes = [160, 128], strides = [1, 1]} : vector<160x1536xbf16> to vector<160x128xbf16>
    %slice3A_21 = vector.extract_strided_slice %slice3A {offsets = [0, 1024], sizes = [160, 128], strides = [1, 1]} : vector<160x1536xbf16> to vector<160x128xbf16>
    %dot_general3A_22 = arith.constant dense<0.000000e+00> : vector<160x160xf32>
    %dot_general3A_23 = tpu.matmul %slice3A_19, %slice3A_20, %dot_general3A_22 {dimension_numbers = #tpu.dot_dimension_numbers<[1], [1], [0], [0], [0, 0, 1, 0], [], []>, transpose_lhs_hint = false} : vector<160x128xbf16>, vector<160x128xbf16>, vector<160x160xf32> -> vector<160x160xf32>
    %add3A_24 = vector.broadcast %get3A_18 : vector<1x160xf32> to vector<160x160xf32>
    %add3A_25 = arith.addf %dot_general3A_23, %add3A_24 : vector<160x160xf32>
    %exp3A = math.exp %add3A_25 : vector<160x160xf32>
    %reduce_sum3A = arith.constant dense<0.000000e+00> : vector<160xf32>
    %reduce_sum3A_26 = vector.multi_reduction <add>, %exp3A, %reduce_sum3A [1] : vector<160x160xf32> to vector<160xf32>
    %broadcast_in_dim3A_27 = vector.shape_cast %reduce_sum3A_26 : vector<160xf32> to vector<160x1xf32>
    %div3A = vector.broadcast %broadcast_in_dim3A_27 : vector<160x1xf32> to vector<160x160xf32>
    %div3A_28 = arith.divf %exp3A, %div3A : vector<160x160xf32>
    %convert_element_type3A_29 = arith.truncf %div3A_28 : vector<160x160xf32> to vector<160x160xbf16>
    %dot_general3A_30 = arith.constant dense<0.000000e+00> : vector<160x128xf32>
    %dot_general3A_31 = tpu.matmul %convert_element_type3A_29, %slice3A_21, %dot_general3A_30 {dimension_numbers = #tpu.dot_dimension_numbers<[1], [0], [0], [1], [0, 0, 1, 1], [], []>, transpose_lhs_hint = false} : vector<160x160xbf16>, vector<160x128xbf16>, vector<160x128xf32> -> vector<160x128xf32>
    %convert_element_type3A_32 = arith.truncf %dot_general3A_31 : vector<160x128xf32> to vector<160x128xbf16>
    %slice3A_33 = vector.extract_strided_slice %slice3A {offsets = [0, 128], sizes = [160, 128], strides = [1, 1]} : vector<160x1536xbf16> to vector<160x128xbf16>
    %slice3A_34 = vector.extract_strided_slice %slice3A {offsets = [0, 640], sizes = [160, 128], strides = [1, 1]} : vector<160x1536xbf16> to vector<160x128xbf16>
    %slice3A_35 = vector.extract_strided_slice %slice3A {offsets = [0, 1152], sizes = [160, 128], strides = [1, 1]} : vector<160x1536xbf16> to vector<160x128xbf16>
    %dot_general3A_36 = arith.constant dense<0.000000e+00> : vector<160x160xf32>
    %dot_general3A_37 = tpu.matmul %slice3A_33, %slice3A_34, %dot_general3A_36 {dimension_numbers = #tpu.dot_dimension_numbers<[1], [1], [0], [0], [0, 0, 1, 0], [], []>, transpose_lhs_hint = false} : vector<160x128xbf16>, vector<160x128xbf16>, vector<160x160xf32> -> vector<160x160xf32>
    %add3A_38 = vector.broadcast %get3A_18 : vector<1x160xf32> to vector<160x160xf32>
    %add3A_39 = arith.addf %dot_general3A_37, %add3A_38 : vector<160x160xf32>
    %exp3A_40 = math.exp %add3A_39 : vector<160x160xf32>
    %reduce_sum3A_41 = arith.constant dense<0.000000e+00> : vector<160xf32>
    %reduce_sum3A_42 = vector.multi_reduction <add>, %exp3A_40, %reduce_sum3A_41 [1] : vector<160x160xf32> to vector<160xf32>
    %broadcast_in_dim3A_43 = vector.shape_cast %reduce_sum3A_42 : vector<160xf32> to vector<160x1xf32>
    %div3A_44 = vector.broadcast %broadcast_in_dim3A_43 : vector<160x1xf32> to vector<160x160xf32>
    %div3A_45 = arith.divf %exp3A_40, %div3A_44 : vector<160x160xf32>
    %convert_element_type3A_46 = arith.truncf %div3A_45 : vector<160x160xf32> to vector<160x160xbf16>
    %dot_general3A_47 = arith.constant dense<0.000000e+00> : vector<160x128xf32>
    %dot_general3A_48 = tpu.matmul %convert_element_type3A_46, %slice3A_35, %dot_general3A_47 {dimension_numbers = #tpu.dot_dimension_numbers<[1], [0], [0], [1], [0, 0, 1, 1], [], []>, transpose_lhs_hint = false} : vector<160x160xbf16>, vector<160x128xbf16>, vector<160x128xf32> -> vector<160x128xf32>
    %convert_element_type3A_49 = arith.truncf %dot_general3A_48 : vector<160x128xf32> to vector<160x128xbf16>
    %slice3A_50 = vector.extract_strided_slice %slice3A {offsets = [0, 256], sizes = [160, 128], strides = [1, 1]} : vector<160x1536xbf16> to vector<160x128xbf16>
    %slice3A_51 = vector.extract_strided_slice %slice3A {offsets = [0, 768], sizes = [160, 128], strides = [1, 1]} : vector<160x1536xbf16> to vector<160x128xbf16>
    %slice3A_52 = vector.extract_strided_slice %slice3A {offsets = [0, 1280], sizes = [160, 128], strides = [1, 1]} : vector<160x1536xbf16> to vector<160x128xbf16>
    %dot_general3A_53 = arith.constant dense<0.000000e+00> : vector<160x160xf32>
    %dot_general3A_54 = tpu.matmul %slice3A_50, %slice3A_51, %dot_general3A_53 {dimension_numbers = #tpu.dot_dimension_numbers<[1], [1], [0], [0], [0, 0, 1, 0], [], []>, transpose_lhs_hint = false} : vector<160x128xbf16>, vector<160x128xbf16>, vector<160x160xf32> -> vector<160x160xf32>
    %add3A_55 = vector.broadcast %get3A_18 : vector<1x160xf32> to vector<160x160xf32>
    %add3A_56 = arith.addf %dot_general3A_54, %add3A_55 : vector<160x160xf32>
    %exp3A_57 = math.exp %add3A_56 : vector<160x160xf32>
    %reduce_sum3A_58 = arith.constant dense<0.000000e+00> : vector<160xf32>
    %reduce_sum3A_59 = vector.multi_reduction <add>, %exp3A_57, %reduce_sum3A_58 [1] : vector<160x160xf32> to vector<160xf32>
    %broadcast_in_dim3A_60 = vector.shape_cast %reduce_sum3A_59 : vector<160xf32> to vector<160x1xf32>
    %div3A_61 = vector.broadcast %broadcast_in_dim3A_60 : vector<160x1xf32> to vector<160x160xf32>
    %div3A_62 = arith.divf %exp3A_57, %div3A_61 : vector<160x160xf32>
    %convert_element_type3A_63 = arith.truncf %div3A_62 : vector<160x160xf32> to vector<160x160xbf16>
    %dot_general3A_64 = arith.constant dense<0.000000e+00> : vector<160x128xf32>
    %dot_general3A_65 = tpu.matmul %convert_element_type3A_63, %slice3A_52, %dot_general3A_64 {dimension_numbers = #tpu.dot_dimension_numbers<[1], [0], [0], [1], [0, 0, 1, 1], [], []>, transpose_lhs_hint = false} : vector<160x160xbf16>, vector<160x128xbf16>, vector<160x128xf32> -> vector<160x128xf32>
    %convert_element_type3A_66 = arith.truncf %dot_general3A_65 : vector<160x128xf32> to vector<160x128xbf16>
    %slice3A_67 = vector.extract_strided_slice %slice3A {offsets = [0, 384], sizes = [160, 128], strides = [1, 1]} : vector<160x1536xbf16> to vector<160x128xbf16>
    %slice3A_68 = vector.extract_strided_slice %slice3A {offsets = [0, 896], sizes = [160, 128], strides = [1, 1]} : vector<160x1536xbf16> to vector<160x128xbf16>
    %slice3A_69 = vector.extract_strided_slice %slice3A {offsets = [0, 1408], sizes = [160, 128], strides = [1, 1]} : vector<160x1536xbf16> to vector<160x128xbf16>
    %dot_general3A_70 = arith.constant dense<0.000000e+00> : vector<160x160xf32>
    %dot_general3A_71 = tpu.matmul %slice3A_67, %slice3A_68, %dot_general3A_70 {dimension_numbers = #tpu.dot_dimension_numbers<[1], [1], [0], [0], [0, 0, 1, 0], [], []>, transpose_lhs_hint = false} : vector<160x128xbf16>, vector<160x128xbf16>, vector<160x160xf32> -> vector<160x160xf32>
    %add3A_72 = vector.broadcast %get3A_18 : vector<1x160xf32> to vector<160x160xf32>
    %add3A_73 = arith.addf %dot_general3A_71, %add3A_72 : vector<160x160xf32>
    %exp3A_74 = math.exp %add3A_73 : vector<160x160xf32>
    %reduce_sum3A_75 = arith.constant dense<0.000000e+00> : vector<160xf32>
    %reduce_sum3A_76 = vector.multi_reduction <add>, %exp3A_74, %reduce_sum3A_75 [1] : vector<160x160xf32> to vector<160xf32>
    %broadcast_in_dim3A_77 = vector.shape_cast %reduce_sum3A_76 : vector<160xf32> to vector<160x1xf32>
    %div3A_78 = vector.broadcast %broadcast_in_dim3A_77 : vector<160x1xf32> to vector<160x160xf32>
    %div3A_79 = arith.divf %exp3A_74, %div3A_78 : vector<160x160xf32>
    %convert_element_type3A_80 = arith.truncf %div3A_79 : vector<160x160xf32> to vector<160x160xbf16>
    %dot_general3A_81 = arith.constant dense<0.000000e+00> : vector<160x128xf32>
    %dot_general3A_82 = tpu.matmul %convert_element_type3A_80, %slice3A_69, %dot_general3A_81 {dimension_numbers = #tpu.dot_dimension_numbers<[1], [0], [0], [1], [0, 0, 1, 1], [], []>, transpose_lhs_hint = false} : vector<160x160xbf16>, vector<160x128xbf16>, vector<160x128xf32> -> vector<160x128xf32>
    %convert_element_type3A_83 = arith.truncf %dot_general3A_82 : vector<160x128xf32> to vector<160x128xbf16>
    %slice3A_84 = vector.extract_strided_slice %convert_element_type3A_13 {offsets = [160, 0], sizes = [160, 1536], strides = [1, 1]} : vector<2560x1536xbf16> to vector<160x1536xbf16>
    %get3A_85 = arith.constant 1 : index
    %get3A_86 = arith.constant 0 : index
    %get3A_87 = arith.constant 0 : index
    %get3A_88 = vector.load %arg4[%get3A_85, %get3A_86, %get3A_87] : memref<4x1x160xf32, #tpu.memory_space<vmem>>, vector<1x1x160xf32>
    %get3A_89 = vector.shape_cast %get3A_88 : vector<1x1x160xf32> to vector<1x160xf32>
    %slice3A_90 = vector.extract_strided_slice %slice3A_84 {offsets = [0, 0], sizes = [160, 128], strides = [1, 1]} : vector<160x1536xbf16> to vector<160x128xbf16>
    %slice3A_91 = vector.extract_strided_slice %slice3A_84 {offsets = [0, 512], sizes = [160, 128], strides = [1, 1]} : vector<160x1536xbf16> to vector<160x128xbf16>
    %slice3A_92 = vector.extract_strided_slice %slice3A_84 {offsets = [0, 1024], sizes = [160, 128], strides = [1, 1]} : vector<160x1536xbf16> to vector<160x128xbf16>
    %dot_general3A_93 = arith.constant dense<0.000000e+00> : vector<160x160xf32>
    %dot_general3A_94 = tpu.matmul %slice3A_90, %slice3A_91, %dot_general3A_93 {dimension_numbers = #tpu.dot_dimension_numbers<[1], [1], [0], [0], [0, 0, 1, 0], [], []>, transpose_lhs_hint = false} : vector<160x128xbf16>, vector<160x128xbf16>, vector<160x160xf32> -> vector<160x160xf32>
    %add3A_95 = vector.broadcast %get3A_89 : vector<1x160xf32> to vector<160x160xf32>
    %add3A_96 = arith.addf %dot_general3A_94, %add3A_95 : vector<160x160xf32>
    %exp3A_97 = math.exp %add3A_96 : vector<160x160xf32>
    %reduce_sum3A_98 = arith.constant dense<0.000000e+00> : vector<160xf32>
    %reduce_sum3A_99 = vector.multi_reduction <add>, %exp3A_97, %reduce_sum3A_98 [1] : vector<160x160xf32> to vector<160xf32>
    %broadcast_in_dim3A_100 = vector.shape_cast %reduce_sum3A_99 : vector<160xf32> to vector<160x1xf32>
    %div3A_101 = vector.broadcast %broadcast_in_dim3A_100 : vector<160x1xf32> to vector<160x160xf32>
    %div3A_102 = arith.divf %exp3A_97, %div3A_101 : vector<160x160xf32>
    %convert_element_type3A_103 = arith.truncf %div3A_102 : vector<160x160xf32> to vector<160x160xbf16>
    %dot_general3A_104 = arith.constant dense<0.000000e+00> : vector<160x128xf32>
    %dot_general3A_105 = tpu.matmul %convert_element_type3A_103, %slice3A_92, %dot_general3A_104 {dimension_numbers = #tpu.dot_dimension_numbers<[1], [0], [0], [1], [0, 0, 1, 1], [], []>, transpose_lhs_hint = false} : vector<160x160xbf16>, vector<160x128xbf16>, vector<160x128xf32> -> vector<160x128xf32>
    %convert_element_type3A_106 = arith.truncf %dot_general3A_105 : vector<160x128xf32> to vector<160x128xbf16>
    %slice3A_107 = vector.extract_strided_slice %slice3A_84 {offsets = [0, 128], sizes = [160, 128], strides = [1, 1]} : vector<160x1536xbf16> to vector<160x128xbf16>
    %slice3A_108 = vector.extract_strided_slice %slice3A_84 {offsets = [0, 640], sizes = [160, 128], strides = [1, 1]} : vector<160x1536xbf16> to vector<160x128xbf16>
    %slice3A_109 = vector.extract_strided_slice %slice3A_84 {offsets = [0, 1152], sizes = [160, 128], strides = [1, 1]} : vector<160x1536xbf16> to vector<160x128xbf16>
    %dot_general3A_110 = arith.constant dense<0.000000e+00> : vector<160x160xf32>
    %dot_general3A_111 = tpu.matmul %slice3A_107, %slice3A_108, %dot_general3A_110 {dimension_numbers = #tpu.dot_dimension_numbers<[1], [1], [0], [0], [0, 0, 1, 0], [], []>, transpose_lhs_hint = false} : vector<160x128xbf16>, vector<160x128xbf16>, vector<160x160xf32> -> vector<160x160xf32>
    %add3A_112 = vector.broadcast %get3A_89 : vector<1x160xf32> to vector<160x160xf32>
    %add3A_113 = arith.addf %dot_general3A_111, %add3A_112 : vector<160x160xf32>
    %exp3A_114 = math.exp %add3A_113 : vector<160x160xf32>
    %reduce_sum3A_115 = arith.constant dense<0.000000e+00> : vector<160xf32>
    %reduce_sum3A_116 = vector.multi_reduction <add>, %exp3A_114, %reduce_sum3A_115 [1] : vector<160x160xf32> to vector<160xf32>
    %broadcast_in_dim3A_117 = vector.shape_cast %reduce_sum3A_116 : vector<160xf32> to vector<160x1xf32>
    %div3A_118 = vector.broadcast %broadcast_in_dim3A_117 : vector<160x1xf32> to vector<160x160xf32>
    %div3A_119 = arith.divf %exp3A_114, %div3A_118 : vector<160x160xf32>
    %convert_element_type3A_120 = arith.truncf %div3A_119 : vector<160x160xf32> to vector<160x160xbf16>
    %dot_general3A_121 = arith.constant dense<0.000000e+00> : vector<160x128xf32>
    %dot_general3A_122 = tpu.matmul %convert_element_type3A_120, %slice3A_109, %dot_general3A_121 {dimension_numbers = #tpu.dot_dimension_numbers<[1], [0], [0], [1], [0, 0, 1, 1], [], []>, transpose_lhs_hint = false} : vector<160x160xbf16>, vector<160x128xbf16>, vector<160x128xf32> -> vector<160x128xf32>
    %convert_element_type3A_123 = arith.truncf %dot_general3A_122 : vector<160x128xf32> to vector<160x128xbf16>
    %slice3A_124 = vector.extract_strided_slice %slice3A_84 {offsets = [0, 256], sizes = [160, 128], strides = [1, 1]} : vector<160x1536xbf16> to vector<160x128xbf16>
    %slice3A_125 = vector.extract_strided_slice %slice3A_84 {offsets = [0, 768], sizes = [160, 128], strides = [1, 1]} : vector<160x1536xbf16> to vector<160x128xbf16>
    %slice3A_126 = vector.extract_strided_slice %slice3A_84 {offsets = [0, 1280], sizes = [160, 128], strides = [1, 1]} : vector<160x1536xbf16> to vector<160x128xbf16>
    %dot_general3A_127 = arith.constant dense<0.000000e+00> : vector<160x160xf32>
    %dot_general3A_128 = tpu.matmul %slice3A_124, %slice3A_125, %dot_general3A_127 {dimension_numbers = #tpu.dot_dimension_numbers<[1], [1], [0], [0], [0, 0, 1, 0], [], []>, transpose_lhs_hint = false} : vector<160x128xbf16>, vector<160x128xbf16>, vector<160x160xf32> -> vector<160x160xf32>
    %add3A_129 = vector.broadcast %get3A_89 : vector<1x160xf32> to vector<160x160xf32>
    %add3A_130 = arith.addf %dot_general3A_128, %add3A_129 : vector<160x160xf32>
    %exp3A_131 = math.exp %add3A_130 : vector<160x160xf32>
    %reduce_sum3A_132 = arith.constant dense<0.000000e+00> : vector<160xf32>
    %reduce_sum3A_133 = vector.multi_reduction <add>, %exp3A_131, %reduce_sum3A_132 [1] : vector<160x160xf32> to vector<160xf32>
    %broadcast_in_dim3A_134 = vector.shape_cast %reduce_sum3A_133 : vector<160xf32> to vector<160x1xf32>
    %div3A_135 = vector.broadcast %broadcast_in_dim3A_134 : vector<160x1xf32> to vector<160x160xf32>
    %div3A_136 = arith.divf %exp3A_131, %div3A_135 : vector<160x160xf32>
    %convert_element_type3A_137 = arith.truncf %div3A_136 : vector<160x160xf32> to vector<160x160xbf16>
    %dot_general3A_138 = arith.constant dense<0.000000e+00> : vector<160x128xf32>
    %dot_general3A_139 = tpu.matmul %convert_element_type3A_137, %slice3A_126, %dot_general3A_138 {dimension_numbers = #tpu.dot_dimension_numbers<[1], [0], [0], [1], [0, 0, 1, 1], [], []>, transpose_lhs_hint = false} : vector<160x160xbf16>, vector<160x128xbf16>, vector<160x128xf32> -> vector<160x128xf32>
    %convert_element_type3A_140 = arith.truncf %dot_general3A_139 : vector<160x128xf32> to vector<160x128xbf16>
    %slice3A_141 = vector.extract_strided_slice %slice3A_84 {offsets = [0, 384], sizes = [160, 128], strides = [1, 1]} : vector<160x1536xbf16> to vector<160x128xbf16>
    %slice3A_142 = vector.extract_strided_slice %slice3A_84 {offsets = [0, 896], sizes = [160, 128], strides = [1, 1]} : vector<160x1536xbf16> to vector<160x128xbf16>
    %slice3A_143 = vector.extract_strided_slice %slice3A_84 {offsets = [0, 1408], sizes = [160, 128], strides = [1, 1]} : vector<160x1536xbf16> to vector<160x128xbf16>
    %dot_general3A_144 = arith.constant dense<0.000000e+00> : vector<160x160xf32>
    %dot_general3A_145 = tpu.matmul %slice3A_141, %slice3A_142, %dot_general3A_144 {dimension_numbers = #tpu.dot_dimension_numbers<[1], [1], [0], [0], [0, 0, 1, 0], [], []>, transpose_lhs_hint = false} : vector<160x128xbf16>, vector<160x128xbf16>, vector<160x160xf32> -> vector<160x160xf32>
    %add3A_146 = vector.broadcast %get3A_89 : vector<1x160xf32> to vector<160x160xf32>
    %add3A_147 = arith.addf %dot_general3A_145, %add3A_146 : vector<160x160xf32>
    %exp3A_148 = math.exp %add3A_147 : vector<160x160xf32>
    %reduce_sum3A_149 = arith.constant dense<0.000000e+00> : vector<160xf32>
    %reduce_sum3A_150 = vector.multi_reduction <add>, %exp3A_148, %reduce_sum3A_149 [1] : vector<160x160xf32> to vector<160xf32>
    %broadcast_in_dim3A_151 = vector.shape_cast %reduce_sum3A_150 : vector<160xf32> to vector<160x1xf32>
    %div3A_152 = vector.broadcast %broadcast_in_dim3A_151 : vector<160x1xf32> to vector<160x160xf32>
    %div3A_153 = arith.divf %exp3A_148, %div3A_152 : vector<160x160xf32>
    %convert_element_type3A_154 = arith.truncf %div3A_153 : vector<160x160xf32> to vector<160x160xbf16>
    %dot_general3A_155 = arith.constant dense<0.000000e+00> : vector<160x128xf32>
    %dot_general3A_156 = tpu.matmul %convert_element_type3A_154, %slice3A_143, %dot_general3A_155 {dimension_numbers = #tpu.dot_dimension_numbers<[1], [0], [0], [1], [0, 0, 1, 1], [], []>, transpose_lhs_hint = false} : vector<160x160xbf16>, vector<160x128xbf16>, vector<160x128xf32> -> vector<160x128xf32>
    %convert_element_type3A_157 = arith.truncf %dot_general3A_156 : vector<160x128xf32> to vector<160x128xbf16>
    %slice3A_158 = vector.extract_strided_slice %convert_element_type3A_13 {offsets = [320, 0], sizes = [160, 1536], strides = [1, 1]} : vector<2560x1536xbf16> to vector<160x1536xbf16>
    %get3A_159 = arith.constant 2 : index
    %get3A_160 = arith.constant 0 : index
    %get3A_161 = arith.constant 0 : index
    %get3A_162 = vector.load %arg4[%get3A_159, %get3A_160, %get3A_161] : memref<4x1x160xf32, #tpu.memory_space<vmem>>, vector<1x1x160xf32>
    %get3A_163 = vector.shape_cast %get3A_162 : vector<1x1x160xf32> to vector<1x160xf32>
    %slice3A_164 = vector.extract_strided_slice %slice3A_158 {offsets = [0, 0], sizes = [160, 128], strides = [1, 1]} : vector<160x1536xbf16> to vector<160x128xbf16>
    %slice3A_165 = vector.extract_strided_slice %slice3A_158 {offsets = [0, 512], sizes = [160, 128], strides = [1, 1]} : vector<160x1536xbf16> to vector<160x128xbf16>
    %slice3A_166 = vector.extract_strided_slice %slice3A_158 {offsets = [0, 1024], sizes = [160, 128], strides = [1, 1]} : vector<160x1536xbf16> to vector<160x128xbf16>
    %dot_general3A_167 = arith.constant dense<0.000000e+00> : vector<160x160xf32>
    %dot_general3A_168 = tpu.matmul %slice3A_164, %slice3A_165, %dot_general3A_167 {dimension_numbers = #tpu.dot_dimension_numbers<[1], [1], [0], [0], [0, 0, 1, 0], [], []>, transpose_lhs_hint = false} : vector<160x128xbf16>, vector<160x128xbf16>, vector<160x160xf32> -> vector<160x160xf32>
    %add3A_169 = vector.broadcast %get3A_163 : vector<1x160xf32> to vector<160x160xf32>
    %add3A_170 = arith.addf %dot_general3A_168, %add3A_169 : vector<160x160xf32>
    %exp3A_171 = math.exp %add3A_170 : vector<160x160xf32>
    %reduce_sum3A_172 = arith.constant dense<0.000000e+00> : vector<160xf32>
    %reduce_sum3A_173 = vector.multi_reduction <add>, %exp3A_171, %reduce_sum3A_172 [1] : vector<160x160xf32> to vector<160xf32>
    %broadcast_in_dim3A_174 = vector.shape_cast %reduce_sum3A_173 : vector<160xf32> to vector<160x1xf32>
    %div3A_175 = vector.broadcast %broadcast_in_dim3A_174 : vector<160x1xf32> to vector<160x160xf32>
    %div3A_176 = arith.divf %exp3A_171, %div3A_175 : vector<160x160xf32>
    %convert_element_type3A_177 = arith.truncf %div3A_176 : vector<160x160xf32> to vector<160x160xbf16>
    %dot_general3A_178 = arith.constant dense<0.000000e+00> : vector<160x128xf32>
    %dot_general3A_179 = tpu.matmul %convert_element_type3A_177, %slice3A_166, %dot_general3A_178 {dimension_numbers = #tpu.dot_dimension_numbers<[1], [0], [0], [1], [0, 0, 1, 1], [], []>, transpose_lhs_hint = false} : vector<160x160xbf16>, vector<160x128xbf16>, vector<160x128xf32> -> vector<160x128xf32>
    %convert_element_type3A_180 = arith.truncf %dot_general3A_179 : vector<160x128xf32> to vector<160x128xbf16>
    %slice3A_181 = vector.extract_strided_slice %slice3A_158 {offsets = [0, 128], sizes = [160, 128], strides = [1, 1]} : vector<160x1536xbf16> to vector<160x128xbf16>
    %slice3A_182 = vector.extract_strided_slice %slice3A_158 {offsets = [0, 640], sizes = [160, 128], strides = [1, 1]} : vector<160x1536xbf16> to vector<160x128xbf16>
    %slice3A_183 = vector.extract_strided_slice %slice3A_158 {offsets = [0, 1152], sizes = [160, 128], strides = [1, 1]} : vector<160x1536xbf16> to vector<160x128xbf16>
    %dot_general3A_184 = arith.constant dense<0.000000e+00> : vector<160x160xf32>
    %dot_general3A_185 = tpu.matmul %slice3A_181, %slice3A_182, %dot_general3A_184 {dimension_numbers = #tpu.dot_dimension_numbers<[1], [1], [0], [0], [0, 0, 1, 0], [], []>, transpose_lhs_hint = false} : vector<160x128xbf16>, vector<160x128xbf16>, vector<160x160xf32> -> vector<160x160xf32>
    %add3A_186 = vector.broadcast %get3A_163 : vector<1x160xf32> to vector<160x160xf32>
    %add3A_187 = arith.addf %dot_general3A_185, %add3A_186 : vector<160x160xf32>
    %exp3A_188 = math.exp %add3A_187 : vector<160x160xf32>
    %reduce_sum3A_189 = arith.constant dense<0.000000e+00> : vector<160xf32>
    %reduce_sum3A_190 = vector.multi_reduction <add>, %exp3A_188, %reduce_sum3A_189 [1] : vector<160x160xf32> to vector<160xf32>
    %broadcast_in_dim3A_191 = vector.shape_cast %reduce_sum3A_190 : vector<160xf32> to vector<160x1xf32>
    %div3A_192 = vector.broadcast %broadcast_in_dim3A_191 : vector<160x1xf32> to vector<160x160xf32>
    %div3A_193 = arith.divf %exp3A_188, %div3A_192 : vector<160x160xf32>
    %convert_element_type3A_194 = arith.truncf %div3A_193 : vector<160x160xf32> to vector<160x160xbf16>
    %dot_general3A_195 = arith.constant dense<0.000000e+00> : vector<160x128xf32>
    %dot_general3A_196 = tpu.matmul %convert_element_type3A_194, %slice3A_183, %dot_general3A_195 {dimension_numbers = #tpu.dot_dimension_numbers<[1], [0], [0], [1], [0, 0, 1, 1], [], []>, transpose_lhs_hint = false} : vector<160x160xbf16>, vector<160x128xbf16>, vector<160x128xf32> -> vector<160x128xf32>
    %convert_element_type3A_197 = arith.truncf %dot_general3A_196 : vector<160x128xf32> to vector<160x128xbf16>
    %slice3A_198 = vector.extract_strided_slice %slice3A_158 {offsets = [0, 256], sizes = [160, 128], strides = [1, 1]} : vector<160x1536xbf16> to vector<160x128xbf16>
    %slice3A_199 = vector.extract_strided_slice %slice3A_158 {offsets = [0, 768], sizes = [160, 128], strides = [1, 1]} : vector<160x1536xbf16> to vector<160x128xbf16>
    %slice3A_200 = vector.extract_strided_slice %slice3A_158 {offsets = [0, 1280], sizes = [160, 128], strides = [1, 1]} : vector<160x1536xbf16> to vector<160x128xbf16>
    %dot_general3A_201 = arith.constant dense<0.000000e+00> : vector<160x160xf32>
    %dot_general3A_202 = tpu.matmul %slice3A_198, %slice3A_199, %dot_general3A_201 {dimension_numbers = #tpu.dot_dimension_numbers<[1], [1], [0], [0], [0, 0, 1, 0], [], []>, transpose_lhs_hint = false} : vector<160x128xbf16>, vector<160x128xbf16>, vector<160x160xf32> -> vector<160x160xf32>
    %add3A_203 = vector.broadcast %get3A_163 : vector<1x160xf32> to vector<160x160xf32>
    %add3A_204 = arith.addf %dot_general3A_202, %add3A_203 : vector<160x160xf32>
    %exp3A_205 = math.exp %add3A_204 : vector<160x160xf32>
    %reduce_sum3A_206 = arith.constant dense<0.000000e+00> : vector<160xf32>
    %reduce_sum3A_207 = vector.multi_reduction <add>, %exp3A_205, %reduce_sum3A_206 [1] : vector<160x160xf32> to vector<160xf32>
    %broadcast_in_dim3A_208 = vector.shape_cast %reduce_sum3A_207 : vector<160xf32> to vector<160x1xf32>
    %div3A_209 = vector.broadcast %broadcast_in_dim3A_208 : vector<160x1xf32> to vector<160x160xf32>
    %div3A_210 = arith.divf %exp3A_205, %div3A_209 : vector<160x160xf32>
    %convert_element_type3A_211 = arith.truncf %div3A_210 : vector<160x160xf32> to vector<160x160xbf16>
    %dot_general3A_212 = arith.constant dense<0.000000e+00> : vector<160x128xf32>
    %dot_general3A_213 = tpu.matmul %convert_element_type3A_211, %slice3A_200, %dot_general3A_212 {dimension_numbers = #tpu.dot_dimension_numbers<[1], [0], [0], [1], [0, 0, 1, 1], [], []>, transpose_lhs_hint = false} : vector<160x160xbf16>, vector<160x128xbf16>, vector<160x128xf32> -> vector<160x128xf32>
    %convert_element_type3A_214 = arith.truncf %dot_general3A_213 : vector<160x128xf32> to vector<160x128xbf16>
    %slice3A_215 = vector.extract_strided_slice %slice3A_158 {offsets = [0, 384], sizes = [160, 128], strides = [1, 1]} : vector<160x1536xbf16> to vector<160x128xbf16>
    %slice3A_216 = vector.extract_strided_slice %slice3A_158 {offsets = [0, 896], sizes = [160, 128], strides = [1, 1]} : vector<160x1536xbf16> to vector<160x128xbf16>
    %slice3A_217 = vector.extract_strided_slice %slice3A_158 {offsets = [0, 1408], sizes = [160, 128], strides = [1, 1]} : vector<160x1536xbf16> to vector<160x128xbf16>
    %dot_general3A_218 = arith.constant dense<0.000000e+00> : vector<160x160xf32>
    %dot_general3A_219 = tpu.matmul %slice3A_215, %slice3A_216, %dot_general3A_218 {dimension_numbers = #tpu.dot_dimension_numbers<[1], [1], [0], [0], [0, 0, 1, 0], [], []>, transpose_lhs_hint = false} : vector<160x128xbf16>, vector<160x128xbf16>, vector<160x160xf32> -> vector<160x160xf32>
    %add3A_220 = vector.broadcast %get3A_163 : vector<1x160xf32> to vector<160x160xf32>
    %add3A_221 = arith.addf %dot_general3A_219, %add3A_220 : vector<160x160xf32>
    %exp3A_222 = math.exp %add3A_221 : vector<160x160xf32>
    %reduce_sum3A_223 = arith.constant dense<0.000000e+00> : vector<160xf32>
    %reduce_sum3A_224 = vector.multi_reduction <add>, %exp3A_222, %reduce_sum3A_223 [1] : vector<160x160xf32> to vector<160xf32>
    %broadcast_in_dim3A_225 = vector.shape_cast %reduce_sum3A_224 : vector<160xf32> to vector<160x1xf32>
    %div3A_226 = vector.broadcast %broadcast_in_dim3A_225 : vector<160x1xf32> to vector<160x160xf32>
    %div3A_227 = arith.divf %exp3A_222, %div3A_226 : vector<160x160xf32>
    %convert_element_type3A_228 = arith.truncf %div3A_227 : vector<160x160xf32> to vector<160x160xbf16>
    %dot_general3A_229 = arith.constant dense<0.000000e+00> : vector<160x128xf32>
    %dot_general3A_230 = tpu.matmul %convert_element_type3A_228, %slice3A_217, %dot_general3A_229 {dimension_numbers = #tpu.dot_dimension_numbers<[1], [0], [0], [1], [0, 0, 1, 1], [], []>, transpose_lhs_hint = false} : vector<160x160xbf16>, vector<160x128xbf16>, vector<160x128xf32> -> vector<160x128xf32>
    %convert_element_type3A_231 = arith.truncf %dot_general3A_230 : vector<160x128xf32> to vector<160x128xbf16>
    %slice3A_232 = vector.extract_strided_slice %convert_element_type3A_13 {offsets = [480, 0], sizes = [160, 1536], strides = [1, 1]} : vector<2560x1536xbf16> to vector<160x1536xbf16>
    %get3A_233 = arith.constant 3 : index
    %get3A_234 = arith.constant 0 : index
    %get3A_235 = arith.constant 0 : index
    %get3A_236 = vector.load %arg4[%get3A_233, %get3A_234, %get3A_235] : memref<4x1x160xf32, #tpu.memory_space<vmem>>, vector<1x1x160xf32>
    %get3A_237 = vector.shape_cast %get3A_236 : vector<1x1x160xf32> to vector<1x160xf32>
    %slice3A_238 = vector.extract_strided_slice %slice3A_232 {offsets = [0, 0], sizes = [160, 128], strides = [1, 1]} : vector<160x1536xbf16> to vector<160x128xbf16>
    %slice3A_239 = vector.extract_strided_slice %slice3A_232 {offsets = [0, 512], sizes = [160, 128], strides = [1, 1]} : vector<160x1536xbf16> to vector<160x128xbf16>
    %slice3A_240 = vector.extract_strided_slice %slice3A_232 {offsets = [0, 1024], sizes = [160, 128], strides = [1, 1]} : vector<160x1536xbf16> to vector<160x128xbf16>
    %dot_general3A_241 = arith.constant dense<0.000000e+00> : vector<160x160xf32>
    %dot_general3A_242 = tpu.matmul %slice3A_238, %slice3A_239, %dot_general3A_241 {dimension_numbers = #tpu.dot_dimension_numbers<[1], [1], [0], [0], [0, 0, 1, 0], [], []>, transpose_lhs_hint = false} : vector<160x128xbf16>, vector<160x128xbf16>, vector<160x160xf32> -> vector<160x160xf32>
    %add3A_243 = vector.broadcast %get3A_237 : vector<1x160xf32> to vector<160x160xf32>
    %add3A_244 = arith.addf %dot_general3A_242, %add3A_243 : vector<160x160xf32>
    %exp3A_245 = math.exp %add3A_244 : vector<160x160xf32>
    %reduce_sum3A_246 = arith.constant dense<0.000000e+00> : vector<160xf32>
    %reduce_sum3A_247 = vector.multi_reduction <add>, %exp3A_245, %reduce_sum3A_246 [1] : vector<160x160xf32> to vector<160xf32>
    %broadcast_in_dim3A_248 = vector.shape_cast %reduce_sum3A_247 : vector<160xf32> to vector<160x1xf32>
    %div3A_249 = vector.broadcast %broadcast_in_dim3A_248 : vector<160x1xf32> to vector<160x160xf32>
    %div3A_250 = arith.divf %exp3A_245, %div3A_249 : vector<160x160xf32>
    %convert_element_type3A_251 = arith.truncf %div3A_250 : vector<160x160xf32> to vector<160x160xbf16>
    %dot_general3A_252 = arith.constant dense<0.000000e+00> : vector<160x128xf32>
    %dot_general3A_253 = tpu.matmul %convert_element_type3A_251, %slice3A_240, %dot_general3A_252 {dimension_numbers = #tpu.dot_dimension_numbers<[1], [0], [0], [1], [0, 0, 1, 1], [], []>, transpose_lhs_hint = false} : vector<160x160xbf16>, vector<160x128xbf16>, vector<160x128xf32> -> vector<160x128xf32>
    %convert_element_type3A_254 = arith.truncf %dot_general3A_253 : vector<160x128xf32> to vector<160x128xbf16>
    %slice3A_255 = vector.extract_strided_slice %slice3A_232 {offsets = [0, 128], sizes = [160, 128], strides = [1, 1]} : vector<160x1536xbf16> to vector<160x128xbf16>
    %slice3A_256 = vector.extract_strided_slice %slice3A_232 {offsets = [0, 640], sizes = [160, 128], strides = [1, 1]} : vector<160x1536xbf16> to vector<160x128xbf16>
    %slice3A_257 = vector.extract_strided_slice %slice3A_232 {offsets = [0, 1152], sizes = [160, 128], strides = [1, 1]} : vector<160x1536xbf16> to vector<160x128xbf16>
    %dot_general3A_258 = arith.constant dense<0.000000e+00> : vector<160x160xf32>
    %dot_general3A_259 = tpu.matmul %slice3A_255, %slice3A_256, %dot_general3A_258 {dimension_numbers = #tpu.dot_dimension_numbers<[1], [1], [0], [0], [0, 0, 1, 0], [], []>, transpose_lhs_hint = false} : vector<160x128xbf16>, vector<160x128xbf16>, vector<160x160xf32> -> vector<160x160xf32>
    %add3A_260 = vector.broadcast %get3A_237 : vector<1x160xf32> to vector<160x160xf32>
    %add3A_261 = arith.addf %dot_general3A_259, %add3A_260 : vector<160x160xf32>
    %exp3A_262 = math.exp %add3A_261 : vector<160x160xf32>
    %reduce_sum3A_263 = arith.constant dense<0.000000e+00> : vector<160xf32>
    %reduce_sum3A_264 = vector.multi_reduction <add>, %exp3A_262, %reduce_sum3A_263 [1] : vector<160x160xf32> to vector<160xf32>
    %broadcast_in_dim3A_265 = vector.shape_cast %reduce_sum3A_264 : vector<160xf32> to vector<160x1xf32>
    %div3A_266 = vector.broadcast %broadcast_in_dim3A_265 : vector<160x1xf32> to vector<160x160xf32>
    %div3A_267 = arith.divf %exp3A_262, %div3A_266 : vector<160x160xf32>
    %convert_element_type3A_268 = arith.truncf %div3A_267 : vector<160x160xf32> to vector<160x160xbf16>
    %dot_general3A_269 = arith.constant dense<0.000000e+00> : vector<160x128xf32>
    %dot_general3A_270 = tpu.matmul %convert_element_type3A_268, %slice3A_257, %dot_general3A_269 {dimension_numbers = #tpu.dot_dimension_numbers<[1], [0], [0], [1], [0, 0, 1, 1], [], []>, transpose_lhs_hint = false} : vector<160x160xbf16>, vector<160x128xbf16>, vector<160x128xf32> -> vector<160x128xf32>
    %convert_element_type3A_271 = arith.truncf %dot_general3A_270 : vector<160x128xf32> to vector<160x128xbf16>
    %slice3A_272 = vector.extract_strided_slice %slice3A_232 {offsets = [0, 256], sizes = [160, 128], strides = [1, 1]} : vector<160x1536xbf16> to vector<160x128xbf16>
    %slice3A_273 = vector.extract_strided_slice %slice3A_232 {offsets = [0, 768], sizes = [160, 128], strides = [1, 1]} : vector<160x1536xbf16> to vector<160x128xbf16>
    %slice3A_274 = vector.extract_strided_slice %slice3A_232 {offsets = [0, 1280], sizes = [160, 128], strides = [1, 1]} : vector<160x1536xbf16> to vector<160x128xbf16>
    %dot_general3A_275 = arith.constant dense<0.000000e+00> : vector<160x160xf32>
    %dot_general3A_276 = tpu.matmul %slice3A_272, %slice3A_273, %dot_general3A_275 {dimension_numbers = #tpu.dot_dimension_numbers<[1], [1], [0], [0], [0, 0, 1, 0], [], []>, transpose_lhs_hint = false} : vector<160x128xbf16>, vector<160x128xbf16>, vector<160x160xf32> -> vector<160x160xf32>
    %add3A_277 = vector.broadcast %get3A_237 : vector<1x160xf32> to vector<160x160xf32>
    %add3A_278 = arith.addf %dot_general3A_276, %add3A_277 : vector<160x160xf32>
    %exp3A_279 = math.exp %add3A_278 : vector<160x160xf32>
    %reduce_sum3A_280 = arith.constant dense<0.000000e+00> : vector<160xf32>
    %reduce_sum3A_281 = vector.multi_reduction <add>, %exp3A_279, %reduce_sum3A_280 [1] : vector<160x160xf32> to vector<160xf32>
    %broadcast_in_dim3A_282 = vector.shape_cast %reduce_sum3A_281 : vector<160xf32> to vector<160x1xf32>
    %div3A_283 = vector.broadcast %broadcast_in_dim3A_282 : vector<160x1xf32> to vector<160x160xf32>
    %div3A_284 = arith.divf %exp3A_279, %div3A_283 : vector<160x160xf32>
    %convert_element_type3A_285 = arith.truncf %div3A_284 : vector<160x160xf32> to vector<160x160xbf16>
    %dot_general3A_286 = arith.constant dense<0.000000e+00> : vector<160x128xf32>
    %dot_general3A_287 = tpu.matmul %convert_element_type3A_285, %slice3A_274, %dot_general3A_286 {dimension_numbers = #tpu.dot_dimension_numbers<[1], [0], [0], [1], [0, 0, 1, 1], [], []>, transpose_lhs_hint = false} : vector<160x160xbf16>, vector<160x128xbf16>, vector<160x128xf32> -> vector<160x128xf32>
    %convert_element_type3A_288 = arith.truncf %dot_general3A_287 : vector<160x128xf32> to vector<160x128xbf16>
    %slice3A_289 = vector.extract_strided_slice %slice3A_232 {offsets = [0, 384], sizes = [160, 128], strides = [1, 1]} : vector<160x1536xbf16> to vector<160x128xbf16>
    %slice3A_290 = vector.extract_strided_slice %slice3A_232 {offsets = [0, 896], sizes = [160, 128], strides = [1, 1]} : vector<160x1536xbf16> to vector<160x128xbf16>
    %slice3A_291 = vector.extract_strided_slice %slice3A_232 {offsets = [0, 1408], sizes = [160, 128], strides = [1, 1]} : vector<160x1536xbf16> to vector<160x128xbf16>
    %dot_general3A_292 = arith.constant dense<0.000000e+00> : vector<160x160xf32>
    %dot_general3A_293 = tpu.matmul %slice3A_289, %slice3A_290, %dot_general3A_292 {dimension_numbers = #tpu.dot_dimension_numbers<[1], [1], [0], [0], [0, 0, 1, 0], [], []>, transpose_lhs_hint = false} : vector<160x128xbf16>, vector<160x128xbf16>, vector<160x160xf32> -> vector<160x160xf32>
    %add3A_294 = vector.broadcast %get3A_237 : vector<1x160xf32> to vector<160x160xf32>
    %add3A_295 = arith.addf %dot_general3A_293, %add3A_294 : vector<160x160xf32>
    %exp3A_296 = math.exp %add3A_295 : vector<160x160xf32>
    %reduce_sum3A_297 = arith.constant dense<0.000000e+00> : vector<160xf32>
    %reduce_sum3A_298 = vector.multi_reduction <add>, %exp3A_296, %reduce_sum3A_297 [1] : vector<160x160xf32> to vector<160xf32>
    %broadcast_in_dim3A_299 = vector.shape_cast %reduce_sum3A_298 : vector<160xf32> to vector<160x1xf32>
    %div3A_300 = vector.broadcast %broadcast_in_dim3A_299 : vector<160x1xf32> to vector<160x160xf32>
    %div3A_301 = arith.divf %exp3A_296, %div3A_300 : vector<160x160xf32>
    %convert_element_type3A_302 = arith.truncf %div3A_301 : vector<160x160xf32> to vector<160x160xbf16>
    %dot_general3A_303 = arith.constant dense<0.000000e+00> : vector<160x128xf32>
    %dot_general3A_304 = tpu.matmul %convert_element_type3A_302, %slice3A_291, %dot_general3A_303 {dimension_numbers = #tpu.dot_dimension_numbers<[1], [0], [0], [1], [0, 0, 1, 1], [], []>, transpose_lhs_hint = false} : vector<160x160xbf16>, vector<160x128xbf16>, vector<160x128xf32> -> vector<160x128xf32>
    %convert_element_type3A_305 = arith.truncf %dot_general3A_304 : vector<160x128xf32> to vector<160x128xbf16>
    %slice3A_306 = vector.extract_strided_slice %convert_element_type3A_13 {offsets = [640, 0], sizes = [160, 1536], strides = [1, 1]} : vector<2560x1536xbf16> to vector<160x1536xbf16>
    %get3A_307 = arith.constant 0 : index
    %get3A_308 = arith.constant 0 : index
    %get3A_309 = arith.constant 0 : index
    %get3A_310 = vector.load %arg4[%get3A_307, %get3A_308, %get3A_309] : memref<4x1x160xf32, #tpu.memory_space<vmem>>, vector<1x1x160xf32>
    %get3A_311 = vector.shape_cast %get3A_310 : vector<1x1x160xf32> to vector<1x160xf32>
    %slice3A_312 = vector.extract_strided_slice %slice3A_306 {offsets = [0, 0], sizes = [160, 128], strides = [1, 1]} : vector<160x1536xbf16> to vector<160x128xbf16>
    %slice3A_313 = vector.extract_strided_slice %slice3A_306 {offsets = [0, 512], sizes = [160, 128], strides = [1, 1]} : vector<160x1536xbf16> to vector<160x128xbf16>
    %slice3A_314 = vector.extract_strided_slice %slice3A_306 {offsets = [0, 1024], sizes = [160, 128], strides = [1, 1]} : vector<160x1536xbf16> to vector<160x128xbf16>
    %dot_general3A_315 = arith.constant dense<0.000000e+00> : vector<160x160xf32>
    %dot_general3A_316 = tpu.matmul %slice3A_312, %slice3A_313, %dot_general3A_315 {dimension_numbers = #tpu.dot_dimension_numbers<[1], [1], [0], [0], [0, 0, 1, 0], [], []>, transpose_lhs_hint = false} : vector<160x128xbf16>, vector<160x128xbf16>, vector<160x160xf32> -> vector<160x160xf32>
    %add3A_317 = vector.broadcast %get3A_311 : vector<1x160xf32> to vector<160x160xf32>
    %add3A_318 = arith.addf %dot_general3A_316, %add3A_317 : vector<160x160xf32>
    %exp3A_319 = math.exp %add3A_318 : vector<160x160xf32>
    %reduce_sum3A_320 = arith.constant dense<0.000000e+00> : vector<160xf32>
    %reduce_sum3A_321 = vector.multi_reduction <add>, %exp3A_319, %reduce_sum3A_320 [1] : vector<160x160xf32> to vector<160xf32>
    %broadcast_in_dim3A_322 = vector.shape_cast %reduce_sum3A_321 : vector<160xf32> to vector<160x1xf32>
    %div3A_323 = vector.broadcast %broadcast_in_dim3A_322 : vector<160x1xf32> to vector<160x160xf32>
    %div3A_324 = arith.divf %exp3A_319, %div3A_323 : vector<160x160xf32>
    %convert_element_type3A_325 = arith.truncf %div3A_324 : vector<160x160xf32> to vector<160x160xbf16>
    %dot_general3A_326 = arith.constant dense<0.000000e+00> : vector<160x128xf32>
    %dot_general3A_327 = tpu.matmul %convert_element_type3A_325, %slice3A_314, %dot_general3A_326 {dimension_numbers = #tpu.dot_dimension_numbers<[1], [0], [0], [1], [0, 0, 1, 1], [], []>, transpose_lhs_hint = false} : vector<160x160xbf16>, vector<160x128xbf16>, vector<160x128xf32> -> vector<160x128xf32>
    %convert_element_type3A_328 = arith.truncf %dot_general3A_327 : vector<160x128xf32> to vector<160x128xbf16>
    %slice3A_329 = vector.extract_strided_slice %slice3A_306 {offsets = [0, 128], sizes = [160, 128], strides = [1, 1]} : vector<160x1536xbf16> to vector<160x128xbf16>
    %slice3A_330 = vector.extract_strided_slice %slice3A_306 {offsets = [0, 640], sizes = [160, 128], strides = [1, 1]} : vector<160x1536xbf16> to vector<160x128xbf16>
    %slice3A_331 = vector.extract_strided_slice %slice3A_306 {offsets = [0, 1152], sizes = [160, 128], strides = [1, 1]} : vector<160x1536xbf16> to vector<160x128xbf16>
    %dot_general3A_332 = arith.constant dense<0.000000e+00> : vector<160x160xf32>
    %dot_general3A_333 = tpu.matmul %slice3A_329, %slice3A_330, %dot_general3A_332 {dimension_numbers = #tpu.dot_dimension_numbers<[1], [1], [0], [0], [0, 0, 1, 0], [], []>, transpose_lhs_hint = false} : vector<160x128xbf16>, vector<160x128xbf16>, vector<160x160xf32> -> vector<160x160xf32>
    %add3A_334 = vector.broadcast %get3A_311 : vector<1x160xf32> to vector<160x160xf32>
    %add3A_335 = arith.addf %dot_general3A_333, %add3A_334 : vector<160x160xf32>
    %exp3A_336 = math.exp %add3A_335 : vector<160x160xf32>
    %reduce_sum3A_337 = arith.constant dense<0.000000e+00> : vector<160xf32>
    %reduce_sum3A_338 = vector.multi_reduction <add>, %exp3A_336, %reduce_sum3A_337 [1] : vector<160x160xf32> to vector<160xf32>
    %broadcast_in_dim3A_339 = vector.shape_cast %reduce_sum3A_338 : vector<160xf32> to vector<160x1xf32>
    %div3A_340 = vector.broadcast %broadcast_in_dim3A_339 : vector<160x1xf32> to vector<160x160xf32>
    %div3A_341 = arith.divf %exp3A_336, %div3A_340 : vector<160x160xf32>
    %convert_element_type3A_342 = arith.truncf %div3A_341 : vector<160x160xf32> to vector<160x160xbf16>
    %dot_general3A_343 = arith.constant dense<0.000000e+00> : vector<160x128xf32>
    %dot_general3A_344 = tpu.matmul %convert_element_type3A_342, %slice3A_331, %dot_general3A_343 {dimension_numbers = #tpu.dot_dimension_numbers<[1], [0], [0], [1], [0, 0, 1, 1], [], []>, transpose_lhs_hint = false} : vector<160x160xbf16>, vector<160x128xbf16>, vector<160x128xf32> -> vector<160x128xf32>
    %convert_element_type3A_345 = arith.truncf %dot_general3A_344 : vector<160x128xf32> to vector<160x128xbf16>
    %slice3A_346 = vector.extract_strided_slice %slice3A_306 {offsets = [0, 256], sizes = [160, 128], strides = [1, 1]} : vector<160x1536xbf16> to vector<160x128xbf16>
    %slice3A_347 = vector.extract_strided_slice %slice3A_306 {offsets = [0, 768], sizes = [160, 128], strides = [1, 1]} : vector<160x1536xbf16> to vector<160x128xbf16>
    %slice3A_348 = vector.extract_strided_slice %slice3A_306 {offsets = [0, 1280], sizes = [160, 128], strides = [1, 1]} : vector<160x1536xbf16> to vector<160x128xbf16>
    %dot_general3A_349 = arith.constant dense<0.000000e+00> : vector<160x160xf32>
    %dot_general3A_350 = tpu.matmul %slice3A_346, %slice3A_347, %dot_general3A_349 {dimension_numbers = #tpu.dot_dimension_numbers<[1], [1], [0], [0], [0, 0, 1, 0], [], []>, transpose_lhs_hint = false} : vector<160x128xbf16>, vector<160x128xbf16>, vector<160x160xf32> -> vector<160x160xf32>
    %add3A_351 = vector.broadcast %get3A_311 : vector<1x160xf32> to vector<160x160xf32>
    %add3A_352 = arith.addf %dot_general3A_350, %add3A_351 : vector<160x160xf32>
    %exp3A_353 = math.exp %add3A_352 : vector<160x160xf32>
    %reduce_sum3A_354 = arith.constant dense<0.000000e+00> : vector<160xf32>
    %reduce_sum3A_355 = vector.multi_reduction <add>, %exp3A_353, %reduce_sum3A_354 [1] : vector<160x160xf32> to vector<160xf32>
    %broadcast_in_dim3A_356 = vector.shape_cast %reduce_sum3A_355 : vector<160xf32> to vector<160x1xf32>
    %div3A_357 = vector.broadcast %broadcast_in_dim3A_356 : vector<160x1xf32> to vector<160x160xf32>
    %div3A_358 = arith.divf %exp3A_353, %div3A_357 : vector<160x160xf32>
    %convert_element_type3A_359 = arith.truncf %div3A_358 : vector<160x160xf32> to vector<160x160xbf16>
    %dot_general3A_360 = arith.constant dense<0.000000e+00> : vector<160x128xf32>
    %dot_general3A_361 = tpu.matmul %convert_element_type3A_359, %slice3A_348, %dot_general3A_360 {dimension_numbers = #tpu.dot_dimension_numbers<[1], [0], [0], [1], [0, 0, 1, 1], [], []>, transpose_lhs_hint = false} : vector<160x160xbf16>, vector<160x128xbf16>, vector<160x128xf32> -> vector<160x128xf32>
    %convert_element_type3A_362 = arith.truncf %dot_general3A_361 : vector<160x128xf32> to vector<160x128xbf16>
    %slice3A_363 = vector.extract_strided_slice %slice3A_306 {offsets = [0, 384], sizes = [160, 128], strides = [1, 1]} : vector<160x1536xbf16> to vector<160x128xbf16>
    %slice3A_364 = vector.extract_strided_slice %slice3A_306 {offsets = [0, 896], sizes = [160, 128], strides = [1, 1]} : vector<160x1536xbf16> to vector<160x128xbf16>
    %slice3A_365 = vector.extract_strided_slice %slice3A_306 {offsets = [0, 1408], sizes = [160, 128], strides = [1, 1]} : vector<160x1536xbf16> to vector<160x128xbf16>
    %dot_general3A_366 = arith.constant dense<0.000000e+00> : vector<160x160xf32>
    %dot_general3A_367 = tpu.matmul %slice3A_363, %slice3A_364, %dot_general3A_366 {dimension_numbers = #tpu.dot_dimension_numbers<[1], [1], [0], [0], [0, 0, 1, 0], [], []>, transpose_lhs_hint = false} : vector<160x128xbf16>, vector<160x128xbf16>, vector<160x160xf32> -> vector<160x160xf32>
    %add3A_368 = vector.broadcast %get3A_311 : vector<1x160xf32> to vector<160x160xf32>
    %add3A_369 = arith.addf %dot_general3A_367, %add3A_368 : vector<160x160xf32>
    %exp3A_370 = math.exp %add3A_369 : vector<160x160xf32>
    %reduce_sum3A_371 = arith.constant dense<0.000000e+00> : vector<160xf32>
    %reduce_sum3A_372 = vector.multi_reduction <add>, %exp3A_370, %reduce_sum3A_371 [1] : vector<160x160xf32> to vector<160xf32>
    %broadcast_in_dim3A_373 = vector.shape_cast %reduce_sum3A_372 : vector<160xf32> to vector<160x1xf32>
    %div3A_374 = vector.broadcast %broadcast_in_dim3A_373 : vector<160x1xf32> to vector<160x160xf32>
    %div3A_375 = arith.divf %exp3A_370, %div3A_374 : vector<160x160xf32>
    %convert_element_type3A_376 = arith.truncf %div3A_375 : vector<160x160xf32> to vector<160x160xbf16>
    %dot_general3A_377 = arith.constant dense<0.000000e+00> : vector<160x128xf32>
    %dot_general3A_378 = tpu.matmul %convert_element_type3A_376, %slice3A_365, %dot_general3A_377 {dimension_numbers = #tpu.dot_dimension_numbers<[1], [0], [0], [1], [0, 0, 1, 1], [], []>, transpose_lhs_hint = false} : vector<160x160xbf16>, vector<160x128xbf16>, vector<160x128xf32> -> vector<160x128xf32>
    %convert_element_type3A_379 = arith.truncf %dot_general3A_378 : vector<160x128xf32> to vector<160x128xbf16>
    %slice3A_380 = vector.extract_strided_slice %convert_element_type3A_13 {offsets = [800, 0], sizes = [160, 1536], strides = [1, 1]} : vector<2560x1536xbf16> to vector<160x1536xbf16>
    %get3A_381 = arith.constant 1 : index
    %get3A_382 = arith.constant 0 : index
    %get3A_383 = arith.constant 0 : index
    %get3A_384 = vector.load %arg4[%get3A_381, %get3A_382, %get3A_383] : memref<4x1x160xf32, #tpu.memory_space<vmem>>, vector<1x1x160xf32>
    %get3A_385 = vector.shape_cast %get3A_384 : vector<1x1x160xf32> to vector<1x160xf32>
    %slice3A_386 = vector.extract_strided_slice %slice3A_380 {offsets = [0, 0], sizes = [160, 128], strides = [1, 1]} : vector<160x1536xbf16> to vector<160x128xbf16>
    %slice3A_387 = vector.extract_strided_slice %slice3A_380 {offsets = [0, 512], sizes = [160, 128], strides = [1, 1]} : vector<160x1536xbf16> to vector<160x128xbf16>
    %slice3A_388 = vector.extract_strided_slice %slice3A_380 {offsets = [0, 1024], sizes = [160, 128], strides = [1, 1]} : vector<160x1536xbf16> to vector<160x128xbf16>
    %dot_general3A_389 = arith.constant dense<0.000000e+00> : vector<160x160xf32>
    %dot_general3A_390 = tpu.matmul %slice3A_386, %slice3A_387, %dot_general3A_389 {dimension_numbers = #tpu.dot_dimension_numbers<[1], [1], [0], [0], [0, 0, 1, 0], [], []>, transpose_lhs_hint = false} : vector<160x128xbf16>, vector<160x128xbf16>, vector<160x160xf32> -> vector<160x160xf32>
    %add3A_391 = vector.broadcast %get3A_385 : vector<1x160xf32> to vector<160x160xf32>
    %add3A_392 = arith.addf %dot_general3A_390, %add3A_391 : vector<160x160xf32>
    %exp3A_393 = math.exp %add3A_392 : vector<160x160xf32>
    %reduce_sum3A_394 = arith.constant dense<0.000000e+00> : vector<160xf32>
    %reduce_sum3A_395 = vector.multi_reduction <add>, %exp3A_393, %reduce_sum3A_394 [1] : vector<160x160xf32> to vector<160xf32>
    %broadcast_in_dim3A_396 = vector.shape_cast %reduce_sum3A_395 : vector<160xf32> to vector<160x1xf32>
    %div3A_397 = vector.broadcast %broadcast_in_dim3A_396 : vector<160x1xf32> to vector<160x160xf32>
    %div3A_398 = arith.divf %exp3A_393, %div3A_397 : vector<160x160xf32>
    %convert_element_type3A_399 = arith.truncf %div3A_398 : vector<160x160xf32> to vector<160x160xbf16>
    %dot_general3A_400 = arith.constant dense<0.000000e+00> : vector<160x128xf32>
    %dot_general3A_401 = tpu.matmul %convert_element_type3A_399, %slice3A_388, %dot_general3A_400 {dimension_numbers = #tpu.dot_dimension_numbers<[1], [0], [0], [1], [0, 0, 1, 1], [], []>, transpose_lhs_hint = false} : vector<160x160xbf16>, vector<160x128xbf16>, vector<160x128xf32> -> vector<160x128xf32>
    %convert_element_type3A_402 = arith.truncf %dot_general3A_401 : vector<160x128xf32> to vector<160x128xbf16>
    %slice3A_403 = vector.extract_strided_slice %slice3A_380 {offsets = [0, 128], sizes = [160, 128], strides = [1, 1]} : vector<160x1536xbf16> to vector<160x128xbf16>
    %slice3A_404 = vector.extract_strided_slice %slice3A_380 {offsets = [0, 640], sizes = [160, 128], strides = [1, 1]} : vector<160x1536xbf16> to vector<160x128xbf16>
    %slice3A_405 = vector.extract_strided_slice %slice3A_380 {offsets = [0, 1152], sizes = [160, 128], strides = [1, 1]} : vector<160x1536xbf16> to vector<160x128xbf16>
    %dot_general3A_406 = arith.constant dense<0.000000e+00> : vector<160x160xf32>
    %dot_general3A_407 = tpu.matmul %slice3A_403, %slice3A_404, %dot_general3A_406 {dimension_numbers = #tpu.dot_dimension_numbers<[1], [1], [0], [0], [0, 0, 1, 0], [], []>, transpose_lhs_hint = false} : vector<160x128xbf16>, vector<160x128xbf16>, vector<160x160xf32> -> vector<160x160xf32>
    %add3A_408 = vector.broadcast %get3A_385 : vector<1x160xf32> to vector<160x160xf32>
    %add3A_409 = arith.addf %dot_general3A_407, %add3A_408 : vector<160x160xf32>
    %exp3A_410 = math.exp %add3A_409 : vector<160x160xf32>
    %reduce_sum3A_411 = arith.constant dense<0.000000e+00> : vector<160xf32>
    %reduce_sum3A_412 = vector.multi_reduction <add>, %exp3A_410, %reduce_sum3A_411 [1] : vector<160x160xf32> to vector<160xf32>
    %broadcast_in_dim3A_413 = vector.shape_cast %reduce_sum3A_412 : vector<160xf32> to vector<160x1xf32>
    %div3A_414 = vector.broadcast %broadcast_in_dim3A_413 : vector<160x1xf32> to vector<160x160xf32>
    %div3A_415 = arith.divf %exp3A_410, %div3A_414 : vector<160x160xf32>
    %convert_element_type3A_416 = arith.truncf %div3A_415 : vector<160x160xf32> to vector<160x160xbf16>
    %dot_general3A_417 = arith.constant dense<0.000000e+00> : vector<160x128xf32>
    %dot_general3A_418 = tpu.matmul %convert_element_type3A_416, %slice3A_405, %dot_general3A_417 {dimension_numbers = #tpu.dot_dimension_numbers<[1], [0], [0], [1], [0, 0, 1, 1], [], []>, transpose_lhs_hint = false} : vector<160x160xbf16>, vector<160x128xbf16>, vector<160x128xf32> -> vector<160x128xf32>
    %convert_element_type3A_419 = arith.truncf %dot_general3A_418 : vector<160x128xf32> to vector<160x128xbf16>
    %slice3A_420 = vector.extract_strided_slice %slice3A_380 {offsets = [0, 256], sizes = [160, 128], strides = [1, 1]} : vector<160x1536xbf16> to vector<160x128xbf16>
    %slice3A_421 = vector.extract_strided_slice %slice3A_380 {offsets = [0, 768], sizes = [160, 128], strides = [1, 1]} : vector<160x1536xbf16> to vector<160x128xbf16>
    %slice3A_422 = vector.extract_strided_slice %slice3A_380 {offsets = [0, 1280], sizes = [160, 128], strides = [1, 1]} : vector<160x1536xbf16> to vector<160x128xbf16>
    %dot_general3A_423 = arith.constant dense<0.000000e+00> : vector<160x160xf32>
    %dot_general3A_424 = tpu.matmul %slice3A_420, %slice3A_421, %dot_general3A_423 {dimension_numbers = #tpu.dot_dimension_numbers<[1], [1], [0], [0], [0, 0, 1, 0], [], []>, transpose_lhs_hint = false} : vector<160x128xbf16>, vector<160x128xbf16>, vector<160x160xf32> -> vector<160x160xf32>
    %add3A_425 = vector.broadcast %get3A_385 : vector<1x160xf32> to vector<160x160xf32>
    %add3A_426 = arith.addf %dot_general3A_424, %add3A_425 : vector<160x160xf32>
    %exp3A_427 = math.exp %add3A_426 : vector<160x160xf32>
    %reduce_sum3A_428 = arith.constant dense<0.000000e+00> : vector<160xf32>
    %reduce_sum3A_429 = vector.multi_reduction <add>, %exp3A_427, %reduce_sum3A_428 [1] : vector<160x160xf32> to vector<160xf32>
    %broadcast_in_dim3A_430 = vector.shape_cast %reduce_sum3A_429 : vector<160xf32> to vector<160x1xf32>
    %div3A_431 = vector.broadcast %broadcast_in_dim3A_430 : vector<160x1xf32> to vector<160x160xf32>
    %div3A_432 = arith.divf %exp3A_427, %div3A_431 : vector<160x160xf32>
    %convert_element_type3A_433 = arith.truncf %div3A_432 : vector<160x160xf32> to vector<160x160xbf16>
    %dot_general3A_434 = arith.constant dense<0.000000e+00> : vector<160x128xf32>
    %dot_general3A_435 = tpu.matmul %convert_element_type3A_433, %slice3A_422, %dot_general3A_434 {dimension_numbers = #tpu.dot_dimension_numbers<[1], [0], [0], [1], [0, 0, 1, 1], [], []>, transpose_lhs_hint = false} : vector<160x160xbf16>, vector<160x128xbf16>, vector<160x128xf32> -> vector<160x128xf32>
    %convert_element_type3A_436 = arith.truncf %dot_general3A_435 : vector<160x128xf32> to vector<160x128xbf16>
    %slice3A_437 = vector.extract_strided_slice %slice3A_380 {offsets = [0, 384], sizes = [160, 128], strides = [1, 1]} : vector<160x1536xbf16> to vector<160x128xbf16>
    %slice3A_438 = vector.extract_strided_slice %slice3A_380 {offsets = [0, 896], sizes = [160, 128], strides = [1, 1]} : vector<160x1536xbf16> to vector<160x128xbf16>
    %slice3A_439 = vector.extract_strided_slice %slice3A_380 {offsets = [0, 1408], sizes = [160, 128], strides = [1, 1]} : vector<160x1536xbf16> to vector<160x128xbf16>
    %dot_general3A_440 = arith.constant dense<0.000000e+00> : vector<160x160xf32>
    %dot_general3A_441 = tpu.matmul %slice3A_437, %slice3A_438, %dot_general3A_440 {dimension_numbers = #tpu.dot_dimension_numbers<[1], [1], [0], [0], [0, 0, 1, 0], [], []>, transpose_lhs_hint = false} : vector<160x128xbf16>, vector<160x128xbf16>, vector<160x160xf32> -> vector<160x160xf32>
    %add3A_442 = vector.broadcast %get3A_385 : vector<1x160xf32> to vector<160x160xf32>
    %add3A_443 = arith.addf %dot_general3A_441, %add3A_442 : vector<160x160xf32>
    %exp3A_444 = math.exp %add3A_443 : vector<160x160xf32>
    %reduce_sum3A_445 = arith.constant dense<0.000000e+00> : vector<160xf32>
    %reduce_sum3A_446 = vector.multi_reduction <add>, %exp3A_444, %reduce_sum3A_445 [1] : vector<160x160xf32> to vector<160xf32>
    %broadcast_in_dim3A_447 = vector.shape_cast %reduce_sum3A_446 : vector<160xf32> to vector<160x1xf32>
    %div3A_448 = vector.broadcast %broadcast_in_dim3A_447 : vector<160x1xf32> to vector<160x160xf32>
    %div3A_449 = arith.divf %exp3A_444, %div3A_448 : vector<160x160xf32>
    %convert_element_type3A_450 = arith.truncf %div3A_449 : vector<160x160xf32> to vector<160x160xbf16>
    %dot_general3A_451 = arith.constant dense<0.000000e+00> : vector<160x128xf32>
    %dot_general3A_452 = tpu.matmul %convert_element_type3A_450, %slice3A_439, %dot_general3A_451 {dimension_numbers = #tpu.dot_dimension_numbers<[1], [0], [0], [1], [0, 0, 1, 1], [], []>, transpose_lhs_hint = false} : vector<160x160xbf16>, vector<160x128xbf16>, vector<160x128xf32> -> vector<160x128xf32>
    %convert_element_type3A_453 = arith.truncf %dot_general3A_452 : vector<160x128xf32> to vector<160x128xbf16>
    %slice3A_454 = vector.extract_strided_slice %convert_element_type3A_13 {offsets = [960, 0], sizes = [160, 1536], strides = [1, 1]} : vector<2560x1536xbf16> to vector<160x1536xbf16>
    %get3A_455 = arith.constant 2 : index
    %get3A_456 = arith.constant 0 : index
    %get3A_457 = arith.constant 0 : index
    %get3A_458 = vector.load %arg4[%get3A_455, %get3A_456, %get3A_457] : memref<4x1x160xf32, #tpu.memory_space<vmem>>, vector<1x1x160xf32>
    %get3A_459 = vector.shape_cast %get3A_458 : vector<1x1x160xf32> to vector<1x160xf32>
    %slice3A_460 = vector.extract_strided_slice %slice3A_454 {offsets = [0, 0], sizes = [160, 128], strides = [1, 1]} : vector<160x1536xbf16> to vector<160x128xbf16>
    %slice3A_461 = vector.extract_strided_slice %slice3A_454 {offsets = [0, 512], sizes = [160, 128], strides = [1, 1]} : vector<160x1536xbf16> to vector<160x128xbf16>
    %slice3A_462 = vector.extract_strided_slice %slice3A_454 {offsets = [0, 1024], sizes = [160, 128], strides = [1, 1]} : vector<160x1536xbf16> to vector<160x128xbf16>
    %dot_general3A_463 = arith.constant dense<0.000000e+00> : vector<160x160xf32>
    %dot_general3A_464 = tpu.matmul %slice3A_460, %slice3A_461, %dot_general3A_463 {dimension_numbers = #tpu.dot_dimension_numbers<[1], [1], [0], [0], [0, 0, 1, 0], [], []>, transpose_lhs_hint = false} : vector<160x128xbf16>, vector<160x128xbf16>, vector<160x160xf32> -> vector<160x160xf32>
    %add3A_465 = vector.broadcast %get3A_459 : vector<1x160xf32> to vector<160x160xf32>
    %add3A_466 = arith.addf %dot_general3A_464, %add3A_465 : vector<160x160xf32>
    %exp3A_467 = math.exp %add3A_466 : vector<160x160xf32>
    %reduce_sum3A_468 = arith.constant dense<0.000000e+00> : vector<160xf32>
    %reduce_sum3A_469 = vector.multi_reduction <add>, %exp3A_467, %reduce_sum3A_468 [1] : vector<160x160xf32> to vector<160xf32>
    %broadcast_in_dim3A_470 = vector.shape_cast %reduce_sum3A_469 : vector<160xf32> to vector<160x1xf32>
    %div3A_471 = vector.broadcast %broadcast_in_dim3A_470 : vector<160x1xf32> to vector<160x160xf32>
    %div3A_472 = arith.divf %exp3A_467, %div3A_471 : vector<160x160xf32>
    %convert_element_type3A_473 = arith.truncf %div3A_472 : vector<160x160xf32> to vector<160x160xbf16>
    %dot_general3A_474 = arith.constant dense<0.000000e+00> : vector<160x128xf32>
    %dot_general3A_475 = tpu.matmul %convert_element_type3A_473, %slice3A_462, %dot_general3A_474 {dimension_numbers = #tpu.dot_dimension_numbers<[1], [0], [0], [1], [0, 0, 1, 1], [], []>, transpose_lhs_hint = false} : vector<160x160xbf16>, vector<160x128xbf16>, vector<160x128xf32> -> vector<160x128xf32>
    %convert_element_type3A_476 = arith.truncf %dot_general3A_475 : vector<160x128xf32> to vector<160x128xbf16>
    %slice3A_477 = vector.extract_strided_slice %slice3A_454 {offsets = [0, 128], sizes = [160, 128], strides = [1, 1]} : vector<160x1536xbf16> to vector<160x128xbf16>
    %slice3A_478 = vector.extract_strided_slice %slice3A_454 {offsets = [0, 640], sizes = [160, 128], strides = [1, 1]} : vector<160x1536xbf16> to vector<160x128xbf16>
    %slice3A_479 = vector.extract_strided_slice %slice3A_454 {offsets = [0, 1152], sizes = [160, 128], strides = [1, 1]} : vector<160x1536xbf16> to vector<160x128xbf16>
    %dot_general3A_480 = arith.constant dense<0.000000e+00> : vector<160x160xf32>
    %dot_general3A_481 = tpu.matmul %slice3A_477, %slice3A_478, %dot_general3A_480 {dimension_numbers = #tpu.dot_dimension_numbers<[1], [1], [0], [0], [0, 0, 1, 0], [], []>, transpose_lhs_hint = false} : vector<160x128xbf16>, vector<160x128xbf16>, vector<160x160xf32> -> vector<160x160xf32>
    %add3A_482 = vector.broadcast %get3A_459 : vector<1x160xf32> to vector<160x160xf32>
    %add3A_483 = arith.addf %dot_general3A_481, %add3A_482 : vector<160x160xf32>
    %exp3A_484 = math.exp %add3A_483 : vector<160x160xf32>
    %reduce_sum3A_485 = arith.constant dense<0.000000e+00> : vector<160xf32>
    %reduce_sum3A_486 = vector.multi_reduction <add>, %exp3A_484, %reduce_sum3A_485 [1] : vector<160x160xf32> to vector<160xf32>
    %broadcast_in_dim3A_487 = vector.shape_cast %reduce_sum3A_486 : vector<160xf32> to vector<160x1xf32>
    %div3A_488 = vector.broadcast %broadcast_in_dim3A_487 : vector<160x1xf32> to vector<160x160xf32>
    %div3A_489 = arith.divf %exp3A_484, %div3A_488 : vector<160x160xf32>
    %convert_element_type3A_490 = arith.truncf %div3A_489 : vector<160x160xf32> to vector<160x160xbf16>
    %dot_general3A_491 = arith.constant dense<0.000000e+00> : vector<160x128xf32>
    %dot_general3A_492 = tpu.matmul %convert_element_type3A_490, %slice3A_479, %dot_general3A_491 {dimension_numbers = #tpu.dot_dimension_numbers<[1], [0], [0], [1], [0, 0, 1, 1], [], []>, transpose_lhs_hint = false} : vector<160x160xbf16>, vector<160x128xbf16>, vector<160x128xf32> -> vector<160x128xf32>
    %convert_element_type3A_493 = arith.truncf %dot_general3A_492 : vector<160x128xf32> to vector<160x128xbf16>
    %slice3A_494 = vector.extract_strided_slice %slice3A_454 {offsets = [0, 256], sizes = [160, 128], strides = [1, 1]} : vector<160x1536xbf16> to vector<160x128xbf16>
    %slice3A_495 = vector.extract_strided_slice %slice3A_454 {offsets = [0, 768], sizes = [160, 128], strides = [1, 1]} : vector<160x1536xbf16> to vector<160x128xbf16>
    %slice3A_496 = vector.extract_strided_slice %slice3A_454 {offsets = [0, 1280], sizes = [160, 128], strides = [1, 1]} : vector<160x1536xbf16> to vector<160x128xbf16>
    %dot_general3A_497 = arith.constant dense<0.000000e+00> : vector<160x160xf32>
    %dot_general3A_498 = tpu.matmul %slice3A_494, %slice3A_495, %dot_general3A_497 {dimension_numbers = #tpu.dot_dimension_numbers<[1], [1], [0], [0], [0, 0, 1, 0], [], []>, transpose_lhs_hint = false} : vector<160x128xbf16>, vector<160x128xbf16>, vector<160x160xf32> -> vector<160x160xf32>
    %add3A_499 = vector.broadcast %get3A_459 : vector<1x160xf32> to vector<160x160xf32>
    %add3A_500 = arith.addf %dot_general3A_498, %add3A_499 : vector<160x160xf32>
    %exp3A_501 = math.exp %add3A_500 : vector<160x160xf32>
    %reduce_sum3A_502 = arith.constant dense<0.000000e+00> : vector<160xf32>
    %reduce_sum3A_503 = vector.multi_reduction <add>, %exp3A_501, %reduce_sum3A_502 [1] : vector<160x160xf32> to vector<160xf32>
    %broadcast_in_dim3A_504 = vector.shape_cast %reduce_sum3A_503 : vector<160xf32> to vector<160x1xf32>
    %div3A_505 = vector.broadcast %broadcast_in_dim3A_504 : vector<160x1xf32> to vector<160x160xf32>
    %div3A_506 = arith.divf %exp3A_501, %div3A_505 : vector<160x160xf32>
    %convert_element_type3A_507 = arith.truncf %div3A_506 : vector<160x160xf32> to vector<160x160xbf16>
    %dot_general3A_508 = arith.constant dense<0.000000e+00> : vector<160x128xf32>
    %dot_general3A_509 = tpu.matmul %convert_element_type3A_507, %slice3A_496, %dot_general3A_508 {dimension_numbers = #tpu.dot_dimension_numbers<[1], [0], [0], [1], [0, 0, 1, 1], [], []>, transpose_lhs_hint = false} : vector<160x160xbf16>, vector<160x128xbf16>, vector<160x128xf32> -> vector<160x128xf32>
    %convert_element_type3A_510 = arith.truncf %dot_general3A_509 : vector<160x128xf32> to vector<160x128xbf16>
    %slice3A_511 = vector.extract_strided_slice %slice3A_454 {offsets = [0, 384], sizes = [160, 128], strides = [1, 1]} : vector<160x1536xbf16> to vector<160x128xbf16>
    %slice3A_512 = vector.extract_strided_slice %slice3A_454 {offsets = [0, 896], sizes = [160, 128], strides = [1, 1]} : vector<160x1536xbf16> to vector<160x128xbf16>
    %slice3A_513 = vector.extract_strided_slice %slice3A_454 {offsets = [0, 1408], sizes = [160, 128], strides = [1, 1]} : vector<160x1536xbf16> to vector<160x128xbf16>
    %dot_general3A_514 = arith.constant dense<0.000000e+00> : vector<160x160xf32>
    %dot_general3A_515 = tpu.matmul %slice3A_511, %slice3A_512, %dot_general3A_514 {dimension_numbers = #tpu.dot_dimension_numbers<[1], [1], [0], [0], [0, 0, 1, 0], [], []>, transpose_lhs_hint = false} : vector<160x128xbf16>, vector<160x128xbf16>, vector<160x160xf32> -> vector<160x160xf32>
    %add3A_516 = vector.broadcast %get3A_459 : vector<1x160xf32> to vector<160x160xf32>
    %add3A_517 = arith.addf %dot_general3A_515, %add3A_516 : vector<160x160xf32>
    %exp3A_518 = math.exp %add3A_517 : vector<160x160xf32>
    %reduce_sum3A_519 = arith.constant dense<0.000000e+00> : vector<160xf32>
    %reduce_sum3A_520 = vector.multi_reduction <add>, %exp3A_518, %reduce_sum3A_519 [1] : vector<160x160xf32> to vector<160xf32>
    %broadcast_in_dim3A_521 = vector.shape_cast %reduce_sum3A_520 : vector<160xf32> to vector<160x1xf32>
    %div3A_522 = vector.broadcast %broadcast_in_dim3A_521 : vector<160x1xf32> to vector<160x160xf32>
    %div3A_523 = arith.divf %exp3A_518, %div3A_522 : vector<160x160xf32>
    %convert_element_type3A_524 = arith.truncf %div3A_523 : vector<160x160xf32> to vector<160x160xbf16>
    %dot_general3A_525 = arith.constant dense<0.000000e+00> : vector<160x128xf32>
    %dot_general3A_526 = tpu.matmul %convert_element_type3A_524, %slice3A_513, %dot_general3A_525 {dimension_numbers = #tpu.dot_dimension_numbers<[1], [0], [0], [1], [0, 0, 1, 1], [], []>, transpose_lhs_hint = false} : vector<160x160xbf16>, vector<160x128xbf16>, vector<160x128xf32> -> vector<160x128xf32>
    %convert_element_type3A_527 = arith.truncf %dot_general3A_526 : vector<160x128xf32> to vector<160x128xbf16>
    %slice3A_528 = vector.extract_strided_slice %convert_element_type3A_13 {offsets = [1120, 0], sizes = [160, 1536], strides = [1, 1]} : vector<2560x1536xbf16> to vector<160x1536xbf16>
    %get3A_529 = arith.constant 3 : index
    %get3A_530 = arith.constant 0 : index
    %get3A_531 = arith.constant 0 : index
    %get3A_532 = vector.load %arg4[%get3A_529, %get3A_530, %get3A_531] : memref<4x1x160xf32, #tpu.memory_space<vmem>>, vector<1x1x160xf32>
    %get3A_533 = vector.shape_cast %get3A_532 : vector<1x1x160xf32> to vector<1x160xf32>
    %slice3A_534 = vector.extract_strided_slice %slice3A_528 {offsets = [0, 0], sizes = [160, 128], strides = [1, 1]} : vector<160x1536xbf16> to vector<160x128xbf16>
    %slice3A_535 = vector.extract_strided_slice %slice3A_528 {offsets = [0, 512], sizes = [160, 128], strides = [1, 1]} : vector<160x1536xbf16> to vector<160x128xbf16>
    %slice3A_536 = vector.extract_strided_slice %slice3A_528 {offsets = [0, 1024], sizes = [160, 128], strides = [1, 1]} : vector<160x1536xbf16> to vector<160x128xbf16>
    %dot_general3A_537 = arith.constant dense<0.000000e+00> : vector<160x160xf32>
    %dot_general3A_538 = tpu.matmul %slice3A_534, %slice3A_535, %dot_general3A_537 {dimension_numbers = #tpu.dot_dimension_numbers<[1], [1], [0], [0], [0, 0, 1, 0], [], []>, transpose_lhs_hint = false} : vector<160x128xbf16>, vector<160x128xbf16>, vector<160x160xf32> -> vector<160x160xf32>
    %add3A_539 = vector.broadcast %get3A_533 : vector<1x160xf32> to vector<160x160xf32>
    %add3A_540 = arith.addf %dot_general3A_538, %add3A_539 : vector<160x160xf32>
    %exp3A_541 = math.exp %add3A_540 : vector<160x160xf32>
    %reduce_sum3A_542 = arith.constant dense<0.000000e+00> : vector<160xf32>
    %reduce_sum3A_543 = vector.multi_reduction <add>, %exp3A_541, %reduce_sum3A_542 [1] : vector<160x160xf32> to vector<160xf32>
    %broadcast_in_dim3A_544 = vector.shape_cast %reduce_sum3A_543 : vector<160xf32> to vector<160x1xf32>
    %div3A_545 = vector.broadcast %broadcast_in_dim3A_544 : vector<160x1xf32> to vector<160x160xf32>
    %div3A_546 = arith.divf %exp3A_541, %div3A_545 : vector<160x160xf32>
    %convert_element_type3A_547 = arith.truncf %div3A_546 : vector<160x160xf32> to vector<160x160xbf16>
    %dot_general3A_548 = arith.constant dense<0.000000e+00> : vector<160x128xf32>
    %dot_general3A_549 = tpu.matmul %convert_element_type3A_547, %slice3A_536, %dot_general3A_548 {dimension_numbers = #tpu.dot_dimension_numbers<[1], [0], [0], [1], [0, 0, 1, 1], [], []>, transpose_lhs_hint = false} : vector<160x160xbf16>, vector<160x128xbf16>, vector<160x128xf32> -> vector<160x128xf32>
    %convert_element_type3A_550 = arith.truncf %dot_general3A_549 : vector<160x128xf32> to vector<160x128xbf16>
    %slice3A_551 = vector.extract_strided_slice %slice3A_528 {offsets = [0, 128], sizes = [160, 128], strides = [1, 1]} : vector<160x1536xbf16> to vector<160x128xbf16>
    %slice3A_552 = vector.extract_strided_slice %slice3A_528 {offsets = [0, 640], sizes = [160, 128], strides = [1, 1]} : vector<160x1536xbf16> to vector<160x128xbf16>
    %slice3A_553 = vector.extract_strided_slice %slice3A_528 {offsets = [0, 1152], sizes = [160, 128], strides = [1, 1]} : vector<160x1536xbf16> to vector<160x128xbf16>
    %dot_general3A_554 = arith.constant dense<0.000000e+00> : vector<160x160xf32>
    %dot_general3A_555 = tpu.matmul %slice3A_551, %slice3A_552, %dot_general3A_554 {dimension_numbers = #tpu.dot_dimension_numbers<[1], [1], [0], [0], [0, 0, 1, 0], [], []>, transpose_lhs_hint = false} : vector<160x128xbf16>, vector<160x128xbf16>, vector<160x160xf32> -> vector<160x160xf32>
    %add3A_556 = vector.broadcast %get3A_533 : vector<1x160xf32> to vector<160x160xf32>
    %add3A_557 = arith.addf %dot_general3A_555, %add3A_556 : vector<160x160xf32>
    %exp3A_558 = math.exp %add3A_557 : vector<160x160xf32>
    %reduce_sum3A_559 = arith.constant dense<0.000000e+00> : vector<160xf32>
    %reduce_sum3A_560 = vector.multi_reduction <add>, %exp3A_558, %reduce_sum3A_559 [1] : vector<160x160xf32> to vector<160xf32>
    %broadcast_in_dim3A_561 = vector.shape_cast %reduce_sum3A_560 : vector<160xf32> to vector<160x1xf32>
    %div3A_562 = vector.broadcast %broadcast_in_dim3A_561 : vector<160x1xf32> to vector<160x160xf32>
    %div3A_563 = arith.divf %exp3A_558, %div3A_562 : vector<160x160xf32>
    %convert_element_type3A_564 = arith.truncf %div3A_563 : vector<160x160xf32> to vector<160x160xbf16>
    %dot_general3A_565 = arith.constant dense<0.000000e+00> : vector<160x128xf32>
    %dot_general3A_566 = tpu.matmul %convert_element_type3A_564, %slice3A_553, %dot_general3A_565 {dimension_numbers = #tpu.dot_dimension_numbers<[1], [0], [0], [1], [0, 0, 1, 1], [], []>, transpose_lhs_hint = false} : vector<160x160xbf16>, vector<160x128xbf16>, vector<160x128xf32> -> vector<160x128xf32>
    %convert_element_type3A_567 = arith.truncf %dot_general3A_566 : vector<160x128xf32> to vector<160x128xbf16>
    %slice3A_568 = vector.extract_strided_slice %slice3A_528 {offsets = [0, 256], sizes = [160, 128], strides = [1, 1]} : vector<160x1536xbf16> to vector<160x128xbf16>
    %slice3A_569 = vector.extract_strided_slice %slice3A_528 {offsets = [0, 768], sizes = [160, 128], strides = [1, 1]} : vector<160x1536xbf16> to vector<160x128xbf16>
    %slice3A_570 = vector.extract_strided_slice %slice3A_528 {offsets = [0, 1280], sizes = [160, 128], strides = [1, 1]} : vector<160x1536xbf16> to vector<160x128xbf16>
    %dot_general3A_571 = arith.constant dense<0.000000e+00> : vector<160x160xf32>
    %dot_general3A_572 = tpu.matmul %slice3A_568, %slice3A_569, %dot_general3A_571 {dimension_numbers = #tpu.dot_dimension_numbers<[1], [1], [0], [0], [0, 0, 1, 0], [], []>, transpose_lhs_hint = false} : vector<160x128xbf16>, vector<160x128xbf16>, vector<160x160xf32> -> vector<160x160xf32>
    %add3A_573 = vector.broadcast %get3A_533 : vector<1x160xf32> to vector<160x160xf32>
    %add3A_574 = arith.addf %dot_general3A_572, %add3A_573 : vector<160x160xf32>
    %exp3A_575 = math.exp %add3A_574 : vector<160x160xf32>
    %reduce_sum3A_576 = arith.constant dense<0.000000e+00> : vector<160xf32>
    %reduce_sum3A_577 = vector.multi_reduction <add>, %exp3A_575, %reduce_sum3A_576 [1] : vector<160x160xf32> to vector<160xf32>
    %broadcast_in_dim3A_578 = vector.shape_cast %reduce_sum3A_577 : vector<160xf32> to vector<160x1xf32>
    %div3A_579 = vector.broadcast %broadcast_in_dim3A_578 : vector<160x1xf32> to vector<160x160xf32>
    %div3A_580 = arith.divf %exp3A_575, %div3A_579 : vector<160x160xf32>
    %convert_element_type3A_581 = arith.truncf %div3A_580 : vector<160x160xf32> to vector<160x160xbf16>
    %dot_general3A_582 = arith.constant dense<0.000000e+00> : vector<160x128xf32>
    %dot_general3A_583 = tpu.matmul %convert_element_type3A_581, %slice3A_570, %dot_general3A_582 {dimension_numbers = #tpu.dot_dimension_numbers<[1], [0], [0], [1], [0, 0, 1, 1], [], []>, transpose_lhs_hint = false} : vector<160x160xbf16>, vector<160x128xbf16>, vector<160x128xf32> -> vector<160x128xf32>
    %convert_element_type3A_584 = arith.truncf %dot_general3A_583 : vector<160x128xf32> to vector<160x128xbf16>
    %slice3A_585 = vector.extract_strided_slice %slice3A_528 {offsets = [0, 384], sizes = [160, 128], strides = [1, 1]} : vector<160x1536xbf16> to vector<160x128xbf16>
    %slice3A_586 = vector.extract_strided_slice %slice3A_528 {offsets = [0, 896], sizes = [160, 128], strides = [1, 1]} : vector<160x1536xbf16> to vector<160x128xbf16>
    %slice3A_587 = vector.extract_strided_slice %slice3A_528 {offsets = [0, 1408], sizes = [160, 128], strides = [1, 1]} : vector<160x1536xbf16> to vector<160x128xbf16>
    %dot_general3A_588 = arith.constant dense<0.000000e+00> : vector<160x160xf32>
    %dot_general3A_589 = tpu.matmul %slice3A_585, %slice3A_586, %dot_general3A_588 {dimension_numbers = #tpu.dot_dimension_numbers<[1], [1], [0], [0], [0, 0, 1, 0], [], []>, transpose_lhs_hint = false} : vector<160x128xbf16>, vector<160x128xbf16>, vector<160x160xf32> -> vector<160x160xf32>
    %add3A_590 = vector.broadcast %get3A_533 : vector<1x160xf32> to vector<160x160xf32>
    %add3A_591 = arith.addf %dot_general3A_589, %add3A_590 : vector<160x160xf32>
    %exp3A_592 = math.exp %add3A_591 : vector<160x160xf32>
    %reduce_sum3A_593 = arith.constant dense<0.000000e+00> : vector<160xf32>
    %reduce_sum3A_594 = vector.multi_reduction <add>, %exp3A_592, %reduce_sum3A_593 [1] : vector<160x160xf32> to vector<160xf32>
    %broadcast_in_dim3A_595 = vector.shape_cast %reduce_sum3A_594 : vector<160xf32> to vector<160x1xf32>
    %div3A_596 = vector.broadcast %broadcast_in_dim3A_595 : vector<160x1xf32> to vector<160x160xf32>
    %div3A_597 = arith.divf %exp3A_592, %div3A_596 : vector<160x160xf32>
    %convert_element_type3A_598 = arith.truncf %div3A_597 : vector<160x160xf32> to vector<160x160xbf16>
    %dot_general3A_599 = arith.constant dense<0.000000e+00> : vector<160x128xf32>
    %dot_general3A_600 = tpu.matmul %convert_element_type3A_598, %slice3A_587, %dot_general3A_599 {dimension_numbers = #tpu.dot_dimension_numbers<[1], [0], [0], [1], [0, 0, 1, 1], [], []>, transpose_lhs_hint = false} : vector<160x160xbf16>, vector<160x128xbf16>, vector<160x128xf32> -> vector<160x128xf32>
    %convert_element_type3A_601 = arith.truncf %dot_general3A_600 : vector<160x128xf32> to vector<160x128xbf16>
    %slice3A_602 = vector.extract_strided_slice %convert_element_type3A_13 {offsets = [1280, 0], sizes = [160, 1536], strides = [1, 1]} : vector<2560x1536xbf16> to vector<160x1536xbf16>
    %get3A_603 = arith.constant 0 : index
    %get3A_604 = arith.constant 0 : index
    %get3A_605 = arith.constant 0 : index
    %get3A_606 = vector.load %arg4[%get3A_603, %get3A_604, %get3A_605] : memref<4x1x160xf32, #tpu.memory_space<vmem>>, vector<1x1x160xf32>
    %get3A_607 = vector.shape_cast %get3A_606 : vector<1x1x160xf32> to vector<1x160xf32>
    %slice3A_608 = vector.extract_strided_slice %slice3A_602 {offsets = [0, 0], sizes = [160, 128], strides = [1, 1]} : vector<160x1536xbf16> to vector<160x128xbf16>
    %slice3A_609 = vector.extract_strided_slice %slice3A_602 {offsets = [0, 512], sizes = [160, 128], strides = [1, 1]} : vector<160x1536xbf16> to vector<160x128xbf16>
    %slice3A_610 = vector.extract_strided_slice %slice3A_602 {offsets = [0, 1024], sizes = [160, 128], strides = [1, 1]} : vector<160x1536xbf16> to vector<160x128xbf16>
    %dot_general3A_611 = arith.constant dense<0.000000e+00> : vector<160x160xf32>
    %dot_general3A_612 = tpu.matmul %slice3A_608, %slice3A_609, %dot_general3A_611 {dimension_numbers = #tpu.dot_dimension_numbers<[1], [1], [0], [0], [0, 0, 1, 0], [], []>, transpose_lhs_hint = false} : vector<160x128xbf16>, vector<160x128xbf16>, vector<160x160xf32> -> vector<160x160xf32>
    %add3A_613 = vector.broadcast %get3A_607 : vector<1x160xf32> to vector<160x160xf32>
    %add3A_614 = arith.addf %dot_general3A_612, %add3A_613 : vector<160x160xf32>
    %exp3A_615 = math.exp %add3A_614 : vector<160x160xf32>
    %reduce_sum3A_616 = arith.constant dense<0.000000e+00> : vector<160xf32>
    %reduce_sum3A_617 = vector.multi_reduction <add>, %exp3A_615, %reduce_sum3A_616 [1] : vector<160x160xf32> to vector<160xf32>
    %broadcast_in_dim3A_618 = vector.shape_cast %reduce_sum3A_617 : vector<160xf32> to vector<160x1xf32>
    %div3A_619 = vector.broadcast %broadcast_in_dim3A_618 : vector<160x1xf32> to vector<160x160xf32>
    %div3A_620 = arith.divf %exp3A_615, %div3A_619 : vector<160x160xf32>
    %convert_element_type3A_621 = arith.truncf %div3A_620 : vector<160x160xf32> to vector<160x160xbf16>
    %dot_general3A_622 = arith.constant dense<0.000000e+00> : vector<160x128xf32>
    %dot_general3A_623 = tpu.matmul %convert_element_type3A_621, %slice3A_610, %dot_general3A_622 {dimension_numbers = #tpu.dot_dimension_numbers<[1], [0], [0], [1], [0, 0, 1, 1], [], []>, transpose_lhs_hint = false} : vector<160x160xbf16>, vector<160x128xbf16>, vector<160x128xf32> -> vector<160x128xf32>
    %convert_element_type3A_624 = arith.truncf %dot_general3A_623 : vector<160x128xf32> to vector<160x128xbf16>
    %slice3A_625 = vector.extract_strided_slice %slice3A_602 {offsets = [0, 128], sizes = [160, 128], strides = [1, 1]} : vector<160x1536xbf16> to vector<160x128xbf16>
    %slice3A_626 = vector.extract_strided_slice %slice3A_602 {offsets = [0, 640], sizes = [160, 128], strides = [1, 1]} : vector<160x1536xbf16> to vector<160x128xbf16>
    %slice3A_627 = vector.extract_strided_slice %slice3A_602 {offsets = [0, 1152], sizes = [160, 128], strides = [1, 1]} : vector<160x1536xbf16> to vector<160x128xbf16>
    %dot_general3A_628 = arith.constant dense<0.000000e+00> : vector<160x160xf32>
    %dot_general3A_629 = tpu.matmul %slice3A_625, %slice3A_626, %dot_general3A_628 {dimension_numbers = #tpu.dot_dimension_numbers<[1], [1], [0], [0], [0, 0, 1, 0], [], []>, transpose_lhs_hint = false} : vector<160x128xbf16>, vector<160x128xbf16>, vector<160x160xf32> -> vector<160x160xf32>
    %add3A_630 = vector.broadcast %get3A_607 : vector<1x160xf32> to vector<160x160xf32>
    %add3A_631 = arith.addf %dot_general3A_629, %add3A_630 : vector<160x160xf32>
    %exp3A_632 = math.exp %add3A_631 : vector<160x160xf32>
    %reduce_sum3A_633 = arith.constant dense<0.000000e+00> : vector<160xf32>
    %reduce_sum3A_634 = vector.multi_reduction <add>, %exp3A_632, %reduce_sum3A_633 [1] : vector<160x160xf32> to vector<160xf32>
    %broadcast_in_dim3A_635 = vector.shape_cast %reduce_sum3A_634 : vector<160xf32> to vector<160x1xf32>
    %div3A_636 = vector.broadcast %broadcast_in_dim3A_635 : vector<160x1xf32> to vector<160x160xf32>
    %div3A_637 = arith.divf %exp3A_632, %div3A_636 : vector<160x160xf32>
    %convert_element_type3A_638 = arith.truncf %div3A_637 : vector<160x160xf32> to vector<160x160xbf16>
    %dot_general3A_639 = arith.constant dense<0.000000e+00> : vector<160x128xf32>
    %dot_general3A_640 = tpu.matmul %convert_element_type3A_638, %slice3A_627, %dot_general3A_639 {dimension_numbers = #tpu.dot_dimension_numbers<[1], [0], [0], [1], [0, 0, 1, 1], [], []>, transpose_lhs_hint = false} : vector<160x160xbf16>, vector<160x128xbf16>, vector<160x128xf32> -> vector<160x128xf32>
    %convert_element_type3A_641 = arith.truncf %dot_general3A_640 : vector<160x128xf32> to vector<160x128xbf16>
    %slice3A_642 = vector.extract_strided_slice %slice3A_602 {offsets = [0, 256], sizes = [160, 128], strides = [1, 1]} : vector<160x1536xbf16> to vector<160x128xbf16>
    %slice3A_643 = vector.extract_strided_slice %slice3A_602 {offsets = [0, 768], sizes = [160, 128], strides = [1, 1]} : vector<160x1536xbf16> to vector<160x128xbf16>
    %slice3A_644 = vector.extract_strided_slice %slice3A_602 {offsets = [0, 1280], sizes = [160, 128], strides = [1, 1]} : vector<160x1536xbf16> to vector<160x128xbf16>
    %dot_general3A_645 = arith.constant dense<0.000000e+00> : vector<160x160xf32>
    %dot_general3A_646 = tpu.matmul %slice3A_642, %slice3A_643, %dot_general3A_645 {dimension_numbers = #tpu.dot_dimension_numbers<[1], [1], [0], [0], [0, 0, 1, 0], [], []>, transpose_lhs_hint = false} : vector<160x128xbf16>, vector<160x128xbf16>, vector<160x160xf32> -> vector<160x160xf32>
    %add3A_647 = vector.broadcast %get3A_607 : vector<1x160xf32> to vector<160x160xf32>
    %add3A_648 = arith.addf %dot_general3A_646, %add3A_647 : vector<160x160xf32>
    %exp3A_649 = math.exp %add3A_648 : vector<160x160xf32>
    %reduce_sum3A_650 = arith.constant dense<0.000000e+00> : vector<160xf32>
    %reduce_sum3A_651 = vector.multi_reduction <add>, %exp3A_649, %reduce_sum3A_650 [1] : vector<160x160xf32> to vector<160xf32>
    %broadcast_in_dim3A_652 = vector.shape_cast %reduce_sum3A_651 : vector<160xf32> to vector<160x1xf32>
    %div3A_653 = vector.broadcast %broadcast_in_dim3A_652 : vector<160x1xf32> to vector<160x160xf32>
    %div3A_654 = arith.divf %exp3A_649, %div3A_653 : vector<160x160xf32>
    %convert_element_type3A_655 = arith.truncf %div3A_654 : vector<160x160xf32> to vector<160x160xbf16>
    %dot_general3A_656 = arith.constant dense<0.000000e+00> : vector<160x128xf32>
    %dot_general3A_657 = tpu.matmul %convert_element_type3A_655, %slice3A_644, %dot_general3A_656 {dimension_numbers = #tpu.dot_dimension_numbers<[1], [0], [0], [1], [0, 0, 1, 1], [], []>, transpose_lhs_hint = false} : vector<160x160xbf16>, vector<160x128xbf16>, vector<160x128xf32> -> vector<160x128xf32>
    %convert_element_type3A_658 = arith.truncf %dot_general3A_657 : vector<160x128xf32> to vector<160x128xbf16>
    %slice3A_659 = vector.extract_strided_slice %slice3A_602 {offsets = [0, 384], sizes = [160, 128], strides = [1, 1]} : vector<160x1536xbf16> to vector<160x128xbf16>
    %slice3A_660 = vector.extract_strided_slice %slice3A_602 {offsets = [0, 896], sizes = [160, 128], strides = [1, 1]} : vector<160x1536xbf16> to vector<160x128xbf16>
    %slice3A_661 = vector.extract_strided_slice %slice3A_602 {offsets = [0, 1408], sizes = [160, 128], strides = [1, 1]} : vector<160x1536xbf16> to vector<160x128xbf16>
    %dot_general3A_662 = arith.constant dense<0.000000e+00> : vector<160x160xf32>
    %dot_general3A_663 = tpu.matmul %slice3A_659, %slice3A_660, %dot_general3A_662 {dimension_numbers = #tpu.dot_dimension_numbers<[1], [1], [0], [0], [0, 0, 1, 0], [], []>, transpose_lhs_hint = false} : vector<160x128xbf16>, vector<160x128xbf16>, vector<160x160xf32> -> vector<160x160xf32>
    %add3A_664 = vector.broadcast %get3A_607 : vector<1x160xf32> to vector<160x160xf32>
    %add3A_665 = arith.addf %dot_general3A_663, %add3A_664 : vector<160x160xf32>
    %exp3A_666 = math.exp %add3A_665 : vector<160x160xf32>
    %reduce_sum3A_667 = arith.constant dense<0.000000e+00> : vector<160xf32>
    %reduce_sum3A_668 = vector.multi_reduction <add>, %exp3A_666, %reduce_sum3A_667 [1] : vector<160x160xf32> to vector<160xf32>
    %broadcast_in_dim3A_669 = vector.shape_cast %reduce_sum3A_668 : vector<160xf32> to vector<160x1xf32>
    %div3A_670 = vector.broadcast %broadcast_in_dim3A_669 : vector<160x1xf32> to vector<160x160xf32>
    %div3A_671 = arith.divf %exp3A_666, %div3A_670 : vector<160x160xf32>
    %convert_element_type3A_672 = arith.truncf %div3A_671 : vector<160x160xf32> to vector<160x160xbf16>
    %dot_general3A_673 = arith.constant dense<0.000000e+00> : vector<160x128xf32>
    %dot_general3A_674 = tpu.matmul %convert_element_type3A_672, %slice3A_661, %dot_general3A_673 {dimension_numbers = #tpu.dot_dimension_numbers<[1], [0], [0], [1], [0, 0, 1, 1], [], []>, transpose_lhs_hint = false} : vector<160x160xbf16>, vector<160x128xbf16>, vector<160x128xf32> -> vector<160x128xf32>
    %convert_element_type3A_675 = arith.truncf %dot_general3A_674 : vector<160x128xf32> to vector<160x128xbf16>
    %slice3A_676 = vector.extract_strided_slice %convert_element_type3A_13 {offsets = [1440, 0], sizes = [160, 1536], strides = [1, 1]} : vector<2560x1536xbf16> to vector<160x1536xbf16>
    %get3A_677 = arith.constant 1 : index
    %get3A_678 = arith.constant 0 : index
    %get3A_679 = arith.constant 0 : index
    %get3A_680 = vector.load %arg4[%get3A_677, %get3A_678, %get3A_679] : memref<4x1x160xf32, #tpu.memory_space<vmem>>, vector<1x1x160xf32>
    %get3A_681 = vector.shape_cast %get3A_680 : vector<1x1x160xf32> to vector<1x160xf32>
    %slice3A_682 = vector.extract_strided_slice %slice3A_676 {offsets = [0, 0], sizes = [160, 128], strides = [1, 1]} : vector<160x1536xbf16> to vector<160x128xbf16>
    %slice3A_683 = vector.extract_strided_slice %slice3A_676 {offsets = [0, 512], sizes = [160, 128], strides = [1, 1]} : vector<160x1536xbf16> to vector<160x128xbf16>
    %slice3A_684 = vector.extract_strided_slice %slice3A_676 {offsets = [0, 1024], sizes = [160, 128], strides = [1, 1]} : vector<160x1536xbf16> to vector<160x128xbf16>
    %dot_general3A_685 = arith.constant dense<0.000000e+00> : vector<160x160xf32>
    %dot_general3A_686 = tpu.matmul %slice3A_682, %slice3A_683, %dot_general3A_685 {dimension_numbers = #tpu.dot_dimension_numbers<[1], [1], [0], [0], [0, 0, 1, 0], [], []>, transpose_lhs_hint = false} : vector<160x128xbf16>, vector<160x128xbf16>, vector<160x160xf32> -> vector<160x160xf32>
    %add3A_687 = vector.broadcast %get3A_681 : vector<1x160xf32> to vector<160x160xf32>
    %add3A_688 = arith.addf %dot_general3A_686, %add3A_687 : vector<160x160xf32>
    %exp3A_689 = math.exp %add3A_688 : vector<160x160xf32>
    %reduce_sum3A_690 = arith.constant dense<0.000000e+00> : vector<160xf32>
    %reduce_sum3A_691 = vector.multi_reduction <add>, %exp3A_689, %reduce_sum3A_690 [1] : vector<160x160xf32> to vector<160xf32>
    %broadcast_in_dim3A_692 = vector.shape_cast %reduce_sum3A_691 : vector<160xf32> to vector<160x1xf32>
    %div3A_693 = vector.broadcast %broadcast_in_dim3A_692 : vector<160x1xf32> to vector<160x160xf32>
    %div3A_694 = arith.divf %exp3A_689, %div3A_693 : vector<160x160xf32>
    %convert_element_type3A_695 = arith.truncf %div3A_694 : vector<160x160xf32> to vector<160x160xbf16>
    %dot_general3A_696 = arith.constant dense<0.000000e+00> : vector<160x128xf32>
    %dot_general3A_697 = tpu.matmul %convert_element_type3A_695, %slice3A_684, %dot_general3A_696 {dimension_numbers = #tpu.dot_dimension_numbers<[1], [0], [0], [1], [0, 0, 1, 1], [], []>, transpose_lhs_hint = false} : vector<160x160xbf16>, vector<160x128xbf16>, vector<160x128xf32> -> vector<160x128xf32>
    %convert_element_type3A_698 = arith.truncf %dot_general3A_697 : vector<160x128xf32> to vector<160x128xbf16>
    %slice3A_699 = vector.extract_strided_slice %slice3A_676 {offsets = [0, 128], sizes = [160, 128], strides = [1, 1]} : vector<160x1536xbf16> to vector<160x128xbf16>
    %slice3A_700 = vector.extract_strided_slice %slice3A_676 {offsets = [0, 640], sizes = [160, 128], strides = [1, 1]} : vector<160x1536xbf16> to vector<160x128xbf16>
    %slice3A_701 = vector.extract_strided_slice %slice3A_676 {offsets = [0, 1152], sizes = [160, 128], strides = [1, 1]} : vector<160x1536xbf16> to vector<160x128xbf16>
    %dot_general3A_702 = arith.constant dense<0.000000e+00> : vector<160x160xf32>
    %dot_general3A_703 = tpu.matmul %slice3A_699, %slice3A_700, %dot_general3A_702 {dimension_numbers = #tpu.dot_dimension_numbers<[1], [1], [0], [0], [0, 0, 1, 0], [], []>, transpose_lhs_hint = false} : vector<160x128xbf16>, vector<160x128xbf16>, vector<160x160xf32> -> vector<160x160xf32>
    %add3A_704 = vector.broadcast %get3A_681 : vector<1x160xf32> to vector<160x160xf32>
    %add3A_705 = arith.addf %dot_general3A_703, %add3A_704 : vector<160x160xf32>
    %exp3A_706 = math.exp %add3A_705 : vector<160x160xf32>
    %reduce_sum3A_707 = arith.constant dense<0.000000e+00> : vector<160xf32>
    %reduce_sum3A_708 = vector.multi_reduction <add>, %exp3A_706, %reduce_sum3A_707 [1] : vector<160x160xf32> to vector<160xf32>
    %broadcast_in_dim3A_709 = vector.shape_cast %reduce_sum3A_708 : vector<160xf32> to vector<160x1xf32>
    %div3A_710 = vector.broadcast %broadcast_in_dim3A_709 : vector<160x1xf32> to vector<160x160xf32>
    %div3A_711 = arith.divf %exp3A_706, %div3A_710 : vector<160x160xf32>
    %convert_element_type3A_712 = arith.truncf %div3A_711 : vector<160x160xf32> to vector<160x160xbf16>
    %dot_general3A_713 = arith.constant dense<0.000000e+00> : vector<160x128xf32>
    %dot_general3A_714 = tpu.matmul %convert_element_type3A_712, %slice3A_701, %dot_general3A_713 {dimension_numbers = #tpu.dot_dimension_numbers<[1], [0], [0], [1], [0, 0, 1, 1], [], []>, transpose_lhs_hint = false} : vector<160x160xbf16>, vector<160x128xbf16>, vector<160x128xf32> -> vector<160x128xf32>
    %convert_element_type3A_715 = arith.truncf %dot_general3A_714 : vector<160x128xf32> to vector<160x128xbf16>
    %slice3A_716 = vector.extract_strided_slice %slice3A_676 {offsets = [0, 256], sizes = [160, 128], strides = [1, 1]} : vector<160x1536xbf16> to vector<160x128xbf16>
    %slice3A_717 = vector.extract_strided_slice %slice3A_676 {offsets = [0, 768], sizes = [160, 128], strides = [1, 1]} : vector<160x1536xbf16> to vector<160x128xbf16>
    %slice3A_718 = vector.extract_strided_slice %slice3A_676 {offsets = [0, 1280], sizes = [160, 128], strides = [1, 1]} : vector<160x1536xbf16> to vector<160x128xbf16>
    %dot_general3A_719 = arith.constant dense<0.000000e+00> : vector<160x160xf32>
    %dot_general3A_720 = tpu.matmul %slice3A_716, %slice3A_717, %dot_general3A_719 {dimension_numbers = #tpu.dot_dimension_numbers<[1], [1], [0], [0], [0, 0, 1, 0], [], []>, transpose_lhs_hint = false} : vector<160x128xbf16>, vector<160x128xbf16>, vector<160x160xf32> -> vector<160x160xf32>
    %add3A_721 = vector.broadcast %get3A_681 : vector<1x160xf32> to vector<160x160xf32>
    %add3A_722 = arith.addf %dot_general3A_720, %add3A_721 : vector<160x160xf32>
    %exp3A_723 = math.exp %add3A_722 : vector<160x160xf32>
    %reduce_sum3A_724 = arith.constant dense<0.000000e+00> : vector<160xf32>
    %reduce_sum3A_725 = vector.multi_reduction <add>, %exp3A_723, %reduce_sum3A_724 [1] : vector<160x160xf32> to vector<160xf32>
    %broadcast_in_dim3A_726 = vector.shape_cast %reduce_sum3A_725 : vector<160xf32> to vector<160x1xf32>
    %div3A_727 = vector.broadcast %broadcast_in_dim3A_726 : vector<160x1xf32> to vector<160x160xf32>
    %div3A_728 = arith.divf %exp3A_723, %div3A_727 : vector<160x160xf32>
    %convert_element_type3A_729 = arith.truncf %div3A_728 : vector<160x160xf32> to vector<160x160xbf16>
    %dot_general3A_730 = arith.constant dense<0.000000e+00> : vector<160x128xf32>
    %dot_general3A_731 = tpu.matmul %convert_element_type3A_729, %slice3A_718, %dot_general3A_730 {dimension_numbers = #tpu.dot_dimension_numbers<[1], [0], [0], [1], [0, 0, 1, 1], [], []>, transpose_lhs_hint = false} : vector<160x160xbf16>, vector<160x128xbf16>, vector<160x128xf32> -> vector<160x128xf32>
    %convert_element_type3A_732 = arith.truncf %dot_general3A_731 : vector<160x128xf32> to vector<160x128xbf16>
    %slice3A_733 = vector.extract_strided_slice %slice3A_676 {offsets = [0, 384], sizes = [160, 128], strides = [1, 1]} : vector<160x1536xbf16> to vector<160x128xbf16>
    %slice3A_734 = vector.extract_strided_slice %slice3A_676 {offsets = [0, 896], sizes = [160, 128], strides = [1, 1]} : vector<160x1536xbf16> to vector<160x128xbf16>
    %slice3A_735 = vector.extract_strided_slice %slice3A_676 {offsets = [0, 1408], sizes = [160, 128], strides = [1, 1]} : vector<160x1536xbf16> to vector<160x128xbf16>
    %dot_general3A_736 = arith.constant dense<0.000000e+00> : vector<160x160xf32>
    %dot_general3A_737 = tpu.matmul %slice3A_733, %slice3A_734, %dot_general3A_736 {dimension_numbers = #tpu.dot_dimension_numbers<[1], [1], [0], [0], [0, 0, 1, 0], [], []>, transpose_lhs_hint = false} : vector<160x128xbf16>, vector<160x128xbf16>, vector<160x160xf32> -> vector<160x160xf32>
    %add3A_738 = vector.broadcast %get3A_681 : vector<1x160xf32> to vector<160x160xf32>
    %add3A_739 = arith.addf %dot_general3A_737, %add3A_738 : vector<160x160xf32>
    %exp3A_740 = math.exp %add3A_739 : vector<160x160xf32>
    %reduce_sum3A_741 = arith.constant dense<0.000000e+00> : vector<160xf32>
    %reduce_sum3A_742 = vector.multi_reduction <add>, %exp3A_740, %reduce_sum3A_741 [1] : vector<160x160xf32> to vector<160xf32>
    %broadcast_in_dim3A_743 = vector.shape_cast %reduce_sum3A_742 : vector<160xf32> to vector<160x1xf32>
    %div3A_744 = vector.broadcast %broadcast_in_dim3A_743 : vector<160x1xf32> to vector<160x160xf32>
    %div3A_745 = arith.divf %exp3A_740, %div3A_744 : vector<160x160xf32>
    %convert_element_type3A_746 = arith.truncf %div3A_745 : vector<160x160xf32> to vector<160x160xbf16>
    %dot_general3A_747 = arith.constant dense<0.000000e+00> : vector<160x128xf32>
    %dot_general3A_748 = tpu.matmul %convert_element_type3A_746, %slice3A_735, %dot_general3A_747 {dimension_numbers = #tpu.dot_dimension_numbers<[1], [0], [0], [1], [0, 0, 1, 1], [], []>, transpose_lhs_hint = false} : vector<160x160xbf16>, vector<160x128xbf16>, vector<160x128xf32> -> vector<160x128xf32>
    %convert_element_type3A_749 = arith.truncf %dot_general3A_748 : vector<160x128xf32> to vector<160x128xbf16>
    %slice3A_750 = vector.extract_strided_slice %convert_element_type3A_13 {offsets = [1600, 0], sizes = [160, 1536], strides = [1, 1]} : vector<2560x1536xbf16> to vector<160x1536xbf16>
    %get3A_751 = arith.constant 2 : index
    %get3A_752 = arith.constant 0 : index
    %get3A_753 = arith.constant 0 : index
    %get3A_754 = vector.load %arg4[%get3A_751, %get3A_752, %get3A_753] : memref<4x1x160xf32, #tpu.memory_space<vmem>>, vector<1x1x160xf32>
    %get3A_755 = vector.shape_cast %get3A_754 : vector<1x1x160xf32> to vector<1x160xf32>
    %slice3A_756 = vector.extract_strided_slice %slice3A_750 {offsets = [0, 0], sizes = [160, 128], strides = [1, 1]} : vector<160x1536xbf16> to vector<160x128xbf16>
    %slice3A_757 = vector.extract_strided_slice %slice3A_750 {offsets = [0, 512], sizes = [160, 128], strides = [1, 1]} : vector<160x1536xbf16> to vector<160x128xbf16>
    %slice3A_758 = vector.extract_strided_slice %slice3A_750 {offsets = [0, 1024], sizes = [160, 128], strides = [1, 1]} : vector<160x1536xbf16> to vector<160x128xbf16>
    %dot_general3A_759 = arith.constant dense<0.000000e+00> : vector<160x160xf32>
    %dot_general3A_760 = tpu.matmul %slice3A_756, %slice3A_757, %dot_general3A_759 {dimension_numbers = #tpu.dot_dimension_numbers<[1], [1], [0], [0], [0, 0, 1, 0], [], []>, transpose_lhs_hint = false} : vector<160x128xbf16>, vector<160x128xbf16>, vector<160x160xf32> -> vector<160x160xf32>
    %add3A_761 = vector.broadcast %get3A_755 : vector<1x160xf32> to vector<160x160xf32>
    %add3A_762 = arith.addf %dot_general3A_760, %add3A_761 : vector<160x160xf32>
    %exp3A_763 = math.exp %add3A_762 : vector<160x160xf32>
    %reduce_sum3A_764 = arith.constant dense<0.000000e+00> : vector<160xf32>
    %reduce_sum3A_765 = vector.multi_reduction <add>, %exp3A_763, %reduce_sum3A_764 [1] : vector<160x160xf32> to vector<160xf32>
    %broadcast_in_dim3A_766 = vector.shape_cast %reduce_sum3A_765 : vector<160xf32> to vector<160x1xf32>
    %div3A_767 = vector.broadcast %broadcast_in_dim3A_766 : vector<160x1xf32> to vector<160x160xf32>
    %div3A_768 = arith.divf %exp3A_763, %div3A_767 : vector<160x160xf32>
    %convert_element_type3A_769 = arith.truncf %div3A_768 : vector<160x160xf32> to vector<160x160xbf16>
    %dot_general3A_770 = arith.constant dense<0.000000e+00> : vector<160x128xf32>
    %dot_general3A_771 = tpu.matmul %convert_element_type3A_769, %slice3A_758, %dot_general3A_770 {dimension_numbers = #tpu.dot_dimension_numbers<[1], [0], [0], [1], [0, 0, 1, 1], [], []>, transpose_lhs_hint = false} : vector<160x160xbf16>, vector<160x128xbf16>, vector<160x128xf32> -> vector<160x128xf32>
    %convert_element_type3A_772 = arith.truncf %dot_general3A_771 : vector<160x128xf32> to vector<160x128xbf16>
    %slice3A_773 = vector.extract_strided_slice %slice3A_750 {offsets = [0, 128], sizes = [160, 128], strides = [1, 1]} : vector<160x1536xbf16> to vector<160x128xbf16>
    %slice3A_774 = vector.extract_strided_slice %slice3A_750 {offsets = [0, 640], sizes = [160, 128], strides = [1, 1]} : vector<160x1536xbf16> to vector<160x128xbf16>
    %slice3A_775 = vector.extract_strided_slice %slice3A_750 {offsets = [0, 1152], sizes = [160, 128], strides = [1, 1]} : vector<160x1536xbf16> to vector<160x128xbf16>
    %dot_general3A_776 = arith.constant dense<0.000000e+00> : vector<160x160xf32>
    %dot_general3A_777 = tpu.matmul %slice3A_773, %slice3A_774, %dot_general3A_776 {dimension_numbers = #tpu.dot_dimension_numbers<[1], [1], [0], [0], [0, 0, 1, 0], [], []>, transpose_lhs_hint = false} : vector<160x128xbf16>, vector<160x128xbf16>, vector<160x160xf32> -> vector<160x160xf32>
    %add3A_778 = vector.broadcast %get3A_755 : vector<1x160xf32> to vector<160x160xf32>
    %add3A_779 = arith.addf %dot_general3A_777, %add3A_778 : vector<160x160xf32>
    %exp3A_780 = math.exp %add3A_779 : vector<160x160xf32>
    %reduce_sum3A_781 = arith.constant dense<0.000000e+00> : vector<160xf32>
    %reduce_sum3A_782 = vector.multi_reduction <add>, %exp3A_780, %reduce_sum3A_781 [1] : vector<160x160xf32> to vector<160xf32>
    %broadcast_in_dim3A_783 = vector.shape_cast %reduce_sum3A_782 : vector<160xf32> to vector<160x1xf32>
    %div3A_784 = vector.broadcast %broadcast_in_dim3A_783 : vector<160x1xf32> to vector<160x160xf32>
    %div3A_785 = arith.divf %exp3A_780, %div3A_784 : vector<160x160xf32>
    %convert_element_type3A_786 = arith.truncf %div3A_785 : vector<160x160xf32> to vector<160x160xbf16>
    %dot_general3A_787 = arith.constant dense<0.000000e+00> : vector<160x128xf32>
    %dot_general3A_788 = tpu.matmul %convert_element_type3A_786, %slice3A_775, %dot_general3A_787 {dimension_numbers = #tpu.dot_dimension_numbers<[1], [0], [0], [1], [0, 0, 1, 1], [], []>, transpose_lhs_hint = false} : vector<160x160xbf16>, vector<160x128xbf16>, vector<160x128xf32> -> vector<160x128xf32>
    %convert_element_type3A_789 = arith.truncf %dot_general3A_788 : vector<160x128xf32> to vector<160x128xbf16>
    %slice3A_790 = vector.extract_strided_slice %slice3A_750 {offsets = [0, 256], sizes = [160, 128], strides = [1, 1]} : vector<160x1536xbf16> to vector<160x128xbf16>
    %slice3A_791 = vector.extract_strided_slice %slice3A_750 {offsets = [0, 768], sizes = [160, 128], strides = [1, 1]} : vector<160x1536xbf16> to vector<160x128xbf16>
    %slice3A_792 = vector.extract_strided_slice %slice3A_750 {offsets = [0, 1280], sizes = [160, 128], strides = [1, 1]} : vector<160x1536xbf16> to vector<160x128xbf16>
    %dot_general3A_793 = arith.constant dense<0.000000e+00> : vector<160x160xf32>
    %dot_general3A_794 = tpu.matmul %slice3A_790, %slice3A_791, %dot_general3A_793 {dimension_numbers = #tpu.dot_dimension_numbers<[1], [1], [0], [0], [0, 0, 1, 0], [], []>, transpose_lhs_hint = false} : vector<160x128xbf16>, vector<160x128xbf16>, vector<160x160xf32> -> vector<160x160xf32>
    %add3A_795 = vector.broadcast %get3A_755 : vector<1x160xf32> to vector<160x160xf32>
    %add3A_796 = arith.addf %dot_general3A_794, %add3A_795 : vector<160x160xf32>
    %exp3A_797 = math.exp %add3A_796 : vector<160x160xf32>
    %reduce_sum3A_798 = arith.constant dense<0.000000e+00> : vector<160xf32>
    %reduce_sum3A_799 = vector.multi_reduction <add>, %exp3A_797, %reduce_sum3A_798 [1] : vector<160x160xf32> to vector<160xf32>
    %broadcast_in_dim3A_800 = vector.shape_cast %reduce_sum3A_799 : vector<160xf32> to vector<160x1xf32>
    %div3A_801 = vector.broadcast %broadcast_in_dim3A_800 : vector<160x1xf32> to vector<160x160xf32>
    %div3A_802 = arith.divf %exp3A_797, %div3A_801 : vector<160x160xf32>
    %convert_element_type3A_803 = arith.truncf %div3A_802 : vector<160x160xf32> to vector<160x160xbf16>
    %dot_general3A_804 = arith.constant dense<0.000000e+00> : vector<160x128xf32>
    %dot_general3A_805 = tpu.matmul %convert_element_type3A_803, %slice3A_792, %dot_general3A_804 {dimension_numbers = #tpu.dot_dimension_numbers<[1], [0], [0], [1], [0, 0, 1, 1], [], []>, transpose_lhs_hint = false} : vector<160x160xbf16>, vector<160x128xbf16>, vector<160x128xf32> -> vector<160x128xf32>
    %convert_element_type3A_806 = arith.truncf %dot_general3A_805 : vector<160x128xf32> to vector<160x128xbf16>
    %slice3A_807 = vector.extract_strided_slice %slice3A_750 {offsets = [0, 384], sizes = [160, 128], strides = [1, 1]} : vector<160x1536xbf16> to vector<160x128xbf16>
    %slice3A_808 = vector.extract_strided_slice %slice3A_750 {offsets = [0, 896], sizes = [160, 128], strides = [1, 1]} : vector<160x1536xbf16> to vector<160x128xbf16>
    %slice3A_809 = vector.extract_strided_slice %slice3A_750 {offsets = [0, 1408], sizes = [160, 128], strides = [1, 1]} : vector<160x1536xbf16> to vector<160x128xbf16>
    %dot_general3A_810 = arith.constant dense<0.000000e+00> : vector<160x160xf32>
    %dot_general3A_811 = tpu.matmul %slice3A_807, %slice3A_808, %dot_general3A_810 {dimension_numbers = #tpu.dot_dimension_numbers<[1], [1], [0], [0], [0, 0, 1, 0], [], []>, transpose_lhs_hint = false} : vector<160x128xbf16>, vector<160x128xbf16>, vector<160x160xf32> -> vector<160x160xf32>
    %add3A_812 = vector.broadcast %get3A_755 : vector<1x160xf32> to vector<160x160xf32>
    %add3A_813 = arith.addf %dot_general3A_811, %add3A_812 : vector<160x160xf32>
    %exp3A_814 = math.exp %add3A_813 : vector<160x160xf32>
    %reduce_sum3A_815 = arith.constant dense<0.000000e+00> : vector<160xf32>
    %reduce_sum3A_816 = vector.multi_reduction <add>, %exp3A_814, %reduce_sum3A_815 [1] : vector<160x160xf32> to vector<160xf32>
    %broadcast_in_dim3A_817 = vector.shape_cast %reduce_sum3A_816 : vector<160xf32> to vector<160x1xf32>
    %div3A_818 = vector.broadcast %broadcast_in_dim3A_817 : vector<160x1xf32> to vector<160x160xf32>
    %div3A_819 = arith.divf %exp3A_814, %div3A_818 : vector<160x160xf32>
    %convert_element_type3A_820 = arith.truncf %div3A_819 : vector<160x160xf32> to vector<160x160xbf16>
    %dot_general3A_821 = arith.constant dense<0.000000e+00> : vector<160x128xf32>
    %dot_general3A_822 = tpu.matmul %convert_element_type3A_820, %slice3A_809, %dot_general3A_821 {dimension_numbers = #tpu.dot_dimension_numbers<[1], [0], [0], [1], [0, 0, 1, 1], [], []>, transpose_lhs_hint = false} : vector<160x160xbf16>, vector<160x128xbf16>, vector<160x128xf32> -> vector<160x128xf32>
    %convert_element_type3A_823 = arith.truncf %dot_general3A_822 : vector<160x128xf32> to vector<160x128xbf16>
    %slice3A_824 = vector.extract_strided_slice %convert_element_type3A_13 {offsets = [1760, 0], sizes = [160, 1536], strides = [1, 1]} : vector<2560x1536xbf16> to vector<160x1536xbf16>
    %get3A_825 = arith.constant 3 : index
    %get3A_826 = arith.constant 0 : index
    %get3A_827 = arith.constant 0 : index
    %get3A_828 = vector.load %arg4[%get3A_825, %get3A_826, %get3A_827] : memref<4x1x160xf32, #tpu.memory_space<vmem>>, vector<1x1x160xf32>
    %get3A_829 = vector.shape_cast %get3A_828 : vector<1x1x160xf32> to vector<1x160xf32>
    %slice3A_830 = vector.extract_strided_slice %slice3A_824 {offsets = [0, 0], sizes = [160, 128], strides = [1, 1]} : vector<160x1536xbf16> to vector<160x128xbf16>
    %slice3A_831 = vector.extract_strided_slice %slice3A_824 {offsets = [0, 512], sizes = [160, 128], strides = [1, 1]} : vector<160x1536xbf16> to vector<160x128xbf16>
    %slice3A_832 = vector.extract_strided_slice %slice3A_824 {offsets = [0, 1024], sizes = [160, 128], strides = [1, 1]} : vector<160x1536xbf16> to vector<160x128xbf16>
    %dot_general3A_833 = arith.constant dense<0.000000e+00> : vector<160x160xf32>
    %dot_general3A_834 = tpu.matmul %slice3A_830, %slice3A_831, %dot_general3A_833 {dimension_numbers = #tpu.dot_dimension_numbers<[1], [1], [0], [0], [0, 0, 1, 0], [], []>, transpose_lhs_hint = false} : vector<160x128xbf16>, vector<160x128xbf16>, vector<160x160xf32> -> vector<160x160xf32>
    %add3A_835 = vector.broadcast %get3A_829 : vector<1x160xf32> to vector<160x160xf32>
    %add3A_836 = arith.addf %dot_general3A_834, %add3A_835 : vector<160x160xf32>
    %exp3A_837 = math.exp %add3A_836 : vector<160x160xf32>
    %reduce_sum3A_838 = arith.constant dense<0.000000e+00> : vector<160xf32>
    %reduce_sum3A_839 = vector.multi_reduction <add>, %exp3A_837, %reduce_sum3A_838 [1] : vector<160x160xf32> to vector<160xf32>
    %broadcast_in_dim3A_840 = vector.shape_cast %reduce_sum3A_839 : vector<160xf32> to vector<160x1xf32>
    %div3A_841 = vector.broadcast %broadcast_in_dim3A_840 : vector<160x1xf32> to vector<160x160xf32>
    %div3A_842 = arith.divf %exp3A_837, %div3A_841 : vector<160x160xf32>
    %convert_element_type3A_843 = arith.truncf %div3A_842 : vector<160x160xf32> to vector<160x160xbf16>
    %dot_general3A_844 = arith.constant dense<0.000000e+00> : vector<160x128xf32>
    %dot_general3A_845 = tpu.matmul %convert_element_type3A_843, %slice3A_832, %dot_general3A_844 {dimension_numbers = #tpu.dot_dimension_numbers<[1], [0], [0], [1], [0, 0, 1, 1], [], []>, transpose_lhs_hint = false} : vector<160x160xbf16>, vector<160x128xbf16>, vector<160x128xf32> -> vector<160x128xf32>
    %convert_element_type3A_846 = arith.truncf %dot_general3A_845 : vector<160x128xf32> to vector<160x128xbf16>
    %slice3A_847 = vector.extract_strided_slice %slice3A_824 {offsets = [0, 128], sizes = [160, 128], strides = [1, 1]} : vector<160x1536xbf16> to vector<160x128xbf16>
    %slice3A_848 = vector.extract_strided_slice %slice3A_824 {offsets = [0, 640], sizes = [160, 128], strides = [1, 1]} : vector<160x1536xbf16> to vector<160x128xbf16>
    %slice3A_849 = vector.extract_strided_slice %slice3A_824 {offsets = [0, 1152], sizes = [160, 128], strides = [1, 1]} : vector<160x1536xbf16> to vector<160x128xbf16>
    %dot_general3A_850 = arith.constant dense<0.000000e+00> : vector<160x160xf32>
    %dot_general3A_851 = tpu.matmul %slice3A_847, %slice3A_848, %dot_general3A_850 {dimension_numbers = #tpu.dot_dimension_numbers<[1], [1], [0], [0], [0, 0, 1, 0], [], []>, transpose_lhs_hint = false} : vector<160x128xbf16>, vector<160x128xbf16>, vector<160x160xf32> -> vector<160x160xf32>
    %add3A_852 = vector.broadcast %get3A_829 : vector<1x160xf32> to vector<160x160xf32>
    %add3A_853 = arith.addf %dot_general3A_851, %add3A_852 : vector<160x160xf32>
    %exp3A_854 = math.exp %add3A_853 : vector<160x160xf32>
    %reduce_sum3A_855 = arith.constant dense<0.000000e+00> : vector<160xf32>
    %reduce_sum3A_856 = vector.multi_reduction <add>, %exp3A_854, %reduce_sum3A_855 [1] : vector<160x160xf32> to vector<160xf32>
    %broadcast_in_dim3A_857 = vector.shape_cast %reduce_sum3A_856 : vector<160xf32> to vector<160x1xf32>
    %div3A_858 = vector.broadcast %broadcast_in_dim3A_857 : vector<160x1xf32> to vector<160x160xf32>
    %div3A_859 = arith.divf %exp3A_854, %div3A_858 : vector<160x160xf32>
    %convert_element_type3A_860 = arith.truncf %div3A_859 : vector<160x160xf32> to vector<160x160xbf16>
    %dot_general3A_861 = arith.constant dense<0.000000e+00> : vector<160x128xf32>
    %dot_general3A_862 = tpu.matmul %convert_element_type3A_860, %slice3A_849, %dot_general3A_861 {dimension_numbers = #tpu.dot_dimension_numbers<[1], [0], [0], [1], [0, 0, 1, 1], [], []>, transpose_lhs_hint = false} : vector<160x160xbf16>, vector<160x128xbf16>, vector<160x128xf32> -> vector<160x128xf32>
    %convert_element_type3A_863 = arith.truncf %dot_general3A_862 : vector<160x128xf32> to vector<160x128xbf16>
    %slice3A_864 = vector.extract_strided_slice %slice3A_824 {offsets = [0, 256], sizes = [160, 128], strides = [1, 1]} : vector<160x1536xbf16> to vector<160x128xbf16>
    %slice3A_865 = vector.extract_strided_slice %slice3A_824 {offsets = [0, 768], sizes = [160, 128], strides = [1, 1]} : vector<160x1536xbf16> to vector<160x128xbf16>
    %slice3A_866 = vector.extract_strided_slice %slice3A_824 {offsets = [0, 1280], sizes = [160, 128], strides = [1, 1]} : vector<160x1536xbf16> to vector<160x128xbf16>
    %dot_general3A_867 = arith.constant dense<0.000000e+00> : vector<160x160xf32>
    %dot_general3A_868 = tpu.matmul %slice3A_864, %slice3A_865, %dot_general3A_867 {dimension_numbers = #tpu.dot_dimension_numbers<[1], [1], [0], [0], [0, 0, 1, 0], [], []>, transpose_lhs_hint = false} : vector<160x128xbf16>, vector<160x128xbf16>, vector<160x160xf32> -> vector<160x160xf32>
    %add3A_869 = vector.broadcast %get3A_829 : vector<1x160xf32> to vector<160x160xf32>
    %add3A_870 = arith.addf %dot_general3A_868, %add3A_869 : vector<160x160xf32>
    %exp3A_871 = math.exp %add3A_870 : vector<160x160xf32>
    %reduce_sum3A_872 = arith.constant dense<0.000000e+00> : vector<160xf32>
    %reduce_sum3A_873 = vector.multi_reduction <add>, %exp3A_871, %reduce_sum3A_872 [1] : vector<160x160xf32> to vector<160xf32>
    %broadcast_in_dim3A_874 = vector.shape_cast %reduce_sum3A_873 : vector<160xf32> to vector<160x1xf32>
    %div3A_875 = vector.broadcast %broadcast_in_dim3A_874 : vector<160x1xf32> to vector<160x160xf32>
    %div3A_876 = arith.divf %exp3A_871, %div3A_875 : vector<160x160xf32>
    %convert_element_type3A_877 = arith.truncf %div3A_876 : vector<160x160xf32> to vector<160x160xbf16>
    %dot_general3A_878 = arith.constant dense<0.000000e+00> : vector<160x128xf32>
    %dot_general3A_879 = tpu.matmul %convert_element_type3A_877, %slice3A_866, %dot_general3A_878 {dimension_numbers = #tpu.dot_dimension_numbers<[1], [0], [0], [1], [0, 0, 1, 1], [], []>, transpose_lhs_hint = false} : vector<160x160xbf16>, vector<160x128xbf16>, vector<160x128xf32> -> vector<160x128xf32>
    %convert_element_type3A_880 = arith.truncf %dot_general3A_879 : vector<160x128xf32> to vector<160x128xbf16>
    %slice3A_881 = vector.extract_strided_slice %slice3A_824 {offsets = [0, 384], sizes = [160, 128], strides = [1, 1]} : vector<160x1536xbf16> to vector<160x128xbf16>
    %slice3A_882 = vector.extract_strided_slice %slice3A_824 {offsets = [0, 896], sizes = [160, 128], strides = [1, 1]} : vector<160x1536xbf16> to vector<160x128xbf16>
    %slice3A_883 = vector.extract_strided_slice %slice3A_824 {offsets = [0, 1408], sizes = [160, 128], strides = [1, 1]} : vector<160x1536xbf16> to vector<160x128xbf16>
    %dot_general3A_884 = arith.constant dense<0.000000e+00> : vector<160x160xf32>
    %dot_general3A_885 = tpu.matmul %slice3A_881, %slice3A_882, %dot_general3A_884 {dimension_numbers = #tpu.dot_dimension_numbers<[1], [1], [0], [0], [0, 0, 1, 0], [], []>, transpose_lhs_hint = false} : vector<160x128xbf16>, vector<160x128xbf16>, vector<160x160xf32> -> vector<160x160xf32>
    %add3A_886 = vector.broadcast %get3A_829 : vector<1x160xf32> to vector<160x160xf32>
    %add3A_887 = arith.addf %dot_general3A_885, %add3A_886 : vector<160x160xf32>
    %exp3A_888 = math.exp %add3A_887 : vector<160x160xf32>
    %reduce_sum3A_889 = arith.constant dense<0.000000e+00> : vector<160xf32>
    %reduce_sum3A_890 = vector.multi_reduction <add>, %exp3A_888, %reduce_sum3A_889 [1] : vector<160x160xf32> to vector<160xf32>
    %broadcast_in_dim3A_891 = vector.shape_cast %reduce_sum3A_890 : vector<160xf32> to vector<160x1xf32>
    %div3A_892 = vector.broadcast %broadcast_in_dim3A_891 : vector<160x1xf32> to vector<160x160xf32>
    %div3A_893 = arith.divf %exp3A_888, %div3A_892 : vector<160x160xf32>
    %convert_element_type3A_894 = arith.truncf %div3A_893 : vector<160x160xf32> to vector<160x160xbf16>
    %dot_general3A_895 = arith.constant dense<0.000000e+00> : vector<160x128xf32>
    %dot_general3A_896 = tpu.matmul %convert_element_type3A_894, %slice3A_883, %dot_general3A_895 {dimension_numbers = #tpu.dot_dimension_numbers<[1], [0], [0], [1], [0, 0, 1, 1], [], []>, transpose_lhs_hint = false} : vector<160x160xbf16>, vector<160x128xbf16>, vector<160x128xf32> -> vector<160x128xf32>
    %convert_element_type3A_897 = arith.truncf %dot_general3A_896 : vector<160x128xf32> to vector<160x128xbf16>
    %slice3A_898 = vector.extract_strided_slice %convert_element_type3A_13 {offsets = [1920, 0], sizes = [160, 1536], strides = [1, 1]} : vector<2560x1536xbf16> to vector<160x1536xbf16>
    %get3A_899 = arith.constant 0 : index
    %get3A_900 = arith.constant 0 : index
    %get3A_901 = arith.constant 0 : index
    %get3A_902 = vector.load %arg4[%get3A_899, %get3A_900, %get3A_901] : memref<4x1x160xf32, #tpu.memory_space<vmem>>, vector<1x1x160xf32>
    %get3A_903 = vector.shape_cast %get3A_902 : vector<1x1x160xf32> to vector<1x160xf32>
    %slice3A_904 = vector.extract_strided_slice %slice3A_898 {offsets = [0, 0], sizes = [160, 128], strides = [1, 1]} : vector<160x1536xbf16> to vector<160x128xbf16>
    %slice3A_905 = vector.extract_strided_slice %slice3A_898 {offsets = [0, 512], sizes = [160, 128], strides = [1, 1]} : vector<160x1536xbf16> to vector<160x128xbf16>
    %slice3A_906 = vector.extract_strided_slice %slice3A_898 {offsets = [0, 1024], sizes = [160, 128], strides = [1, 1]} : vector<160x1536xbf16> to vector<160x128xbf16>
    %dot_general3A_907 = arith.constant dense<0.000000e+00> : vector<160x160xf32>
    %dot_general3A_908 = tpu.matmul %slice3A_904, %slice3A_905, %dot_general3A_907 {dimension_numbers = #tpu.dot_dimension_numbers<[1], [1], [0], [0], [0, 0, 1, 0], [], []>, transpose_lhs_hint = false} : vector<160x128xbf16>, vector<160x128xbf16>, vector<160x160xf32> -> vector<160x160xf32>
    %add3A_909 = vector.broadcast %get3A_903 : vector<1x160xf32> to vector<160x160xf32>
    %add3A_910 = arith.addf %dot_general3A_908, %add3A_909 : vector<160x160xf32>
    %exp3A_911 = math.exp %add3A_910 : vector<160x160xf32>
    %reduce_sum3A_912 = arith.constant dense<0.000000e+00> : vector<160xf32>
    %reduce_sum3A_913 = vector.multi_reduction <add>, %exp3A_911, %reduce_sum3A_912 [1] : vector<160x160xf32> to vector<160xf32>
    %broadcast_in_dim3A_914 = vector.shape_cast %reduce_sum3A_913 : vector<160xf32> to vector<160x1xf32>
    %div3A_915 = vector.broadcast %broadcast_in_dim3A_914 : vector<160x1xf32> to vector<160x160xf32>
    %div3A_916 = arith.divf %exp3A_911, %div3A_915 : vector<160x160xf32>
    %convert_element_type3A_917 = arith.truncf %div3A_916 : vector<160x160xf32> to vector<160x160xbf16>
    %dot_general3A_918 = arith.constant dense<0.000000e+00> : vector<160x128xf32>
    %dot_general3A_919 = tpu.matmul %convert_element_type3A_917, %slice3A_906, %dot_general3A_918 {dimension_numbers = #tpu.dot_dimension_numbers<[1], [0], [0], [1], [0, 0, 1, 1], [], []>, transpose_lhs_hint = false} : vector<160x160xbf16>, vector<160x128xbf16>, vector<160x128xf32> -> vector<160x128xf32>
    %convert_element_type3A_920 = arith.truncf %dot_general3A_919 : vector<160x128xf32> to vector<160x128xbf16>
    %slice3A_921 = vector.extract_strided_slice %slice3A_898 {offsets = [0, 128], sizes = [160, 128], strides = [1, 1]} : vector<160x1536xbf16> to vector<160x128xbf16>
    %slice3A_922 = vector.extract_strided_slice %slice3A_898 {offsets = [0, 640], sizes = [160, 128], strides = [1, 1]} : vector<160x1536xbf16> to vector<160x128xbf16>
    %slice3A_923 = vector.extract_strided_slice %slice3A_898 {offsets = [0, 1152], sizes = [160, 128], strides = [1, 1]} : vector<160x1536xbf16> to vector<160x128xbf16>
    %dot_general3A_924 = arith.constant dense<0.000000e+00> : vector<160x160xf32>
    %dot_general3A_925 = tpu.matmul %slice3A_921, %slice3A_922, %dot_general3A_924 {dimension_numbers = #tpu.dot_dimension_numbers<[1], [1], [0], [0], [0, 0, 1, 0], [], []>, transpose_lhs_hint = false} : vector<160x128xbf16>, vector<160x128xbf16>, vector<160x160xf32> -> vector<160x160xf32>
    %add3A_926 = vector.broadcast %get3A_903 : vector<1x160xf32> to vector<160x160xf32>
    %add3A_927 = arith.addf %dot_general3A_925, %add3A_926 : vector<160x160xf32>
    %exp3A_928 = math.exp %add3A_927 : vector<160x160xf32>
    %reduce_sum3A_929 = arith.constant dense<0.000000e+00> : vector<160xf32>
    %reduce_sum3A_930 = vector.multi_reduction <add>, %exp3A_928, %reduce_sum3A_929 [1] : vector<160x160xf32> to vector<160xf32>
    %broadcast_in_dim3A_931 = vector.shape_cast %reduce_sum3A_930 : vector<160xf32> to vector<160x1xf32>
    %div3A_932 = vector.broadcast %broadcast_in_dim3A_931 : vector<160x1xf32> to vector<160x160xf32>
    %div3A_933 = arith.divf %exp3A_928, %div3A_932 : vector<160x160xf32>
    %convert_element_type3A_934 = arith.truncf %div3A_933 : vector<160x160xf32> to vector<160x160xbf16>
    %dot_general3A_935 = arith.constant dense<0.000000e+00> : vector<160x128xf32>
    %dot_general3A_936 = tpu.matmul %convert_element_type3A_934, %slice3A_923, %dot_general3A_935 {dimension_numbers = #tpu.dot_dimension_numbers<[1], [0], [0], [1], [0, 0, 1, 1], [], []>, transpose_lhs_hint = false} : vector<160x160xbf16>, vector<160x128xbf16>, vector<160x128xf32> -> vector<160x128xf32>
    %convert_element_type3A_937 = arith.truncf %dot_general3A_936 : vector<160x128xf32> to vector<160x128xbf16>
    %slice3A_938 = vector.extract_strided_slice %slice3A_898 {offsets = [0, 256], sizes = [160, 128], strides = [1, 1]} : vector<160x1536xbf16> to vector<160x128xbf16>
    %slice3A_939 = vector.extract_strided_slice %slice3A_898 {offsets = [0, 768], sizes = [160, 128], strides = [1, 1]} : vector<160x1536xbf16> to vector<160x128xbf16>
    %slice3A_940 = vector.extract_strided_slice %slice3A_898 {offsets = [0, 1280], sizes = [160, 128], strides = [1, 1]} : vector<160x1536xbf16> to vector<160x128xbf16>
    %dot_general3A_941 = arith.constant dense<0.000000e+00> : vector<160x160xf32>
    %dot_general3A_942 = tpu.matmul %slice3A_938, %slice3A_939, %dot_general3A_941 {dimension_numbers = #tpu.dot_dimension_numbers<[1], [1], [0], [0], [0, 0, 1, 0], [], []>, transpose_lhs_hint = false} : vector<160x128xbf16>, vector<160x128xbf16>, vector<160x160xf32> -> vector<160x160xf32>
    %add3A_943 = vector.broadcast %get3A_903 : vector<1x160xf32> to vector<160x160xf32>
    %add3A_944 = arith.addf %dot_general3A_942, %add3A_943 : vector<160x160xf32>
    %exp3A_945 = math.exp %add3A_944 : vector<160x160xf32>
    %reduce_sum3A_946 = arith.constant dense<0.000000e+00> : vector<160xf32>
    %reduce_sum3A_947 = vector.multi_reduction <add>, %exp3A_945, %reduce_sum3A_946 [1] : vector<160x160xf32> to vector<160xf32>
    %broadcast_in_dim3A_948 = vector.shape_cast %reduce_sum3A_947 : vector<160xf32> to vector<160x1xf32>
    %div3A_949 = vector.broadcast %broadcast_in_dim3A_948 : vector<160x1xf32> to vector<160x160xf32>
    %div3A_950 = arith.divf %exp3A_945, %div3A_949 : vector<160x160xf32>
    %convert_element_type3A_951 = arith.truncf %div3A_950 : vector<160x160xf32> to vector<160x160xbf16>
    %dot_general3A_952 = arith.constant dense<0.000000e+00> : vector<160x128xf32>
    %dot_general3A_953 = tpu.matmul %convert_element_type3A_951, %slice3A_940, %dot_general3A_952 {dimension_numbers = #tpu.dot_dimension_numbers<[1], [0], [0], [1], [0, 0, 1, 1], [], []>, transpose_lhs_hint = false} : vector<160x160xbf16>, vector<160x128xbf16>, vector<160x128xf32> -> vector<160x128xf32>
    %convert_element_type3A_954 = arith.truncf %dot_general3A_953 : vector<160x128xf32> to vector<160x128xbf16>
    %slice3A_955 = vector.extract_strided_slice %slice3A_898 {offsets = [0, 384], sizes = [160, 128], strides = [1, 1]} : vector<160x1536xbf16> to vector<160x128xbf16>
    %slice3A_956 = vector.extract_strided_slice %slice3A_898 {offsets = [0, 896], sizes = [160, 128], strides = [1, 1]} : vector<160x1536xbf16> to vector<160x128xbf16>
    %slice3A_957 = vector.extract_strided_slice %slice3A_898 {offsets = [0, 1408], sizes = [160, 128], strides = [1, 1]} : vector<160x1536xbf16> to vector<160x128xbf16>
    %dot_general3A_958 = arith.constant dense<0.000000e+00> : vector<160x160xf32>
    %dot_general3A_959 = tpu.matmul %slice3A_955, %slice3A_956, %dot_general3A_958 {dimension_numbers = #tpu.dot_dimension_numbers<[1], [1], [0], [0], [0, 0, 1, 0], [], []>, transpose_lhs_hint = false} : vector<160x128xbf16>, vector<160x128xbf16>, vector<160x160xf32> -> vector<160x160xf32>
    %add3A_960 = vector.broadcast %get3A_903 : vector<1x160xf32> to vector<160x160xf32>
    %add3A_961 = arith.addf %dot_general3A_959, %add3A_960 : vector<160x160xf32>
    %exp3A_962 = math.exp %add3A_961 : vector<160x160xf32>
    %reduce_sum3A_963 = arith.constant dense<0.000000e+00> : vector<160xf32>
    %reduce_sum3A_964 = vector.multi_reduction <add>, %exp3A_962, %reduce_sum3A_963 [1] : vector<160x160xf32> to vector<160xf32>
    %broadcast_in_dim3A_965 = vector.shape_cast %reduce_sum3A_964 : vector<160xf32> to vector<160x1xf32>
    %div3A_966 = vector.broadcast %broadcast_in_dim3A_965 : vector<160x1xf32> to vector<160x160xf32>
    %div3A_967 = arith.divf %exp3A_962, %div3A_966 : vector<160x160xf32>
    %convert_element_type3A_968 = arith.truncf %div3A_967 : vector<160x160xf32> to vector<160x160xbf16>
    %dot_general3A_969 = arith.constant dense<0.000000e+00> : vector<160x128xf32>
    %dot_general3A_970 = tpu.matmul %convert_element_type3A_968, %slice3A_957, %dot_general3A_969 {dimension_numbers = #tpu.dot_dimension_numbers<[1], [0], [0], [1], [0, 0, 1, 1], [], []>, transpose_lhs_hint = false} : vector<160x160xbf16>, vector<160x128xbf16>, vector<160x128xf32> -> vector<160x128xf32>
    %convert_element_type3A_971 = arith.truncf %dot_general3A_970 : vector<160x128xf32> to vector<160x128xbf16>
    %slice3A_972 = vector.extract_strided_slice %convert_element_type3A_13 {offsets = [2080, 0], sizes = [160, 1536], strides = [1, 1]} : vector<2560x1536xbf16> to vector<160x1536xbf16>
    %get3A_973 = arith.constant 1 : index
    %get3A_974 = arith.constant 0 : index
    %get3A_975 = arith.constant 0 : index
    %get3A_976 = vector.load %arg4[%get3A_973, %get3A_974, %get3A_975] : memref<4x1x160xf32, #tpu.memory_space<vmem>>, vector<1x1x160xf32>
    %get3A_977 = vector.shape_cast %get3A_976 : vector<1x1x160xf32> to vector<1x160xf32>
    %slice3A_978 = vector.extract_strided_slice %slice3A_972 {offsets = [0, 0], sizes = [160, 128], strides = [1, 1]} : vector<160x1536xbf16> to vector<160x128xbf16>
    %slice3A_979 = vector.extract_strided_slice %slice3A_972 {offsets = [0, 512], sizes = [160, 128], strides = [1, 1]} : vector<160x1536xbf16> to vector<160x128xbf16>
    %slice3A_980 = vector.extract_strided_slice %slice3A_972 {offsets = [0, 1024], sizes = [160, 128], strides = [1, 1]} : vector<160x1536xbf16> to vector<160x128xbf16>
    %dot_general3A_981 = arith.constant dense<0.000000e+00> : vector<160x160xf32>
    %dot_general3A_982 = tpu.matmul %slice3A_978, %slice3A_979, %dot_general3A_981 {dimension_numbers = #tpu.dot_dimension_numbers<[1], [1], [0], [0], [0, 0, 1, 0], [], []>, transpose_lhs_hint = false} : vector<160x128xbf16>, vector<160x128xbf16>, vector<160x160xf32> -> vector<160x160xf32>
    %add3A_983 = vector.broadcast %get3A_977 : vector<1x160xf32> to vector<160x160xf32>
    %add3A_984 = arith.addf %dot_general3A_982, %add3A_983 : vector<160x160xf32>
    %exp3A_985 = math.exp %add3A_984 : vector<160x160xf32>
    %reduce_sum3A_986 = arith.constant dense<0.000000e+00> : vector<160xf32>
    %reduce_sum3A_987 = vector.multi_reduction <add>, %exp3A_985, %reduce_sum3A_986 [1] : vector<160x160xf32> to vector<160xf32>
    %broadcast_in_dim3A_988 = vector.shape_cast %reduce_sum3A_987 : vector<160xf32> to vector<160x1xf32>
    %div3A_989 = vector.broadcast %broadcast_in_dim3A_988 : vector<160x1xf32> to vector<160x160xf32>
    %div3A_990 = arith.divf %exp3A_985, %div3A_989 : vector<160x160xf32>
    %convert_element_type3A_991 = arith.truncf %div3A_990 : vector<160x160xf32> to vector<160x160xbf16>
    %dot_general3A_992 = arith.constant dense<0.000000e+00> : vector<160x128xf32>
    %dot_general3A_993 = tpu.matmul %convert_element_type3A_991, %slice3A_980, %dot_general3A_992 {dimension_numbers = #tpu.dot_dimension_numbers<[1], [0], [0], [1], [0, 0, 1, 1], [], []>, transpose_lhs_hint = false} : vector<160x160xbf16>, vector<160x128xbf16>, vector<160x128xf32> -> vector<160x128xf32>
    %convert_element_type3A_994 = arith.truncf %dot_general3A_993 : vector<160x128xf32> to vector<160x128xbf16>
    %slice3A_995 = vector.extract_strided_slice %slice3A_972 {offsets = [0, 128], sizes = [160, 128], strides = [1, 1]} : vector<160x1536xbf16> to vector<160x128xbf16>
    %slice3A_996 = vector.extract_strided_slice %slice3A_972 {offsets = [0, 640], sizes = [160, 128], strides = [1, 1]} : vector<160x1536xbf16> to vector<160x128xbf16>
    %slice3A_997 = vector.extract_strided_slice %slice3A_972 {offsets = [0, 1152], sizes = [160, 128], strides = [1, 1]} : vector<160x1536xbf16> to vector<160x128xbf16>
    %dot_general3A_998 = arith.constant dense<0.000000e+00> : vector<160x160xf32>
    %dot_general3A_999 = tpu.matmul %slice3A_995, %slice3A_996, %dot_general3A_998 {dimension_numbers = #tpu.dot_dimension_numbers<[1], [1], [0], [0], [0, 0, 1, 0], [], []>, transpose_lhs_hint = false} : vector<160x128xbf16>, vector<160x128xbf16>, vector<160x160xf32> -> vector<160x160xf32>
    %add3A_1000 = vector.broadcast %get3A_977 : vector<1x160xf32> to vector<160x160xf32>
    %add3A_1001 = arith.addf %dot_general3A_999, %add3A_1000 : vector<160x160xf32>
    %exp3A_1002 = math.exp %add3A_1001 : vector<160x160xf32>
    %reduce_sum3A_1003 = arith.constant dense<0.000000e+00> : vector<160xf32>
    %reduce_sum3A_1004 = vector.multi_reduction <add>, %exp3A_1002, %reduce_sum3A_1003 [1] : vector<160x160xf32> to vector<160xf32>
    %broadcast_in_dim3A_1005 = vector.shape_cast %reduce_sum3A_1004 : vector<160xf32> to vector<160x1xf32>
    %div3A_1006 = vector.broadcast %broadcast_in_dim3A_1005 : vector<160x1xf32> to vector<160x160xf32>
    %div3A_1007 = arith.divf %exp3A_1002, %div3A_1006 : vector<160x160xf32>
    %convert_element_type3A_1008 = arith.truncf %div3A_1007 : vector<160x160xf32> to vector<160x160xbf16>
    %dot_general3A_1009 = arith.constant dense<0.000000e+00> : vector<160x128xf32>
    %dot_general3A_1010 = tpu.matmul %convert_element_type3A_1008, %slice3A_997, %dot_general3A_1009 {dimension_numbers = #tpu.dot_dimension_numbers<[1], [0], [0], [1], [0, 0, 1, 1], [], []>, transpose_lhs_hint = false} : vector<160x160xbf16>, vector<160x128xbf16>, vector<160x128xf32> -> vector<160x128xf32>
    %convert_element_type3A_1011 = arith.truncf %dot_general3A_1010 : vector<160x128xf32> to vector<160x128xbf16>
    %slice3A_1012 = vector.extract_strided_slice %slice3A_972 {offsets = [0, 256], sizes = [160, 128], strides = [1, 1]} : vector<160x1536xbf16> to vector<160x128xbf16>
    %slice3A_1013 = vector.extract_strided_slice %slice3A_972 {offsets = [0, 768], sizes = [160, 128], strides = [1, 1]} : vector<160x1536xbf16> to vector<160x128xbf16>
    %slice3A_1014 = vector.extract_strided_slice %slice3A_972 {offsets = [0, 1280], sizes = [160, 128], strides = [1, 1]} : vector<160x1536xbf16> to vector<160x128xbf16>
    %dot_general3A_1015 = arith.constant dense<0.000000e+00> : vector<160x160xf32>
    %dot_general3A_1016 = tpu.matmul %slice3A_1012, %slice3A_1013, %dot_general3A_1015 {dimension_numbers = #tpu.dot_dimension_numbers<[1], [1], [0], [0], [0, 0, 1, 0], [], []>, transpose_lhs_hint = false} : vector<160x128xbf16>, vector<160x128xbf16>, vector<160x160xf32> -> vector<160x160xf32>
    %add3A_1017 = vector.broadcast %get3A_977 : vector<1x160xf32> to vector<160x160xf32>
    %add3A_1018 = arith.addf %dot_general3A_1016, %add3A_1017 : vector<160x160xf32>
    %exp3A_1019 = math.exp %add3A_1018 : vector<160x160xf32>
    %reduce_sum3A_1020 = arith.constant dense<0.000000e+00> : vector<160xf32>
    %reduce_sum3A_1021 = vector.multi_reduction <add>, %exp3A_1019, %reduce_sum3A_1020 [1] : vector<160x160xf32> to vector<160xf32>
    %broadcast_in_dim3A_1022 = vector.shape_cast %reduce_sum3A_1021 : vector<160xf32> to vector<160x1xf32>
    %div3A_1023 = vector.broadcast %broadcast_in_dim3A_1022 : vector<160x1xf32> to vector<160x160xf32>
    %div3A_1024 = arith.divf %exp3A_1019, %div3A_1023 : vector<160x160xf32>
    %convert_element_type3A_1025 = arith.truncf %div3A_1024 : vector<160x160xf32> to vector<160x160xbf16>
    %dot_general3A_1026 = arith.constant dense<0.000000e+00> : vector<160x128xf32>
    %dot_general3A_1027 = tpu.matmul %convert_element_type3A_1025, %slice3A_1014, %dot_general3A_1026 {dimension_numbers = #tpu.dot_dimension_numbers<[1], [0], [0], [1], [0, 0, 1, 1], [], []>, transpose_lhs_hint = false} : vector<160x160xbf16>, vector<160x128xbf16>, vector<160x128xf32> -> vector<160x128xf32>
    %convert_element_type3A_1028 = arith.truncf %dot_general3A_1027 : vector<160x128xf32> to vector<160x128xbf16>
    %slice3A_1029 = vector.extract_strided_slice %slice3A_972 {offsets = [0, 384], sizes = [160, 128], strides = [1, 1]} : vector<160x1536xbf16> to vector<160x128xbf16>
    %slice3A_1030 = vector.extract_strided_slice %slice3A_972 {offsets = [0, 896], sizes = [160, 128], strides = [1, 1]} : vector<160x1536xbf16> to vector<160x128xbf16>
    %slice3A_1031 = vector.extract_strided_slice %slice3A_972 {offsets = [0, 1408], sizes = [160, 128], strides = [1, 1]} : vector<160x1536xbf16> to vector<160x128xbf16>
    %dot_general3A_1032 = arith.constant dense<0.000000e+00> : vector<160x160xf32>
    %dot_general3A_1033 = tpu.matmul %slice3A_1029, %slice3A_1030, %dot_general3A_1032 {dimension_numbers = #tpu.dot_dimension_numbers<[1], [1], [0], [0], [0, 0, 1, 0], [], []>, transpose_lhs_hint = false} : vector<160x128xbf16>, vector<160x128xbf16>, vector<160x160xf32> -> vector<160x160xf32>
    %add3A_1034 = vector.broadcast %get3A_977 : vector<1x160xf32> to vector<160x160xf32>
    %add3A_1035 = arith.addf %dot_general3A_1033, %add3A_1034 : vector<160x160xf32>
    %exp3A_1036 = math.exp %add3A_1035 : vector<160x160xf32>
    %reduce_sum3A_1037 = arith.constant dense<0.000000e+00> : vector<160xf32>
    %reduce_sum3A_1038 = vector.multi_reduction <add>, %exp3A_1036, %reduce_sum3A_1037 [1] : vector<160x160xf32> to vector<160xf32>
    %broadcast_in_dim3A_1039 = vector.shape_cast %reduce_sum3A_1038 : vector<160xf32> to vector<160x1xf32>
    %div3A_1040 = vector.broadcast %broadcast_in_dim3A_1039 : vector<160x1xf32> to vector<160x160xf32>
    %div3A_1041 = arith.divf %exp3A_1036, %div3A_1040 : vector<160x160xf32>
    %convert_element_type3A_1042 = arith.truncf %div3A_1041 : vector<160x160xf32> to vector<160x160xbf16>
    %dot_general3A_1043 = arith.constant dense<0.000000e+00> : vector<160x128xf32>
    %dot_general3A_1044 = tpu.matmul %convert_element_type3A_1042, %slice3A_1031, %dot_general3A_1043 {dimension_numbers = #tpu.dot_dimension_numbers<[1], [0], [0], [1], [0, 0, 1, 1], [], []>, transpose_lhs_hint = false} : vector<160x160xbf16>, vector<160x128xbf16>, vector<160x128xf32> -> vector<160x128xf32>
    %convert_element_type3A_1045 = arith.truncf %dot_general3A_1044 : vector<160x128xf32> to vector<160x128xbf16>
    %slice3A_1046 = vector.extract_strided_slice %convert_element_type3A_13 {offsets = [2240, 0], sizes = [160, 1536], strides = [1, 1]} : vector<2560x1536xbf16> to vector<160x1536xbf16>
    %get3A_1047 = arith.constant 2 : index
    %get3A_1048 = arith.constant 0 : index
    %get3A_1049 = arith.constant 0 : index
    %get3A_1050 = vector.load %arg4[%get3A_1047, %get3A_1048, %get3A_1049] : memref<4x1x160xf32, #tpu.memory_space<vmem>>, vector<1x1x160xf32>
    %get3A_1051 = vector.shape_cast %get3A_1050 : vector<1x1x160xf32> to vector<1x160xf32>
    %slice3A_1052 = vector.extract_strided_slice %slice3A_1046 {offsets = [0, 0], sizes = [160, 128], strides = [1, 1]} : vector<160x1536xbf16> to vector<160x128xbf16>
    %slice3A_1053 = vector.extract_strided_slice %slice3A_1046 {offsets = [0, 512], sizes = [160, 128], strides = [1, 1]} : vector<160x1536xbf16> to vector<160x128xbf16>
    %slice3A_1054 = vector.extract_strided_slice %slice3A_1046 {offsets = [0, 1024], sizes = [160, 128], strides = [1, 1]} : vector<160x1536xbf16> to vector<160x128xbf16>
    %dot_general3A_1055 = arith.constant dense<0.000000e+00> : vector<160x160xf32>
    %dot_general3A_1056 = tpu.matmul %slice3A_1052, %slice3A_1053, %dot_general3A_1055 {dimension_numbers = #tpu.dot_dimension_numbers<[1], [1], [0], [0], [0, 0, 1, 0], [], []>, transpose_lhs_hint = false} : vector<160x128xbf16>, vector<160x128xbf16>, vector<160x160xf32> -> vector<160x160xf32>
    %add3A_1057 = vector.broadcast %get3A_1051 : vector<1x160xf32> to vector<160x160xf32>
    %add3A_1058 = arith.addf %dot_general3A_1056, %add3A_1057 : vector<160x160xf32>
    %exp3A_1059 = math.exp %add3A_1058 : vector<160x160xf32>
    %reduce_sum3A_1060 = arith.constant dense<0.000000e+00> : vector<160xf32>
    %reduce_sum3A_1061 = vector.multi_reduction <add>, %exp3A_1059, %reduce_sum3A_1060 [1] : vector<160x160xf32> to vector<160xf32>
    %broadcast_in_dim3A_1062 = vector.shape_cast %reduce_sum3A_1061 : vector<160xf32> to vector<160x1xf32>
    %div3A_1063 = vector.broadcast %broadcast_in_dim3A_1062 : vector<160x1xf32> to vector<160x160xf32>
    %div3A_1064 = arith.divf %exp3A_1059, %div3A_1063 : vector<160x160xf32>
    %convert_element_type3A_1065 = arith.truncf %div3A_1064 : vector<160x160xf32> to vector<160x160xbf16>
    %dot_general3A_1066 = arith.constant dense<0.000000e+00> : vector<160x128xf32>
    %dot_general3A_1067 = tpu.matmul %convert_element_type3A_1065, %slice3A_1054, %dot_general3A_1066 {dimension_numbers = #tpu.dot_dimension_numbers<[1], [0], [0], [1], [0, 0, 1, 1], [], []>, transpose_lhs_hint = false} : vector<160x160xbf16>, vector<160x128xbf16>, vector<160x128xf32> -> vector<160x128xf32>
    %convert_element_type3A_1068 = arith.truncf %dot_general3A_1067 : vector<160x128xf32> to vector<160x128xbf16>
    %slice3A_1069 = vector.extract_strided_slice %slice3A_1046 {offsets = [0, 128], sizes = [160, 128], strides = [1, 1]} : vector<160x1536xbf16> to vector<160x128xbf16>
    %slice3A_1070 = vector.extract_strided_slice %slice3A_1046 {offsets = [0, 640], sizes = [160, 128], strides = [1, 1]} : vector<160x1536xbf16> to vector<160x128xbf16>
    %slice3A_1071 = vector.extract_strided_slice %slice3A_1046 {offsets = [0, 1152], sizes = [160, 128], strides = [1, 1]} : vector<160x1536xbf16> to vector<160x128xbf16>
    %dot_general3A_1072 = arith.constant dense<0.000000e+00> : vector<160x160xf32>
    %dot_general3A_1073 = tpu.matmul %slice3A_1069, %slice3A_1070, %dot_general3A_1072 {dimension_numbers = #tpu.dot_dimension_numbers<[1], [1], [0], [0], [0, 0, 1, 0], [], []>, transpose_lhs_hint = false} : vector<160x128xbf16>, vector<160x128xbf16>, vector<160x160xf32> -> vector<160x160xf32>
    %add3A_1074 = vector.broadcast %get3A_1051 : vector<1x160xf32> to vector<160x160xf32>
    %add3A_1075 = arith.addf %dot_general3A_1073, %add3A_1074 : vector<160x160xf32>
    %exp3A_1076 = math.exp %add3A_1075 : vector<160x160xf32>
    %reduce_sum3A_1077 = arith.constant dense<0.000000e+00> : vector<160xf32>
    %reduce_sum3A_1078 = vector.multi_reduction <add>, %exp3A_1076, %reduce_sum3A_1077 [1] : vector<160x160xf32> to vector<160xf32>
    %broadcast_in_dim3A_1079 = vector.shape_cast %reduce_sum3A_1078 : vector<160xf32> to vector<160x1xf32>
    %div3A_1080 = vector.broadcast %broadcast_in_dim3A_1079 : vector<160x1xf32> to vector<160x160xf32>
    %div3A_1081 = arith.divf %exp3A_1076, %div3A_1080 : vector<160x160xf32>
    %convert_element_type3A_1082 = arith.truncf %div3A_1081 : vector<160x160xf32> to vector<160x160xbf16>
    %dot_general3A_1083 = arith.constant dense<0.000000e+00> : vector<160x128xf32>
    %dot_general3A_1084 = tpu.matmul %convert_element_type3A_1082, %slice3A_1071, %dot_general3A_1083 {dimension_numbers = #tpu.dot_dimension_numbers<[1], [0], [0], [1], [0, 0, 1, 1], [], []>, transpose_lhs_hint = false} : vector<160x160xbf16>, vector<160x128xbf16>, vector<160x128xf32> -> vector<160x128xf32>
    %convert_element_type3A_1085 = arith.truncf %dot_general3A_1084 : vector<160x128xf32> to vector<160x128xbf16>
    %slice3A_1086 = vector.extract_strided_slice %slice3A_1046 {offsets = [0, 256], sizes = [160, 128], strides = [1, 1]} : vector<160x1536xbf16> to vector<160x128xbf16>
    %slice3A_1087 = vector.extract_strided_slice %slice3A_1046 {offsets = [0, 768], sizes = [160, 128], strides = [1, 1]} : vector<160x1536xbf16> to vector<160x128xbf16>
    %slice3A_1088 = vector.extract_strided_slice %slice3A_1046 {offsets = [0, 1280], sizes = [160, 128], strides = [1, 1]} : vector<160x1536xbf16> to vector<160x128xbf16>
    %dot_general3A_1089 = arith.constant dense<0.000000e+00> : vector<160x160xf32>
    %dot_general3A_1090 = tpu.matmul %slice3A_1086, %slice3A_1087, %dot_general3A_1089 {dimension_numbers = #tpu.dot_dimension_numbers<[1], [1], [0], [0], [0, 0, 1, 0], [], []>, transpose_lhs_hint = false} : vector<160x128xbf16>, vector<160x128xbf16>, vector<160x160xf32> -> vector<160x160xf32>
    %add3A_1091 = vector.broadcast %get3A_1051 : vector<1x160xf32> to vector<160x160xf32>
    %add3A_1092 = arith.addf %dot_general3A_1090, %add3A_1091 : vector<160x160xf32>
    %exp3A_1093 = math.exp %add3A_1092 : vector<160x160xf32>
    %reduce_sum3A_1094 = arith.constant dense<0.000000e+00> : vector<160xf32>
    %reduce_sum3A_1095 = vector.multi_reduction <add>, %exp3A_1093, %reduce_sum3A_1094 [1] : vector<160x160xf32> to vector<160xf32>
    %broadcast_in_dim3A_1096 = vector.shape_cast %reduce_sum3A_1095 : vector<160xf32> to vector<160x1xf32>
    %div3A_1097 = vector.broadcast %broadcast_in_dim3A_1096 : vector<160x1xf32> to vector<160x160xf32>
    %div3A_1098 = arith.divf %exp3A_1093, %div3A_1097 : vector<160x160xf32>
    %convert_element_type3A_1099 = arith.truncf %div3A_1098 : vector<160x160xf32> to vector<160x160xbf16>
    %dot_general3A_1100 = arith.constant dense<0.000000e+00> : vector<160x128xf32>
    %dot_general3A_1101 = tpu.matmul %convert_element_type3A_1099, %slice3A_1088, %dot_general3A_1100 {dimension_numbers = #tpu.dot_dimension_numbers<[1], [0], [0], [1], [0, 0, 1, 1], [], []>, transpose_lhs_hint = false} : vector<160x160xbf16>, vector<160x128xbf16>, vector<160x128xf32> -> vector<160x128xf32>
    %convert_element_type3A_1102 = arith.truncf %dot_general3A_1101 : vector<160x128xf32> to vector<160x128xbf16>
    %slice3A_1103 = vector.extract_strided_slice %slice3A_1046 {offsets = [0, 384], sizes = [160, 128], strides = [1, 1]} : vector<160x1536xbf16> to vector<160x128xbf16>
    %slice3A_1104 = vector.extract_strided_slice %slice3A_1046 {offsets = [0, 896], sizes = [160, 128], strides = [1, 1]} : vector<160x1536xbf16> to vector<160x128xbf16>
    %slice3A_1105 = vector.extract_strided_slice %slice3A_1046 {offsets = [0, 1408], sizes = [160, 128], strides = [1, 1]} : vector<160x1536xbf16> to vector<160x128xbf16>
    %dot_general3A_1106 = arith.constant dense<0.000000e+00> : vector<160x160xf32>
    %dot_general3A_1107 = tpu.matmul %slice3A_1103, %slice3A_1104, %dot_general3A_1106 {dimension_numbers = #tpu.dot_dimension_numbers<[1], [1], [0], [0], [0, 0, 1, 0], [], []>, transpose_lhs_hint = false} : vector<160x128xbf16>, vector<160x128xbf16>, vector<160x160xf32> -> vector<160x160xf32>
    %add3A_1108 = vector.broadcast %get3A_1051 : vector<1x160xf32> to vector<160x160xf32>
    %add3A_1109 = arith.addf %dot_general3A_1107, %add3A_1108 : vector<160x160xf32>
    %exp3A_1110 = math.exp %add3A_1109 : vector<160x160xf32>
    %reduce_sum3A_1111 = arith.constant dense<0.000000e+00> : vector<160xf32>
    %reduce_sum3A_1112 = vector.multi_reduction <add>, %exp3A_1110, %reduce_sum3A_1111 [1] : vector<160x160xf32> to vector<160xf32>
    %broadcast_in_dim3A_1113 = vector.shape_cast %reduce_sum3A_1112 : vector<160xf32> to vector<160x1xf32>
    %div3A_1114 = vector.broadcast %broadcast_in_dim3A_1113 : vector<160x1xf32> to vector<160x160xf32>
    %div3A_1115 = arith.divf %exp3A_1110, %div3A_1114 : vector<160x160xf32>
    %convert_element_type3A_1116 = arith.truncf %div3A_1115 : vector<160x160xf32> to vector<160x160xbf16>
    %dot_general3A_1117 = arith.constant dense<0.000000e+00> : vector<160x128xf32>
    %dot_general3A_1118 = tpu.matmul %convert_element_type3A_1116, %slice3A_1105, %dot_general3A_1117 {dimension_numbers = #tpu.dot_dimension_numbers<[1], [0], [0], [1], [0, 0, 1, 1], [], []>, transpose_lhs_hint = false} : vector<160x160xbf16>, vector<160x128xbf16>, vector<160x128xf32> -> vector<160x128xf32>
    %convert_element_type3A_1119 = arith.truncf %dot_general3A_1118 : vector<160x128xf32> to vector<160x128xbf16>
    %slice3A_1120 = vector.extract_strided_slice %convert_element_type3A_13 {offsets = [2400, 0], sizes = [160, 1536], strides = [1, 1]} : vector<2560x1536xbf16> to vector<160x1536xbf16>
    %get3A_1121 = arith.constant 3 : index
    %get3A_1122 = arith.constant 0 : index
    %get3A_1123 = arith.constant 0 : index
    %get3A_1124 = vector.load %arg4[%get3A_1121, %get3A_1122, %get3A_1123] : memref<4x1x160xf32, #tpu.memory_space<vmem>>, vector<1x1x160xf32>
    %get3A_1125 = vector.shape_cast %get3A_1124 : vector<1x1x160xf32> to vector<1x160xf32>
    %slice3A_1126 = vector.extract_strided_slice %slice3A_1120 {offsets = [0, 0], sizes = [160, 128], strides = [1, 1]} : vector<160x1536xbf16> to vector<160x128xbf16>
    %slice3A_1127 = vector.extract_strided_slice %slice3A_1120 {offsets = [0, 512], sizes = [160, 128], strides = [1, 1]} : vector<160x1536xbf16> to vector<160x128xbf16>
    %slice3A_1128 = vector.extract_strided_slice %slice3A_1120 {offsets = [0, 1024], sizes = [160, 128], strides = [1, 1]} : vector<160x1536xbf16> to vector<160x128xbf16>
    %dot_general3A_1129 = arith.constant dense<0.000000e+00> : vector<160x160xf32>
    %dot_general3A_1130 = tpu.matmul %slice3A_1126, %slice3A_1127, %dot_general3A_1129 {dimension_numbers = #tpu.dot_dimension_numbers<[1], [1], [0], [0], [0, 0, 1, 0], [], []>, transpose_lhs_hint = false} : vector<160x128xbf16>, vector<160x128xbf16>, vector<160x160xf32> -> vector<160x160xf32>
    %add3A_1131 = vector.broadcast %get3A_1125 : vector<1x160xf32> to vector<160x160xf32>
    %add3A_1132 = arith.addf %dot_general3A_1130, %add3A_1131 : vector<160x160xf32>
    %exp3A_1133 = math.exp %add3A_1132 : vector<160x160xf32>
    %reduce_sum3A_1134 = arith.constant dense<0.000000e+00> : vector<160xf32>
    %reduce_sum3A_1135 = vector.multi_reduction <add>, %exp3A_1133, %reduce_sum3A_1134 [1] : vector<160x160xf32> to vector<160xf32>
    %broadcast_in_dim3A_1136 = vector.shape_cast %reduce_sum3A_1135 : vector<160xf32> to vector<160x1xf32>
    %div3A_1137 = vector.broadcast %broadcast_in_dim3A_1136 : vector<160x1xf32> to vector<160x160xf32>
    %div3A_1138 = arith.divf %exp3A_1133, %div3A_1137 : vector<160x160xf32>
    %convert_element_type3A_1139 = arith.truncf %div3A_1138 : vector<160x160xf32> to vector<160x160xbf16>
    %dot_general3A_1140 = arith.constant dense<0.000000e+00> : vector<160x128xf32>
    %dot_general3A_1141 = tpu.matmul %convert_element_type3A_1139, %slice3A_1128, %dot_general3A_1140 {dimension_numbers = #tpu.dot_dimension_numbers<[1], [0], [0], [1], [0, 0, 1, 1], [], []>, transpose_lhs_hint = false} : vector<160x160xbf16>, vector<160x128xbf16>, vector<160x128xf32> -> vector<160x128xf32>
    %convert_element_type3A_1142 = arith.truncf %dot_general3A_1141 : vector<160x128xf32> to vector<160x128xbf16>
    %slice3A_1143 = vector.extract_strided_slice %slice3A_1120 {offsets = [0, 128], sizes = [160, 128], strides = [1, 1]} : vector<160x1536xbf16> to vector<160x128xbf16>
    %slice3A_1144 = vector.extract_strided_slice %slice3A_1120 {offsets = [0, 640], sizes = [160, 128], strides = [1, 1]} : vector<160x1536xbf16> to vector<160x128xbf16>
    %slice3A_1145 = vector.extract_strided_slice %slice3A_1120 {offsets = [0, 1152], sizes = [160, 128], strides = [1, 1]} : vector<160x1536xbf16> to vector<160x128xbf16>
    %dot_general3A_1146 = arith.constant dense<0.000000e+00> : vector<160x160xf32>
    %dot_general3A_1147 = tpu.matmul %slice3A_1143, %slice3A_1144, %dot_general3A_1146 {dimension_numbers = #tpu.dot_dimension_numbers<[1], [1], [0], [0], [0, 0, 1, 0], [], []>, transpose_lhs_hint = false} : vector<160x128xbf16>, vector<160x128xbf16>, vector<160x160xf32> -> vector<160x160xf32>
    %add3A_1148 = vector.broadcast %get3A_1125 : vector<1x160xf32> to vector<160x160xf32>
    %add3A_1149 = arith.addf %dot_general3A_1147, %add3A_1148 : vector<160x160xf32>
    %exp3A_1150 = math.exp %add3A_1149 : vector<160x160xf32>
    %reduce_sum3A_1151 = arith.constant dense<0.000000e+00> : vector<160xf32>
    %reduce_sum3A_1152 = vector.multi_reduction <add>, %exp3A_1150, %reduce_sum3A_1151 [1] : vector<160x160xf32> to vector<160xf32>
    %broadcast_in_dim3A_1153 = vector.shape_cast %reduce_sum3A_1152 : vector<160xf32> to vector<160x1xf32>
    %div3A_1154 = vector.broadcast %broadcast_in_dim3A_1153 : vector<160x1xf32> to vector<160x160xf32>
    %div3A_1155 = arith.divf %exp3A_1150, %div3A_1154 : vector<160x160xf32>
    %convert_element_type3A_1156 = arith.truncf %div3A_1155 : vector<160x160xf32> to vector<160x160xbf16>
    %dot_general3A_1157 = arith.constant dense<0.000000e+00> : vector<160x128xf32>
    %dot_general3A_1158 = tpu.matmul %convert_element_type3A_1156, %slice3A_1145, %dot_general3A_1157 {dimension_numbers = #tpu.dot_dimension_numbers<[1], [0], [0], [1], [0, 0, 1, 1], [], []>, transpose_lhs_hint = false} : vector<160x160xbf16>, vector<160x128xbf16>, vector<160x128xf32> -> vector<160x128xf32>
    %convert_element_type3A_1159 = arith.truncf %dot_general3A_1158 : vector<160x128xf32> to vector<160x128xbf16>
    %slice3A_1160 = vector.extract_strided_slice %slice3A_1120 {offsets = [0, 256], sizes = [160, 128], strides = [1, 1]} : vector<160x1536xbf16> to vector<160x128xbf16>
    %slice3A_1161 = vector.extract_strided_slice %slice3A_1120 {offsets = [0, 768], sizes = [160, 128], strides = [1, 1]} : vector<160x1536xbf16> to vector<160x128xbf16>
    %slice3A_1162 = vector.extract_strided_slice %slice3A_1120 {offsets = [0, 1280], sizes = [160, 128], strides = [1, 1]} : vector<160x1536xbf16> to vector<160x128xbf16>
    %dot_general3A_1163 = arith.constant dense<0.000000e+00> : vector<160x160xf32>
    %dot_general3A_1164 = tpu.matmul %slice3A_1160, %slice3A_1161, %dot_general3A_1163 {dimension_numbers = #tpu.dot_dimension_numbers<[1], [1], [0], [0], [0, 0, 1, 0], [], []>, transpose_lhs_hint = false} : vector<160x128xbf16>, vector<160x128xbf16>, vector<160x160xf32> -> vector<160x160xf32>
    %add3A_1165 = vector.broadcast %get3A_1125 : vector<1x160xf32> to vector<160x160xf32>
    %add3A_1166 = arith.addf %dot_general3A_1164, %add3A_1165 : vector<160x160xf32>
    %exp3A_1167 = math.exp %add3A_1166 : vector<160x160xf32>
    %reduce_sum3A_1168 = arith.constant dense<0.000000e+00> : vector<160xf32>
    %reduce_sum3A_1169 = vector.multi_reduction <add>, %exp3A_1167, %reduce_sum3A_1168 [1] : vector<160x160xf32> to vector<160xf32>
    %broadcast_in_dim3A_1170 = vector.shape_cast %reduce_sum3A_1169 : vector<160xf32> to vector<160x1xf32>
    %div3A_1171 = vector.broadcast %broadcast_in_dim3A_1170 : vector<160x1xf32> to vector<160x160xf32>
    %div3A_1172 = arith.divf %exp3A_1167, %div3A_1171 : vector<160x160xf32>
    %convert_element_type3A_1173 = arith.truncf %div3A_1172 : vector<160x160xf32> to vector<160x160xbf16>
    %dot_general3A_1174 = arith.constant dense<0.000000e+00> : vector<160x128xf32>
    %dot_general3A_1175 = tpu.matmul %convert_element_type3A_1173, %slice3A_1162, %dot_general3A_1174 {dimension_numbers = #tpu.dot_dimension_numbers<[1], [0], [0], [1], [0, 0, 1, 1], [], []>, transpose_lhs_hint = false} : vector<160x160xbf16>, vector<160x128xbf16>, vector<160x128xf32> -> vector<160x128xf32>
    %convert_element_type3A_1176 = arith.truncf %dot_general3A_1175 : vector<160x128xf32> to vector<160x128xbf16>
    %slice3A_1177 = vector.extract_strided_slice %slice3A_1120 {offsets = [0, 384], sizes = [160, 128], strides = [1, 1]} : vector<160x1536xbf16> to vector<160x128xbf16>
    %slice3A_1178 = vector.extract_strided_slice %slice3A_1120 {offsets = [0, 896], sizes = [160, 128], strides = [1, 1]} : vector<160x1536xbf16> to vector<160x128xbf16>
    %slice3A_1179 = vector.extract_strided_slice %slice3A_1120 {offsets = [0, 1408], sizes = [160, 128], strides = [1, 1]} : vector<160x1536xbf16> to vector<160x128xbf16>
    %dot_general3A_1180 = arith.constant dense<0.000000e+00> : vector<160x160xf32>
    %dot_general3A_1181 = tpu.matmul %slice3A_1177, %slice3A_1178, %dot_general3A_1180 {dimension_numbers = #tpu.dot_dimension_numbers<[1], [1], [0], [0], [0, 0, 1, 0], [], []>, transpose_lhs_hint = false} : vector<160x128xbf16>, vector<160x128xbf16>, vector<160x160xf32> -> vector<160x160xf32>
    %add3A_1182 = vector.broadcast %get3A_1125 : vector<1x160xf32> to vector<160x160xf32>
    %add3A_1183 = arith.addf %dot_general3A_1181, %add3A_1182 : vector<160x160xf32>
    %exp3A_1184 = math.exp %add3A_1183 : vector<160x160xf32>
    %reduce_sum3A_1185 = arith.constant dense<0.000000e+00> : vector<160xf32>
    %reduce_sum3A_1186 = vector.multi_reduction <add>, %exp3A_1184, %reduce_sum3A_1185 [1] : vector<160x160xf32> to vector<160xf32>
    %broadcast_in_dim3A_1187 = vector.shape_cast %reduce_sum3A_1186 : vector<160xf32> to vector<160x1xf32>
    %div3A_1188 = vector.broadcast %broadcast_in_dim3A_1187 : vector<160x1xf32> to vector<160x160xf32>
    %div3A_1189 = arith.divf %exp3A_1184, %div3A_1188 : vector<160x160xf32>
    %convert_element_type3A_1190 = arith.truncf %div3A_1189 : vector<160x160xf32> to vector<160x160xbf16>
    %dot_general3A_1191 = arith.constant dense<0.000000e+00> : vector<160x128xf32>
    %dot_general3A_1192 = tpu.matmul %convert_element_type3A_1190, %slice3A_1179, %dot_general3A_1191 {dimension_numbers = #tpu.dot_dimension_numbers<[1], [0], [0], [1], [0, 0, 1, 1], [], []>, transpose_lhs_hint = false} : vector<160x160xbf16>, vector<160x128xbf16>, vector<160x128xf32> -> vector<160x128xf32>
    %convert_element_type3A_1193 = arith.truncf %dot_general3A_1192 : vector<160x128xf32> to vector<160x128xbf16>
    %concatenate3A = tpu.concatenate %convert_element_type3A_32, %convert_element_type3A_49, %convert_element_type3A_66, %convert_element_type3A_83 in 1 : vector<160x128xbf16>, vector<160x128xbf16>, vector<160x128xbf16>, vector<160x128xbf16> -> vector<160x512xbf16>
    %concatenate3A_1194 = tpu.concatenate %convert_element_type3A_106, %convert_element_type3A_123, %convert_element_type3A_140, %convert_element_type3A_157 in 1 : vector<160x128xbf16>, vector<160x128xbf16>, vector<160x128xbf16>, vector<160x128xbf16> -> vector<160x512xbf16>
    %concatenate3A_1195 = tpu.concatenate %convert_element_type3A_180, %convert_element_type3A_197, %convert_element_type3A_214, %convert_element_type3A_231 in 1 : vector<160x128xbf16>, vector<160x128xbf16>, vector<160x128xbf16>, vector<160x128xbf16> -> vector<160x512xbf16>
    %concatenate3A_1196 = tpu.concatenate %convert_element_type3A_254, %convert_element_type3A_271, %convert_element_type3A_288, %convert_element_type3A_305 in 1 : vector<160x128xbf16>, vector<160x128xbf16>, vector<160x128xbf16>, vector<160x128xbf16> -> vector<160x512xbf16>
    %concatenate3A_1197 = tpu.concatenate %convert_element_type3A_328, %convert_element_type3A_345, %convert_element_type3A_362, %convert_element_type3A_379 in 1 : vector<160x128xbf16>, vector<160x128xbf16>, vector<160x128xbf16>, vector<160x128xbf16> -> vector<160x512xbf16>
    %concatenate3A_1198 = tpu.concatenate %convert_element_type3A_402, %convert_element_type3A_419, %convert_element_type3A_436, %convert_element_type3A_453 in 1 : vector<160x128xbf16>, vector<160x128xbf16>, vector<160x128xbf16>, vector<160x128xbf16> -> vector<160x512xbf16>
    %concatenate3A_1199 = tpu.concatenate %convert_element_type3A_476, %convert_element_type3A_493, %convert_element_type3A_510, %convert_element_type3A_527 in 1 : vector<160x128xbf16>, vector<160x128xbf16>, vector<160x128xbf16>, vector<160x128xbf16> -> vector<160x512xbf16>
    %concatenate3A_1200 = tpu.concatenate %convert_element_type3A_550, %convert_element_type3A_567, %convert_element_type3A_584, %convert_element_type3A_601 in 1 : vector<160x128xbf16>, vector<160x128xbf16>, vector<160x128xbf16>, vector<160x128xbf16> -> vector<160x512xbf16>
    %concatenate3A_1201 = tpu.concatenate %convert_element_type3A_624, %convert_element_type3A_641, %convert_element_type3A_658, %convert_element_type3A_675 in 1 : vector<160x128xbf16>, vector<160x128xbf16>, vector<160x128xbf16>, vector<160x128xbf16> -> vector<160x512xbf16>
    %concatenate3A_1202 = tpu.concatenate %convert_element_type3A_698, %convert_element_type3A_715, %convert_element_type3A_732, %convert_element_type3A_749 in 1 : vector<160x128xbf16>, vector<160x128xbf16>, vector<160x128xbf16>, vector<160x128xbf16> -> vector<160x512xbf16>
    %concatenate3A_1203 = tpu.concatenate %convert_element_type3A_772, %convert_element_type3A_789, %convert_element_type3A_806, %convert_element_type3A_823 in 1 : vector<160x128xbf16>, vector<160x128xbf16>, vector<160x128xbf16>, vector<160x128xbf16> -> vector<160x512xbf16>
    %concatenate3A_1204 = tpu.concatenate %convert_element_type3A_846, %convert_element_type3A_863, %convert_element_type3A_880, %convert_element_type3A_897 in 1 : vector<160x128xbf16>, vector<160x128xbf16>, vector<160x128xbf16>, vector<160x128xbf16> -> vector<160x512xbf16>
    %concatenate3A_1205 = tpu.concatenate %convert_element_type3A_920, %convert_element_type3A_937, %convert_element_type3A_954, %convert_element_type3A_971 in 1 : vector<160x128xbf16>, vector<160x128xbf16>, vector<160x128xbf16>, vector<160x128xbf16> -> vector<160x512xbf16>
    %concatenate3A_1206 = tpu.concatenate %convert_element_type3A_994, %convert_element_type3A_1011, %convert_element_type3A_1028, %convert_element_type3A_1045 in 1 : vector<160x128xbf16>, vector<160x128xbf16>, vector<160x128xbf16>, vector<160x128xbf16> -> vector<160x512xbf16>
    %concatenate3A_1207 = tpu.concatenate %convert_element_type3A_1068, %convert_element_type3A_1085, %convert_element_type3A_1102, %convert_element_type3A_1119 in 1 : vector<160x128xbf16>, vector<160x128xbf16>, vector<160x128xbf16>, vector<160x128xbf16> -> vector<160x512xbf16>
    %concatenate3A_1208 = tpu.concatenate %convert_element_type3A_1142, %convert_element_type3A_1159, %convert_element_type3A_1176, %convert_element_type3A_1193 in 1 : vector<160x128xbf16>, vector<160x128xbf16>, vector<160x128xbf16>, vector<160x128xbf16> -> vector<160x512xbf16>
    %concatenate3A_1209 = tpu.concatenate %concatenate3A, %concatenate3A_1194, %concatenate3A_1195, %concatenate3A_1196, %concatenate3A_1197, %concatenate3A_1198, %concatenate3A_1199, %concatenate3A_1200, %concatenate3A_1201, %concatenate3A_1202, %concatenate3A_1203, %concatenate3A_1204, %concatenate3A_1205, %concatenate3A_1206, %concatenate3A_1207, %concatenate3A_1208 in 0 : vector<160x512xbf16>, vector<160x512xbf16>, vector<160x512xbf16>, vector<160x512xbf16>, vector<160x512xbf16>, vector<160x512xbf16>, vector<160x512xbf16>, vector<160x512xbf16>, vector<160x512xbf16>, vector<160x512xbf16>, vector<160x512xbf16>, vector<160x512xbf16>, vector<160x512xbf16>, vector<160x512xbf16>, vector<160x512xbf16>, vector<160x512xbf16> -> vector<2560x512xbf16>
    %get3A_1210 = arith.constant 0 : index
    %get3A_1211 = arith.constant 0 : index
    %get3A_1212 = vector.load %arg5[%get3A_1210, %get3A_1211] : memref<512x384xbf16, #tpu.memory_space<vmem>>, vector<512x384xbf16>
    %dot_general3A_1213 = arith.constant dense<0.000000e+00> : vector<2560x384xf32>
    %dot_general3A_1214 = tpu.matmul %concatenate3A_1209, %get3A_1212, %dot_general3A_1213 {dimension_numbers = #tpu.dot_dimension_numbers<[1], [0], [0], [1], [0, 0, 1, 1], [], []>, transpose_lhs_hint = false} : vector<2560x512xbf16>, vector<512x384xbf16>, vector<2560x384xf32> -> vector<2560x384xf32>
    %get3A_1215 = arith.constant 0 : index
    %get3A_1216 = arith.constant 0 : index
    %get3A_1217 = vector.load %arg6[%get3A_1215, %get3A_1216] : memref<1x384xf32, #tpu.memory_space<vmem>>, vector<1x384xf32>
    %get3A_1218 = vector.shape_cast %get3A_1217 : vector<1x384xf32> to vector<384xf32>
    %broadcast_in_dim3A_1219 = vector.shape_cast %get3A_1218 : vector<384xf32> to vector<1x384xf32>
    %add3A_1220 = vector.broadcast %broadcast_in_dim3A_1219 : vector<1x384xf32> to vector<2560x384xf32>
    %add3A_1221 = arith.addf %dot_general3A_1214, %add3A_1220 : vector<2560x384xf32>
    %reshape3A_1222 = vector.shape_cast %add3A_1221 : vector<2560x384xf32> to vector<4x640x384xf32>
    %get3A_1223 = arith.constant 0 : index
    %get3A_1224 = arith.constant 0 : index
    %get3A_1225 = arith.constant 0 : index
    %get3A_1226 = vector.load %arg1[%get3A_1223, %get3A_1224, %get3A_1225] : memref<4x640x384xf32, #tpu.memory_space<vmem>>, vector<4x640x384xf32>
    %add3A_1227 = arith.addf %reshape3A_1222, %get3A_1226 : vector<4x640x384xf32>
    %swap3A = arith.constant 0 : index
    %swap3A_1228 = arith.constant 0 : index
    %swap3A_1229 = arith.constant 0 : index
    %swap3A_1230 = vector.load %arg8[%swap3A, %swap3A_1228, %swap3A_1229] : memref<4x640x384xf32, #tpu.memory_space<vmem>>, vector<4x640x384xf32>
    tpu.vector_store %arg8[%swap3A, %swap3A_1228, %swap3A_1229], %add3A_1227 {strides = array<i32>} : memref<4x640x384xf32, #tpu.memory_space<vmem>>, vector<4x640x384xf32>,
    return
  }
  func.func @transform_0(%arg0: i32) -> (i32, i32, i32) {
    %c0_i32 = arith.constant 0 : i32
    %c0_i32_0 = arith.constant 0 : i32
    %c0_i32_1 = arith.constant 0 : i32
    return %c0_i32, %arg0, %c0_i32_0 : i32, i32, i32
  }
  func.func @transform_1(%arg0: i32) -> (i32, i32) {
    %c0_i32 = arith.constant 0 : i32
    %c0_i32_0 = arith.constant 0 : i32
    %c0_i32_1 = arith.constant 0 : i32
    return %c0_i32, %c0_i32_0 : i32, i32
  }
  func.func @transform_2(%arg0: i32) -> (i32, i32) {
    %c0_i32 = arith.constant 0 : i32
    %c0_i32_0 = arith.constant 0 : i32
    %c0_i32_1 = arith.constant 0 : i32
    return %c0_i32, %c0_i32_0 : i32, i32
  }
  func.func @transform_3(%arg0: i32) -> (i32, i32, i32) {
    %c0_i32 = arith.constant 0 : i32
    %c0_i32_0 = arith.constant 0 : i32
    %c0_i32_1 = arith.constant 0 : i32
    return %arg0, %c0_i32, %c0_i32_0 : i32, i32, i32
  }
  func.func @transform_4(%arg0: i32) -> (i32, i32) {
    %c0_i32 = arith.constant 0 : i32
    %c0_i32_0 = arith.constant 0 : i32
    %c0_i32_1 = arith.constant 0 : i32
    return %c0_i32, %c0_i32_0 : i32, i32
  }
  func.func @transform_5(%arg0: i32) -> (i32, i32) {
    %c0_i32 = arith.constant 0 : i32
    %c0_i32_0 = arith.constant 0 : i32
    %c0_i32_1 = arith.constant 0 : i32
    return %c0_i32, %c0_i32_0 : i32, i32
  }
  func.func @transform_7(%arg0: i32) -> (i32, i32, i32) {
    %add3A = arith.constant 4 : i32
    %add3A_0 = arith.addi %arg0, %add3A : i32
    %c0_i32 = arith.constant 0 : i32
    %c0_i32_1 = arith.constant 0 : i32
    %c0_i32_2 = arith.constant 0 : i32
    return %c0_i32, %add3A_0, %c0_i32_1 : i32, i32, i32
  }
}

</mosaic_0001>

<sc_bundles>
// kernel: kernel.10.cloned.1.call-start
scs
__scs_entry_jumppad:
0x0: {  	(pc) =	sbr.rel $0x88, $3  }
0x1: {  	(tag) =	ssettag $0x0;
	lr =	simm.s32 $0x1  }
0x2: {  	[smem:$0x3F9C] =	sst lr;
	_ =	strace $0xD0000000  }
0x3: {  	_ = 	snop  }
0x4: {  	_ = 	snop  }
0x5: {  	_ = 	snop  }
0x6: {  	_ = 	snop  }
0x7: {  	_ = 	snop  }
__scs_overlays_trampoline_lowered:
0x8: {  	[smem:$0x3FAB] =	sst s0  }
0x9: {  	[smem:$0x3FAC] =	sst s1  }
0xa: {  	[smem:$0x3FAD] =	sst s2  }
0xb: {  	[smem:$0x3FAE] =	sst s3  }
0xc: {  	[smem:$0x3FAF] =	sst s4  }
0xd: {  	[smem:$0x3FB0] =	sst s5  }
0xe: {  	[smem:$0x3FB1] =	sst s6  }
0xf: {  	[smem:$0x3FB2] =	sst s7  }
0x10: {  	[smem:$0x3FB3] =	sst s8  }
0x11: {  	[smem:$0x3FB4] =	sst s9;
	s0 =	simm.s32 @!p0 $0x0  }
0x12: {  	s1 =	sld [smem:$0x3F9A];
	s0 =	simm.s32 @p0 $0x1  }
0x13: {  	[smem:$0x3FB5] =	sst s0;
	s0 =	simm.s32 @!p1 $0x0  }
0x14: {  	s2 =	sld [smem:$0x3F99];
	s0 =	simm.s32 @p1 $0x1  }
0x15: {  	[smem:$0x3FB6] =	sst s0;
	s0 =	simm.s32 @!p2 $0x0  }
0x16: {  	s3 =	sld [smem:$0x3FDB];
	s0 =	simm.s32 @p2 $0x1  }
0x17: {  	s4 =	simm.s32 $0x1BF5;
	[smem:$0x3FB8] =	sst s0  }
0x18: {  	s0 =	sld [smem:$0x3F9B];
	_ =	swait.ge [sflag:s4], $0x0  }
0x19: {  	s7 =	sld [smem:$0x3F9C]  }
0x1a: {  	s8 =	sadd.s32 $0xFFFFE003, lr  }
0x1b: {  	s9 =	sadd.s32 $0xFFFFFEF7, lr;
	s5 =	simm.s32 $0xFFFFFFFF;
	p2 =	slt.u32 s8, $0xFFFFF086  }
0x1c: {  	p1 =	slt.u32 s9, $0xF7A;
	s5 =	simm.s32 @!p2 $0x0  }
0x1d: {  	s5 =	simm.s32 @p1 $0x1;
	p0 =	seq.s32 s7, s2  }
0x1e: {  	s7 =	smul.u32 @!p0 $0xF7A, s2;
	p2 =	seq.s32 @!p0 s5, $0x0  }
0x1f: {  	s9 =	smul.u32 $0xF7A, s1;
	s8 =	simm.s32 @!p0 $0x1BF5;
	p2 =	por !p2, p0  }
0x20: {  	[sflag:s8] =	ssyncset.s32 @!p0 $0xFFFFF086;
	s6 =	sadd.s32 @!p0 s3, s7;
	s7 =	simm.s32 @!p0 $0x108  }
0x21: {  	s3 =	sadd.s32 s3, s9;
	s6 =	sadd.s32 @!p0 $0x88, s6;
	s7 =	simm.s32 @p2 $0x1082  }
0x22: {  	[simem:s7], [sflag:s8] =	dma.local @!p0 [hbm:s6], $0xF7A  }
0x23: {  	s9 =	sor.u32 $0xD0000000, s2;
	s6 =	simm.s32 $0x108;
	_ =	swait.ge @!p0 [sflag:s8], $0x0  }
0x24: {  	s3 =	sadd.s32 $0x88, s3;
	s6 =	simm.s32 @!p1 $0x1082;
	[sflag:s4] =	ssyncset.s32 $0xFFFFF086  }
0x25: {  	[simem:s6], [sflag:s4] =	dma.local [hbm:s3], $0xF7A  }
0x26: {  	[smem:$0x3F9C] =	sst s1;
	(tag) =	ssettag s2;
	_ =	strace s9  }
0x27: {  	s1 =	sld [smem:$0x3FAC]  }
0x28: {  	s2 =	sld [smem:$0x3FAD]  }
0x29: {  	s4 =	sld [smem:$0x3FAF]  }
0x2a: {  	p0 =	seq.s32 s5, $0x0;
	s5 =	sld [smem:$0x3FB0]  }
0x2b: {  	s6 =	sld [smem:$0x3FB1]  }
0x2c: {  	s7 =	sld [smem:$0x3FB2]  }
0x2d: {  	s3 =	simm.s32 $0x108;
	s8 =	sld [smem:$0x3FB3]  }
0x2e: {  	s3 =	simm.s32 @!p0 $0x1082;
	s9 =	sld [smem:$0x3FB4]  }
0x2f: {  	lr =	sadd.s32 s0, s3;
	s0 =	sld [smem:$0x3FAB]  }
0x30: {  	s3 =	sld [smem:$0x3FAE]  }
0x31: {  	[smem:$0x3FB7] =	sst s10  }
0x32: {  	s10 =	sld [smem:$0x3FB5];
	_ =	sdelay $0x3  }
0x33: {  	p0 =	seq.s32 s10, $0x1;
	s10 =	sld [smem:$0x3FB7];
	_ =	sdelay $0x3  }
0x34: {  	[smem:$0x3FB7] =	sst s10  }
0x35: {  	s10 =	sld [smem:$0x3FB6];
	_ =	sdelay $0x3  }
0x36: {  	p1 =	seq.s32 s10, $0x1;
	s10 =	sld [smem:$0x3FB7];
	_ =	sdelay $0x3  }
0x37: {  	[smem:$0x3FB7] =	sst s10  }
0x38: {  	s10 =	sld [smem:$0x3FB8]  }
0x39: {  	_ = 	snop;
	(pc) =	sbr.ind lr, $3  }
0x3a: {  	_ = 	snop  }
0x3b: {  	_ = 	snop  }
0x3c: {  	p2 =	seq.s32 s10, $0x1;
	s10 =	sld [smem:$0x3FB7]  }
0x3d: {  	_ =	shalt  }
0x3e: {  	_ =	shalt  }
0x3f: {  	_ =	shalt  }
0x40: {  	_ =	shalt  }
0x41: {  	_ =	shalt  }
0x42: {  	_ =	shalt  }
0x43: {  	_ =	shalt  }
0x44: {  	_ =	shalt  }
0x45: {  	_ =	shalt  }
0x46: {  	_ =	shalt  }
0x47: {  	_ =	shalt  }
0x48: {  	_ =	shalt  }
0x49: {  	_ =	shalt  }
0x4a: {  	_ =	shalt  }
0x4b: {  	_ =	shalt  }
0x4c: {  	_ =	shalt  }
0x4d: {  	_ =	shalt  }
0x4e: {  	_ =	shalt  }
0x4f: {  	_ =	shalt  }
0x50: {  	_ =	shalt  }
0x51: {  	_ =	shalt  }
0x52: {  	_ =	shalt  }
0x53: {  	_ =	shalt  }
0x54: {  	_ =	shalt  }
0x55: {  	_ =	shalt  }
0x56: {  	_ =	shalt  }
0x57: {  	_ =	shalt  }
0x58: {  	_ =	shalt  }
0x59: {  	_ =	shalt  }
0x5a: {  	_ =	shalt  }
0x5b: {  	_ =	shalt  }
0x5c: {  	_ =	shalt  }
0x5d: {  	_ =	shalt  }
0x5e: {  	_ =	shalt  }
0x5f: {  	_ =	shalt  }
0x60: {  	_ =	shalt  }
0x61: {  	_ =	shalt  }
0x62: {  	_ =	shalt  }
0x63: {  	_ =	shalt  }
0x64: {  	_ =	shalt  }
0x65: {  	_ =	shalt  }
0x66: {  	_ =	shalt  }
0x67: {  	_ =	shalt  }
0x68: {  	_ =	shalt  }
0x69: {  	_ =	shalt  }
0x6a: {  	_ =	shalt  }
0x6b: {  	_ =	shalt  }
0x6c: {  	_ =	shalt  }
0x6d: {  	_ =	shalt  }
0x6e: {  	_ =	shalt  }
0x6f: {  	_ =	shalt  }
0x70: {  	_ =	shalt  }
0x71: {  	_ =	shalt  }
0x72: {  	_ =	shalt  }
0x73: {  	_ =	shalt  }
0x74: {  	_ =	shalt  }
0x75: {  	_ =	shalt  }
0x76: {  	_ =	shalt  }
0x77: {  	_ =	shalt  }
0x78: {  	_ =	shalt  }
0x79: {  	_ =	shalt  }
0x7a: {  	_ =	shalt  }
0x7b: {  	_ =	shalt  }
0x7c: {  	_ =	shalt  }
0x7d: {  	_ =	shalt  }
0x7e: {  	_ =	shalt  }
0x7f: {  	_ =	shalt  }
0x80: {  	_ =	shalt  }
0x81: {  	_ =	shalt  }
0x82: {  	_ =	shalt  }
0x83: {  	_ =	shalt  }
0x84: {  	_ =	shalt  }
0x85: {  	_ =	shalt  }
0x86: {  	_ =	shalt  }
0x87: {  	_ =	shalt  }
.Lfunc_end0:
.L_simem_size_0:
called_computation.1_lowered:
.L_overlay_start_0:
0x88: {  	s2 =	sld [smem:$0x3FD9]  }
0x89: {  	s3 =	sld [smem:$0x3FFE];
	_ =	sdelay $0x1  }
0x8a: {  	s1 =	srdreg.scid  }
0x8b: {  	s0 =	sand.u32 $0x1, s1  }
0x8c: {  	s17 =	sshll.u32 s0, $0xA;
	s2 =	sadd.s32 s3, s2  }
0x8d: {  	s2 =	sadd.s32 s2, s17  }
0x8e: {  	[smem:$0x3FC3] =	sst s2  }
0x8f: {  	_ = 	snop  }
0x90: {  	s4 =	sld [smem:$0x3FC9]  }
0x91: {  	s18 =	sld [smem:$0x3FD0];
	(tm) =	ssettm $0x1  }
0x92: {  	s19 =	sld [smem:$0x3FFB];
	_ =	sdelay $0x3  }
0x93: {  	_ =	strace s19  }
0x94: {  	s2 =	sld [smem:$0x3FFC];
	_ =	sdelay $0x3  }
0x95: {  	_ =	strace s2  }
0x96: {  	s2 =	sld [smem:$0x3FFD];
	_ =	sdelay $0x3  }
0x97: {  	_ =	strace s2  }
0x98: {  	_ =	strace $0x8FFFFFFF  }
0x99: {  	s20 =	sld [smem:$0x3FDB];
	_ =	sdelay $0x1  }
0x9a: {  	s5 =	simm.s32 $_scs_section_size  }
0x9b: {  	s6 =	simm.s32 $_size__tile_overlayer_lowered;
	s7 =	simm.s32 $_tile_overlayer_lowered  }
0x9c: {  	s8 =	simm.s32 $0x1BFF;
	s21 =	sshll.u32 s7, $0x1;
	s5 =	sadd.s32 s5, s20  }
0x9d: {  	s22 =	simm.s32 $0x0;
	s6 =	sshll.u32 s6, $0x1;
	s7 =	sadd.s32 s21, s5  }
0x9e: {  	[timem:s22], [sflag:s8] =	dma.local [hbm:s7], s6  }
0x9f: {  	_ =	swait.ge [sflag:s8], s6  }
0xa0: {  	s6 =	ssub.s32 $0x0, s6;
	[sflag:s8] =	ssyncset.done $0x0  }
0xa1: {  	[sflag:s8] =	ssyncadd.s32 s6;
	_ =	sdelay $0x1  }
0xa2: {  	s23 =	simm.s32 $0x1B8B  }
0xa3: {  	_ =	swait.ge [sflag:s23], $0x1  }
0xa4: {  	[sflag:s23] =	ssyncset.done $0x0  }
0xa5: {  	[sflag:s23] =	ssyncadd.s32 $0xFFFFFFFF  }
0xa6: {  	s6 =	sld [smem:$0x0]  }
0xa7: {  	s7 =	sand.u32 $0xFFFFFFFE, s1  }
0xa8: {  	p0 =	sne.s32 s1, s7  }
0xa9: {  	s7 =	sshll.u32 @p0 s7, $0xE  }
0xaa: {  	s7 =	sadd.s32 @p0 $0x11B8D, s7;
	s8 =	sshll.u32 @p0 s6, $0x11  }
0xab: {  	s7 =	sor.u32 @p0 s8, s7  }
0xac: {  	[sflag:s7] =	ssyncadd.remote.s32 @p0 $0x1;
	_ =	sdelay $0x1  }
0xad: {  	s7 =	simm.s32 @p0 $0x1B8D  }
0xae: {  	_ =	swait.eq @p0 [sflag:s7], $0x1  }
0xaf: {  	[sflag:s7] =	ssyncadd.s32 @p0 $0xFFFFFFFF  }
0xb0: {  	s8 =	sshll.u32 @!p0 s1, $0xE  }
0xb1: {  	s8 =	sor.u32 @!p0 $0x4000, s8;
	s7 =	simm.s32 @!p0 $0x1B8D  }
0xb2: {  	s6 =	sshll.u32 @!p0 s6, $0x11;
	s8 =	sadd.s32 @!p0 $0x11B8D, s8;
	_ =	swait.eq @!p0 [sflag:s7], $0x1  }
0xb3: {  	s6 =	sor.u32 @!p0 s6, s8;
	[sflag:s7] =	ssyncadd.s32 @!p0 $0xFFFFFFFF  }
0xb4: {  	s25 =	simm.s32 $0x1B8E;
	s24 =	sld [smem:$0x3FFE];
	[sflag:s6] =	ssyncadd.remote.s32 @!p0 $0x1  }
0xb5: {  	s26 =	simm.s32 $execute0_lowered;
	[smem:$0x3FD2] =	sst s25  }
0xb6: {  	s7 =	sshll.u32 s26, $0x1;
	_ =	strace $0x80000049;
	[dreg:$0x1] =	wrdreg $0xFFFFFFFF  }
0xb7: {  	s28 =	simm.s32 $_size_execute0_lowered;
	s5 =	sadd.s32 s5, s7;
	[dreg:$0x0] =	wrdreg $0x0  }
0xb8: {  	s7 =	sshll.u32 s28, $0x1;
	[dreg:$0x2] =	wrdreg s5  }
0xb9: {  	[dreg:$0x3] =	wrdreg s7  }
0xba: {  	[dreg:$0x4] =	wrdreg $0xC0  }
0xbb: {  	_ =	task [dreg:s22], $0x5FFFF  }
0xbc: {  	[dreg:$0x1] =	wrdreg $0xFFFFFFFF  }
0xbd: {  	[dreg:$0x0] =	wrdreg $0x60  }
0xbe: {  	[dreg:$0x2] =	wrdreg s4  }
0xbf: {  	[dreg:$0x3] =	wrdreg s24  }
0xc0: {  	[dreg:$0x4] =	wrdreg s18  }
0xc1: {  	[dreg:$0x5] =	wrdreg $0xA  }
0xc2: {  	_ =	task.clear_ibuf [dreg:s22], $0x6FFFF;
	_ =	strace $0x90000049  }
0xc3: {  	s29 =	simm.s32 $0xA;
	_ =	strace $0x8000004B  }
0xc4: {  	_ =	swait.ge [sflag:s29], $0x1  }
0xc5: {  	[sflag:s29] =	ssyncadd.s32 $0xFFFFFFFF  }
0xc6: {  	_ =	strace $0x9000004B  }
0xc7: {  	_ =	sfence  }
0xc8: {  	s30 =	sld [smem:$0x0];
	_ =	sdelay $0x2  }
0xc9: {  	s31 =	sshll.u32 s1, $0xD;
	s1 =	sshrl.u32 s1, $0x2  }
0xca: {  	s4 =	sand.u32 $0x4000, s31;
	s1 =	sadd.s32 s1, s30  }
0xcb: {  	s0 =	sor.u32 s4, s0;
	s1 =	sshll.u32 s1, $0x11  }
0xcc: {  	s0 =	sor.u32 s1, s0  }
0xcd: {  	s0 =	sadd.s32 $0x8F2B, s0  }
0xce: {  	[sflag:s0] =	ssyncadd.remote.s32 $0x1  }
0xcf: {  	_ =	sfence.sel $0xFFFF  }
0xd0: {  	[dreg:$0x0] =	wrdreg $0xFFFFFFFF;
	(pc) =	sbr.abs _section_cstart, $3  }
0xd1: {  	[dreg:$0x1] =	wrdreg $0xFFFFFFFF  }
0xd2: {  	_ =	task.clear_ibuf [dreg:s22], $0x2FFFF;
	_ =	strace $0x9FFFFFFF  }
0xd3: {  	(tm) =	ssettm $0x7FFFFFFF  }
tec
execute0_lowered:
.L_overlay_start_1:
0x0: {  	(tag) =	ssettag $0x1  }
0x1: {  	s1 =	srdreg.scid;
	s0 =	stileid.u32  }
0x2: {  	s1 =	sand.u32 $0x1, s1;
	s2 =	sshll.u32 s0, $0x1  }
0x3: {  	s3 =	sor.u32 s1, s2  }
0x4: {  	s4 =	rddreg [dreg:$0x1];
	s3 =	smul.u32 $0x140, s3  }
0x5: {  	s5 =	rddreg [dreg:$0x2]  }
0x6: {  	s2 =	rddreg [dreg:$0x0];
	s6 =	sshrl.u32 s3, $0x3;
	s3 =	simm.s32 $0x0  }
0x7: {  	s25 =	simm.s32 $0x6180;
	[smem:$0x7FF] =	sst s3  }
0x8: {  	s26 =	simm.s32 $0x6980;
	_ =	strace $0x8000004A;
	[dreg:$0x7] =	wrdreg s25  }
0x9: {  	s0 =	simm.s32 $0x6D80;
	[dreg:$0x8] =	wrdreg s26  }
0xa: {  	s8 =	simm.s32 $0x8180;
	[dreg:$0x9] =	wrdreg s0  }
0xb: {  	s9 =	simm.s32 $0x8580;
	[dreg:$0xc] =	wrdreg s8  }
0xc: {  	s10 =	simm.s32 $0x8D80;
	[dreg:$0xd] =	wrdreg s9  }
0xd: {  	s11 =	simm.s32 $0x9180;
	[dreg:$0xe] =	wrdreg s10  }
0xe: {  	s12 =	simm.s32 $0x9980;
	[dreg:$0xf] =	wrdreg s11  }
0xf: {  	s13 =	simm.s32 $0x9D80;
	[dreg:$0x10] =	wrdreg s12  }
0x10: {  	s14 =	simm.s32 $0xA580;
	[dreg:$0x11] =	wrdreg s13  }
0x11: {  	s15 =	simm.s32 $0xA980;
	[dreg:$0x12] =	wrdreg s14  }
0x12: {  	s16 =	simm.s32 $0xB180;
	[dreg:$0x13] =	wrdreg s15  }
0x13: {  	s17 =	simm.s32 $0xB580;
	[dreg:$0x14] =	wrdreg s16  }
0x14: {  	s18 =	simm.s32 $0xBD80;
	[dreg:$0x15] =	wrdreg s17  }
0x15: {  	s19 =	simm.s32 $0xC980;
	[dreg:$0x16] =	wrdreg s18  }
0x16: {  	s20 =	simm.s32 $0xCD80;
	[dreg:$0x17] =	wrdreg s19  }
0x17: {  	s21 =	simm.s32 $0xD580;
	[dreg:$0x18] =	wrdreg s20  }
0x18: {  	s22 =	simm.s32 $0xD980;
	s23 =	simm.s32 $0xE180;
	[dreg:$0x19] =	wrdreg s21  }
0x19: {  	s28 =	simm.s32 $0x17D80;
	s4 =	sadd.s32 s6, s4;
	[dreg:$0x1a] =	wrdreg s22  }
0x1a: {  	s7 =	smul.u32 $0x180, s6;
	s6 =	sadd.s32 $0x7A800, s4;
	[dreg:$0x1b] =	wrdreg s23  }
0x1b: {  	s29 =	simm.s32 $0x1;
	s25 =	simm.s32 $0xED80;
	[dreg:$0x4] =	wrdreg s6  }
0x1c: {  	s30 =	simm.s32 $0x3;
	s0 =	simm.s32 $0xF180;
	[dreg:$0x1d] =	wrdreg s25  }
0x1d: {  	s31 =	simm.s32 $0x2;
	s8 =	simm.s32 $0xFD80;
	[dreg:$0x1e] =	wrdreg s0  }
0x1e: {  	s1 =	ssub.s32 $0x2, s1;
	s9 =	simm.s32 $0x10580;
	[smem:$0x7EB] =	sst s8  }
0x1f: {  	s26 =	sshrl.u32 s1, $0x1;
	s10 =	simm.s32 $0x10980;
	[smem:$0x7EC] =	sst s9  }
0x20: {  	s11 =	simm.s32 $0x11180;
	s12 =	simm.s32 $0x11580;
	[smem:$0x7ED] =	sst s10  }
0x21: {  	s13 =	simm.s32 $0x11D80;
	s14 =	simm.s32 $0x12180;
	[smem:$0x7EE] =	sst s11  }
0x22: {  	s15 =	simm.s32 $0x12980;
	s16 =	simm.s32 $0x12D80;
	[smem:$0x7EF] =	sst s12  }
0x23: {  	s17 =	simm.s32 $0x13580;
	s18 =	simm.s32 $0x13980;
	[smem:$0x7F0] =	sst s13  }
0x24: {  	s19 =	simm.s32 $0x14180;
	s20 =	simm.s32 $0x14580;
	[smem:$0x7F1] =	sst s14  }
0x25: {  	s21 =	simm.s32 $0x14D80;
	s22 =	simm.s32 $0x15180;
	[smem:$0x7F2] =	sst s15  }
0x26: {  	s23 =	simm.s32 $0x15980;
	s4 =	sadd.s32 s5, s7;
	[smem:$0x7F3] =	sst s16  }
0x27: {  	s6 =	simm.s32 $0x7580;
	s7 =	simm.s32 $0x7980;
	[smem:$0x7F4] =	sst s17  }
0x28: {  	s1 =	ssub.s32 s1, s26;
	s8 =	simm.s32 $0x180;
	[smem:$0x7F5] =	sst s18  }
0x29: {  	s9 =	simm.s32 $0x980;
	s10 =	simm.s32 $0xD80;
	[smem:$0x7F6] =	sst s19  }
0x2a: {  	s11 =	simm.s32 $0x1580;
	s12 =	simm.s32 $0x1980;
	[smem:$0x7F7] =	sst s20  }
0x2b: {  	s13 =	simm.s32 $0x2180;
	s14 =	simm.s32 $0x2580;
	[smem:$0x7F8] =	sst s21  }
0x2c: {  	s15 =	simm.s32 $0x2D80;
	s16 =	simm.s32 $0x3180;
	[smem:$0x7F9] =	sst s22  }
0x2d: {  	s17 =	simm.s32 $0x3980;
	s18 =	simm.s32 $0x3D80;
	[smem:$0x7FA] =	sst s23  }
0x2e: {  	s19 =	simm.s32 $0x4580;
	s20 =	simm.s32 $0x4980;
	[dreg:$0xa] =	wrdreg s6  }
0x2f: {  	s21 =	simm.s32 $0x5180;
	s25 =	simm.s32 $0x16580;
	[dreg:$0xb] =	wrdreg s7  }
0x30: {  	s22 =	simm.s32 $0x5580;
	s26 =	simm.s32 $0x16980;
	[smem:$0x7FC] =	sst s25  }
0x31: {  	s23 =	simm.s32 $0x5D80;
	s5 =	sadd.s32 $0x1800, s4;
	[smem:$0x7FD] =	sst s26  }
0x32: {  	s24 =	sadd.s32 $0x3000, s4;
	s7 =	simm.s32 $0xF980;
	[dreg:$0x5] =	wrdreg s5  }
0x33: {  	s6 =	smax.u32 s1, $0x1;
	s26 =	simm.s32 $0x17580;
	[dreg:$0x6] =	wrdreg s24  }
0x34: {  	v2 =	vlaneseq.u32;
	s1 =	simm.s32 $0x4;
	s24 =	simm.s32 $0xE580;
	[dreg:$0x1f] =	wrdreg s7  }
0x35: {  	vm0 =	vmmov $0xffff;
	vm1 =	vmmov $0xff;
	v1 =	vshrl.u32 v2, $0x3;
	s5 =	sadd.s32 $0x100, s2;
	[dreg:$0x1c] =	wrdreg s24;
	s24 =	simm.s32 $0x15D80  }
0x36: {  	v0 =	vand.u32 $0x7, v2;
	v2 =	vor.u32 $0x8, v2;
	v1 =	vmul.u32 $0x8, v1;
	s7 =	simm.s32 $0x5;
	[smem:$0x7FB] =	sst s24;
	s24 =	simm.s32 $0xC180  }
.LBB2_1:
0x37: {  	s0 =	rddreg [dreg:$0x4]  }
0x38: {  	[tilespmem:s3], [sflag:$0x5] =	stream.linear.gather [hbm4b:s0+s3], $0x140, $0x38;
	[tilespmem:$0x18180] =	vst v63  }
0x39: {  	_ =	swait.ge [sflag:s7], $0x140  }
0x3a: {  	[sflag:s7] =	ssyncset.done $0x0  }
0x3b: {  	[sflag:s7] =	ssyncadd.s32 $0xFFFFFEC0  }
0x3c: {  	v3 =	vld [tilespmem:$0x0];
	_ =	sdelay $0x4  }
0x3d: {  	v4 =	vshrl.u32 v3, $0x3  }
0x3e: {  	v4 =	vmul.u32 $0x18, v4  }
0x3f: {  	v3 =	vand.u32 $0x7, v3  }
0x40: {  	v3 =	vor.u32 v3, v4  }
0x41: {  	v4 =	vperm.xlane v3, v0;
	_ =	sdelay $0x1  }
0x42: {  	v4 =	vadd.s32 v1, v4;
	_ =	sdelay $0x1  }
0x43: {  	v3 =	vperm.xlane v3, v2;
	_ =	sdelay $0x1  }
0x44: {  	v3 =	vadd.s32 v1, v3  }
0x45: {  	[tilespmem:s8], [sflag:$0x1] =	stream.indirect_vreg.gather [hbm4b:s2+s3], $0x80, v4, vm0, $0xb8;
	[tilespmem:$0x18180] =	vst v63  }
0x46: {  	_ = 	snop  }
0x47: {  	[tilespmem:s9], [sflag:$0x1] =	stream.indirect_vreg.gather [hbm4b:s5+s3], $0x80, v4, vm1, $0xb8;
	[tilespmem:$0x18180] =	vst v63  }
0x48: {  	_ = 	snop  }
0x49: {  	[tilespmem:s10], [sflag:$0x1] =	stream.indirect_vreg.gather [hbm4b:s2+s3], $0x80, v3, vm0, $0xb8;
	[tilespmem:$0x18180] =	vst v63  }
0x4a: {  	_ = 	snop  }
0x4b: {  	[tilespmem:s11], [sflag:$0x1] =	stream.indirect_vreg.gather [hbm4b:s5+s3], $0x80, v3, vm1, $0xb8;
	[tilespmem:$0x18180] =	vst v63  }
0x4c: {  	v3 =	vld [tilespmem:$0x10];
	_ =	sdelay $0x4  }
0x4d: {  	v45 =	vshrl.u32 v3, $0x3  }
0x4e: {  	v4 =	vmul.u32 $0x18, v45  }
0x4f: {  	v3 =	vand.u32 $0x7, v3  }
0x50: {  	v3 =	vor.u32 v3, v4  }
0x51: {  	v4 =	vperm.xlane v3, v0;
	_ =	sdelay $0x1  }
0x52: {  	v4 =	vadd.s32 v1, v4;
	_ =	sdelay $0x1  }
0x53: {  	v3 =	vperm.xlane v3, v2;
	_ =	sdelay $0x1  }
0x54: {  	v3 =	vadd.s32 v1, v3  }
0x55: {  	[tilespmem:s12], [sflag:$0x1] =	stream.indirect_vreg.gather [hbm4b:s2+s3], $0x80, v4, vm0, $0xb8;
	[tilespmem:$0x18180] =	vst v63  }
0x56: {  	_ = 	snop  }
0x57: {  	[tilespmem:s13], [sflag:$0x1] =	stream.indirect_vreg.gather [hbm4b:s5+s3], $0x80, v4, vm1, $0xb8;
	[tilespmem:$0x18180] =	vst v63  }
0x58: {  	_ = 	snop  }
0x59: {  	[tilespmem:s14], [sflag:$0x1] =	stream.indirect_vreg.gather [hbm4b:s2+s3], $0x80, v3, vm0, $0xb8;
	[tilespmem:$0x18180] =	vst v63  }
0x5a: {  	_ = 	snop  }
0x5b: {  	[tilespmem:s15], [sflag:$0x1] =	stream.indirect_vreg.gather [hbm4b:s5+s3], $0x80, v3, vm1, $0xb8;
	[tilespmem:$0x18180] =	vst v63  }
0x5c: {  	v3 =	vld [tilespmem:$0x20];
	_ =	sdelay $0x4  }
0x5d: {  	v46 =	vshrl.u32 v3, $0x3  }
0x5e: {  	v4 =	vmul.u32 $0x18, v46  }
0x5f: {  	v3 =	vand.u32 $0x7, v3  }
0x60: {  	v3 =	vor.u32 v3, v4  }
0x61: {  	v4 =	vperm.xlane v3, v0;
	_ =	sdelay $0x1  }
0x62: {  	v4 =	vadd.s32 v1, v4;
	_ =	sdelay $0x1  }
0x63: {  	v3 =	vperm.xlane v3, v2;
	_ =	sdelay $0x1  }
0x64: {  	v3 =	vadd.s32 v1, v3  }
0x65: {  	[tilespmem:s16], [sflag:$0x1] =	stream.indirect_vreg.gather [hbm4b:s2+s3], $0x80, v4, vm0, $0xb8;
	[tilespmem:$0x18180] =	vst v63  }
0x66: {  	_ = 	snop  }
0x67: {  	[tilespmem:s17], [sflag:$0x1] =	stream.indirect_vreg.gather [hbm4b:s5+s3], $0x80, v4, vm1, $0xb8;
	[tilespmem:$0x18180] =	vst v63  }
0x68: {  	_ = 	snop  }
0x69: {  	[tilespmem:s18], [sflag:$0x1] =	stream.indirect_vreg.gather [hbm4b:s2+s3], $0x80, v3, vm0, $0xb8;
	[tilespmem:$0x18180] =	vst v63  }
0x6a: {  	_ = 	snop  }
0x6b: {  	[tilespmem:s19], [sflag:$0x1] =	stream.indirect_vreg.gather [hbm4b:s5+s3], $0x80, v3, vm1, $0xb8;
	[tilespmem:$0x18180] =	vst v63  }
0x6c: {  	v3 =	vld [tilespmem:$0x30];
	_ =	sdelay $0x4  }
0x6d: {  	v47 =	vshrl.u32 v3, $0x3  }
0x6e: {  	v4 =	vmul.u32 $0x18, v47  }
0x6f: {  	v3 =	vand.u32 $0x7, v3  }
0x70: {  	v3 =	vor.u32 v3, v4  }
0x71: {  	v4 =	vperm.xlane v3, v0;
	_ =	sdelay $0x1  }
0x72: {  	v4 =	vadd.s32 v1, v4;
	_ =	sdelay $0x1  }
0x73: {  	v3 =	vperm.xlane v3, v2;
	_ =	sdelay $0x1  }
0x74: {  	v3 =	vadd.s32 v1, v3  }
0x75: {  	[tilespmem:s20], [sflag:$0x1] =	stream.indirect_vreg.gather [hbm4b:s2+s3], $0x80, v4, vm0, $0xb8;
	[tilespmem:$0x18180] =	vst v63  }
0x76: {  	_ = 	snop  }
0x77: {  	[tilespmem:s21], [sflag:$0x1] =	stream.indirect_vreg.gather [hbm4b:s5+s3], $0x80, v4, vm1, $0xb8;
	[tilespmem:$0x18180] =	vst v63  }
0x78: {  	_ = 	snop  }
0x79: {  	[tilespmem:s22], [sflag:$0x1] =	stream.indirect_vreg.gather [hbm4b:s2+s3], $0x80, v3, vm0, $0xb8;
	[tilespmem:$0x18180] =	vst v63  }
0x7a: {  	_ = 	snop  }
0x7b: {  	[tilespmem:s23], [sflag:$0x1] =	stream.indirect_vreg.gather [hbm4b:s5+s3], $0x80, v3, vm1, $0xb8;
	[tilespmem:$0x18180] =	vst v63  }
0x7c: {  	v3 =	vld [tilespmem:$0x40];
	_ =	sdelay $0x4  }
0x7d: {  	v48 =	vshrl.u32 v3, $0x3  }
0x7e: {  	v4 =	vmul.u32 $0x18, v48  }
0x7f: {  	v3 =	vand.u32 $0x7, v3  }
0x80: {  	v3 =	vor.u32 v3, v4  }
0x81: {  	v4 =	vperm.xlane v3, v0;
	_ =	sdelay $0x1  }
0x82: {  	v4 =	vadd.s32 v1, v4;
	_ =	sdelay $0x1  }
0x83: {  	v3 =	vperm.xlane v3, v2;
	_ =	sdelay $0x1  }
0x84: {  	s0 =	rddreg [dreg:$0x7];
	v3 =	vadd.s32 v1, v3  }
0x85: {  	[tilespmem:s0], [sflag:$0x1] =	stream.indirect_vreg.gather [hbm4b:s2+s3], $0x80, v4, vm0, $0xb8;
	[tilespmem:$0x18180] =	vst v63  }
0x86: {  	s25 =	rddreg [dreg:$0x8]  }
0x87: {  	[tilespmem:s25], [sflag:$0x1] =	stream.indirect_vreg.gather [hbm4b:s5+s3], $0x80, v4, vm1, $0xb8;
	[tilespmem:$0x18180] =	vst v63  }
0x88: {  	s0 =	rddreg [dreg:$0x9]  }
0x89: {  	[tilespmem:s0], [sflag:$0x1] =	stream.indirect_vreg.gather [hbm4b:s2+s3], $0x80, v3, vm0, $0xb8;
	[tilespmem:$0x18180] =	vst v63  }
0x8a: {  	s25 =	rddreg [dreg:$0xa]  }
0x8b: {  	[tilespmem:s25], [sflag:$0x1] =	stream.indirect_vreg.gather [hbm4b:s5+s3], $0x80, v3, vm1, $0xb8;
	[tilespmem:$0x18180] =	vst v63  }
0x8c: {  	v3 =	vld [tilespmem:$0x50];
	_ =	sdelay $0x4  }
0x8d: {  	v49 =	vshrl.u32 v3, $0x3  }
0x8e: {  	v4 =	vmul.u32 $0x18, v49  }
0x8f: {  	v3 =	vand.u32 $0x7, v3  }
0x90: {  	v3 =	vor.u32 v3, v4  }
0x91: {  	v4 =	vperm.xlane v3, v0;
	_ =	sdelay $0x1  }
0x92: {  	v4 =	vadd.s32 v1, v4;
	_ =	sdelay $0x1  }
0x93: {  	v3 =	vperm.xlane v3, v2;
	_ =	sdelay $0x1  }
0x94: {  	s0 =	rddreg [dreg:$0xb];
	v3 =	vadd.s32 v1, v3  }
0x95: {  	[tilespmem:s0], [sflag:$0x1] =	stream.indirect_vreg.gather [hbm4b:s2+s3], $0x80, v4, vm0, $0xb8;
	[tilespmem:$0x18180] =	vst v63  }
0x96: {  	s25 =	rddreg [dreg:$0xc]  }
0x97: {  	[tilespmem:s25], [sflag:$0x1] =	stream.indirect_vreg.gather [hbm4b:s5+s3], $0x80, v4, vm1, $0xb8;
	[tilespmem:$0x18180] =	vst v63  }
0x98: {  	s0 =	rddreg [dreg:$0xd]  }
0x99: {  	[tilespmem:s0], [sflag:$0x1] =	stream.indirect_vreg.gather [hbm4b:s2+s3], $0x80, v3, vm0, $0xb8;
	[tilespmem:$0x18180] =	vst v63  }
0x9a: {  	s25 =	rddreg [dreg:$0xe]  }
0x9b: {  	[tilespmem:s25], [sflag:$0x1] =	stream.indirect_vreg.gather [hbm4b:s5+s3], $0x80, v3, vm1, $0xb8;
	[tilespmem:$0x18180] =	vst v63  }
0x9c: {  	v3 =	vld [tilespmem:$0x60];
	_ =	sdelay $0x4  }
0x9d: {  	v50 =	vshrl.u32 v3, $0x3  }
0x9e: {  	v4 =	vmul.u32 $0x18, v50  }
0x9f: {  	v3 =	vand.u32 $0x7, v3  }
0xa0: {  	v3 =	vor.u32 v3, v4  }
0xa1: {  	v4 =	vperm.xlane v3, v0;
	_ =	sdelay $0x1  }
0xa2: {  	v4 =	vadd.s32 v1, v4;
	_ =	sdelay $0x1  }
0xa3: {  	v3 =	vperm.xlane v3, v2;
	_ =	sdelay $0x1  }
0xa4: {  	s0 =	rddreg [dreg:$0xf];
	v3 =	vadd.s32 v1, v3  }
0xa5: {  	[tilespmem:s0], [sflag:$0x1] =	stream.indirect_vreg.gather [hbm4b:s2+s3], $0x80, v4, vm0, $0xb8;
	[tilespmem:$0x18180] =	vst v63  }
0xa6: {  	s25 =	rddreg [dreg:$0x10]  }
0xa7: {  	[tilespmem:s25], [sflag:$0x1] =	stream.indirect_vreg.gather [hbm4b:s5+s3], $0x80, v4, vm1, $0xb8;
	[tilespmem:$0x18180] =	vst v63  }
0xa8: {  	s0 =	rddreg [dreg:$0x11]  }
0xa9: {  	[tilespmem:s0], [sflag:$0x1] =	stream.indirect_vreg.gather [hbm4b:s2+s3], $0x80, v3, vm0, $0xb8;
	[tilespmem:$0x18180] =	vst v63  }
0xaa: {  	s25 =	rddreg [dreg:$0x12]  }
0xab: {  	[tilespmem:s25], [sflag:$0x1] =	stream.indirect_vreg.gather [hbm4b:s5+s3], $0x80, v3, vm1, $0xb8;
	[tilespmem:$0x18180] =	vst v63  }
0xac: {  	v3 =	vld [tilespmem:$0x70];
	_ =	sdelay $0x4  }
0xad: {  	v51 =	vshrl.u32 v3, $0x3  }
0xae: {  	v4 =	vmul.u32 $0x18, v51  }
0xaf: {  	v3 =	vand.u32 $0x7, v3  }
0xb0: {  	v3 =	vor.u32 v3, v4  }
0xb1: {  	v4 =	vperm.xlane v3, v0;
	_ =	sdelay $0x1  }
0xb2: {  	v4 =	vadd.s32 v1, v4;
	_ =	sdelay $0x1  }
0xb3: {  	v3 =	vperm.xlane v3, v2;
	_ =	sdelay $0x1  }
0xb4: {  	s0 =	rddreg [dreg:$0x13];
	v3 =	vadd.s32 v1, v3  }
0xb5: {  	[tilespmem:s0], [sflag:$0x1] =	stream.indirect_vreg.gather [hbm4b:s2+s3], $0x80, v4, vm0, $0xb8;
	[tilespmem:$0x18180] =	vst v63  }
0xb6: {  	s25 =	rddreg [dreg:$0x14]  }
0xb7: {  	[tilespmem:s25], [sflag:$0x1] =	stream.indirect_vreg.gather [hbm4b:s5+s3], $0x80, v4, vm1, $0xb8;
	[tilespmem:$0x18180] =	vst v63  }
0xb8: {  	s0 =	rddreg [dreg:$0x15]  }
0xb9: {  	[tilespmem:s0], [sflag:$0x1] =	stream.indirect_vreg.gather [hbm4b:s2+s3], $0x80, v3, vm0, $0xb8;
	[tilespmem:$0x18180] =	vst v63  }
0xba: {  	s25 =	rddreg [dreg:$0x16]  }
0xbb: {  	[tilespmem:s25], [sflag:$0x1] =	stream.indirect_vreg.gather [hbm4b:s5+s3], $0x80, v3, vm1, $0xb8;
	[tilespmem:$0x18180] =	vst v63  }
0xbc: {  	v3 =	vld [tilespmem:$0x80];
	_ =	sdelay $0x4  }
0xbd: {  	v52 =	vshrl.u32 v3, $0x3  }
0xbe: {  	v4 =	vmul.u32 $0x18, v52  }
0xbf: {  	v3 =	vand.u32 $0x7, v3  }
0xc0: {  	v3 =	vor.u32 v3, v4  }
0xc1: {  	v4 =	vperm.xlane v3, v0;
	_ =	sdelay $0x1  }
0xc2: {  	v4 =	vadd.s32 v1, v4;
	_ =	sdelay $0x1  }
0xc3: {  	v3 =	vperm.xlane v3, v2;
	_ =	sdelay $0x1  }
0xc4: {  	v3 =	vadd.s32 v1, v3  }
0xc5: {  	[tilespmem:s24], [sflag:$0x2] =	stream.indirect_vreg.gather [hbm4b:s2+s3], $0x80, v4, vm0, $0xb8;
	[tilespmem:$0x18180] =	vst v63  }
0xc6: {  	s0 =	rddreg [dreg:$0x17]  }
0xc7: {  	[tilespmem:s0], [sflag:$0x2] =	stream.indirect_vreg.gather [hbm4b:s5+s3], $0x80, v4, vm1, $0xb8;
	[tilespmem:$0x18180] =	vst v63  }
0xc8: {  	s25 =	rddreg [dreg:$0x18]  }
0xc9: {  	[tilespmem:s25], [sflag:$0x2] =	stream.indirect_vreg.gather [hbm4b:s2+s3], $0x80, v3, vm0, $0xb8;
	[tilespmem:$0x18180] =	vst v63  }
0xca: {  	s0 =	rddreg [dreg:$0x19]  }
0xcb: {  	[tilespmem:s0], [sflag:$0x2] =	stream.indirect_vreg.gather [hbm4b:s5+s3], $0x80, v3, vm1, $0xb8;
	[tilespmem:$0x18180] =	vst v63  }
0xcc: {  	v3 =	vld [tilespmem:$0x90];
	_ =	sdelay $0x4  }
0xcd: {  	v53 =	vshrl.u32 v3, $0x3  }
0xce: {  	v4 =	vmul.u32 $0x18, v53  }
0xcf: {  	v3 =	vand.u32 $0x7, v3  }
0xd0: {  	v3 =	vor.u32 v3, v4  }
0xd1: {  	v4 =	vperm.xlane v3, v0;
	_ =	sdelay $0x1  }
0xd2: {  	v4 =	vadd.s32 v1, v4;
	_ =	sdelay $0x1  }
0xd3: {  	v3 =	vperm.xlane v3, v2;
	_ =	sdelay $0x1  }
0xd4: {  	s0 =	rddreg [dreg:$0x1a];
	v3 =	vadd.s32 v1, v3  }
0xd5: {  	[tilespmem:s0], [sflag:$0x2] =	stream.indirect_vreg.gather [hbm4b:s2+s3], $0x80, v4, vm0, $0xb8;
	[tilespmem:$0x18180] =	vst v63  }
0xd6: {  	s25 =	rddreg [dreg:$0x1b]  }
0xd7: {  	[tilespmem:s25], [sflag:$0x2] =	stream.indirect_vreg.gather [hbm4b:s5+s3], $0x80, v4, vm1, $0xb8;
	[tilespmem:$0x18180] =	vst v63  }
0xd8: {  	s0 =	rddreg [dreg:$0x1c]  }
0xd9: {  	[tilespmem:s0], [sflag:$0x2] =	stream.indirect_vreg.gather [hbm4b:s2+s3], $0x80, v3, vm0, $0xb8;
	[tilespmem:$0x18180] =	vst v63  }
0xda: {  	s25 =	rddreg [dreg:$0x1d]  }
0xdb: {  	[tilespmem:s25], [sflag:$0x2] =	stream.indirect_vreg.gather [hbm4b:s5+s3], $0x80, v3, vm1, $0xb8;
	[tilespmem:$0x18180] =	vst v63  }
0xdc: {  	v3 =	vld [tilespmem:$0xA0];
	_ =	sdelay $0x4  }
0xdd: {  	v54 =	vshrl.u32 v3, $0x3  }
0xde: {  	v4 =	vmul.u32 $0x18, v54  }
0xdf: {  	v3 =	vand.u32 $0x7, v3  }
0xe0: {  	v3 =	vor.u32 v3, v4  }
0xe1: {  	v4 =	vperm.xlane v3, v0;
	_ =	sdelay $0x1  }
0xe2: {  	v4 =	vadd.s32 v1, v4;
	_ =	sdelay $0x1  }
0xe3: {  	v3 =	vperm.xlane v3, v2  }
0xe4: {  	s0 =	rddreg [dreg:$0x1e]  }
0xe5: {  	s25 =	rddreg [dreg:$0x1f];
	v3 =	vadd.s32 v1, v3  }
0xe6: {  	[tilespmem:s0], [sflag:$0x2] =	stream.indirect_vreg.gather [hbm4b:s2+s3], $0x80, v4, vm0, $0xb8;
	[tilespmem:$0x18180] =	vst v63  }
0xe7: {  	s0 =	sld [smem:$0x7EB]  }
0xe8: {  	[tilespmem:s25], [sflag:$0x2] =	stream.indirect_vreg.gather [hbm4b:s5+s3], $0x80, v4, vm1, $0xb8;
	[tilespmem:$0x18180] =	vst v63  }
0xe9: {  	s25 =	sld [smem:$0x7EC]  }
0xea: {  	[tilespmem:s0], [sflag:$0x2] =	stream.indirect_vreg.gather [hbm4b:s2+s3], $0x80, v3, vm0, $0xb8;
	[tilespmem:$0x18180] =	vst v63  }
0xeb: {  	_ = 	snop  }
0xec: {  	[tilespmem:s25], [sflag:$0x2] =	stream.indirect_vreg.gather [hbm4b:s5+s3], $0x80, v3, vm1, $0xb8;
	[tilespmem:$0x18180] =	vst v63  }
0xed: {  	v3 =	vld [tilespmem:$0xB0];
	_ =	sdelay $0x4  }
0xee: {  	v55 =	vshrl.u32 v3, $0x3  }
0xef: {  	v4 =	vmul.u32 $0x18, v55  }
0xf0: {  	v3 =	vand.u32 $0x7, v3  }
0xf1: {  	v3 =	vor.u32 v3, v4  }
0xf2: {  	v4 =	vperm.xlane v3, v0;
	_ =	sdelay $0x1  }
0xf3: {  	v4 =	vadd.s32 v1, v4;
	_ =	sdelay $0x1  }
0xf4: {  	s0 =	sld [smem:$0x7ED];
	v3 =	vperm.xlane v3, v2;
	_ =	sdelay $0x1  }
0xf5: {  	s25 =	sld [smem:$0x7EE];
	v3 =	vadd.s32 v1, v3  }
0xf6: {  	[tilespmem:s0], [sflag:$0x2] =	stream.indirect_vreg.gather [hbm4b:s2+s3], $0x80, v4, vm0, $0xb8;
	[tilespmem:$0x18180] =	vst v63  }
0xf7: {  	s0 =	sld [smem:$0x7EF]  }
0xf8: {  	[tilespmem:s25], [sflag:$0x2] =	stream.indirect_vreg.gather [hbm4b:s5+s3], $0x80, v4, vm1, $0xb8;
	[tilespmem:$0x18180] =	vst v63  }
0xf9: {  	s25 =	sld [smem:$0x7F0]  }
0xfa: {  	[tilespmem:s0], [sflag:$0x2] =	stream.indirect_vreg.gather [hbm4b:s2+s3], $0x80, v3, vm0, $0xb8;
	[tilespmem:$0x18180] =	vst v63  }
0xfb: {  	_ = 	snop  }
0xfc: {  	[tilespmem:s25], [sflag:$0x2] =	stream.indirect_vreg.gather [hbm4b:s5+s3], $0x80, v3, vm1, $0xb8;
	[tilespmem:$0x18180] =	vst v63  }
0xfd: {  	v3 =	vld [tilespmem:$0xC0];
	_ =	sdelay $0x4  }
0xfe: {  	v56 =	vshrl.u32 v3, $0x3  }
0xff: {  	v4 =	vmul.u32 $0x18, v56  }
0x100: {  	v3 =	vand.u32 $0x7, v3  }
0x101: {  	v3 =	vor.u32 v3, v4  }
0x102: {  	v4 =	vperm.xlane v3, v0;
	_ =	sdelay $0x1  }
0x103: {  	v4 =	vadd.s32 v1, v4;
	_ =	sdelay $0x1  }
0x104: {  	s0 =	sld [smem:$0x7F1];
	v3 =	vperm.xlane v3, v2;
	_ =	sdelay $0x1  }
0x105: {  	s25 =	sld [smem:$0x7F2];
	v3 =	vadd.s32 v1, v3  }
0x106: {  	[tilespmem:s0], [sflag:$0x2] =	stream.indirect_vreg.gather [hbm4b:s2+s3], $0x80, v4, vm0, $0xb8;
	[tilespmem:$0x18180] =	vst v63  }
0x107: {  	s0 =	sld [smem:$0x7F3]  }
0x108: {  	[tilespmem:s25], [sflag:$0x2] =	stream.indirect_vreg.gather [hbm4b:s5+s3], $0x80, v4, vm1, $0xb8;
	[tilespmem:$0x18180] =	vst v63  }
0x109: {  	s25 =	sld [smem:$0x7F4]  }
0x10a: {  	[tilespmem:s0], [sflag:$0x2] =	stream.indirect_vreg.gather [hbm4b:s2+s3], $0x80, v3, vm0, $0xb8;
	[tilespmem:$0x18180] =	vst v63  }
0x10b: {  	_ = 	snop  }
0x10c: {  	[tilespmem:s25], [sflag:$0x2] =	stream.indirect_vreg.gather [hbm4b:s5+s3], $0x80, v3, vm1, $0xb8;
	[tilespmem:$0x18180] =	vst v63  }
0x10d: {  	v3 =	vld [tilespmem:$0xD0];
	_ =	sdelay $0x4  }
0x10e: {  	v57 =	vshrl.u32 v3, $0x3  }
0x10f: {  	v4 =	vmul.u32 $0x18, v57  }
0x110: {  	v3 =	vand.u32 $0x7, v3  }
0x111: {  	v3 =	vor.u32 v3, v4  }
0x112: {  	v4 =	vperm.xlane v3, v0;
	_ =	sdelay $0x1  }
0x113: {  	v4 =	vadd.s32 v1, v4;
	_ =	sdelay $0x1  }
0x114: {  	s0 =	sld [smem:$0x7F5];
	v3 =	vperm.xlane v3, v2;
	_ =	sdelay $0x1  }
0x115: {  	s25 =	sld [smem:$0x7F6];
	v3 =	vadd.s32 v1, v3  }
0x116: {  	[tilespmem:s0], [sflag:$0x2] =	stream.indirect_vreg.gather [hbm4b:s2+s3], $0x80, v4, vm0, $0xb8;
	[tilespmem:$0x18180] =	vst v63  }
0x117: {  	s0 =	sld [smem:$0x7F7]  }
0x118: {  	[tilespmem:s25], [sflag:$0x2] =	stream.indirect_vreg.gather [hbm4b:s5+s3], $0x80, v4, vm1, $0xb8;
	[tilespmem:$0x18180] =	vst v63  }
0x119: {  	s25 =	sld [smem:$0x7F8]  }
0x11a: {  	[tilespmem:s0], [sflag:$0x2] =	stream.indirect_vreg.gather [hbm4b:s2+s3], $0x80, v3, vm0, $0xb8;
	[tilespmem:$0x18180] =	vst v63  }
0x11b: {  	_ = 	snop  }
0x11c: {  	[tilespmem:s25], [sflag:$0x2] =	stream.indirect_vreg.gather [hbm4b:s5+s3], $0x80, v3, vm1, $0xb8;
	[tilespmem:$0x18180] =	vst v63  }
0x11d: {  	v3 =	vld [tilespmem:$0xE0];
	_ =	sdelay $0x4  }
0x11e: {  	v58 =	vshrl.u32 v3, $0x3  }
0x11f: {  	v4 =	vmul.u32 $0x18, v58  }
0x120: {  	v3 =	vand.u32 $0x7, v3  }
0x121: {  	v3 =	vor.u32 v3, v4  }
0x122: {  	v4 =	vperm.xlane v3, v0;
	_ =	sdelay $0x1  }
0x123: {  	v4 =	vadd.s32 v1, v4;
	_ =	sdelay $0x1  }
0x124: {  	s0 =	sld [smem:$0x7F9];
	v3 =	vperm.xlane v3, v2;
	_ =	sdelay $0x1  }
0x125: {  	s25 =	sld [smem:$0x7FA];
	v3 =	vadd.s32 v1, v3  }
0x126: {  	[tilespmem:s0], [sflag:$0x2] =	stream.indirect_vreg.gather [hbm4b:s2+s3], $0x80, v4, vm0, $0xb8;
	[tilespmem:$0x18180] =	vst v63  }
0x127: {  	s0 =	sld [smem:$0x7FB]  }
0x128: {  	[tilespmem:s25], [sflag:$0x2] =	stream.indirect_vreg.gather [hbm4b:s5+s3], $0x80, v4, vm1, $0xb8;
	[tilespmem:$0x18180] =	vst v63  }
0x129: {  	s25 =	sld [smem:$0x7FC]  }
0x12a: {  	[tilespmem:s0], [sflag:$0x2] =	stream.indirect_vreg.gather [hbm4b:s2+s3], $0x80, v3, vm0, $0xb8;
	[tilespmem:$0x18180] =	vst v63  }
0x12b: {  	_ = 	snop  }
0x12c: {  	[tilespmem:s25], [sflag:$0x2] =	stream.indirect_vreg.gather [hbm4b:s5+s3], $0x80, v3, vm1, $0xb8;
	[tilespmem:$0x18180] =	vst v63  }
0x12d: {  	v3 =	vld [tilespmem:$0xF0];
	_ =	sdelay $0x4  }
0x12e: {  	v59 =	vshrl.u32 v3, $0x3  }
0x12f: {  	v4 =	vmul.u32 $0x18, v59  }
0x130: {  	v3 =	vand.u32 $0x7, v3  }
0x131: {  	v3 =	vor.u32 v3, v4  }
0x132: {  	v4 =	vperm.xlane v3, v0;
	_ =	sdelay $0x1  }
0x133: {  	v4 =	vadd.s32 v1, v4;
	_ =	sdelay $0x1  }
0x134: {  	s25 =	sld [smem:$0x7FD];
	v3 =	vperm.xlane v3, v2;
	_ =	sdelay $0x1  }
0x135: {  	v3 =	vadd.s32 v1, v3  }
0x136: {  	[tilespmem:s25], [sflag:$0x2] =	stream.indirect_vreg.gather [hbm4b:s2+s3], $0x80, v4, vm0, $0xb8;
	[tilespmem:$0x18180] =	vst v63  }
0x137: {  	s25 =	simm.s32 $0x17180  }
0x138: {  	[tilespmem:s25], [sflag:$0x2] =	stream.indirect_vreg.gather [hbm4b:s5+s3], $0x80, v4, vm1, $0xb8;
	[tilespmem:$0x18180] =	vst v63  }
0x139: {  	_ = 	snop  }
0x13a: {  	[tilespmem:s26], [sflag:$0x2] =	stream.indirect_vreg.gather [hbm4b:s2+s3], $0x80, v3, vm0, $0xb8;
	[tilespmem:$0x18180] =	vst v63  }
0x13b: {  	_ = 	snop  }
0x13c: {  	[tilespmem:s28], [sflag:$0x2] =	stream.indirect_vreg.gather [hbm4b:s5+s3], $0x80, v3, vm1, $0xb8;
	[tilespmem:$0x18180] =	vst v63  }
0x13d: {  	_ =	swait.ge [sflag:s29], $0xC000  }
0x13e: {  	[sflag:s29] =	ssyncset.done $0x0  }
0x13f: {  	[sflag:s29] =	ssyncadd.s32 $0xFFFF4000  }
0x140: {  	[hbm4b:s4+s3] =	stream.linear.scatter [tilespmem:s8], [sflag:$0x3], $0xC000, $0x38;
	[tilespmem:$0x18180] =	vst v63  }
0x141: {  	_ =	swait.ge [sflag:s30], $0xC000  }
0x142: {  	[sflag:s30] =	ssyncset.done $0x0  }
0x143: {  	[sflag:s30] =	ssyncadd.s32 $0xFFFF4000  }
0x144: {  	v3 =	vld [tilespmem:$0x100];
	_ =	sdelay $0x4  }
0x145: {  	v60 =	vshrl.u32 v3, $0x3  }
0x146: {  	v4 =	vmul.u32 $0x18, v60  }
0x147: {  	v3 =	vand.u32 $0x7, v3  }
0x148: {  	v3 =	vor.u32 v3, v4  }
0x149: {  	v4 =	vperm.xlane v3, v0;
	_ =	sdelay $0x1  }
0x14a: {  	v4 =	vadd.s32 v1, v4;
	_ =	sdelay $0x1  }
0x14b: {  	v3 =	vperm.xlane v3, v2;
	_ =	sdelay $0x1  }
0x14c: {  	v3 =	vadd.s32 v1, v3  }
0x14d: {  	[tilespmem:s8], [sflag:$0x1] =	stream.indirect_vreg.gather [hbm4b:s2+s3], $0x80, v4, vm0, $0xb8;
	[tilespmem:$0x18180] =	vst v63  }
0x14e: {  	_ = 	snop  }
0x14f: {  	[tilespmem:s9], [sflag:$0x1] =	stream.indirect_vreg.gather [hbm4b:s5+s3], $0x80, v4, vm1, $0xb8;
	[tilespmem:$0x18180] =	vst v63  }
0x150: {  	_ = 	snop  }
0x151: {  	[tilespmem:s10], [sflag:$0x1] =	stream.indirect_vreg.gather [hbm4b:s2+s3], $0x80, v3, vm0, $0xb8;
	[tilespmem:$0x18180] =	vst v63  }
0x152: {  	_ = 	snop  }
0x153: {  	[tilespmem:s11], [sflag:$0x1] =	stream.indirect_vreg.gather [hbm4b:s5+s3], $0x80, v3, vm1, $0xb8;
	[tilespmem:$0x18180] =	vst v63  }
0x154: {  	v3 =	vld [tilespmem:$0x110];
	_ =	sdelay $0x4  }
0x155: {  	v61 =	vshrl.u32 v3, $0x3  }
0x156: {  	v4 =	vmul.u32 $0x18, v61  }
0x157: {  	v3 =	vand.u32 $0x7, v3  }
0x158: {  	v3 =	vor.u32 v3, v4  }
0x159: {  	v4 =	vperm.xlane v3, v0;
	_ =	sdelay $0x1  }
0x15a: {  	v4 =	vadd.s32 v1, v4;
	_ =	sdelay $0x1  }
0x15b: {  	v3 =	vperm.xlane v3, v2;
	_ =	sdelay $0x1  }
0x15c: {  	v3 =	vadd.s32 v1, v3  }
0x15d: {  	[tilespmem:s12], [sflag:$0x1] =	stream.indirect_vreg.gather [hbm4b:s2+s3], $0x80, v4, vm0, $0xb8;
	[tilespmem:$0x18180] =	vst v63  }
0x15e: {  	_ = 	snop  }
0x15f: {  	[tilespmem:s13], [sflag:$0x1] =	stream.indirect_vreg.gather [hbm4b:s5+s3], $0x80, v4, vm1, $0xb8;
	[tilespmem:$0x18180] =	vst v63  }
0x160: {  	_ = 	snop  }
0x161: {  	[tilespmem:s14], [sflag:$0x1] =	stream.indirect_vreg.gather [hbm4b:s2+s3], $0x80, v3, vm0, $0xb8;
	[tilespmem:$0x18180] =	vst v63  }
0x162: {  	_ = 	snop  }
0x163: {  	[tilespmem:s15], [sflag:$0x1] =	stream.indirect_vreg.gather [hbm4b:s5+s3], $0x80, v3, vm1, $0xb8;
	[tilespmem:$0x18180] =	vst v63  }
0x164: {  	v3 =	vld [tilespmem:$0x120];
	_ =	sdelay $0x4  }
0x165: {  	v62 =	vshrl.u32 v3, $0x3  }
0x166: {  	v4 =	vmul.u32 $0x18, v62  }
0x167: {  	v3 =	vand.u32 $0x7, v3  }
0x168: {  	v3 =	vor.u32 v3, v4  }
0x169: {  	v4 =	vperm.xlane v3, v0;
	_ =	sdelay $0x1  }
0x16a: {  	v4 =	vadd.s32 v1, v4;
	_ =	sdelay $0x1  }
0x16b: {  	v3 =	vperm.xlane v3, v2;
	_ =	sdelay $0x1  }
0x16c: {  	v3 =	vadd.s32 v1, v3  }
0x16d: {  	[tilespmem:s16], [sflag:$0x1] =	stream.indirect_vreg.gather [hbm4b:s2+s3], $0x80, v4, vm0, $0xb8;
	[tilespmem:$0x18180] =	vst v63  }
0x16e: {  	_ = 	snop  }
0x16f: {  	[tilespmem:s17], [sflag:$0x1] =	stream.indirect_vreg.gather [hbm4b:s5+s3], $0x80, v4, vm1, $0xb8;
	[tilespmem:$0x18180] =	vst v63  }
0x170: {  	_ = 	snop  }
0x171: {  	[tilespmem:s18], [sflag:$0x1] =	stream.indirect_vreg.gather [hbm4b:s2+s3], $0x80, v3, vm0, $0xb8;
	[tilespmem:$0x18180] =	vst v63  }
0x172: {  	_ = 	snop  }
0x173: {  	[tilespmem:s19], [sflag:$0x1] =	stream.indirect_vreg.gather [hbm4b:s5+s3], $0x80, v3, vm1, $0xb8;
	[tilespmem:$0x18180] =	vst v63  }
0x174: {  	v3 =	vld [tilespmem:$0x130];
	_ =	sdelay $0x4  }
0x175: {  	v63 =	vshrl.u32 v3, $0x3  }
0x176: {  	v4 =	vmul.u32 $0x18, v63  }
0x177: {  	v3 =	vand.u32 $0x7, v3  }
0x178: {  	v3 =	vor.u32 v3, v4  }
0x179: {  	v4 =	vperm.xlane v3, v0;
	_ =	sdelay $0x1  }
0x17a: {  	v4 =	vadd.s32 v1, v4;
	_ =	sdelay $0x1  }
0x17b: {  	v3 =	vperm.xlane v3, v2;
	_ =	sdelay $0x1  }
0x17c: {  	v3 =	vadd.s32 v1, v3  }
0x17d: {  	[tilespmem:s20], [sflag:$0x1] =	stream.indirect_vreg.gather [hbm4b:s2+s3], $0x80, v4, vm0, $0xb8;
	[tilespmem:$0x18180] =	vst v63  }
0x17e: {  	_ = 	snop  }
0x17f: {  	[tilespmem:s21], [sflag:$0x1] =	stream.indirect_vreg.gather [hbm4b:s5+s3], $0x80, v4, vm1, $0xb8;
	[tilespmem:$0x18180] =	vst v63  }
0x180: {  	_ = 	snop  }
0x181: {  	[tilespmem:s22], [sflag:$0x1] =	stream.indirect_vreg.gather [hbm4b:s2+s3], $0x80, v3, vm0, $0xb8;
	[tilespmem:$0x18180] =	vst v63  }
0x182: {  	_ = 	snop  }
0x183: {  	[tilespmem:s23], [sflag:$0x1] =	stream.indirect_vreg.gather [hbm4b:s5+s3], $0x80, v3, vm1, $0xb8;
	[tilespmem:$0x18180] =	vst v63  }
0x184: {  	_ =	swait.ge [sflag:s31], $0xC000  }
0x185: {  	[sflag:s31] =	ssyncset.done $0x0  }
0x186: {  	s25 =	rddreg [dreg:$0x5];
	[sflag:s31] =	ssyncadd.s32 $0xFFFF4000  }
0x187: {  	[hbm4b:s25+s3] =	stream.linear.scatter [tilespmem:s24], [sflag:$0x4], $0xC000, $0x38;
	[tilespmem:$0x18180] =	vst v63  }
0x188: {  	_ =	swait.ge [sflag:s29], $0x6000  }
0x189: {  	[sflag:s29] =	ssyncset.done $0x0  }
0x18a: {  	s25 =	rddreg [dreg:$0x6];
	[sflag:s29] =	ssyncadd.s32 $0xFFFFA000  }
0x18b: {  	[hbm4b:s25+s3] =	stream.linear.scatter [tilespmem:s8], [sflag:$0x3], $0x6000, $0x38;
	[tilespmem:$0x18180] =	vst v63  }
0x18c: {  	p0 =	sne.s32 s6, $0x1;
	_ =	swait.ge [sflag:s1], $0xC000  }
.Ltmp0:
0x18d: {  	[sflag:s1] =	ssyncset.done $0x0;
	(pc) =	sbr.rel @p0 .LBB2_1-.Ltmp0, $4  }
0x18e: {  	[sflag:s1] =	ssyncadd.s32 $0xFFFF4000  }
0x18f: {  	_ =	swait.ge [sflag:s30], $0x6000  }
0x190: {  	[sflag:s30] =	ssyncset.done $0x0  }
0x191: {  	s6 =	sadd.s32 $0xFFFFFFFF, s6;
	[sflag:s30] =	ssyncadd.s32 $0xFFFFA000  }
0x192: {  	_ =	sfence.sel $0x180000  }
0x193: {  	[bflag:$0x0] =	sbarrier.arrive $0xFFFF  }
0x194: {  	_ =	strace $0x9000004A  }
0x195: {  	s0 =	stileid.u32;
	[bflag:$0x2] =	sbarrier.arrive $0xFFFF  }
0x196: {  	p0 =	sne.s32 s0, $0x0;
	s0 =	rddreg [dreg:$0x3]  }
0x197: {  	s0 =	sadd.s32 @!p0 $0x100000, s0  }
0x198: {  	[sflag:s0] =	ssyncadd.tile.s32 @!p0 $0x1;
	_ =	shalt  }
.Lfunc_end2:
_tile_overlayer_lowered:
.L_overlay_start_2:
0x199: {  	(tag) =	ssettag $0x2  }
0x19a: {  	s0 =	rddreg [dreg:$0x0];
	s2 =	stileid.u32  }
0x19b: {  	s1 =	rddreg [dreg:$0x1];
	p0 =	sne.s32 s2, $0x0  }
0x19c: {  	s3 =	rddreg [dreg:$0x2];
	[bflag:$0x3] =	sbarrier.arrive $0xFFFF;
	s2 =	simm.s32 @!p0 $0x1C05  }
0x19d: {  	[timem:s3], [sflag:s2] =	dma.local @!p0 [hbm:s0], s1  }
0x19e: {  	s0 =	simm.s32 @!p0 $0x5  }
0x19f: {  	_ =	swait.ge @!p0 [sflag:s0], s1  }
0x1a0: {  	s1 =	ssub.s32 @!p0 $0x0, s1;
	[sflag:s0] =	ssyncset.done @!p0 $0x0  }
0x1a1: {  	[sflag:s0] =	ssyncadd.s32 @!p0 s1  }
0x1a2: {  	[bflag:$0x3] =	sbarrier.arrive $0xFFFF  }
0x1a3: {  	_ =	shalt  }

// kernel: kernel.13.cloned.1.call-start
scs
__scs_entry_jumppad:
0x0: {  	(pc) =	sbr.rel $0x88, $3  }
0x1: {  	(tag) =	ssettag $0x0;
	lr =	simm.s32 $0x1  }
0x2: {  	[smem:$0x3F9C] =	sst lr;
	_ =	strace $0xD0000000  }
0x3: {  	_ = 	snop  }
0x4: {  	_ = 	snop  }
0x5: {  	_ = 	snop  }
0x6: {  	_ = 	snop  }
0x7: {  	_ = 	snop  }
__scs_overlays_trampoline_lowered:
0x8: {  	[smem:$0x3FAB] =	sst s0  }
0x9: {  	[smem:$0x3FAC] =	sst s1  }
0xa: {  	[smem:$0x3FAD] =	sst s2  }
0xb: {  	[smem:$0x3FAE] =	sst s3  }
0xc: {  	[smem:$0x3FAF] =	sst s4  }
0xd: {  	[smem:$0x3FB0] =	sst s5  }
0xe: {  	[smem:$0x3FB1] =	sst s6  }
0xf: {  	[smem:$0x3FB2] =	sst s7  }
0x10: {  	[smem:$0x3FB3] =	sst s8  }
0x11: {  	[smem:$0x3FB4] =	sst s9;
	s0 =	simm.s32 @!p0 $0x0  }
0x12: {  	s1 =	sld [smem:$0x3F9A];
	s0 =	simm.s32 @p0 $0x1  }
0x13: {  	[smem:$0x3FB5] =	sst s0;
	s0 =	simm.s32 @!p1 $0x0  }
0x14: {  	s2 =	sld [smem:$0x3F99];
	s0 =	simm.s32 @p1 $0x1  }
0x15: {  	[smem:$0x3FB6] =	sst s0;
	s0 =	simm.s32 @!p2 $0x0  }
0x16: {  	s3 =	sld [smem:$0x3FDB];
	s0 =	simm.s32 @p2 $0x1  }
0x17: {  	s4 =	simm.s32 $0x1BF5;
	[smem:$0x3FB8] =	sst s0  }
0x18: {  	s0 =	sld [smem:$0x3F9B];
	_ =	swait.ge [sflag:s4], $0x0  }
0x19: {  	s7 =	sld [smem:$0x3F9C]  }
0x1a: {  	s8 =	sadd.s32 $0xFFFFE003, lr  }
0x1b: {  	s9 =	sadd.s32 $0xFFFFFEF7, lr;
	s5 =	simm.s32 $0xFFFFFFFF;
	p2 =	slt.u32 s8, $0xFFFFF086  }
0x1c: {  	p1 =	slt.u32 s9, $0xF7A;
	s5 =	simm.s32 @!p2 $0x0  }
0x1d: {  	s5 =	simm.s32 @p1 $0x1;
	p0 =	seq.s32 s7, s2  }
0x1e: {  	s7 =	smul.u32 @!p0 $0xF7A, s2;
	p2 =	seq.s32 @!p0 s5, $0x0  }
0x1f: {  	s9 =	smul.u32 $0xF7A, s1;
	s8 =	simm.s32 @!p0 $0x1BF5;
	p2 =	por !p2, p0  }
0x20: {  	[sflag:s8] =	ssyncset.s32 @!p0 $0xFFFFF086;
	s6 =	sadd.s32 @!p0 s3, s7;
	s7 =	simm.s32 @!p0 $0x108  }
0x21: {  	s3 =	sadd.s32 s3, s9;
	s6 =	sadd.s32 @!p0 $0x88, s6;
	s7 =	simm.s32 @p2 $0x1082  }
0x22: {  	[simem:s7], [sflag:s8] =	dma.local @!p0 [hbm:s6], $0xF7A  }
0x23: {  	s9 =	sor.u32 $0xD0000000, s2;
	s6 =	simm.s32 $0x108;
	_ =	swait.ge @!p0 [sflag:s8], $0x0  }
0x24: {  	s3 =	sadd.s32 $0x88, s3;
	s6 =	simm.s32 @!p1 $0x1082;
	[sflag:s4] =	ssyncset.s32 $0xFFFFF086  }
0x25: {  	[simem:s6], [sflag:s4] =	dma.local [hbm:s3], $0xF7A  }
0x26: {  	[smem:$0x3F9C] =	sst s1;
	(tag) =	ssettag s2;
	_ =	strace s9  }
0x27: {  	s1 =	sld [smem:$0x3FAC]  }
0x28: {  	s2 =	sld [smem:$0x3FAD]  }
0x29: {  	s4 =	sld [smem:$0x3FAF]  }
0x2a: {  	p0 =	seq.s32 s5, $0x0;
	s5 =	sld [smem:$0x3FB0]  }
0x2b: {  	s6 =	sld [smem:$0x3FB1]  }
0x2c: {  	s7 =	sld [smem:$0x3FB2]  }
0x2d: {  	s3 =	simm.s32 $0x108;
	s8 =	sld [smem:$0x3FB3]  }
0x2e: {  	s3 =	simm.s32 @!p0 $0x1082;
	s9 =	sld [smem:$0x3FB4]  }
0x2f: {  	lr =	sadd.s32 s0, s3;
	s0 =	sld [smem:$0x3FAB]  }
0x30: {  	s3 =	sld [smem:$0x3FAE]  }
0x31: {  	[smem:$0x3FB7] =	sst s10  }
0x32: {  	s10 =	sld [smem:$0x3FB5];
	_ =	sdelay $0x3  }
0x33: {  	p0 =	seq.s32 s10, $0x1;
	s10 =	sld [smem:$0x3FB7];
	_ =	sdelay $0x3  }
0x34: {  	[smem:$0x3FB7] =	sst s10  }
0x35: {  	s10 =	sld [smem:$0x3FB6];
	_ =	sdelay $0x3  }
0x36: {  	p1 =	seq.s32 s10, $0x1;
	s10 =	sld [smem:$0x3FB7];
	_ =	sdelay $0x3  }
0x37: {  	[smem:$0x3FB7] =	sst s10  }
0x38: {  	s10 =	sld [smem:$0x3FB8]  }
0x39: {  	_ = 	snop;
	(pc) =	sbr.ind lr, $3  }
0x3a: {  	_ = 	snop  }
0x3b: {  	_ = 	snop  }
0x3c: {  	p2 =	seq.s32 s10, $0x1;
	s10 =	sld [smem:$0x3FB7]  }
0x3d: {  	_ =	shalt  }
0x3e: {  	_ =	shalt  }
0x3f: {  	_ =	shalt  }
0x40: {  	_ =	shalt  }
0x41: {  	_ =	shalt  }
0x42: {  	_ =	shalt  }
0x43: {  	_ =	shalt  }
0x44: {  	_ =	shalt  }
0x45: {  	_ =	shalt  }
0x46: {  	_ =	shalt  }
0x47: {  	_ =	shalt  }
0x48: {  	_ =	shalt  }
0x49: {  	_ =	shalt  }
0x4a: {  	_ =	shalt  }
0x4b: {  	_ =	shalt  }
0x4c: {  	_ =	shalt  }
0x4d: {  	_ =	shalt  }
0x4e: {  	_ =	shalt  }
0x4f: {  	_ =	shalt  }
0x50: {  	_ =	shalt  }
0x51: {  	_ =	shalt  }
0x52: {  	_ =	shalt  }
0x53: {  	_ =	shalt  }
0x54: {  	_ =	shalt  }
0x55: {  	_ =	shalt  }
0x56: {  	_ =	shalt  }
0x57: {  	_ =	shalt  }
0x58: {  	_ =	shalt  }
0x59: {  	_ =	shalt  }
0x5a: {  	_ =	shalt  }
0x5b: {  	_ =	shalt  }
0x5c: {  	_ =	shalt  }
0x5d: {  	_ =	shalt  }
0x5e: {  	_ =	shalt  }
0x5f: {  	_ =	shalt  }
0x60: {  	_ =	shalt  }
0x61: {  	_ =	shalt  }
0x62: {  	_ =	shalt  }
0x63: {  	_ =	shalt  }
0x64: {  	_ =	shalt  }
0x65: {  	_ =	shalt  }
0x66: {  	_ =	shalt  }
0x67: {  	_ =	shalt  }
0x68: {  	_ =	shalt  }
0x69: {  	_ =	shalt  }
0x6a: {  	_ =	shalt  }
0x6b: {  	_ =	shalt  }
0x6c: {  	_ =	shalt  }
0x6d: {  	_ =	shalt  }
0x6e: {  	_ =	shalt  }
0x6f: {  	_ =	shalt  }
0x70: {  	_ =	shalt  }
0x71: {  	_ =	shalt  }
0x72: {  	_ =	shalt  }
0x73: {  	_ =	shalt  }
0x74: {  	_ =	shalt  }
0x75: {  	_ =	shalt  }
0x76: {  	_ =	shalt  }
0x77: {  	_ =	shalt  }
0x78: {  	_ =	shalt  }
0x79: {  	_ =	shalt  }
0x7a: {  	_ =	shalt  }
0x7b: {  	_ =	shalt  }
0x7c: {  	_ =	shalt  }
0x7d: {  	_ =	shalt  }
0x7e: {  	_ =	shalt  }
0x7f: {  	_ =	shalt  }
0x80: {  	_ =	shalt  }
0x81: {  	_ =	shalt  }
0x82: {  	_ =	shalt  }
0x83: {  	_ =	shalt  }
0x84: {  	_ =	shalt  }
0x85: {  	_ =	shalt  }
0x86: {  	_ =	shalt  }
0x87: {  	_ =	shalt  }
.Lfunc_end0:
.L_simem_size_0:
called_computation.2_lowered:
.L_overlay_start_0:
0x88: {  	s2 =	sld [smem:$0x3FD9]  }
0x89: {  	s3 =	sld [smem:$0x3FFE];
	_ =	sdelay $0x1  }
0x8a: {  	s1 =	srdreg.scid  }
0x8b: {  	s0 =	sand.u32 $0x1, s1  }
0x8c: {  	s17 =	sshll.u32 s0, $0xA;
	s2 =	sadd.s32 s3, s2  }
0x8d: {  	s2 =	sadd.s32 s2, s17  }
0x8e: {  	[smem:$0x3FC3] =	sst s2  }
0x8f: {  	_ = 	snop  }
0x90: {  	s2 =	sld [smem:$0x3FD0];
	(tm) =	ssettm $0x1  }
0x91: {  	s18 =	sld [smem:$0x3FFB];
	_ =	sdelay $0x3  }
0x92: {  	_ =	strace s18  }
0x93: {  	s3 =	sld [smem:$0x3FFC];
	_ =	sdelay $0x3  }
0x94: {  	_ =	strace s3  }
0x95: {  	s3 =	sld [smem:$0x3FFD];
	_ =	sdelay $0x3  }
0x96: {  	_ =	strace s3  }
0x97: {  	_ =	strace $0x8FFFFFFF  }
0x98: {  	s19 =	sld [smem:$0x3FDB];
	_ =	sdelay $0x1  }
0x99: {  	s4 =	simm.s32 $_scs_section_size  }
0x9a: {  	s5 =	simm.s32 $_size__tile_overlayer_lowered;
	s6 =	simm.s32 $_tile_overlayer_lowered  }
0x9b: {  	s22 =	simm.s32 $0x1BFF;
	s21 =	sshll.u32 s6, $0x1;
	s3 =	sadd.s32 s4, s19  }
0x9c: {  	s7 =	simm.s32 $0x0;
	s20 =	sshll.u32 s5, $0x1;
	s5 =	sadd.s32 s21, s3  }
0x9d: {  	[timem:s7], [sflag:s22] =	dma.local [hbm:s5], s20  }
0x9e: {  	_ =	swait.ge [sflag:s22], s20  }
0x9f: {  	s4 =	ssub.s32 $0x0, s20;
	[sflag:s22] =	ssyncset.done $0x0  }
0xa0: {  	[sflag:s22] =	ssyncadd.s32 s4;
	_ =	sdelay $0x1  }
0xa1: {  	s23 =	simm.s32 $0x1B8B  }
0xa2: {  	_ =	swait.ge [sflag:s23], $0x1  }
0xa3: {  	[sflag:s23] =	ssyncset.done $0x0  }
0xa4: {  	s25 =	simm.s32 $0x1B8E;
	s24 =	sld [smem:$0x3FFE];
	[sflag:s23] =	ssyncadd.s32 $0xFFFFFFFF  }
0xa5: {  	s26 =	simm.s32 $execute0_lowered;
	[smem:$0x3FD2] =	sst s25  }
0xa6: {  	s5 =	sshll.u32 s26, $0x1;
	_ =	strace $0x8000004C;
	[dreg:$0x1] =	wrdreg $0xFFFFFFFF  }
0xa7: {  	s28 =	simm.s32 $_size_execute0_lowered;
	s3 =	sadd.s32 s3, s5;
	[dreg:$0x0] =	wrdreg $0x0  }
0xa8: {  	s5 =	sshll.u32 s28, $0x1;
	[dreg:$0x2] =	wrdreg s3  }
0xa9: {  	[dreg:$0x3] =	wrdreg s5  }
0xaa: {  	[dreg:$0x4] =	wrdreg $0xC0  }
0xab: {  	_ =	task [dreg:s7], $0x5FFFF  }
0xac: {  	[dreg:$0x1] =	wrdreg $0xFFFFFFFF  }
0xad: {  	[dreg:$0x0] =	wrdreg $0x60  }
0xae: {  	[dreg:$0x2] =	wrdreg s24  }
0xaf: {  	[dreg:$0x3] =	wrdreg s2  }
0xb0: {  	[dreg:$0x4] =	wrdreg $0x9  }
0xb1: {  	_ =	task.clear_ibuf [dreg:s7], $0x5FFFF;
	_ =	strace $0x9000004C  }
0xb2: {  	s29 =	simm.s32 $0x9;
	_ =	strace $0x8000004E  }
0xb3: {  	_ =	swait.ge [sflag:s29], $0x1  }
0xb4: {  	[sflag:s29] =	ssyncadd.s32 $0xFFFFFFFF  }
0xb5: {  	_ =	strace $0x9000004E  }
0xb6: {  	_ =	sfence  }
0xb7: {  	s30 =	sld [smem:$0x0];
	_ =	sdelay $0x2  }
0xb8: {  	s31 =	sshll.u32 s1, $0xD;
	s1 =	sshrl.u32 s1, $0x2  }
0xb9: {  	s3 =	sand.u32 $0x4000, s31;
	s1 =	sadd.s32 s1, s30  }
0xba: {  	s0 =	sor.u32 s3, s0;
	s1 =	sshll.u32 s1, $0x11  }
0xbb: {  	s0 =	sor.u32 s1, s0  }
0xbc: {  	s0 =	sadd.s32 $0x8F2B, s0  }
0xbd: {  	[sflag:s0] =	ssyncadd.remote.s32 $0x1  }
0xbe: {  	_ =	sfence.sel $0xFFFF  }
0xbf: {  	[dreg:$0x0] =	wrdreg $0xFFFFFFFF;
	(pc) =	sbr.abs _section_cstart, $3  }
0xc0: {  	[dreg:$0x1] =	wrdreg $0xFFFFFFFF  }
0xc1: {  	_ =	task.clear_ibuf [dreg:s7], $0x2FFFF;
	_ =	strace $0x9FFFFFFF  }
0xc2: {  	(tm) =	ssettm $0x7FFFFFFF  }
0xc3: {  	_ =	shalt  }
tec
execute0_lowered:
.L_overlay_start_1:
0x0: {  	(tag) =	ssettag $0x1  }
0x1: {  	s0 =	srdreg.scid  }
0x2: {  	s1 =	rddreg [dreg:$0x0];
	s2 =	stileid.u32  }
0x3: {  	s4 =	rddreg [dreg:$0x1];
	s29 =	simm.s32 $0xA00;
	s30 =	simm.s32 $0xE00  }
0x4: {  	s31 =	simm.s32 $0x1600;
	s9 =	simm.s32 $0x2600;
	s10 =	simm.s32 $0x2E00  }
0x5: {  	s11 =	simm.s32 $0x3200;
	s12 =	simm.s32 $0x3A00;
	s13 =	simm.s32 $0x3E00  }
0x6: {  	s14 =	simm.s32 $0x4600;
	s15 =	simm.s32 $0x4A00;
	s17 =	simm.s32 $0x5200  }
0x7: {  	s18 =	simm.s32 $0x5600;
	s19 =	simm.s32 $0x6200;
	s20 =	simm.s32 $0x6A00  }
0x8: {  	s21 =	simm.s32 $0x6E00;
	s22 =	simm.s32 $0x7600;
	s16 =	simm.s32 $0x8600  }
0x9: {  	s0 =	sand.u32 $0x1, s0;
	s3 =	sshll.u32 s2, $0x7;
	s2 =	simm.s32 $0x0  }
0xa: {  	s23 =	simm.s32 $0x8E00;
	s5 =	sshll.u32 s0, $0x6;
	[smem:$0x7FF] =	sst s2  }
0xb: {  	s0 =	ssub.s32 $0x2, s0;
	s5 =	sor.u32 s5, s3;
	_ =	strace $0x8000004D  }
0xc: {  	s3 =	sadd.s32 $0x7AE00, s1;
	s26 =	sshrl.u32 s0, $0x1;
	s6 =	smul.u32 $0x180, s5  }
0xd: {  	s7 =	smul.u32 $0xC00, s5;
	s5 =	sadd.s32 s5, s1;
	s0 =	ssub.s32 s0, s26  }
0xe: {  	s26 =	simm.s32 $0x1;
	s5 =	sadd.s32 $0x2200, s5;
	s8 =	sadd.s32 s4, s6  }
0xf: {  	s24 =	sshrl.u32 s7, $0x3;
	[dreg:$0x3] =	wrdreg s5;
	s5 =	sadd.s32 $0x7AF00, s1  }
0x10: {  	[dreg:$0x7] =	wrdreg s8;
	s25 =	sadd.s32 $0x1800, s8;
	s4 =	sadd.s32 s4, s24  }
0x11: {  	v2 =	vlaneseq.u32;
	s6 =	smax.u32 s0, $0x1;
	[dreg:$0x4] =	wrdreg s25;
	s28 =	sadd.s32 $0x3000, s4  }
0x12: {  	vm0 =	vmmov $0xffff;
	vm1 =	vmmov $0xff;
	v1 =	vshrl.u32 v2, $0x3;
	s8 =	simm.s32 $0x4;
	s4 =	sadd.s32 $0x4800, s4;
	[dreg:$0x5] =	wrdreg s28  }
0x13: {  	v0 =	vand.u32 $0x7, v2;
	v2 =	vor.u32 $0x8, v2;
	v1 =	vmul.u32 $0x8, v1;
	s24 =	simm.s32 $0x9200;
	s25 =	simm.s32 $0x9A00;
	[dreg:$0x6] =	wrdreg s4  }
.LBB2_1:
0x14: {  	s28 =	rddreg [dreg:$0x3];
	s0 =	simm.s32 $0x5  }
0x15: {  	[tilespmem:s2], [sflag:$0x5] =	stream.linear.gather [hbm4b:s28+s2], $0x200, $0x38;
	[tilespmem:$0x18200] =	vst v63  }
0x16: {  	_ =	swait.ge [sflag:s0], $0x200  }
0x17: {  	[sflag:s0] =	ssyncset.done $0x0  }
0x18: {  	[sflag:s0] =	ssyncadd.s32 $0xFFFFFE00  }
0x19: {  	v3 =	vld [tilespmem:$0x0];
	_ =	sdelay $0x4  }
0x1a: {  	v4 =	vshrl.u32 v3, $0x3  }
0x1b: {  	v4 =	vmul.u32 $0x18, v4  }
0x1c: {  	v3 =	vand.u32 $0x7, v3  }
0x1d: {  	v3 =	vor.u32 v3, v4  }
0x1e: {  	v4 =	vperm.xlane v3, v0;
	_ =	sdelay $0x1  }
0x1f: {  	v4 =	vadd.s32 v1, v4;
	_ =	sdelay $0x1  }
0x20: {  	v3 =	vperm.xlane v3, v2;
	_ =	sdelay $0x1  }
0x21: {  	s1 =	simm.s32 $0x200;
	v3 =	vadd.s32 v1, v3  }
0x22: {  	[tilespmem:s1], [sflag:$0x1] =	stream.indirect_vreg.gather [hbm4b:s3+s2], $0x80, v4, vm0, $0xb8;
	[tilespmem:$0x18200] =	vst v63  }
0x23: {  	_ = 	snop  }
0x24: {  	[tilespmem:s29], [sflag:$0x1] =	stream.indirect_vreg.gather [hbm4b:s5+s2], $0x80, v4, vm1, $0xb8;
	[tilespmem:$0x18200] =	vst v63  }
0x25: {  	_ = 	snop  }
0x26: {  	[tilespmem:s30], [sflag:$0x1] =	stream.indirect_vreg.gather [hbm4b:s3+s2], $0x80, v3, vm0, $0xb8;
	[tilespmem:$0x18200] =	vst v63  }
0x27: {  	_ = 	snop  }
0x28: {  	[tilespmem:s31], [sflag:$0x1] =	stream.indirect_vreg.gather [hbm4b:s5+s2], $0x80, v3, vm1, $0xb8;
	[tilespmem:$0x18200] =	vst v63  }
0x29: {  	v3 =	vld [tilespmem:$0x10];
	_ =	sdelay $0x4  }
0x2a: {  	v33 =	vshrl.u32 v3, $0x3  }
0x2b: {  	v4 =	vmul.u32 $0x18, v33  }
0x2c: {  	v3 =	vand.u32 $0x7, v3  }
0x2d: {  	v3 =	vor.u32 v3, v4  }
0x2e: {  	v4 =	vperm.xlane v3, v0;
	_ =	sdelay $0x1  }
0x2f: {  	v4 =	vadd.s32 v1, v4;
	_ =	sdelay $0x1  }
0x30: {  	v3 =	vperm.xlane v3, v2;
	_ =	sdelay $0x1  }
0x31: {  	s4 =	simm.s32 $0x1A00;
	v3 =	vadd.s32 v1, v3  }
0x32: {  	[tilespmem:s4], [sflag:$0x1] =	stream.indirect_vreg.gather [hbm4b:s3+s2], $0x80, v4, vm0, $0xb8;
	[tilespmem:$0x18200] =	vst v63  }
0x33: {  	s7 =	simm.s32 $0x2200  }
0x34: {  	[tilespmem:s7], [sflag:$0x1] =	stream.indirect_vreg.gather [hbm4b:s5+s2], $0x80, v4, vm1, $0xb8;
	[tilespmem:$0x18200] =	vst v63  }
0x35: {  	_ = 	snop  }
0x36: {  	[tilespmem:s9], [sflag:$0x1] =	stream.indirect_vreg.gather [hbm4b:s3+s2], $0x80, v3, vm0, $0xb8;
	[tilespmem:$0x18200] =	vst v63  }
0x37: {  	_ = 	snop  }
0x38: {  	[tilespmem:s10], [sflag:$0x1] =	stream.indirect_vreg.gather [hbm4b:s5+s2], $0x80, v3, vm1, $0xb8;
	[tilespmem:$0x18200] =	vst v63  }
0x39: {  	v3 =	vld [tilespmem:$0x20];
	_ =	sdelay $0x4  }
0x3a: {  	v34 =	vshrl.u32 v3, $0x3  }
0x3b: {  	v4 =	vmul.u32 $0x18, v34  }
0x3c: {  	v3 =	vand.u32 $0x7, v3  }
0x3d: {  	v3 =	vor.u32 v3, v4  }
0x3e: {  	v4 =	vperm.xlane v3, v0;
	_ =	sdelay $0x1  }
0x3f: {  	v4 =	vadd.s32 v1, v4;
	_ =	sdelay $0x1  }
0x40: {  	v3 =	vperm.xlane v3, v2;
	_ =	sdelay $0x1  }
0x41: {  	v3 =	vadd.s32 v1, v3  }
0x42: {  	[tilespmem:s11], [sflag:$0x1] =	stream.indirect_vreg.gather [hbm4b:s3+s2], $0x80, v4, vm0, $0xb8;
	[tilespmem:$0x18200] =	vst v63  }
0x43: {  	_ = 	snop  }
0x44: {  	[tilespmem:s12], [sflag:$0x1] =	stream.indirect_vreg.gather [hbm4b:s5+s2], $0x80, v4, vm1, $0xb8;
	[tilespmem:$0x18200] =	vst v63  }
0x45: {  	_ = 	snop  }
0x46: {  	[tilespmem:s13], [sflag:$0x1] =	stream.indirect_vreg.gather [hbm4b:s3+s2], $0x80, v3, vm0, $0xb8;
	[tilespmem:$0x18200] =	vst v63  }
0x47: {  	_ = 	snop  }
0x48: {  	[tilespmem:s14], [sflag:$0x1] =	stream.indirect_vreg.gather [hbm4b:s5+s2], $0x80, v3, vm1, $0xb8;
	[tilespmem:$0x18200] =	vst v63  }
0x49: {  	v3 =	vld [tilespmem:$0x30];
	_ =	sdelay $0x4  }
0x4a: {  	v35 =	vshrl.u32 v3, $0x3  }
0x4b: {  	v4 =	vmul.u32 $0x18, v35  }
0x4c: {  	v3 =	vand.u32 $0x7, v3  }
0x4d: {  	v3 =	vor.u32 v3, v4  }
0x4e: {  	v4 =	vperm.xlane v3, v0;
	_ =	sdelay $0x1  }
0x4f: {  	v4 =	vadd.s32 v1, v4;
	_ =	sdelay $0x1  }
0x50: {  	v3 =	vperm.xlane v3, v2;
	_ =	sdelay $0x1  }
0x51: {  	v3 =	vadd.s32 v1, v3  }
0x52: {  	[tilespmem:s15], [sflag:$0x1] =	stream.indirect_vreg.gather [hbm4b:s3+s2], $0x80, v4, vm0, $0xb8;
	[tilespmem:$0x18200] =	vst v63  }
0x53: {  	_ = 	snop  }
0x54: {  	[tilespmem:s17], [sflag:$0x1] =	stream.indirect_vreg.gather [hbm4b:s5+s2], $0x80, v4, vm1, $0xb8;
	[tilespmem:$0x18200] =	vst v63  }
0x55: {  	_ = 	snop  }
0x56: {  	[tilespmem:s18], [sflag:$0x1] =	stream.indirect_vreg.gather [hbm4b:s3+s2], $0x80, v3, vm0, $0xb8;
	[tilespmem:$0x18200] =	vst v63  }
0x57: {  	s28 =	simm.s32 $0x5E00  }
0x58: {  	[tilespmem:s28], [sflag:$0x1] =	stream.indirect_vreg.gather [hbm4b:s5+s2], $0x80, v3, vm1, $0xb8;
	[tilespmem:$0x18200] =	vst v63  }
0x59: {  	v3 =	vld [tilespmem:$0x40];
	_ =	sdelay $0x4  }
0x5a: {  	v36 =	vshrl.u32 v3, $0x3  }
0x5b: {  	v4 =	vmul.u32 $0x18, v36  }
0x5c: {  	v3 =	vand.u32 $0x7, v3  }
0x5d: {  	v3 =	vor.u32 v3, v4  }
0x5e: {  	v4 =	vperm.xlane v3, v0;
	_ =	sdelay $0x1  }
0x5f: {  	v4 =	vadd.s32 v1, v4;
	_ =	sdelay $0x1  }
0x60: {  	v3 =	vperm.xlane v3, v2;
	_ =	sdelay $0x1  }
0x61: {  	v3 =	vadd.s32 v1, v3  }
0x62: {  	[tilespmem:s19], [sflag:$0x1] =	stream.indirect_vreg.gather [hbm4b:s3+s2], $0x80, v4, vm0, $0xb8;
	[tilespmem:$0x18200] =	vst v63  }
0x63: {  	_ = 	snop  }
0x64: {  	[tilespmem:s20], [sflag:$0x1] =	stream.indirect_vreg.gather [hbm4b:s5+s2], $0x80, v4, vm1, $0xb8;
	[tilespmem:$0x18200] =	vst v63  }
0x65: {  	_ = 	snop  }
0x66: {  	[tilespmem:s21], [sflag:$0x1] =	stream.indirect_vreg.gather [hbm4b:s3+s2], $0x80, v3, vm0, $0xb8;
	[tilespmem:$0x18200] =	vst v63  }
0x67: {  	_ = 	snop  }
0x68: {  	[tilespmem:s22], [sflag:$0x1] =	stream.indirect_vreg.gather [hbm4b:s5+s2], $0x80, v3, vm1, $0xb8;
	[tilespmem:$0x18200] =	vst v63  }
0x69: {  	v3 =	vld [tilespmem:$0x50];
	_ =	sdelay $0x4  }
0x6a: {  	v37 =	vshrl.u32 v3, $0x3  }
0x6b: {  	v4 =	vmul.u32 $0x18, v37  }
0x6c: {  	v3 =	vand.u32 $0x7, v3  }
0x6d: {  	v3 =	vor.u32 v3, v4  }
0x6e: {  	v4 =	vperm.xlane v3, v0;
	_ =	sdelay $0x1  }
0x6f: {  	v4 =	vadd.s32 v1, v4;
	_ =	sdelay $0x1  }
0x70: {  	v3 =	vperm.xlane v3, v2;
	_ =	sdelay $0x1  }
0x71: {  	s7 =	simm.s32 $0x7A00;
	v3 =	vadd.s32 v1, v3  }
0x72: {  	[tilespmem:s7], [sflag:$0x1] =	stream.indirect_vreg.gather [hbm4b:s3+s2], $0x80, v4, vm0, $0xb8;
	[tilespmem:$0x18200] =	vst v63  }
0x73: {  	s1 =	simm.s32 $0x8200  }
0x74: {  	[tilespmem:s1], [sflag:$0x1] =	stream.indirect_vreg.gather [hbm4b:s5+s2], $0x80, v4, vm1, $0xb8;
	[tilespmem:$0x18200] =	vst v63  }
0x75: {  	_ = 	snop  }
0x76: {  	[tilespmem:s16], [sflag:$0x1] =	stream.indirect_vreg.gather [hbm4b:s3+s2], $0x80, v3, vm0, $0xb8;
	[tilespmem:$0x18200] =	vst v63  }
0x77: {  	_ = 	snop  }
0x78: {  	[tilespmem:s23], [sflag:$0x1] =	stream.indirect_vreg.gather [hbm4b:s5+s2], $0x80, v3, vm1, $0xb8;
	[tilespmem:$0x18200] =	vst v63  }
0x79: {  	v3 =	vld [tilespmem:$0x60];
	_ =	sdelay $0x4  }
0x7a: {  	v38 =	vshrl.u32 v3, $0x3  }
0x7b: {  	v4 =	vmul.u32 $0x18, v38  }
0x7c: {  	v3 =	vand.u32 $0x7, v3  }
0x7d: {  	v3 =	vor.u32 v3, v4  }
0x7e: {  	v4 =	vperm.xlane v3, v0;
	_ =	sdelay $0x1  }
0x7f: {  	v4 =	vadd.s32 v1, v4;
	_ =	sdelay $0x1  }
0x80: {  	v3 =	vperm.xlane v3, v2;
	_ =	sdelay $0x1  }
0x81: {  	v3 =	vadd.s32 v1, v3  }
0x82: {  	[tilespmem:s24], [sflag:$0x1] =	stream.indirect_vreg.gather [hbm4b:s3+s2], $0x80, v4, vm0, $0xb8;
	[tilespmem:$0x18200] =	vst v63  }
0x83: {  	_ = 	snop  }
0x84: {  	[tilespmem:s25], [sflag:$0x1] =	stream.indirect_vreg.gather [hbm4b:s5+s2], $0x80, v4, vm1, $0xb8;
	[tilespmem:$0x18200] =	vst v63  }
0x85: {  	s4 =	simm.s32 $0x9E00  }
0x86: {  	[tilespmem:s4], [sflag:$0x1] =	stream.indirect_vreg.gather [hbm4b:s3+s2], $0x80, v3, vm0, $0xb8;
	[tilespmem:$0x18200] =	vst v63  }
0x87: {  	s28 =	simm.s32 $0xA600  }
0x88: {  	[tilespmem:s28], [sflag:$0x1] =	stream.indirect_vreg.gather [hbm4b:s5+s2], $0x80, v3, vm1, $0xb8;
	[tilespmem:$0x18200] =	vst v63  }
0x89: {  	v3 =	vld [tilespmem:$0x70];
	_ =	sdelay $0x4  }
0x8a: {  	v39 =	vshrl.u32 v3, $0x3  }
0x8b: {  	v4 =	vmul.u32 $0x18, v39  }
0x8c: {  	v3 =	vand.u32 $0x7, v3  }
0x8d: {  	v3 =	vor.u32 v3, v4  }
0x8e: {  	v4 =	vperm.xlane v3, v0;
	_ =	sdelay $0x1  }
0x8f: {  	v4 =	vadd.s32 v1, v4;
	_ =	sdelay $0x1  }
0x90: {  	v3 =	vperm.xlane v3, v2;
	_ =	sdelay $0x1  }
0x91: {  	s1 =	simm.s32 $0xAA00;
	v3 =	vadd.s32 v1, v3  }
0x92: {  	[tilespmem:s1], [sflag:$0x1] =	stream.indirect_vreg.gather [hbm4b:s3+s2], $0x80, v4, vm0, $0xb8;
	[tilespmem:$0x18200] =	vst v63  }
0x93: {  	s4 =	simm.s32 $0xB200  }
0x94: {  	[tilespmem:s4], [sflag:$0x1] =	stream.indirect_vreg.gather [hbm4b:s5+s2], $0x80, v4, vm1, $0xb8;
	[tilespmem:$0x18200] =	vst v63  }
0x95: {  	s28 =	simm.s32 $0xB600  }
0x96: {  	[tilespmem:s28], [sflag:$0x1] =	stream.indirect_vreg.gather [hbm4b:s3+s2], $0x80, v3, vm0, $0xb8;
	[tilespmem:$0x18200] =	vst v63  }
0x97: {  	s1 =	simm.s32 $0xBE00  }
0x98: {  	[tilespmem:s1], [sflag:$0x1] =	stream.indirect_vreg.gather [hbm4b:s5+s2], $0x80, v3, vm1, $0xb8;
	[tilespmem:$0x18200] =	vst v63  }
0x99: {  	v3 =	vld [tilespmem:$0x80];
	_ =	sdelay $0x4  }
0x9a: {  	v40 =	vshrl.u32 v3, $0x3  }
0x9b: {  	v4 =	vmul.u32 $0x18, v40  }
0x9c: {  	v3 =	vand.u32 $0x7, v3  }
0x9d: {  	v3 =	vor.u32 v3, v4  }
0x9e: {  	v4 =	vperm.xlane v3, v0;
	_ =	sdelay $0x1  }
0x9f: {  	v4 =	vadd.s32 v1, v4;
	_ =	sdelay $0x1  }
0xa0: {  	v3 =	vperm.xlane v3, v2;
	_ =	sdelay $0x1  }
0xa1: {  	s0 =	simm.s32 $0xC200;
	v3 =	vadd.s32 v1, v3  }
0xa2: {  	[tilespmem:s0], [sflag:$0x2] =	stream.indirect_vreg.gather [hbm4b:s3+s2], $0x80, v4, vm0, $0xb8;
	[tilespmem:$0x18200] =	vst v63  }
0xa3: {  	s1 =	simm.s32 $0xCA00  }
0xa4: {  	[tilespmem:s1], [sflag:$0x2] =	stream.indirect_vreg.gather [hbm4b:s5+s2], $0x80, v4, vm1, $0xb8;
	[tilespmem:$0x18200] =	vst v63  }
0xa5: {  	s4 =	simm.s32 $0xCE00  }
0xa6: {  	[tilespmem:s4], [sflag:$0x2] =	stream.indirect_vreg.gather [hbm4b:s3+s2], $0x80, v3, vm0, $0xb8;
	[tilespmem:$0x18200] =	vst v63  }
0xa7: {  	s28 =	simm.s32 $0xD600  }
0xa8: {  	[tilespmem:s28], [sflag:$0x2] =	stream.indirect_vreg.gather [hbm4b:s5+s2], $0x80, v3, vm1, $0xb8;
	[tilespmem:$0x18200] =	vst v63  }
0xa9: {  	v3 =	vld [tilespmem:$0x90];
	_ =	sdelay $0x4  }
0xaa: {  	v41 =	vshrl.u32 v3, $0x3  }
0xab: {  	v4 =	vmul.u32 $0x18, v41  }
0xac: {  	v3 =	vand.u32 $0x7, v3  }
0xad: {  	v3 =	vor.u32 v3, v4  }
0xae: {  	v4 =	vperm.xlane v3, v0;
	_ =	sdelay $0x1  }
0xaf: {  	v4 =	vadd.s32 v1, v4;
	_ =	sdelay $0x1  }
0xb0: {  	v3 =	vperm.xlane v3, v2;
	_ =	sdelay $0x1  }
0xb1: {  	s4 =	simm.s32 $0xDA00;
	v3 =	vadd.s32 v1, v3  }
0xb2: {  	[tilespmem:s4], [sflag:$0x2] =	stream.indirect_vreg.gather [hbm4b:s3+s2], $0x80, v4, vm0, $0xb8;
	[tilespmem:$0x18200] =	vst v63  }
0xb3: {  	s28 =	simm.s32 $0xE200  }
0xb4: {  	[tilespmem:s28], [sflag:$0x2] =	stream.indirect_vreg.gather [hbm4b:s5+s2], $0x80, v4, vm1, $0xb8;
	[tilespmem:$0x18200] =	vst v63  }
0xb5: {  	s4 =	simm.s32 $0xE600  }
0xb6: {  	[tilespmem:s4], [sflag:$0x2] =	stream.indirect_vreg.gather [hbm4b:s3+s2], $0x80, v3, vm0, $0xb8;
	[tilespmem:$0x18200] =	vst v63  }
0xb7: {  	s28 =	simm.s32 $0xEE00  }
0xb8: {  	[tilespmem:s28], [sflag:$0x2] =	stream.indirect_vreg.gather [hbm4b:s5+s2], $0x80, v3, vm1, $0xb8;
	[tilespmem:$0x18200] =	vst v63  }
0xb9: {  	v3 =	vld [tilespmem:$0xA0];
	_ =	sdelay $0x4  }
0xba: {  	v42 =	vshrl.u32 v3, $0x3  }
0xbb: {  	v4 =	vmul.u32 $0x18, v42  }
0xbc: {  	v3 =	vand.u32 $0x7, v3  }
0xbd: {  	v3 =	vor.u32 v3, v4  }
0xbe: {  	v4 =	vperm.xlane v3, v0;
	_ =	sdelay $0x1  }
0xbf: {  	v4 =	vadd.s32 v1, v4;
	_ =	sdelay $0x1  }
0xc0: {  	v3 =	vperm.xlane v3, v2;
	_ =	sdelay $0x1  }
0xc1: {  	s4 =	simm.s32 $0xF200;
	v3 =	vadd.s32 v1, v3  }
0xc2: {  	[tilespmem:s4], [sflag:$0x2] =	stream.indirect_vreg.gather [hbm4b:s3+s2], $0x80, v4, vm0, $0xb8;
	[tilespmem:$0x18200] =	vst v63  }
0xc3: {  	s28 =	simm.s32 $0xFA00  }
0xc4: {  	[tilespmem:s28], [sflag:$0x2] =	stream.indirect_vreg.gather [hbm4b:s5+s2], $0x80, v4, vm1, $0xb8;
	[tilespmem:$0x18200] =	vst v63  }
0xc5: {  	s4 =	simm.s32 $0xFE00  }
0xc6: {  	[tilespmem:s4], [sflag:$0x2] =	stream.indirect_vreg.gather [hbm4b:s3+s2], $0x80, v3, vm0, $0xb8;
	[tilespmem:$0x18200] =	vst v63  }
0xc7: {  	s28 =	simm.s32 $0x10600  }
0xc8: {  	[tilespmem:s28], [sflag:$0x2] =	stream.indirect_vreg.gather [hbm4b:s5+s2], $0x80, v3, vm1, $0xb8;
	[tilespmem:$0x18200] =	vst v63  }
0xc9: {  	v3 =	vld [tilespmem:$0xB0];
	_ =	sdelay $0x4  }
0xca: {  	v43 =	vshrl.u32 v3, $0x3  }
0xcb: {  	v4 =	vmul.u32 $0x18, v43  }
0xcc: {  	v3 =	vand.u32 $0x7, v3  }
0xcd: {  	v3 =	vor.u32 v3, v4  }
0xce: {  	v4 =	vperm.xlane v3, v0;
	_ =	sdelay $0x1  }
0xcf: {  	v4 =	vadd.s32 v1, v4;
	_ =	sdelay $0x1  }
0xd0: {  	v3 =	vperm.xlane v3, v2;
	_ =	sdelay $0x1  }
0xd1: {  	s4 =	simm.s32 $0x10A00;
	v3 =	vadd.s32 v1, v3  }
0xd2: {  	[tilespmem:s4], [sflag:$0x2] =	stream.indirect_vreg.gather [hbm4b:s3+s2], $0x80, v4, vm0, $0xb8;
	[tilespmem:$0x18200] =	vst v63  }
0xd3: {  	s28 =	simm.s32 $0x11200  }
0xd4: {  	[tilespmem:s28], [sflag:$0x2] =	stream.indirect_vreg.gather [hbm4b:s5+s2], $0x80, v4, vm1, $0xb8;
	[tilespmem:$0x18200] =	vst v63  }
0xd5: {  	s4 =	simm.s32 $0x11600  }
0xd6: {  	[tilespmem:s4], [sflag:$0x2] =	stream.indirect_vreg.gather [hbm4b:s3+s2], $0x80, v3, vm0, $0xb8;
	[tilespmem:$0x18200] =	vst v63  }
0xd7: {  	s28 =	simm.s32 $0x11E00  }
0xd8: {  	[tilespmem:s28], [sflag:$0x2] =	stream.indirect_vreg.gather [hbm4b:s5+s2], $0x80, v3, vm1, $0xb8;
	[tilespmem:$0x18200] =	vst v63  }
0xd9: {  	v3 =	vld [tilespmem:$0xC0];
	_ =	sdelay $0x4  }
0xda: {  	v44 =	vshrl.u32 v3, $0x3  }
0xdb: {  	v4 =	vmul.u32 $0x18, v44  }
0xdc: {  	v3 =	vand.u32 $0x7, v3  }
0xdd: {  	v3 =	vor.u32 v3, v4  }
0xde: {  	v4 =	vperm.xlane v3, v0;
	_ =	sdelay $0x1  }
0xdf: {  	v4 =	vadd.s32 v1, v4;
	_ =	sdelay $0x1  }
0xe0: {  	v3 =	vperm.xlane v3, v2;
	_ =	sdelay $0x1  }
0xe1: {  	s4 =	simm.s32 $0x12200;
	v3 =	vadd.s32 v1, v3  }
0xe2: {  	[tilespmem:s4], [sflag:$0x2] =	stream.indirect_vreg.gather [hbm4b:s3+s2], $0x80, v4, vm0, $0xb8;
	[tilespmem:$0x18200] =	vst v63  }
0xe3: {  	s28 =	simm.s32 $0x12A00  }
0xe4: {  	[tilespmem:s28], [sflag:$0x2] =	stream.indirect_vreg.gather [hbm4b:s5+s2], $0x80, v4, vm1, $0xb8;
	[tilespmem:$0x18200] =	vst v63  }
0xe5: {  	s4 =	simm.s32 $0x12E00  }
0xe6: {  	[tilespmem:s4], [sflag:$0x2] =	stream.indirect_vreg.gather [hbm4b:s3+s2], $0x80, v3, vm0, $0xb8;
	[tilespmem:$0x18200] =	vst v63  }
0xe7: {  	s28 =	simm.s32 $0x13600  }
0xe8: {  	[tilespmem:s28], [sflag:$0x2] =	stream.indirect_vreg.gather [hbm4b:s5+s2], $0x80, v3, vm1, $0xb8;
	[tilespmem:$0x18200] =	vst v63  }
0xe9: {  	v3 =	vld [tilespmem:$0xD0];
	_ =	sdelay $0x4  }
0xea: {  	v45 =	vshrl.u32 v3, $0x3  }
0xeb: {  	v4 =	vmul.u32 $0x18, v45  }
0xec: {  	v3 =	vand.u32 $0x7, v3  }
0xed: {  	v3 =	vor.u32 v3, v4  }
0xee: {  	v4 =	vperm.xlane v3, v0;
	_ =	sdelay $0x1  }
0xef: {  	v4 =	vadd.s32 v1, v4;
	_ =	sdelay $0x1  }
0xf0: {  	v3 =	vperm.xlane v3, v2;
	_ =	sdelay $0x1  }
0xf1: {  	s4 =	simm.s32 $0x13A00;
	v3 =	vadd.s32 v1, v3  }
0xf2: {  	[tilespmem:s4], [sflag:$0x2] =	stream.indirect_vreg.gather [hbm4b:s3+s2], $0x80, v4, vm0, $0xb8;
	[tilespmem:$0x18200] =	vst v63  }
0xf3: {  	s28 =	simm.s32 $0x14200  }
0xf4: {  	[tilespmem:s28], [sflag:$0x2] =	stream.indirect_vreg.gather [hbm4b:s5+s2], $0x80, v4, vm1, $0xb8;
	[tilespmem:$0x18200] =	vst v63  }
0xf5: {  	s4 =	simm.s32 $0x14600  }
0xf6: {  	[tilespmem:s4], [sflag:$0x2] =	stream.indirect_vreg.gather [hbm4b:s3+s2], $0x80, v3, vm0, $0xb8;
	[tilespmem:$0x18200] =	vst v63  }
0xf7: {  	s28 =	simm.s32 $0x14E00  }
0xf8: {  	[tilespmem:s28], [sflag:$0x2] =	stream.indirect_vreg.gather [hbm4b:s5+s2], $0x80, v3, vm1, $0xb8;
	[tilespmem:$0x18200] =	vst v63  }
0xf9: {  	v3 =	vld [tilespmem:$0xE0];
	_ =	sdelay $0x4  }
0xfa: {  	v46 =	vshrl.u32 v3, $0x3  }
0xfb: {  	v4 =	vmul.u32 $0x18, v46  }
0xfc: {  	v3 =	vand.u32 $0x7, v3  }
0xfd: {  	v3 =	vor.u32 v3, v4  }
0xfe: {  	v4 =	vperm.xlane v3, v0;
	_ =	sdelay $0x1  }
0xff: {  	v4 =	vadd.s32 v1, v4;
	_ =	sdelay $0x1  }
0x100: {  	v3 =	vperm.xlane v3, v2;
	_ =	sdelay $0x1  }
0x101: {  	s4 =	simm.s32 $0x15200;
	v3 =	vadd.s32 v1, v3  }
0x102: {  	[tilespmem:s4], [sflag:$0x2] =	stream.indirect_vreg.gather [hbm4b:s3+s2], $0x80, v4, vm0, $0xb8;
	[tilespmem:$0x18200] =	vst v63  }
0x103: {  	s28 =	simm.s32 $0x15A00  }
0x104: {  	[tilespmem:s28], [sflag:$0x2] =	stream.indirect_vreg.gather [hbm4b:s5+s2], $0x80, v4, vm1, $0xb8;
	[tilespmem:$0x18200] =	vst v63  }
0x105: {  	s4 =	simm.s32 $0x15E00  }
0x106: {  	[tilespmem:s4], [sflag:$0x2] =	stream.indirect_vreg.gather [hbm4b:s3+s2], $0x80, v3, vm0, $0xb8;
	[tilespmem:$0x18200] =	vst v63  }
0x107: {  	s28 =	simm.s32 $0x16600  }
0x108: {  	[tilespmem:s28], [sflag:$0x2] =	stream.indirect_vreg.gather [hbm4b:s5+s2], $0x80, v3, vm1, $0xb8;
	[tilespmem:$0x18200] =	vst v63  }
0x109: {  	v3 =	vld [tilespmem:$0xF0];
	_ =	sdelay $0x4  }
0x10a: {  	v47 =	vshrl.u32 v3, $0x3  }
0x10b: {  	v4 =	vmul.u32 $0x18, v47  }
0x10c: {  	v3 =	vand.u32 $0x7, v3  }
0x10d: {  	v3 =	vor.u32 v3, v4  }
0x10e: {  	v4 =	vperm.xlane v3, v0;
	_ =	sdelay $0x1  }
0x10f: {  	v4 =	vadd.s32 v1, v4;
	_ =	sdelay $0x1  }
0x110: {  	v3 =	vperm.xlane v3, v2;
	_ =	sdelay $0x1  }
0x111: {  	s4 =	simm.s32 $0x16A00;
	v3 =	vadd.s32 v1, v3  }
0x112: {  	[tilespmem:s4], [sflag:$0x2] =	stream.indirect_vreg.gather [hbm4b:s3+s2], $0x80, v4, vm0, $0xb8;
	[tilespmem:$0x18200] =	vst v63  }
0x113: {  	s28 =	simm.s32 $0x17200  }
0x114: {  	[tilespmem:s28], [sflag:$0x2] =	stream.indirect_vreg.gather [hbm4b:s5+s2], $0x80, v4, vm1, $0xb8;
	[tilespmem:$0x18200] =	vst v63  }
0x115: {  	s4 =	simm.s32 $0x17600  }
0x116: {  	[tilespmem:s4], [sflag:$0x2] =	stream.indirect_vreg.gather [hbm4b:s3+s2], $0x80, v3, vm0, $0xb8;
	[tilespmem:$0x18200] =	vst v63  }
0x117: {  	s28 =	simm.s32 $0x17E00  }
0x118: {  	[tilespmem:s28], [sflag:$0x2] =	stream.indirect_vreg.gather [hbm4b:s5+s2], $0x80, v3, vm1, $0xb8;
	[tilespmem:$0x18200] =	vst v63  }
0x119: {  	_ =	swait.ge [sflag:s26], $0xC000  }
0x11a: {  	[sflag:s26] =	ssyncset.done $0x0  }
0x11b: {  	s4 =	simm.s32 $0x200;
	s1 =	rddreg [dreg:$0x7];
	[sflag:s26] =	ssyncadd.s32 $0xFFFF4000  }
0x11c: {  	[hbm4b:s1+s2] =	stream.linear.scatter [tilespmem:s4], [sflag:$0x3], $0xC000, $0x38;
	[tilespmem:$0x18200] =	vst v63  }
0x11d: {  	s1 =	simm.s32 $0x3  }
0x11e: {  	_ =	swait.ge [sflag:s1], $0xC000  }
0x11f: {  	[sflag:s1] =	ssyncset.done $0x0  }
0x120: {  	[sflag:s1] =	ssyncadd.s32 $0xFFFF4000  }
0x121: {  	v3 =	vld [tilespmem:$0x100];
	_ =	sdelay $0x4  }
0x122: {  	v48 =	vshrl.u32 v3, $0x3  }
0x123: {  	v4 =	vmul.u32 $0x18, v48  }
0x124: {  	v3 =	vand.u32 $0x7, v3  }
0x125: {  	v3 =	vor.u32 v3, v4  }
0x126: {  	v4 =	vperm.xlane v3, v0;
	_ =	sdelay $0x1  }
0x127: {  	v4 =	vadd.s32 v1, v4;
	_ =	sdelay $0x1  }
0x128: {  	v3 =	vperm.xlane v3, v2;
	_ =	sdelay $0x1  }
0x129: {  	v3 =	vadd.s32 v1, v3  }
0x12a: {  	[tilespmem:s4], [sflag:$0x1] =	stream.indirect_vreg.gather [hbm4b:s3+s2], $0x80, v4, vm0, $0xb8;
	[tilespmem:$0x18200] =	vst v63  }
0x12b: {  	_ = 	snop  }
0x12c: {  	[tilespmem:s29], [sflag:$0x1] =	stream.indirect_vreg.gather [hbm4b:s5+s2], $0x80, v4, vm1, $0xb8;
	[tilespmem:$0x18200] =	vst v63  }
0x12d: {  	_ = 	snop  }
0x12e: {  	[tilespmem:s30], [sflag:$0x1] =	stream.indirect_vreg.gather [hbm4b:s3+s2], $0x80, v3, vm0, $0xb8;
	[tilespmem:$0x18200] =	vst v63  }
0x12f: {  	_ = 	snop  }
0x130: {  	[tilespmem:s31], [sflag:$0x1] =	stream.indirect_vreg.gather [hbm4b:s5+s2], $0x80, v3, vm1, $0xb8;
	[tilespmem:$0x18200] =	vst v63  }
0x131: {  	v3 =	vld [tilespmem:$0x110];
	_ =	sdelay $0x4  }
0x132: {  	v49 =	vshrl.u32 v3, $0x3  }
0x133: {  	v4 =	vmul.u32 $0x18, v49  }
0x134: {  	v3 =	vand.u32 $0x7, v3  }
0x135: {  	v3 =	vor.u32 v3, v4  }
0x136: {  	v4 =	vperm.xlane v3, v0;
	_ =	sdelay $0x1  }
0x137: {  	v4 =	vadd.s32 v1, v4;
	_ =	sdelay $0x1  }
0x138: {  	v3 =	vperm.xlane v3, v2;
	_ =	sdelay $0x1  }
0x139: {  	s28 =	simm.s32 $0x1A00;
	v3 =	vadd.s32 v1, v3  }
0x13a: {  	[tilespmem:s28], [sflag:$0x1] =	stream.indirect_vreg.gather [hbm4b:s3+s2], $0x80, v4, vm0, $0xb8;
	[tilespmem:$0x18200] =	vst v63  }
0x13b: {  	s28 =	simm.s32 $0x2200  }
0x13c: {  	[tilespmem:s28], [sflag:$0x1] =	stream.indirect_vreg.gather [hbm4b:s5+s2], $0x80, v4, vm1, $0xb8;
	[tilespmem:$0x18200] =	vst v63  }
0x13d: {  	_ = 	snop  }
0x13e: {  	[tilespmem:s9], [sflag:$0x1] =	stream.indirect_vreg.gather [hbm4b:s3+s2], $0x80, v3, vm0, $0xb8;
	[tilespmem:$0x18200] =	vst v63  }
0x13f: {  	_ = 	snop  }
0x140: {  	[tilespmem:s10], [sflag:$0x1] =	stream.indirect_vreg.gather [hbm4b:s5+s2], $0x80, v3, vm1, $0xb8;
	[tilespmem:$0x18200] =	vst v63  }
0x141: {  	v3 =	vld [tilespmem:$0x120];
	_ =	sdelay $0x4  }
0x142: {  	v50 =	vshrl.u32 v3, $0x3  }
0x143: {  	v4 =	vmul.u32 $0x18, v50  }
0x144: {  	v3 =	vand.u32 $0x7, v3  }
0x145: {  	v3 =	vor.u32 v3, v4  }
0x146: {  	v4 =	vperm.xlane v3, v0;
	_ =	sdelay $0x1  }
0x147: {  	v4 =	vadd.s32 v1, v4;
	_ =	sdelay $0x1  }
0x148: {  	v3 =	vperm.xlane v3, v2;
	_ =	sdelay $0x1  }
0x149: {  	v3 =	vadd.s32 v1, v3  }
0x14a: {  	[tilespmem:s11], [sflag:$0x1] =	stream.indirect_vreg.gather [hbm4b:s3+s2], $0x80, v4, vm0, $0xb8;
	[tilespmem:$0x18200] =	vst v63  }
0x14b: {  	_ = 	snop  }
0x14c: {  	[tilespmem:s12], [sflag:$0x1] =	stream.indirect_vreg.gather [hbm4b:s5+s2], $0x80, v4, vm1, $0xb8;
	[tilespmem:$0x18200] =	vst v63  }
0x14d: {  	_ = 	snop  }
0x14e: {  	[tilespmem:s13], [sflag:$0x1] =	stream.indirect_vreg.gather [hbm4b:s3+s2], $0x80, v3, vm0, $0xb8;
	[tilespmem:$0x18200] =	vst v63  }
0x14f: {  	_ = 	snop  }
0x150: {  	[tilespmem:s14], [sflag:$0x1] =	stream.indirect_vreg.gather [hbm4b:s5+s2], $0x80, v3, vm1, $0xb8;
	[tilespmem:$0x18200] =	vst v63  }
0x151: {  	v3 =	vld [tilespmem:$0x130];
	_ =	sdelay $0x4  }
0x152: {  	v51 =	vshrl.u32 v3, $0x3  }
0x153: {  	v4 =	vmul.u32 $0x18, v51  }
0x154: {  	v3 =	vand.u32 $0x7, v3  }
0x155: {  	v3 =	vor.u32 v3, v4  }
0x156: {  	v4 =	vperm.xlane v3, v0;
	_ =	sdelay $0x1  }
0x157: {  	v4 =	vadd.s32 v1, v4;
	_ =	sdelay $0x1  }
0x158: {  	v3 =	vperm.xlane v3, v2;
	_ =	sdelay $0x1  }
0x159: {  	v3 =	vadd.s32 v1, v3  }
0x15a: {  	[tilespmem:s15], [sflag:$0x1] =	stream.indirect_vreg.gather [hbm4b:s3+s2], $0x80, v4, vm0, $0xb8;
	[tilespmem:$0x18200] =	vst v63  }
0x15b: {  	_ = 	snop  }
0x15c: {  	[tilespmem:s17], [sflag:$0x1] =	stream.indirect_vreg.gather [hbm4b:s5+s2], $0x80, v4, vm1, $0xb8;
	[tilespmem:$0x18200] =	vst v63  }
0x15d: {  	_ = 	snop  }
0x15e: {  	[tilespmem:s18], [sflag:$0x1] =	stream.indirect_vreg.gather [hbm4b:s3+s2], $0x80, v3, vm0, $0xb8;
	[tilespmem:$0x18200] =	vst v63  }
0x15f: {  	s28 =	simm.s32 $0x5E00  }
0x160: {  	[tilespmem:s28], [sflag:$0x1] =	stream.indirect_vreg.gather [hbm4b:s5+s2], $0x80, v3, vm1, $0xb8;
	[tilespmem:$0x18200] =	vst v63  }
0x161: {  	v3 =	vld [tilespmem:$0x140];
	_ =	sdelay $0x4  }
0x162: {  	v52 =	vshrl.u32 v3, $0x3  }
0x163: {  	v4 =	vmul.u32 $0x18, v52  }
0x164: {  	v3 =	vand.u32 $0x7, v3  }
0x165: {  	v3 =	vor.u32 v3, v4  }
0x166: {  	v4 =	vperm.xlane v3, v0;
	_ =	sdelay $0x1  }
0x167: {  	v4 =	vadd.s32 v1, v4;
	_ =	sdelay $0x1  }
0x168: {  	v3 =	vperm.xlane v3, v2;
	_ =	sdelay $0x1  }
0x169: {  	v3 =	vadd.s32 v1, v3  }
0x16a: {  	[tilespmem:s19], [sflag:$0x1] =	stream.indirect_vreg.gather [hbm4b:s3+s2], $0x80, v4, vm0, $0xb8;
	[tilespmem:$0x18200] =	vst v63  }
0x16b: {  	_ = 	snop  }
0x16c: {  	[tilespmem:s20], [sflag:$0x1] =	stream.indirect_vreg.gather [hbm4b:s5+s2], $0x80, v4, vm1, $0xb8;
	[tilespmem:$0x18200] =	vst v63  }
0x16d: {  	_ = 	snop  }
0x16e: {  	[tilespmem:s21], [sflag:$0x1] =	stream.indirect_vreg.gather [hbm4b:s3+s2], $0x80, v3, vm0, $0xb8;
	[tilespmem:$0x18200] =	vst v63  }
0x16f: {  	_ = 	snop  }
0x170: {  	[tilespmem:s22], [sflag:$0x1] =	stream.indirect_vreg.gather [hbm4b:s5+s2], $0x80, v3, vm1, $0xb8;
	[tilespmem:$0x18200] =	vst v63  }
0x171: {  	v3 =	vld [tilespmem:$0x150];
	_ =	sdelay $0x4  }
0x172: {  	v53 =	vshrl.u32 v3, $0x3  }
0x173: {  	v4 =	vmul.u32 $0x18, v53  }
0x174: {  	v3 =	vand.u32 $0x7, v3  }
0x175: {  	v3 =	vor.u32 v3, v4  }
0x176: {  	v4 =	vperm.xlane v3, v0;
	_ =	sdelay $0x1  }
0x177: {  	v4 =	vadd.s32 v1, v4;
	_ =	sdelay $0x1  }
0x178: {  	v3 =	vperm.xlane v3, v2;
	_ =	sdelay $0x1  }
0x179: {  	v3 =	vadd.s32 v1, v3  }
0x17a: {  	[tilespmem:s7], [sflag:$0x1] =	stream.indirect_vreg.gather [hbm4b:s3+s2], $0x80, v4, vm0, $0xb8;
	[tilespmem:$0x18200] =	vst v63  }
0x17b: {  	s28 =	simm.s32 $0x8200  }
0x17c: {  	[tilespmem:s28], [sflag:$0x1] =	stream.indirect_vreg.gather [hbm4b:s5+s2], $0x80, v4, vm1, $0xb8;
	[tilespmem:$0x18200] =	vst v63  }
0x17d: {  	_ = 	snop  }
0x17e: {  	[tilespmem:s16], [sflag:$0x1] =	stream.indirect_vreg.gather [hbm4b:s3+s2], $0x80, v3, vm0, $0xb8;
	[tilespmem:$0x18200] =	vst v63  }
0x17f: {  	_ = 	snop  }
0x180: {  	[tilespmem:s23], [sflag:$0x1] =	stream.indirect_vreg.gather [hbm4b:s5+s2], $0x80, v3, vm1, $0xb8;
	[tilespmem:$0x18200] =	vst v63  }
0x181: {  	v3 =	vld [tilespmem:$0x160];
	_ =	sdelay $0x4  }
0x182: {  	v54 =	vshrl.u32 v3, $0x3  }
0x183: {  	v4 =	vmul.u32 $0x18, v54  }
0x184: {  	v3 =	vand.u32 $0x7, v3  }
0x185: {  	v3 =	vor.u32 v3, v4  }
0x186: {  	v4 =	vperm.xlane v3, v0;
	_ =	sdelay $0x1  }
0x187: {  	v4 =	vadd.s32 v1, v4;
	_ =	sdelay $0x1  }
0x188: {  	v3 =	vperm.xlane v3, v2;
	_ =	sdelay $0x1  }
0x189: {  	v3 =	vadd.s32 v1, v3  }
0x18a: {  	[tilespmem:s24], [sflag:$0x1] =	stream.indirect_vreg.gather [hbm4b:s3+s2], $0x80, v4, vm0, $0xb8;
	[tilespmem:$0x18200] =	vst v63  }
0x18b: {  	_ = 	snop  }
0x18c: {  	[tilespmem:s25], [sflag:$0x1] =	stream.indirect_vreg.gather [hbm4b:s5+s2], $0x80, v4, vm1, $0xb8;
	[tilespmem:$0x18200] =	vst v63  }
0x18d: {  	s7 =	simm.s32 $0x9E00  }
0x18e: {  	[tilespmem:s7], [sflag:$0x1] =	stream.indirect_vreg.gather [hbm4b:s3+s2], $0x80, v3, vm0, $0xb8;
	[tilespmem:$0x18200] =	vst v63  }
0x18f: {  	s28 =	simm.s32 $0xA600  }
0x190: {  	[tilespmem:s28], [sflag:$0x1] =	stream.indirect_vreg.gather [hbm4b:s5+s2], $0x80, v3, vm1, $0xb8;
	[tilespmem:$0x18200] =	vst v63  }
0x191: {  	v3 =	vld [tilespmem:$0x170];
	_ =	sdelay $0x4  }
0x192: {  	v55 =	vshrl.u32 v3, $0x3  }
0x193: {  	v4 =	vmul.u32 $0x18, v55  }
0x194: {  	v3 =	vand.u32 $0x7, v3  }
0x195: {  	v3 =	vor.u32 v3, v4  }
0x196: {  	v4 =	vperm.xlane v3, v0;
	_ =	sdelay $0x1  }
0x197: {  	v4 =	vadd.s32 v1, v4;
	_ =	sdelay $0x1  }
0x198: {  	v3 =	vperm.xlane v3, v2;
	_ =	sdelay $0x1  }
0x199: {  	s7 =	simm.s32 $0xAA00;
	v3 =	vadd.s32 v1, v3  }
0x19a: {  	[tilespmem:s7], [sflag:$0x1] =	stream.indirect_vreg.gather [hbm4b:s3+s2], $0x80, v4, vm0, $0xb8;
	[tilespmem:$0x18200] =	vst v63  }
0x19b: {  	s28 =	simm.s32 $0xB200  }
0x19c: {  	[tilespmem:s28], [sflag:$0x1] =	stream.indirect_vreg.gather [hbm4b:s5+s2], $0x80, v4, vm1, $0xb8;
	[tilespmem:$0x18200] =	vst v63  }
0x19d: {  	s7 =	simm.s32 $0xB600  }
0x19e: {  	[tilespmem:s7], [sflag:$0x1] =	stream.indirect_vreg.gather [hbm4b:s3+s2], $0x80, v3, vm0, $0xb8;
	[tilespmem:$0x18200] =	vst v63  }
0x19f: {  	s28 =	simm.s32 $0xBE00;
	s7 =	simm.s32 $0x2  }
0x1a0: {  	[tilespmem:s28], [sflag:$0x1] =	stream.indirect_vreg.gather [hbm4b:s5+s2], $0x80, v3, vm1, $0xb8;
	[tilespmem:$0x18200] =	vst v63  }
0x1a1: {  	_ =	swait.ge [sflag:s7], $0xC000  }
0x1a2: {  	[sflag:s7] =	ssyncset.done $0x0  }
0x1a3: {  	s4 =	rddreg [dreg:$0x4];
	[sflag:s7] =	ssyncadd.s32 $0xFFFF4000  }
0x1a4: {  	[hbm4b:s4+s2] =	stream.linear.scatter [tilespmem:s0], [sflag:$0x4], $0xC000, $0x38;
	[tilespmem:$0x18200] =	vst v63  }
0x1a5: {  	_ =	swait.ge [sflag:s8], $0xC000  }
0x1a6: {  	[sflag:s8] =	ssyncset.done $0x0  }
0x1a7: {  	[sflag:s8] =	ssyncadd.s32 $0xFFFF4000  }
0x1a8: {  	v3 =	vld [tilespmem:$0x180];
	_ =	sdelay $0x4  }
0x1a9: {  	v56 =	vshrl.u32 v3, $0x3  }
0x1aa: {  	v4 =	vmul.u32 $0x18, v56  }
0x1ab: {  	v3 =	vand.u32 $0x7, v3  }
0x1ac: {  	v3 =	vor.u32 v3, v4  }
0x1ad: {  	v4 =	vperm.xlane v3, v0;
	_ =	sdelay $0x1  }
0x1ae: {  	v4 =	vadd.s32 v1, v4;
	_ =	sdelay $0x1  }
0x1af: {  	v3 =	vperm.xlane v3, v2;
	_ =	sdelay $0x1  }
0x1b0: {  	v3 =	vadd.s32 v1, v3  }
0x1b1: {  	[tilespmem:s0], [sflag:$0x2] =	stream.indirect_vreg.gather [hbm4b:s3+s2], $0x80, v4, vm0, $0xb8;
	[tilespmem:$0x18200] =	vst v63  }
0x1b2: {  	s28 =	simm.s32 $0xCA00  }
0x1b3: {  	[tilespmem:s28], [sflag:$0x2] =	stream.indirect_vreg.gather [hbm4b:s5+s2], $0x80, v4, vm1, $0xb8;
	[tilespmem:$0x18200] =	vst v63  }
0x1b4: {  	s28 =	simm.s32 $0xCE00  }
0x1b5: {  	[tilespmem:s28], [sflag:$0x2] =	stream.indirect_vreg.gather [hbm4b:s3+s2], $0x80, v3, vm0, $0xb8;
	[tilespmem:$0x18200] =	vst v63  }
0x1b6: {  	s28 =	simm.s32 $0xD600  }
0x1b7: {  	[tilespmem:s28], [sflag:$0x2] =	stream.indirect_vreg.gather [hbm4b:s5+s2], $0x80, v3, vm1, $0xb8;
	[tilespmem:$0x18200] =	vst v63  }
0x1b8: {  	v3 =	vld [tilespmem:$0x190];
	_ =	sdelay $0x4  }
0x1b9: {  	v57 =	vshrl.u32 v3, $0x3  }
0x1ba: {  	v4 =	vmul.u32 $0x18, v57  }
0x1bb: {  	v3 =	vand.u32 $0x7, v3  }
0x1bc: {  	v3 =	vor.u32 v3, v4  }
0x1bd: {  	v4 =	vperm.xlane v3, v0;
	_ =	sdelay $0x1  }
0x1be: {  	v4 =	vadd.s32 v1, v4;
	_ =	sdelay $0x1  }
0x1bf: {  	v3 =	vperm.xlane v3, v2;
	_ =	sdelay $0x1  }
0x1c0: {  	s28 =	simm.s32 $0xDA00;
	v3 =	vadd.s32 v1, v3  }
0x1c1: {  	[tilespmem:s28], [sflag:$0x2] =	stream.indirect_vreg.gather [hbm4b:s3+s2], $0x80, v4, vm0, $0xb8;
	[tilespmem:$0x18200] =	vst v63  }
0x1c2: {  	s28 =	simm.s32 $0xE200  }
0x1c3: {  	[tilespmem:s28], [sflag:$0x2] =	stream.indirect_vreg.gather [hbm4b:s5+s2], $0x80, v4, vm1, $0xb8;
	[tilespmem:$0x18200] =	vst v63  }
0x1c4: {  	s28 =	simm.s32 $0xE600  }
0x1c5: {  	[tilespmem:s28], [sflag:$0x2] =	stream.indirect_vreg.gather [hbm4b:s3+s2], $0x80, v3, vm0, $0xb8;
	[tilespmem:$0x18200] =	vst v63  }
0x1c6: {  	s28 =	simm.s32 $0xEE00  }
0x1c7: {  	[tilespmem:s28], [sflag:$0x2] =	stream.indirect_vreg.gather [hbm4b:s5+s2], $0x80, v3, vm1, $0xb8;
	[tilespmem:$0x18200] =	vst v63  }
0x1c8: {  	v3 =	vld [tilespmem:$0x1A0];
	_ =	sdelay $0x4  }
0x1c9: {  	v58 =	vshrl.u32 v3, $0x3  }
0x1ca: {  	v4 =	vmul.u32 $0x18, v58  }
0x1cb: {  	v3 =	vand.u32 $0x7, v3  }
0x1cc: {  	v3 =	vor.u32 v3, v4  }
0x1cd: {  	v4 =	vperm.xlane v3, v0;
	_ =	sdelay $0x1  }
0x1ce: {  	v4 =	vadd.s32 v1, v4;
	_ =	sdelay $0x1  }
0x1cf: {  	v3 =	vperm.xlane v3, v2;
	_ =	sdelay $0x1  }
0x1d0: {  	s28 =	simm.s32 $0xF200;
	v3 =	vadd.s32 v1, v3  }
0x1d1: {  	[tilespmem:s28], [sflag:$0x2] =	stream.indirect_vreg.gather [hbm4b:s3+s2], $0x80, v4, vm0, $0xb8;
	[tilespmem:$0x18200] =	vst v63  }
0x1d2: {  	s28 =	simm.s32 $0xFA00  }
0x1d3: {  	[tilespmem:s28], [sflag:$0x2] =	stream.indirect_vreg.gather [hbm4b:s5+s2], $0x80, v4, vm1, $0xb8;
	[tilespmem:$0x18200] =	vst v63  }
0x1d4: {  	s28 =	simm.s32 $0xFE00  }
0x1d5: {  	[tilespmem:s28], [sflag:$0x2] =	stream.indirect_vreg.gather [hbm4b:s3+s2], $0x80, v3, vm0, $0xb8;
	[tilespmem:$0x18200] =	vst v63  }
0x1d6: {  	s28 =	simm.s32 $0x10600  }
0x1d7: {  	[tilespmem:s28], [sflag:$0x2] =	stream.indirect_vreg.gather [hbm4b:s5+s2], $0x80, v3, vm1, $0xb8;
	[tilespmem:$0x18200] =	vst v63  }
0x1d8: {  	v3 =	vld [tilespmem:$0x1B0];
	_ =	sdelay $0x4  }
0x1d9: {  	v59 =	vshrl.u32 v3, $0x3  }
0x1da: {  	v4 =	vmul.u32 $0x18, v59  }
0x1db: {  	v3 =	vand.u32 $0x7, v3  }
0x1dc: {  	v3 =	vor.u32 v3, v4  }
0x1dd: {  	v4 =	vperm.xlane v3, v0;
	_ =	sdelay $0x1  }
0x1de: {  	v4 =	vadd.s32 v1, v4;
	_ =	sdelay $0x1  }
0x1df: {  	v3 =	vperm.xlane v3, v2;
	_ =	sdelay $0x1  }
0x1e0: {  	s28 =	simm.s32 $0x10A00;
	v3 =	vadd.s32 v1, v3  }
0x1e1: {  	[tilespmem:s28], [sflag:$0x2] =	stream.indirect_vreg.gather [hbm4b:s3+s2], $0x80, v4, vm0, $0xb8;
	[tilespmem:$0x18200] =	vst v63  }
0x1e2: {  	s28 =	simm.s32 $0x11200  }
0x1e3: {  	[tilespmem:s28], [sflag:$0x2] =	stream.indirect_vreg.gather [hbm4b:s5+s2], $0x80, v4, vm1, $0xb8;
	[tilespmem:$0x18200] =	vst v63  }
0x1e4: {  	s28 =	simm.s32 $0x11600  }
0x1e5: {  	[tilespmem:s28], [sflag:$0x2] =	stream.indirect_vreg.gather [hbm4b:s3+s2], $0x80, v3, vm0, $0xb8;
	[tilespmem:$0x18200] =	vst v63  }
0x1e6: {  	s28 =	simm.s32 $0x11E00  }
0x1e7: {  	[tilespmem:s28], [sflag:$0x2] =	stream.indirect_vreg.gather [hbm4b:s5+s2], $0x80, v3, vm1, $0xb8;
	[tilespmem:$0x18200] =	vst v63  }
0x1e8: {  	v3 =	vld [tilespmem:$0x1C0];
	_ =	sdelay $0x4  }
0x1e9: {  	v60 =	vshrl.u32 v3, $0x3  }
0x1ea: {  	v4 =	vmul.u32 $0x18, v60  }
0x1eb: {  	v3 =	vand.u32 $0x7, v3  }
0x1ec: {  	v3 =	vor.u32 v3, v4  }
0x1ed: {  	v4 =	vperm.xlane v3, v0;
	_ =	sdelay $0x1  }
0x1ee: {  	v4 =	vadd.s32 v1, v4;
	_ =	sdelay $0x1  }
0x1ef: {  	v3 =	vperm.xlane v3, v2;
	_ =	sdelay $0x1  }
0x1f0: {  	s28 =	simm.s32 $0x12200;
	v3 =	vadd.s32 v1, v3  }
0x1f1: {  	[tilespmem:s28], [sflag:$0x2] =	stream.indirect_vreg.gather [hbm4b:s3+s2], $0x80, v4, vm0, $0xb8;
	[tilespmem:$0x18200] =	vst v63  }
0x1f2: {  	s28 =	simm.s32 $0x12A00  }
0x1f3: {  	[tilespmem:s28], [sflag:$0x2] =	stream.indirect_vreg.gather [hbm4b:s5+s2], $0x80, v4, vm1, $0xb8;
	[tilespmem:$0x18200] =	vst v63  }
0x1f4: {  	s28 =	simm.s32 $0x12E00  }
0x1f5: {  	[tilespmem:s28], [sflag:$0x2] =	stream.indirect_vreg.gather [hbm4b:s3+s2], $0x80, v3, vm0, $0xb8;
	[tilespmem:$0x18200] =	vst v63  }
0x1f6: {  	s28 =	simm.s32 $0x13600  }
0x1f7: {  	[tilespmem:s28], [sflag:$0x2] =	stream.indirect_vreg.gather [hbm4b:s5+s2], $0x80, v3, vm1, $0xb8;
	[tilespmem:$0x18200] =	vst v63  }
0x1f8: {  	v3 =	vld [tilespmem:$0x1D0];
	_ =	sdelay $0x4  }
0x1f9: {  	v61 =	vshrl.u32 v3, $0x3  }
0x1fa: {  	v4 =	vmul.u32 $0x18, v61  }
0x1fb: {  	v3 =	vand.u32 $0x7, v3  }
0x1fc: {  	v3 =	vor.u32 v3, v4  }
0x1fd: {  	v4 =	vperm.xlane v3, v0;
	_ =	sdelay $0x1  }
0x1fe: {  	v4 =	vadd.s32 v1, v4;
	_ =	sdelay $0x1  }
0x1ff: {  	v3 =	vperm.xlane v3, v2;
	_ =	sdelay $0x1  }
0x200: {  	s28 =	simm.s32 $0x13A00;
	v3 =	vadd.s32 v1, v3  }
0x201: {  	[tilespmem:s28], [sflag:$0x2] =	stream.indirect_vreg.gather [hbm4b:s3+s2], $0x80, v4, vm0, $0xb8;
	[tilespmem:$0x18200] =	vst v63  }
0x202: {  	s28 =	simm.s32 $0x14200  }
0x203: {  	[tilespmem:s28], [sflag:$0x2] =	stream.indirect_vreg.gather [hbm4b:s5+s2], $0x80, v4, vm1, $0xb8;
	[tilespmem:$0x18200] =	vst v63  }
0x204: {  	s28 =	simm.s32 $0x14600  }
0x205: {  	[tilespmem:s28], [sflag:$0x2] =	stream.indirect_vreg.gather [hbm4b:s3+s2], $0x80, v3, vm0, $0xb8;
	[tilespmem:$0x18200] =	vst v63  }
0x206: {  	s28 =	simm.s32 $0x14E00  }
0x207: {  	[tilespmem:s28], [sflag:$0x2] =	stream.indirect_vreg.gather [hbm4b:s5+s2], $0x80, v3, vm1, $0xb8;
	[tilespmem:$0x18200] =	vst v63  }
0x208: {  	v3 =	vld [tilespmem:$0x1E0];
	_ =	sdelay $0x4  }
0x209: {  	v62 =	vshrl.u32 v3, $0x3  }
0x20a: {  	v4 =	vmul.u32 $0x18, v62  }
0x20b: {  	v3 =	vand.u32 $0x7, v3  }
0x20c: {  	v3 =	vor.u32 v3, v4  }
0x20d: {  	v4 =	vperm.xlane v3, v0;
	_ =	sdelay $0x1  }
0x20e: {  	v4 =	vadd.s32 v1, v4;
	_ =	sdelay $0x1  }
0x20f: {  	v3 =	vperm.xlane v3, v2;
	_ =	sdelay $0x1  }
0x210: {  	s28 =	simm.s32 $0x15200;
	v3 =	vadd.s32 v1, v3  }
0x211: {  	[tilespmem:s28], [sflag:$0x2] =	stream.indirect_vreg.gather [hbm4b:s3+s2], $0x80, v4, vm0, $0xb8;
	[tilespmem:$0x18200] =	vst v63  }
0x212: {  	s28 =	simm.s32 $0x15A00  }
0x213: {  	[tilespmem:s28], [sflag:$0x2] =	stream.indirect_vreg.gather [hbm4b:s5+s2], $0x80, v4, vm1, $0xb8;
	[tilespmem:$0x18200] =	vst v63  }
0x214: {  	s28 =	simm.s32 $0x15E00  }
0x215: {  	[tilespmem:s28], [sflag:$0x2] =	stream.indirect_vreg.gather [hbm4b:s3+s2], $0x80, v3, vm0, $0xb8;
	[tilespmem:$0x18200] =	vst v63  }
0x216: {  	s28 =	simm.s32 $0x16600  }
0x217: {  	[tilespmem:s28], [sflag:$0x2] =	stream.indirect_vreg.gather [hbm4b:s5+s2], $0x80, v3, vm1, $0xb8;
	[tilespmem:$0x18200] =	vst v63  }
0x218: {  	v3 =	vld [tilespmem:$0x1F0];
	_ =	sdelay $0x4  }
0x219: {  	v63 =	vshrl.u32 v3, $0x3  }
0x21a: {  	v4 =	vmul.u32 $0x18, v63  }
0x21b: {  	v3 =	vand.u32 $0x7, v3  }
0x21c: {  	v3 =	vor.u32 v3, v4  }
0x21d: {  	v4 =	vperm.xlane v3, v0;
	_ =	sdelay $0x1  }
0x21e: {  	v4 =	vadd.s32 v1, v4;
	_ =	sdelay $0x1  }
0x21f: {  	v3 =	vperm.xlane v3, v2;
	_ =	sdelay $0x1  }
0x220: {  	s28 =	simm.s32 $0x16A00;
	v3 =	vadd.s32 v1, v3  }
0x221: {  	[tilespmem:s28], [sflag:$0x2] =	stream.indirect_vreg.gather [hbm4b:s3+s2], $0x80, v4, vm0, $0xb8;
	[tilespmem:$0x18200] =	vst v63  }
0x222: {  	s28 =	simm.s32 $0x17200  }
0x223: {  	[tilespmem:s28], [sflag:$0x2] =	stream.indirect_vreg.gather [hbm4b:s5+s2], $0x80, v4, vm1, $0xb8;
	[tilespmem:$0x18200] =	vst v63  }
0x224: {  	s28 =	simm.s32 $0x17600  }
0x225: {  	[tilespmem:s28], [sflag:$0x2] =	stream.indirect_vreg.gather [hbm4b:s3+s2], $0x80, v3, vm0, $0xb8;
	[tilespmem:$0x18200] =	vst v63  }
0x226: {  	s28 =	simm.s32 $0x17E00  }
0x227: {  	[tilespmem:s28], [sflag:$0x2] =	stream.indirect_vreg.gather [hbm4b:s5+s2], $0x80, v3, vm1, $0xb8;
	[tilespmem:$0x18200] =	vst v63  }
0x228: {  	_ =	swait.ge [sflag:s26], $0xC000  }
0x229: {  	[sflag:s26] =	ssyncset.done $0x0  }
0x22a: {  	s4 =	simm.s32 $0x200;
	s28 =	rddreg [dreg:$0x5];
	[sflag:s26] =	ssyncadd.s32 $0xFFFF4000  }
0x22b: {  	[hbm4b:s28+s2] =	stream.linear.scatter [tilespmem:s4], [sflag:$0x3], $0xC000, $0x38;
	[tilespmem:$0x18200] =	vst v63  }
0x22c: {  	_ =	swait.ge [sflag:s7], $0xC000  }
0x22d: {  	[sflag:s7] =	ssyncset.done $0x0  }
0x22e: {  	s4 =	rddreg [dreg:$0x6];
	[sflag:s7] =	ssyncadd.s32 $0xFFFF4000  }
0x22f: {  	[hbm4b:s4+s2] =	stream.linear.scatter [tilespmem:s0], [sflag:$0x4], $0xC000, $0x38;
	[tilespmem:$0x18200] =	vst v63  }
0x230: {  	p0 =	sne.s32 s6, $0x1;
	_ =	swait.ge [sflag:s1], $0xC000  }
.Ltmp0:
0x231: {  	[sflag:s1] =	ssyncset.done $0x0;
	(pc) =	sbr.rel @p0 .LBB2_1-.Ltmp0, $4  }
0x232: {  	[sflag:s1] =	ssyncadd.s32 $0xFFFF4000  }
0x233: {  	_ =	swait.ge [sflag:s8], $0xC000  }
0x234: {  	[sflag:s8] =	ssyncset.done $0x0  }
0x235: {  	s6 =	sadd.s32 $0xFFFFFFFF, s6;
	[sflag:s8] =	ssyncadd.s32 $0xFFFF4000  }
0x236: {  	_ =	sfence.sel $0x180000  }
0x237: {  	[bflag:$0x0] =	sbarrier.arrive $0xFFFF  }
0x238: {  	_ =	strace $0x9000004D  }
0x239: {  	s0 =	stileid.u32;
	[bflag:$0x2] =	sbarrier.arrive $0xFFFF  }
0x23a: {  	p0 =	sne.s32 s0, $0x0;
	s0 =	rddreg [dreg:$0x2]  }
0x23b: {  	s0 =	sadd.s32 @!p0 $0x100000, s0  }
0x23c: {  	[sflag:s0] =	ssyncadd.tile.s32 @!p0 $0x1;
	_ =	shalt  }
.Lfunc_end2:
_tile_overlayer_lowered:
.L_overlay_start_2:
0x23d: {  	(tag) =	ssettag $0x2  }
0x23e: {  	s0 =	rddreg [dreg:$0x0];
	s2 =	stileid.u32  }
0x23f: {  	s1 =	rddreg [dreg:$0x1];
	p0 =	sne.s32 s2, $0x0  }
0x240: {  	s3 =	rddreg [dreg:$0x2];
	[bflag:$0x3] =	sbarrier.arrive $0xFFFF;
	s2 =	simm.s32 @!p0 $0x1C05  }
0x241: {  	[timem:s3], [sflag:s2] =	dma.local @!p0 [hbm:s0], s1  }
0x242: {  	s0 =	simm.s32 @!p0 $0x5  }
0x243: {  	_ =	swait.ge @!p0 [sflag:s0], s1  }
0x244: {  	s1 =	ssub.s32 @!p0 $0x0, s1;
	[sflag:s0] =	ssyncset.done @!p0 $0x0  }
0x245: {  	[sflag:s0] =	ssyncadd.s32 @!p0 s1  }
0x246: {  	[bflag:$0x3] =	sbarrier.arrive $0xFFFF  }
0x247: {  	_ =	shalt  }

// kernel: kernel.7.cloned.1.call-start
scs
__scs_entry_jumppad:
0x0: {  	(pc) =	sbr.rel $0x88, $3  }
0x1: {  	(tag) =	ssettag $0x0;
	lr =	simm.s32 $0x1  }
0x2: {  	[smem:$0x3F9C] =	sst lr;
	_ =	strace $0xD0000000  }
0x3: {  	_ = 	snop  }
0x4: {  	_ = 	snop  }
0x5: {  	_ = 	snop  }
0x6: {  	_ = 	snop  }
0x7: {  	_ = 	snop  }
__scs_overlays_trampoline_lowered:
0x8: {  	[smem:$0x3FAB] =	sst s0  }
0x9: {  	[smem:$0x3FAC] =	sst s1  }
0xa: {  	[smem:$0x3FAD] =	sst s2  }
0xb: {  	[smem:$0x3FAE] =	sst s3  }
0xc: {  	[smem:$0x3FAF] =	sst s4  }
0xd: {  	[smem:$0x3FB0] =	sst s5  }
0xe: {  	[smem:$0x3FB1] =	sst s6  }
0xf: {  	[smem:$0x3FB2] =	sst s7  }
0x10: {  	[smem:$0x3FB3] =	sst s8  }
0x11: {  	[smem:$0x3FB4] =	sst s9;
	s0 =	simm.s32 @!p0 $0x0  }
0x12: {  	s1 =	sld [smem:$0x3F9A];
	s0 =	simm.s32 @p0 $0x1  }
0x13: {  	[smem:$0x3FB5] =	sst s0;
	s0 =	simm.s32 @!p1 $0x0  }
0x14: {  	s2 =	sld [smem:$0x3F99];
	s0 =	simm.s32 @p1 $0x1  }
0x15: {  	[smem:$0x3FB6] =	sst s0;
	s0 =	simm.s32 @!p2 $0x0  }
0x16: {  	s3 =	sld [smem:$0x3FDB];
	s0 =	simm.s32 @p2 $0x1  }
0x17: {  	s4 =	simm.s32 $0x1BF5;
	[smem:$0x3FB8] =	sst s0  }
0x18: {  	s0 =	sld [smem:$0x3F9B];
	_ =	swait.ge [sflag:s4], $0x0  }
0x19: {  	s7 =	sld [smem:$0x3F9C]  }
0x1a: {  	s8 =	sadd.s32 $0xFFFFE003, lr  }
0x1b: {  	s9 =	sadd.s32 $0xFFFFFEF7, lr;
	s5 =	simm.s32 $0xFFFFFFFF;
	p2 =	slt.u32 s8, $0xFFFFF086  }
0x1c: {  	p1 =	slt.u32 s9, $0xF7A;
	s5 =	simm.s32 @!p2 $0x0  }
0x1d: {  	s5 =	simm.s32 @p1 $0x1;
	p0 =	seq.s32 s7, s2  }
0x1e: {  	s7 =	smul.u32 @!p0 $0xF7A, s2;
	p2 =	seq.s32 @!p0 s5, $0x0  }
0x1f: {  	s9 =	smul.u32 $0xF7A, s1;
	s8 =	simm.s32 @!p0 $0x1BF5;
	p2 =	por !p2, p0  }
0x20: {  	[sflag:s8] =	ssyncset.s32 @!p0 $0xFFFFF086;
	s6 =	sadd.s32 @!p0 s3, s7;
	s7 =	simm.s32 @!p0 $0x108  }
0x21: {  	s3 =	sadd.s32 s3, s9;
	s6 =	sadd.s32 @!p0 $0x88, s6;
	s7 =	simm.s32 @p2 $0x1082  }
0x22: {  	[simem:s7], [sflag:s8] =	dma.local @!p0 [hbm:s6], $0xF7A  }
0x23: {  	s9 =	sor.u32 $0xD0000000, s2;
	s6 =	simm.s32 $0x108;
	_ =	swait.ge @!p0 [sflag:s8], $0x0  }
0x24: {  	s3 =	sadd.s32 $0x88, s3;
	s6 =	simm.s32 @!p1 $0x1082;
	[sflag:s4] =	ssyncset.s32 $0xFFFFF086  }
0x25: {  	[simem:s6], [sflag:s4] =	dma.local [hbm:s3], $0xF7A  }
0x26: {  	[smem:$0x3F9C] =	sst s1;
	(tag) =	ssettag s2;
	_ =	strace s9  }
0x27: {  	s1 =	sld [smem:$0x3FAC]  }
0x28: {  	s2 =	sld [smem:$0x3FAD]  }
0x29: {  	s4 =	sld [smem:$0x3FAF]  }
0x2a: {  	p0 =	seq.s32 s5, $0x0;
	s5 =	sld [smem:$0x3FB0]  }
0x2b: {  	s6 =	sld [smem:$0x3FB1]  }
0x2c: {  	s7 =	sld [smem:$0x3FB2]  }
0x2d: {  	s3 =	simm.s32 $0x108;
	s8 =	sld [smem:$0x3FB3]  }
0x2e: {  	s3 =	simm.s32 @!p0 $0x1082;
	s9 =	sld [smem:$0x3FB4]  }
0x2f: {  	lr =	sadd.s32 s0, s3;
	s0 =	sld [smem:$0x3FAB]  }
0x30: {  	s3 =	sld [smem:$0x3FAE]  }
0x31: {  	[smem:$0x3FB7] =	sst s10  }
0x32: {  	s10 =	sld [smem:$0x3FB5];
	_ =	sdelay $0x3  }
0x33: {  	p0 =	seq.s32 s10, $0x1;
	s10 =	sld [smem:$0x3FB7];
	_ =	sdelay $0x3  }
0x34: {  	[smem:$0x3FB7] =	sst s10  }
0x35: {  	s10 =	sld [smem:$0x3FB6];
	_ =	sdelay $0x3  }
0x36: {  	p1 =	seq.s32 s10, $0x1;
	s10 =	sld [smem:$0x3FB7];
	_ =	sdelay $0x3  }
0x37: {  	[smem:$0x3FB7] =	sst s10  }
0x38: {  	s10 =	sld [smem:$0x3FB8]  }
0x39: {  	_ = 	snop;
	(pc) =	sbr.ind lr, $3  }
0x3a: {  	_ = 	snop  }
0x3b: {  	_ = 	snop  }
0x3c: {  	p2 =	seq.s32 s10, $0x1;
	s10 =	sld [smem:$0x3FB7]  }
0x3d: {  	_ =	shalt  }
0x3e: {  	_ =	shalt  }
0x3f: {  	_ =	shalt  }
0x40: {  	_ =	shalt  }
0x41: {  	_ =	shalt  }
0x42: {  	_ =	shalt  }
0x43: {  	_ =	shalt  }
0x44: {  	_ =	shalt  }
0x45: {  	_ =	shalt  }
0x46: {  	_ =	shalt  }
0x47: {  	_ =	shalt  }
0x48: {  	_ =	shalt  }
0x49: {  	_ =	shalt  }
0x4a: {  	_ =	shalt  }
0x4b: {  	_ =	shalt  }
0x4c: {  	_ =	shalt  }
0x4d: {  	_ =	shalt  }
0x4e: {  	_ =	shalt  }
0x4f: {  	_ =	shalt  }
0x50: {  	_ =	shalt  }
0x51: {  	_ =	shalt  }
0x52: {  	_ =	shalt  }
0x53: {  	_ =	shalt  }
0x54: {  	_ =	shalt  }
0x55: {  	_ =	shalt  }
0x56: {  	_ =	shalt  }
0x57: {  	_ =	shalt  }
0x58: {  	_ =	shalt  }
0x59: {  	_ =	shalt  }
0x5a: {  	_ =	shalt  }
0x5b: {  	_ =	shalt  }
0x5c: {  	_ =	shalt  }
0x5d: {  	_ =	shalt  }
0x5e: {  	_ =	shalt  }
0x5f: {  	_ =	shalt  }
0x60: {  	_ =	shalt  }
0x61: {  	_ =	shalt  }
0x62: {  	_ =	shalt  }
0x63: {  	_ =	shalt  }
0x64: {  	_ =	shalt  }
0x65: {  	_ =	shalt  }
0x66: {  	_ =	shalt  }
0x67: {  	_ =	shalt  }
0x68: {  	_ =	shalt  }
0x69: {  	_ =	shalt  }
0x6a: {  	_ =	shalt  }
0x6b: {  	_ =	shalt  }
0x6c: {  	_ =	shalt  }
0x6d: {  	_ =	shalt  }
0x6e: {  	_ =	shalt  }
0x6f: {  	_ =	shalt  }
0x70: {  	_ =	shalt  }
0x71: {  	_ =	shalt  }
0x72: {  	_ =	shalt  }
0x73: {  	_ =	shalt  }
0x74: {  	_ =	shalt  }
0x75: {  	_ =	shalt  }
0x76: {  	_ =	shalt  }
0x77: {  	_ =	shalt  }
0x78: {  	_ =	shalt  }
0x79: {  	_ =	shalt  }
0x7a: {  	_ =	shalt  }
0x7b: {  	_ =	shalt  }
0x7c: {  	_ =	shalt  }
0x7d: {  	_ =	shalt  }
0x7e: {  	_ =	shalt  }
0x7f: {  	_ =	shalt  }
0x80: {  	_ =	shalt  }
0x81: {  	_ =	shalt  }
0x82: {  	_ =	shalt  }
0x83: {  	_ =	shalt  }
0x84: {  	_ =	shalt  }
0x85: {  	_ =	shalt  }
0x86: {  	_ =	shalt  }
0x87: {  	_ =	shalt  }
.Lfunc_end0:
.L_simem_size_0:
called_computation_lowered:
.L_overlay_start_0:
0x88: {  	s2 =	sld [smem:$0x3FD9]  }
0x89: {  	s3 =	sld [smem:$0x3FFE];
	_ =	sdelay $0x1  }
0x8a: {  	s1 =	srdreg.scid  }
0x8b: {  	s0 =	sand.u32 $0x1, s1  }
0x8c: {  	s17 =	sshll.u32 s0, $0xA;
	s2 =	sadd.s32 s3, s2  }
0x8d: {  	s2 =	sadd.s32 s2, s17  }
0x8e: {  	[smem:$0x3FC3] =	sst s2  }
0x8f: {  	_ = 	snop  }
0x90: {  	s2 =	sld [smem:$0x3FC9];
	(tm) =	ssettm $0x1  }
0x91: {  	s18 =	sld [smem:$0x3FFB];
	_ =	sdelay $0x3  }
0x92: {  	_ =	strace s18  }
0x93: {  	s3 =	sld [smem:$0x3FFC];
	_ =	sdelay $0x3  }
0x94: {  	_ =	strace s3  }
0x95: {  	s3 =	sld [smem:$0x3FFD];
	_ =	sdelay $0x3  }
0x96: {  	_ =	strace s3  }
0x97: {  	_ =	strace $0x8FFFFFFF  }
0x98: {  	s19 =	sld [smem:$0x3FDB];
	_ =	sdelay $0x1  }
0x99: {  	s4 =	simm.s32 $_scs_section_size  }
0x9a: {  	s5 =	simm.s32 $_size__tile_overlayer_lowered;
	s6 =	simm.s32 $_tile_overlayer_lowered  }
0x9b: {  	s22 =	simm.s32 $0x1BFF;
	s21 =	sshll.u32 s6, $0x1;
	s3 =	sadd.s32 s4, s19  }
0x9c: {  	s7 =	simm.s32 $0x0;
	s20 =	sshll.u32 s5, $0x1;
	s5 =	sadd.s32 s21, s3  }
0x9d: {  	[timem:s7], [sflag:s22] =	dma.local [hbm:s5], s20  }
0x9e: {  	_ =	swait.ge [sflag:s22], s20  }
0x9f: {  	s4 =	ssub.s32 $0x0, s20;
	[sflag:s22] =	ssyncset.done $0x0  }
0xa0: {  	[sflag:s22] =	ssyncadd.s32 s4;
	_ =	sdelay $0x1  }
0xa1: {  	s23 =	simm.s32 $0x1B8B  }
0xa2: {  	_ =	swait.ge [sflag:s23], $0x1  }
0xa3: {  	[sflag:s23] =	ssyncset.done $0x0  }
0xa4: {  	s25 =	simm.s32 $0x1B8E;
	s24 =	sld [smem:$0x3FFE];
	[sflag:s23] =	ssyncadd.s32 $0xFFFFFFFF  }
0xa5: {  	s26 =	simm.s32 $execute0_lowered;
	[smem:$0x3FD2] =	sst s25  }
0xa6: {  	s5 =	sshll.u32 s26, $0x1;
	_ =	strace $0x80000046;
	[dreg:$0x1] =	wrdreg $0xFFFFFFFF  }
0xa7: {  	s28 =	simm.s32 $_size_execute0_lowered;
	s3 =	sadd.s32 s3, s5;
	[dreg:$0x0] =	wrdreg $0x0  }
0xa8: {  	s5 =	sshll.u32 s28, $0x1;
	[dreg:$0x2] =	wrdreg s3  }
0xa9: {  	[dreg:$0x3] =	wrdreg s5  }
0xaa: {  	[dreg:$0x4] =	wrdreg $0xC0  }
0xab: {  	_ =	task [dreg:s7], $0x5FFFF  }
0xac: {  	[dreg:$0x1] =	wrdreg $0xFFFFFFFF  }
0xad: {  	[dreg:$0x0] =	wrdreg $0x60  }
0xae: {  	[dreg:$0x2] =	wrdreg s2  }
0xaf: {  	[dreg:$0x3] =	wrdreg s24  }
0xb0: {  	[dreg:$0x4] =	wrdreg $0x9  }
0xb1: {  	_ =	task.clear_ibuf [dreg:s7], $0x5FFFF;
	_ =	strace $0x90000046  }
0xb2: {  	s29 =	simm.s32 $0x9;
	_ =	strace $0x80000048  }
0xb3: {  	_ =	swait.ge [sflag:s29], $0x1  }
0xb4: {  	[sflag:s29] =	ssyncadd.s32 $0xFFFFFFFF  }
0xb5: {  	_ =	strace $0x90000048  }
0xb6: {  	_ =	sfence  }
0xb7: {  	s30 =	sld [smem:$0x0];
	_ =	sdelay $0x2  }
0xb8: {  	s31 =	sshll.u32 s1, $0xD;
	s1 =	sshrl.u32 s1, $0x2  }
0xb9: {  	s3 =	sand.u32 $0x4000, s31;
	s1 =	sadd.s32 s1, s30  }
0xba: {  	s0 =	sor.u32 s3, s0;
	s1 =	sshll.u32 s1, $0x11  }
0xbb: {  	s0 =	sor.u32 s1, s0  }
0xbc: {  	s0 =	sadd.s32 $0x8F2B, s0  }
0xbd: {  	[sflag:s0] =	ssyncadd.remote.s32 $0x1  }
0xbe: {  	_ =	sfence.sel $0xFFFF  }
0xbf: {  	[dreg:$0x0] =	wrdreg $0xFFFFFFFF;
	(pc) =	sbr.abs _section_cstart, $3  }
0xc0: {  	[dreg:$0x1] =	wrdreg $0xFFFFFFFF  }
0xc1: {  	_ =	task.clear_ibuf [dreg:s7], $0x2FFFF;
	_ =	strace $0x9FFFFFFF  }
0xc2: {  	(tm) =	ssettm $0x7FFFFFFF  }
0xc3: {  	_ =	shalt  }
tec
execute0_lowered:
.L_overlay_start_1:
0x0: {  	(tag) =	ssettag $0x1  }
0x1: {  	s1 =	srdreg.scid;
	s0 =	stileid.u32  }
0x2: {  	s1 =	sand.u32 $0x1, s1;
	s2 =	sshll.u32 s0, $0x1  }
0x3: {  	s2 =	sor.u32 s1, s2  }
0x4: {  	s3 =	smul.u32 $0x140, s2  }
0x5: {  	s4 =	rddreg [dreg:$0x1]  }
0x6: {  	s2 =	rddreg [dreg:$0x0];
	s5 =	sshrl.u32 s3, $0x3;
	s3 =	simm.s32 $0x0  }
0x7: {  	s7 =	simm.s32 $0x6D80;
	[smem:$0x7FF] =	sst s3  }
0x8: {  	s8 =	simm.s32 $0x7580;
	_ =	strace $0x80000047;
	[dreg:$0x9] =	wrdreg s7  }
0x9: {  	s9 =	simm.s32 $0x7980;
	[dreg:$0xa] =	wrdreg s8  }
0xa: {  	s10 =	simm.s32 $0x8180;
	[dreg:$0xb] =	wrdreg s9  }
0xb: {  	s11 =	simm.s32 $0x8580;
	[dreg:$0xc] =	wrdreg s10  }
0xc: {  	s12 =	simm.s32 $0x8D80;
	[dreg:$0xd] =	wrdreg s11  }
0xd: {  	s13 =	simm.s32 $0x9180;
	[dreg:$0xe] =	wrdreg s12  }
0xe: {  	s14 =	simm.s32 $0x9980;
	[dreg:$0xf] =	wrdreg s13  }
0xf: {  	s15 =	simm.s32 $0x9D80;
	[dreg:$0x10] =	wrdreg s14  }
0x10: {  	s16 =	simm.s32 $0xA580;
	[dreg:$0x11] =	wrdreg s15  }
0x11: {  	s17 =	simm.s32 $0xA980;
	[dreg:$0x12] =	wrdreg s16  }
0x12: {  	s18 =	simm.s32 $0xB180;
	[dreg:$0x13] =	wrdreg s17  }
0x13: {  	s19 =	simm.s32 $0xB580;
	[dreg:$0x14] =	wrdreg s18  }
0x14: {  	s20 =	simm.s32 $0xBD80;
	[dreg:$0x15] =	wrdreg s19  }
0x15: {  	s21 =	simm.s32 $0xC980;
	[dreg:$0x16] =	wrdreg s20  }
0x16: {  	s22 =	simm.s32 $0xCD80;
	[dreg:$0x17] =	wrdreg s21  }
0x17: {  	s23 =	simm.s32 $0xD580;
	[dreg:$0x18] =	wrdreg s22  }
0x18: {  	s24 =	simm.s32 $0xD980;
	s25 =	simm.s32 $0xE180;
	[dreg:$0x19] =	wrdreg s23  }
0x19: {  	s6 =	smul.u32 $0x180, s5;
	s5 =	sadd.s32 s5, s4;
	[dreg:$0x1a] =	wrdreg s24  }
0x1a: {  	s5 =	sadd.s32 $0x2200, s5;
	[dreg:$0x1b] =	wrdreg s25  }
0x1b: {  	s7 =	simm.s32 $0xF180;
	[dreg:$0x3] =	wrdreg s5  }
0x1c: {  	s28 =	simm.s32 $0x17D80;
	s8 =	simm.s32 $0xF980;
	[dreg:$0x1e] =	wrdreg s7  }
0x1d: {  	s29 =	simm.s32 $0x1;
	s9 =	simm.s32 $0xFD80;
	[dreg:$0x1f] =	wrdreg s8  }
0x1e: {  	s30 =	simm.s32 $0x3;
	s10 =	simm.s32 $0x10580;
	[smem:$0x7EC] =	sst s9  }
0x1f: {  	s31 =	simm.s32 $0x2;
	s11 =	simm.s32 $0x10980;
	[smem:$0x7ED] =	sst s10  }
0x20: {  	s1 =	ssub.s32 $0x2, s1;
	s12 =	simm.s32 $0x11180;
	[smem:$0x7EE] =	sst s11  }
0x21: {  	s13 =	simm.s32 $0x11580;
	s14 =	simm.s32 $0x11D80;
	[smem:$0x7EF] =	sst s12  }
0x22: {  	s15 =	simm.s32 $0x12180;
	s16 =	simm.s32 $0x12980;
	[smem:$0x7F0] =	sst s13  }
0x23: {  	s17 =	simm.s32 $0x12D80;
	s18 =	simm.s32 $0x13580;
	[smem:$0x7F1] =	sst s14  }
0x24: {  	s19 =	simm.s32 $0x13980;
	s20 =	simm.s32 $0x14180;
	[smem:$0x7F2] =	sst s15  }
0x25: {  	s21 =	simm.s32 $0x14580;
	s22 =	simm.s32 $0x14D80;
	[smem:$0x7F3] =	sst s16  }
0x26: {  	s23 =	simm.s32 $0x15180;
	s24 =	simm.s32 $0x15980;
	[smem:$0x7F4] =	sst s17  }
0x27: {  	s25 =	simm.s32 $0x15D80;
	s4 =	sadd.s32 s6, s4;
	[smem:$0x7F5] =	sst s18  }
0x28: {  	s5 =	simm.s32 $0x6180;
	s6 =	simm.s32 $0x6980;
	[smem:$0x7F6] =	sst s19  }
0x29: {  	s7 =	simm.s32 $0x180;
	s8 =	simm.s32 $0x980;
	[smem:$0x7F7] =	sst s20  }
0x2a: {  	s9 =	simm.s32 $0xD80;
	s10 =	simm.s32 $0x1580;
	[smem:$0x7F8] =	sst s21  }
0x2b: {  	s11 =	simm.s32 $0x1980;
	s12 =	simm.s32 $0x2180;
	[smem:$0x7F9] =	sst s22  }
0x2c: {  	s13 =	simm.s32 $0x2580;
	s14 =	simm.s32 $0x2D80;
	[smem:$0x7FA] =	sst s23  }
0x2d: {  	s15 =	simm.s32 $0x3180;
	s16 =	simm.s32 $0x3980;
	[smem:$0x7FB] =	sst s24  }
0x2e: {  	s17 =	simm.s32 $0x3D80;
	s18 =	simm.s32 $0x4580;
	[smem:$0x7FC] =	sst s25  }
0x2f: {  	s19 =	simm.s32 $0x4980;
	s20 =	simm.s32 $0x5180;
	[dreg:$0x7] =	wrdreg s5  }
0x30: {  	s21 =	simm.s32 $0x5580;
	s26 =	sadd.s32 $0x2800, s4;
	[dreg:$0x8] =	wrdreg s6  }
0x31: {  	s22 =	simm.s32 $0x5D80;
	s0 =	sadd.s32 $0x4000, s4;
	[dreg:$0x4] =	wrdreg s26  }
0x32: {  	s23 =	simm.s32 $0xC180;
	s4 =	sadd.s32 $0x5800, s4;
	[dreg:$0x5] =	wrdreg s0  }
0x33: {  	s25 =	simm.s32 $0x17180;
	s6 =	simm.s32 $0xED80;
	[dreg:$0x6] =	wrdreg s4  }
0x34: {  	s26 =	sshrl.u32 s1, $0x1;
	s0 =	simm.s32 $0xE580;
	s4 =	sadd.s32 $0x100, s2  }
0x35: {  	v2 =	vlaneseq.u32;
	[dreg:$0x1d] =	wrdreg s6;
	s6 =	simm.s32 $0x5;
	s1 =	ssub.s32 s1, s26  }
0x36: {  	vm0 =	vmmov $0xffff;
	vm1 =	vmmov $0xff;
	v1 =	vshrl.u32 v2, $0x3;
	[dreg:$0x1c] =	wrdreg s0;
	s26 =	simm.s32 $0x16580;
	s5 =	smax.u32 s1, $0x1  }
0x37: {  	v0 =	vand.u32 $0x7, v2;
	v2 =	vor.u32 $0x8, v2;
	v1 =	vmul.u32 $0x8, v1;
	[smem:$0x7FD] =	sst s26;
	s26 =	simm.s32 $0x17580;
	s1 =	simm.s32 $0x4  }
.LBB2_1:
0x38: {  	s0 =	rddreg [dreg:$0x3]  }
0x39: {  	[tilespmem:s3], [sflag:$0x5] =	stream.linear.gather [hbm4b:s0+s3], $0x140, $0x38;
	[tilespmem:$0x18180] =	vst v63  }
0x3a: {  	_ =	swait.ge [sflag:s6], $0x140  }
0x3b: {  	[sflag:s6] =	ssyncset.done $0x0  }
0x3c: {  	[sflag:s6] =	ssyncadd.s32 $0xFFFFFEC0  }
0x3d: {  	v3 =	vld [tilespmem:$0x0];
	_ =	sdelay $0x4  }
0x3e: {  	v4 =	vshrl.u32 v3, $0x3  }
0x3f: {  	v4 =	vmul.u32 $0x18, v4  }
0x40: {  	v3 =	vand.u32 $0x7, v3  }
0x41: {  	v3 =	vor.u32 v3, v4  }
0x42: {  	v4 =	vperm.xlane v3, v0;
	_ =	sdelay $0x1  }
0x43: {  	v4 =	vadd.s32 v1, v4;
	_ =	sdelay $0x1  }
0x44: {  	v3 =	vperm.xlane v3, v2;
	_ =	sdelay $0x1  }
0x45: {  	v3 =	vadd.s32 v1, v3  }
0x46: {  	[tilespmem:s7], [sflag:$0x1] =	stream.indirect_vreg.gather [hbm4b:s2+s3], $0x80, v4, vm0, $0xb8;
	[tilespmem:$0x18180] =	vst v63  }
0x47: {  	_ = 	snop  }
0x48: {  	[tilespmem:s8], [sflag:$0x1] =	stream.indirect_vreg.gather [hbm4b:s4+s3], $0x80, v4, vm1, $0xb8;
	[tilespmem:$0x18180] =	vst v63  }
0x49: {  	_ = 	snop  }
0x4a: {  	[tilespmem:s9], [sflag:$0x1] =	stream.indirect_vreg.gather [hbm4b:s2+s3], $0x80, v3, vm0, $0xb8;
	[tilespmem:$0x18180] =	vst v63  }
0x4b: {  	_ = 	snop  }
0x4c: {  	[tilespmem:s10], [sflag:$0x1] =	stream.indirect_vreg.gather [hbm4b:s4+s3], $0x80, v3, vm1, $0xb8;
	[tilespmem:$0x18180] =	vst v63  }
0x4d: {  	v3 =	vld [tilespmem:$0x10];
	_ =	sdelay $0x4  }
0x4e: {  	v45 =	vshrl.u32 v3, $0x3  }
0x4f: {  	v4 =	vmul.u32 $0x18, v45  }
0x50: {  	v3 =	vand.u32 $0x7, v3  }
0x51: {  	v3 =	vor.u32 v3, v4  }
0x52: {  	v4 =	vperm.xlane v3, v0;
	_ =	sdelay $0x1  }
0x53: {  	v4 =	vadd.s32 v1, v4;
	_ =	sdelay $0x1  }
0x54: {  	v3 =	vperm.xlane v3, v2;
	_ =	sdelay $0x1  }
0x55: {  	v3 =	vadd.s32 v1, v3  }
0x56: {  	[tilespmem:s11], [sflag:$0x1] =	stream.indirect_vreg.gather [hbm4b:s2+s3], $0x80, v4, vm0, $0xb8;
	[tilespmem:$0x18180] =	vst v63  }
0x57: {  	_ = 	snop  }
0x58: {  	[tilespmem:s12], [sflag:$0x1] =	stream.indirect_vreg.gather [hbm4b:s4+s3], $0x80, v4, vm1, $0xb8;
	[tilespmem:$0x18180] =	vst v63  }
0x59: {  	_ = 	snop  }
0x5a: {  	[tilespmem:s13], [sflag:$0x1] =	stream.indirect_vreg.gather [hbm4b:s2+s3], $0x80, v3, vm0, $0xb8;
	[tilespmem:$0x18180] =	vst v63  }
0x5b: {  	_ = 	snop  }
0x5c: {  	[tilespmem:s14], [sflag:$0x1] =	stream.indirect_vreg.gather [hbm4b:s4+s3], $0x80, v3, vm1, $0xb8;
	[tilespmem:$0x18180] =	vst v63  }
0x5d: {  	v3 =	vld [tilespmem:$0x20];
	_ =	sdelay $0x4  }
0x5e: {  	v46 =	vshrl.u32 v3, $0x3  }
0x5f: {  	v4 =	vmul.u32 $0x18, v46  }
0x60: {  	v3 =	vand.u32 $0x7, v3  }
0x61: {  	v3 =	vor.u32 v3, v4  }
0x62: {  	v4 =	vperm.xlane v3, v0;
	_ =	sdelay $0x1  }
0x63: {  	v4 =	vadd.s32 v1, v4;
	_ =	sdelay $0x1  }
0x64: {  	v3 =	vperm.xlane v3, v2;
	_ =	sdelay $0x1  }
0x65: {  	v3 =	vadd.s32 v1, v3  }
0x66: {  	[tilespmem:s15], [sflag:$0x1] =	stream.indirect_vreg.gather [hbm4b:s2+s3], $0x80, v4, vm0, $0xb8;
	[tilespmem:$0x18180] =	vst v63  }
0x67: {  	_ = 	snop  }
0x68: {  	[tilespmem:s16], [sflag:$0x1] =	stream.indirect_vreg.gather [hbm4b:s4+s3], $0x80, v4, vm1, $0xb8;
	[tilespmem:$0x18180] =	vst v63  }
0x69: {  	_ = 	snop  }
0x6a: {  	[tilespmem:s17], [sflag:$0x1] =	stream.indirect_vreg.gather [hbm4b:s2+s3], $0x80, v3, vm0, $0xb8;
	[tilespmem:$0x18180] =	vst v63  }
0x6b: {  	_ = 	snop  }
0x6c: {  	[tilespmem:s18], [sflag:$0x1] =	stream.indirect_vreg.gather [hbm4b:s4+s3], $0x80, v3, vm1, $0xb8;
	[tilespmem:$0x18180] =	vst v63  }
0x6d: {  	v3 =	vld [tilespmem:$0x30];
	_ =	sdelay $0x4  }
0x6e: {  	v47 =	vshrl.u32 v3, $0x3  }
0x6f: {  	v4 =	vmul.u32 $0x18, v47  }
0x70: {  	v3 =	vand.u32 $0x7, v3  }
0x71: {  	v3 =	vor.u32 v3, v4  }
0x72: {  	v4 =	vperm.xlane v3, v0;
	_ =	sdelay $0x1  }
0x73: {  	v4 =	vadd.s32 v1, v4;
	_ =	sdelay $0x1  }
0x74: {  	v3 =	vperm.xlane v3, v2;
	_ =	sdelay $0x1  }
0x75: {  	v3 =	vadd.s32 v1, v3  }
0x76: {  	[tilespmem:s19], [sflag:$0x1] =	stream.indirect_vreg.gather [hbm4b:s2+s3], $0x80, v4, vm0, $0xb8;
	[tilespmem:$0x18180] =	vst v63  }
0x77: {  	_ = 	snop  }
0x78: {  	[tilespmem:s20], [sflag:$0x1] =	stream.indirect_vreg.gather [hbm4b:s4+s3], $0x80, v4, vm1, $0xb8;
	[tilespmem:$0x18180] =	vst v63  }
0x79: {  	_ = 	snop  }
0x7a: {  	[tilespmem:s21], [sflag:$0x1] =	stream.indirect_vreg.gather [hbm4b:s2+s3], $0x80, v3, vm0, $0xb8;
	[tilespmem:$0x18180] =	vst v63  }
0x7b: {  	_ = 	snop  }
0x7c: {  	[tilespmem:s22], [sflag:$0x1] =	stream.indirect_vreg.gather [hbm4b:s4+s3], $0x80, v3, vm1, $0xb8;
	[tilespmem:$0x18180] =	vst v63  }
0x7d: {  	v3 =	vld [tilespmem:$0x40];
	_ =	sdelay $0x4  }
0x7e: {  	v48 =	vshrl.u32 v3, $0x3  }
0x7f: {  	v4 =	vmul.u32 $0x18, v48  }
0x80: {  	v3 =	vand.u32 $0x7, v3  }
0x81: {  	v3 =	vor.u32 v3, v4  }
0x82: {  	v4 =	vperm.xlane v3, v0;
	_ =	sdelay $0x1  }
0x83: {  	v4 =	vadd.s32 v1, v4;
	_ =	sdelay $0x1  }
0x84: {  	v3 =	vperm.xlane v3, v2;
	_ =	sdelay $0x1  }
0x85: {  	s0 =	rddreg [dreg:$0x7];
	v3 =	vadd.s32 v1, v3  }
0x86: {  	[tilespmem:s0], [sflag:$0x1] =	stream.indirect_vreg.gather [hbm4b:s2+s3], $0x80, v4, vm0, $0xb8;
	[tilespmem:$0x18180] =	vst v63  }
0x87: {  	s24 =	rddreg [dreg:$0x8]  }
0x88: {  	[tilespmem:s24], [sflag:$0x1] =	stream.indirect_vreg.gather [hbm4b:s4+s3], $0x80, v4, vm1, $0xb8;
	[tilespmem:$0x18180] =	vst v63  }
0x89: {  	s0 =	rddreg [dreg:$0x9]  }
0x8a: {  	[tilespmem:s0], [sflag:$0x1] =	stream.indirect_vreg.gather [hbm4b:s2+s3], $0x80, v3, vm0, $0xb8;
	[tilespmem:$0x18180] =	vst v63  }
0x8b: {  	s24 =	rddreg [dreg:$0xa]  }
0x8c: {  	[tilespmem:s24], [sflag:$0x1] =	stream.indirect_vreg.gather [hbm4b:s4+s3], $0x80, v3, vm1, $0xb8;
	[tilespmem:$0x18180] =	vst v63  }
0x8d: {  	v3 =	vld [tilespmem:$0x50];
	_ =	sdelay $0x4  }
0x8e: {  	v49 =	vshrl.u32 v3, $0x3  }
0x8f: {  	v4 =	vmul.u32 $0x18, v49  }
0x90: {  	v3 =	vand.u32 $0x7, v3  }
0x91: {  	v3 =	vor.u32 v3, v4  }
0x92: {  	v4 =	vperm.xlane v3, v0;
	_ =	sdelay $0x1  }
0x93: {  	v4 =	vadd.s32 v1, v4;
	_ =	sdelay $0x1  }
0x94: {  	v3 =	vperm.xlane v3, v2;
	_ =	sdelay $0x1  }
0x95: {  	s0 =	rddreg [dreg:$0xb];
	v3 =	vadd.s32 v1, v3  }
0x96: {  	[tilespmem:s0], [sflag:$0x1] =	stream.indirect_vreg.gather [hbm4b:s2+s3], $0x80, v4, vm0, $0xb8;
	[tilespmem:$0x18180] =	vst v63  }
0x97: {  	s24 =	rddreg [dreg:$0xc]  }
0x98: {  	[tilespmem:s24], [sflag:$0x1] =	stream.indirect_vreg.gather [hbm4b:s4+s3], $0x80, v4, vm1, $0xb8;
	[tilespmem:$0x18180] =	vst v63  }
0x99: {  	s0 =	rddreg [dreg:$0xd]  }
0x9a: {  	[tilespmem:s0], [sflag:$0x1] =	stream.indirect_vreg.gather [hbm4b:s2+s3], $0x80, v3, vm0, $0xb8;
	[tilespmem:$0x18180] =	vst v63  }
0x9b: {  	s24 =	rddreg [dreg:$0xe]  }
0x9c: {  	[tilespmem:s24], [sflag:$0x1] =	stream.indirect_vreg.gather [hbm4b:s4+s3], $0x80, v3, vm1, $0xb8;
	[tilespmem:$0x18180] =	vst v63  }
0x9d: {  	v3 =	vld [tilespmem:$0x60];
	_ =	sdelay $0x4  }
0x9e: {  	v50 =	vshrl.u32 v3, $0x3  }
0x9f: {  	v4 =	vmul.u32 $0x18, v50  }
0xa0: {  	v3 =	vand.u32 $0x7, v3  }
0xa1: {  	v3 =	vor.u32 v3, v4  }
0xa2: {  	v4 =	vperm.xlane v3, v0;
	_ =	sdelay $0x1  }
0xa3: {  	v4 =	vadd.s32 v1, v4;
	_ =	sdelay $0x1  }
0xa4: {  	v3 =	vperm.xlane v3, v2;
	_ =	sdelay $0x1  }
0xa5: {  	s0 =	rddreg [dreg:$0xf];
	v3 =	vadd.s32 v1, v3  }
0xa6: {  	[tilespmem:s0], [sflag:$0x1] =	stream.indirect_vreg.gather [hbm4b:s2+s3], $0x80, v4, vm0, $0xb8;
	[tilespmem:$0x18180] =	vst v63  }
0xa7: {  	s24 =	rddreg [dreg:$0x10]  }
0xa8: {  	[tilespmem:s24], [sflag:$0x1] =	stream.indirect_vreg.gather [hbm4b:s4+s3], $0x80, v4, vm1, $0xb8;
	[tilespmem:$0x18180] =	vst v63  }
0xa9: {  	s0 =	rddreg [dreg:$0x11]  }
0xaa: {  	[tilespmem:s0], [sflag:$0x1] =	stream.indirect_vreg.gather [hbm4b:s2+s3], $0x80, v3, vm0, $0xb8;
	[tilespmem:$0x18180] =	vst v63  }
0xab: {  	s24 =	rddreg [dreg:$0x12]  }
0xac: {  	[tilespmem:s24], [sflag:$0x1] =	stream.indirect_vreg.gather [hbm4b:s4+s3], $0x80, v3, vm1, $0xb8;
	[tilespmem:$0x18180] =	vst v63  }
0xad: {  	v3 =	vld [tilespmem:$0x70];
	_ =	sdelay $0x4  }
0xae: {  	v51 =	vshrl.u32 v3, $0x3  }
0xaf: {  	v4 =	vmul.u32 $0x18, v51  }
0xb0: {  	v3 =	vand.u32 $0x7, v3  }
0xb1: {  	v3 =	vor.u32 v3, v4  }
0xb2: {  	v4 =	vperm.xlane v3, v0;
	_ =	sdelay $0x1  }
0xb3: {  	v4 =	vadd.s32 v1, v4;
	_ =	sdelay $0x1  }
0xb4: {  	v3 =	vperm.xlane v3, v2;
	_ =	sdelay $0x1  }
0xb5: {  	s0 =	rddreg [dreg:$0x13];
	v3 =	vadd.s32 v1, v3  }
0xb6: {  	[tilespmem:s0], [sflag:$0x1] =	stream.indirect_vreg.gather [hbm4b:s2+s3], $0x80, v4, vm0, $0xb8;
	[tilespmem:$0x18180] =	vst v63  }
0xb7: {  	s24 =	rddreg [dreg:$0x14]  }
0xb8: {  	[tilespmem:s24], [sflag:$0x1] =	stream.indirect_vreg.gather [hbm4b:s4+s3], $0x80, v4, vm1, $0xb8;
	[tilespmem:$0x18180] =	vst v63  }
0xb9: {  	s0 =	rddreg [dreg:$0x15]  }
0xba: {  	[tilespmem:s0], [sflag:$0x1] =	stream.indirect_vreg.gather [hbm4b:s2+s3], $0x80, v3, vm0, $0xb8;
	[tilespmem:$0x18180] =	vst v63  }
0xbb: {  	s24 =	rddreg [dreg:$0x16]  }
0xbc: {  	[tilespmem:s24], [sflag:$0x1] =	stream.indirect_vreg.gather [hbm4b:s4+s3], $0x80, v3, vm1, $0xb8;
	[tilespmem:$0x18180] =	vst v63  }
0xbd: {  	v3 =	vld [tilespmem:$0x80];
	_ =	sdelay $0x4  }
0xbe: {  	v52 =	vshrl.u32 v3, $0x3  }
0xbf: {  	v4 =	vmul.u32 $0x18, v52  }
0xc0: {  	v3 =	vand.u32 $0x7, v3  }
0xc1: {  	v3 =	vor.u32 v3, v4  }
0xc2: {  	v4 =	vperm.xlane v3, v0;
	_ =	sdelay $0x1  }
0xc3: {  	v4 =	vadd.s32 v1, v4;
	_ =	sdelay $0x1  }
0xc4: {  	v3 =	vperm.xlane v3, v2;
	_ =	sdelay $0x1  }
0xc5: {  	v3 =	vadd.s32 v1, v3  }
0xc6: {  	[tilespmem:s23], [sflag:$0x2] =	stream.indirect_vreg.gather [hbm4b:s2+s3], $0x80, v4, vm0, $0xb8;
	[tilespmem:$0x18180] =	vst v63  }
0xc7: {  	s0 =	rddreg [dreg:$0x17]  }
0xc8: {  	[tilespmem:s0], [sflag:$0x2] =	stream.indirect_vreg.gather [hbm4b:s4+s3], $0x80, v4, vm1, $0xb8;
	[tilespmem:$0x18180] =	vst v63  }
0xc9: {  	s24 =	rddreg [dreg:$0x18]  }
0xca: {  	[tilespmem:s24], [sflag:$0x2] =	stream.indirect_vreg.gather [hbm4b:s2+s3], $0x80, v3, vm0, $0xb8;
	[tilespmem:$0x18180] =	vst v63  }
0xcb: {  	s0 =	rddreg [dreg:$0x19]  }
0xcc: {  	[tilespmem:s0], [sflag:$0x2] =	stream.indirect_vreg.gather [hbm4b:s4+s3], $0x80, v3, vm1, $0xb8;
	[tilespmem:$0x18180] =	vst v63  }
0xcd: {  	v3 =	vld [tilespmem:$0x90];
	_ =	sdelay $0x4  }
0xce: {  	v53 =	vshrl.u32 v3, $0x3  }
0xcf: {  	v4 =	vmul.u32 $0x18, v53  }
0xd0: {  	v3 =	vand.u32 $0x7, v3  }
0xd1: {  	v3 =	vor.u32 v3, v4  }
0xd2: {  	v4 =	vperm.xlane v3, v0;
	_ =	sdelay $0x1  }
0xd3: {  	v4 =	vadd.s32 v1, v4;
	_ =	sdelay $0x1  }
0xd4: {  	v3 =	vperm.xlane v3, v2;
	_ =	sdelay $0x1  }
0xd5: {  	s0 =	rddreg [dreg:$0x1a];
	v3 =	vadd.s32 v1, v3  }
0xd6: {  	[tilespmem:s0], [sflag:$0x2] =	stream.indirect_vreg.gather [hbm4b:s2+s3], $0x80, v4, vm0, $0xb8;
	[tilespmem:$0x18180] =	vst v63  }
0xd7: {  	s24 =	rddreg [dreg:$0x1b]  }
0xd8: {  	[tilespmem:s24], [sflag:$0x2] =	stream.indirect_vreg.gather [hbm4b:s4+s3], $0x80, v4, vm1, $0xb8;
	[tilespmem:$0x18180] =	vst v63  }
0xd9: {  	s0 =	rddreg [dreg:$0x1c]  }
0xda: {  	[tilespmem:s0], [sflag:$0x2] =	stream.indirect_vreg.gather [hbm4b:s2+s3], $0x80, v3, vm0, $0xb8;
	[tilespmem:$0x18180] =	vst v63  }
0xdb: {  	s24 =	rddreg [dreg:$0x1d]  }
0xdc: {  	[tilespmem:s24], [sflag:$0x2] =	stream.indirect_vreg.gather [hbm4b:s4+s3], $0x80, v3, vm1, $0xb8;
	[tilespmem:$0x18180] =	vst v63  }
0xdd: {  	v3 =	vld [tilespmem:$0xA0];
	_ =	sdelay $0x4  }
0xde: {  	v54 =	vshrl.u32 v3, $0x3  }
0xdf: {  	v4 =	vmul.u32 $0x18, v54  }
0xe0: {  	v3 =	vand.u32 $0x7, v3  }
0xe1: {  	v3 =	vor.u32 v3, v4  }
0xe2: {  	v4 =	vperm.xlane v3, v0;
	_ =	sdelay $0x1  }
0xe3: {  	v4 =	vadd.s32 v1, v4;
	_ =	sdelay $0x1  }
0xe4: {  	v3 =	vperm.xlane v3, v2  }
0xe5: {  	s0 =	rddreg [dreg:$0x1e]  }
0xe6: {  	s24 =	rddreg [dreg:$0x1f];
	v3 =	vadd.s32 v1, v3  }
0xe7: {  	[tilespmem:s0], [sflag:$0x2] =	stream.indirect_vreg.gather [hbm4b:s2+s3], $0x80, v4, vm0, $0xb8;
	[tilespmem:$0x18180] =	vst v63  }
0xe8: {  	s0 =	sld [smem:$0x7EC]  }
0xe9: {  	[tilespmem:s24], [sflag:$0x2] =	stream.indirect_vreg.gather [hbm4b:s4+s3], $0x80, v4, vm1, $0xb8;
	[tilespmem:$0x18180] =	vst v63  }
0xea: {  	s24 =	sld [smem:$0x7ED]  }
0xeb: {  	[tilespmem:s0], [sflag:$0x2] =	stream.indirect_vreg.gather [hbm4b:s2+s3], $0x80, v3, vm0, $0xb8;
	[tilespmem:$0x18180] =	vst v63  }
0xec: {  	_ = 	snop  }
0xed: {  	[tilespmem:s24], [sflag:$0x2] =	stream.indirect_vreg.gather [hbm4b:s4+s3], $0x80, v3, vm1, $0xb8;
	[tilespmem:$0x18180] =	vst v63  }
0xee: {  	v3 =	vld [tilespmem:$0xB0];
	_ =	sdelay $0x4  }
0xef: {  	v55 =	vshrl.u32 v3, $0x3  }
0xf0: {  	v4 =	vmul.u32 $0x18, v55  }
0xf1: {  	v3 =	vand.u32 $0x7, v3  }
0xf2: {  	v3 =	vor.u32 v3, v4  }
0xf3: {  	v4 =	vperm.xlane v3, v0;
	_ =	sdelay $0x1  }
0xf4: {  	v4 =	vadd.s32 v1, v4;
	_ =	sdelay $0x1  }
0xf5: {  	s0 =	sld [smem:$0x7EE];
	v3 =	vperm.xlane v3, v2;
	_ =	sdelay $0x1  }
0xf6: {  	s24 =	sld [smem:$0x7EF];
	v3 =	vadd.s32 v1, v3  }
0xf7: {  	[tilespmem:s0], [sflag:$0x2] =	stream.indirect_vreg.gather [hbm4b:s2+s3], $0x80, v4, vm0, $0xb8;
	[tilespmem:$0x18180] =	vst v63  }
0xf8: {  	s0 =	sld [smem:$0x7F0]  }
0xf9: {  	[tilespmem:s24], [sflag:$0x2] =	stream.indirect_vreg.gather [hbm4b:s4+s3], $0x80, v4, vm1, $0xb8;
	[tilespmem:$0x18180] =	vst v63  }
0xfa: {  	s24 =	sld [smem:$0x7F1]  }
0xfb: {  	[tilespmem:s0], [sflag:$0x2] =	stream.indirect_vreg.gather [hbm4b:s2+s3], $0x80, v3, vm0, $0xb8;
	[tilespmem:$0x18180] =	vst v63  }
0xfc: {  	_ = 	snop  }
0xfd: {  	[tilespmem:s24], [sflag:$0x2] =	stream.indirect_vreg.gather [hbm4b:s4+s3], $0x80, v3, vm1, $0xb8;
	[tilespmem:$0x18180] =	vst v63  }
0xfe: {  	v3 =	vld [tilespmem:$0xC0];
	_ =	sdelay $0x4  }
0xff: {  	v56 =	vshrl.u32 v3, $0x3  }
0x100: {  	v4 =	vmul.u32 $0x18, v56  }
0x101: {  	v3 =	vand.u32 $0x7, v3  }
0x102: {  	v3 =	vor.u32 v3, v4  }
0x103: {  	v4 =	vperm.xlane v3, v0;
	_ =	sdelay $0x1  }
0x104: {  	v4 =	vadd.s32 v1, v4;
	_ =	sdelay $0x1  }
0x105: {  	s0 =	sld [smem:$0x7F2];
	v3 =	vperm.xlane v3, v2;
	_ =	sdelay $0x1  }
0x106: {  	s24 =	sld [smem:$0x7F3];
	v3 =	vadd.s32 v1, v3  }
0x107: {  	[tilespmem:s0], [sflag:$0x2] =	stream.indirect_vreg.gather [hbm4b:s2+s3], $0x80, v4, vm0, $0xb8;
	[tilespmem:$0x18180] =	vst v63  }
0x108: {  	s0 =	sld [smem:$0x7F4]  }
0x109: {  	[tilespmem:s24], [sflag:$0x2] =	stream.indirect_vreg.gather [hbm4b:s4+s3], $0x80, v4, vm1, $0xb8;
	[tilespmem:$0x18180] =	vst v63  }
0x10a: {  	s24 =	sld [smem:$0x7F5]  }
0x10b: {  	[tilespmem:s0], [sflag:$0x2] =	stream.indirect_vreg.gather [hbm4b:s2+s3], $0x80, v3, vm0, $0xb8;
	[tilespmem:$0x18180] =	vst v63  }
0x10c: {  	_ = 	snop  }
0x10d: {  	[tilespmem:s24], [sflag:$0x2] =	stream.indirect_vreg.gather [hbm4b:s4+s3], $0x80, v3, vm1, $0xb8;
	[tilespmem:$0x18180] =	vst v63  }
0x10e: {  	v3 =	vld [tilespmem:$0xD0];
	_ =	sdelay $0x4  }
0x10f: {  	v57 =	vshrl.u32 v3, $0x3  }
0x110: {  	v4 =	vmul.u32 $0x18, v57  }
0x111: {  	v3 =	vand.u32 $0x7, v3  }
0x112: {  	v3 =	vor.u32 v3, v4  }
0x113: {  	v4 =	vperm.xlane v3, v0;
	_ =	sdelay $0x1  }
0x114: {  	v4 =	vadd.s32 v1, v4;
	_ =	sdelay $0x1  }
0x115: {  	s0 =	sld [smem:$0x7F6];
	v3 =	vperm.xlane v3, v2;
	_ =	sdelay $0x1  }
0x116: {  	s24 =	sld [smem:$0x7F7];
	v3 =	vadd.s32 v1, v3  }
0x117: {  	[tilespmem:s0], [sflag:$0x2] =	stream.indirect_vreg.gather [hbm4b:s2+s3], $0x80, v4, vm0, $0xb8;
	[tilespmem:$0x18180] =	vst v63  }
0x118: {  	s0 =	sld [smem:$0x7F8]  }
0x119: {  	[tilespmem:s24], [sflag:$0x2] =	stream.indirect_vreg.gather [hbm4b:s4+s3], $0x80, v4, vm1, $0xb8;
	[tilespmem:$0x18180] =	vst v63  }
0x11a: {  	s24 =	sld [smem:$0x7F9]  }
0x11b: {  	[tilespmem:s0], [sflag:$0x2] =	stream.indirect_vreg.gather [hbm4b:s2+s3], $0x80, v3, vm0, $0xb8;
	[tilespmem:$0x18180] =	vst v63  }
0x11c: {  	_ = 	snop  }
0x11d: {  	[tilespmem:s24], [sflag:$0x2] =	stream.indirect_vreg.gather [hbm4b:s4+s3], $0x80, v3, vm1, $0xb8;
	[tilespmem:$0x18180] =	vst v63  }
0x11e: {  	v3 =	vld [tilespmem:$0xE0];
	_ =	sdelay $0x4  }
0x11f: {  	v58 =	vshrl.u32 v3, $0x3  }
0x120: {  	v4 =	vmul.u32 $0x18, v58  }
0x121: {  	v3 =	vand.u32 $0x7, v3  }
0x122: {  	v3 =	vor.u32 v3, v4  }
0x123: {  	v4 =	vperm.xlane v3, v0;
	_ =	sdelay $0x1  }
0x124: {  	v4 =	vadd.s32 v1, v4;
	_ =	sdelay $0x1  }
0x125: {  	s0 =	sld [smem:$0x7FA];
	v3 =	vperm.xlane v3, v2;
	_ =	sdelay $0x1  }
0x126: {  	s24 =	sld [smem:$0x7FB];
	v3 =	vadd.s32 v1, v3  }
0x127: {  	[tilespmem:s0], [sflag:$0x2] =	stream.indirect_vreg.gather [hbm4b:s2+s3], $0x80, v4, vm0, $0xb8;
	[tilespmem:$0x18180] =	vst v63  }
0x128: {  	s0 =	sld [smem:$0x7FC]  }
0x129: {  	[tilespmem:s24], [sflag:$0x2] =	stream.indirect_vreg.gather [hbm4b:s4+s3], $0x80, v4, vm1, $0xb8;
	[tilespmem:$0x18180] =	vst v63  }
0x12a: {  	s24 =	sld [smem:$0x7FD]  }
0x12b: {  	[tilespmem:s0], [sflag:$0x2] =	stream.indirect_vreg.gather [hbm4b:s2+s3], $0x80, v3, vm0, $0xb8;
	[tilespmem:$0x18180] =	vst v63  }
0x12c: {  	_ = 	snop  }
0x12d: {  	[tilespmem:s24], [sflag:$0x2] =	stream.indirect_vreg.gather [hbm4b:s4+s3], $0x80, v3, vm1, $0xb8;
	[tilespmem:$0x18180] =	vst v63  }
0x12e: {  	v3 =	vld [tilespmem:$0xF0];
	_ =	sdelay $0x4  }
0x12f: {  	v59 =	vshrl.u32 v3, $0x3  }
0x130: {  	v4 =	vmul.u32 $0x18, v59  }
0x131: {  	v3 =	vand.u32 $0x7, v3  }
0x132: {  	v3 =	vor.u32 v3, v4  }
0x133: {  	v4 =	vperm.xlane v3, v0;
	_ =	sdelay $0x1  }
0x134: {  	v4 =	vadd.s32 v1, v4;
	_ =	sdelay $0x1  }
0x135: {  	v3 =	vperm.xlane v3, v2;
	_ =	sdelay $0x1  }
0x136: {  	s24 =	simm.s32 $0x16980;
	v3 =	vadd.s32 v1, v3  }
0x137: {  	[tilespmem:s24], [sflag:$0x2] =	stream.indirect_vreg.gather [hbm4b:s2+s3], $0x80, v4, vm0, $0xb8;
	[tilespmem:$0x18180] =	vst v63  }
0x138: {  	_ = 	snop  }
0x139: {  	[tilespmem:s25], [sflag:$0x2] =	stream.indirect_vreg.gather [hbm4b:s4+s3], $0x80, v4, vm1, $0xb8;
	[tilespmem:$0x18180] =	vst v63  }
0x13a: {  	_ = 	snop  }
0x13b: {  	[tilespmem:s26], [sflag:$0x2] =	stream.indirect_vreg.gather [hbm4b:s2+s3], $0x80, v3, vm0, $0xb8;
	[tilespmem:$0x18180] =	vst v63  }
0x13c: {  	_ = 	snop  }
0x13d: {  	[tilespmem:s28], [sflag:$0x2] =	stream.indirect_vreg.gather [hbm4b:s4+s3], $0x80, v3, vm1, $0xb8;
	[tilespmem:$0x18180] =	vst v63  }
0x13e: {  	_ =	swait.ge [sflag:s29], $0xC000  }
0x13f: {  	[sflag:s29] =	ssyncset.done $0x0  }
0x140: {  	s24 =	rddreg [dreg:$0x4];
	[sflag:s29] =	ssyncadd.s32 $0xFFFF4000  }
0x141: {  	[hbm4b:s24+s3] =	stream.linear.scatter [tilespmem:s7], [sflag:$0x3], $0xC000, $0x38;
	[tilespmem:$0x18180] =	vst v63  }
0x142: {  	_ =	swait.ge [sflag:s30], $0xC000  }
0x143: {  	[sflag:s30] =	ssyncset.done $0x0  }
0x144: {  	[sflag:s30] =	ssyncadd.s32 $0xFFFF4000  }
0x145: {  	v3 =	vld [tilespmem:$0x100];
	_ =	sdelay $0x4  }
0x146: {  	v60 =	vshrl.u32 v3, $0x3  }
0x147: {  	v4 =	vmul.u32 $0x18, v60  }
0x148: {  	v3 =	vand.u32 $0x7, v3  }
0x149: {  	v3 =	vor.u32 v3, v4  }
0x14a: {  	v4 =	vperm.xlane v3, v0;
	_ =	sdelay $0x1  }
0x14b: {  	v4 =	vadd.s32 v1, v4;
	_ =	sdelay $0x1  }
0x14c: {  	v3 =	vperm.xlane v3, v2;
	_ =	sdelay $0x1  }
0x14d: {  	v3 =	vadd.s32 v1, v3  }
0x14e: {  	[tilespmem:s7], [sflag:$0x1] =	stream.indirect_vreg.gather [hbm4b:s2+s3], $0x80, v4, vm0, $0xb8;
	[tilespmem:$0x18180] =	vst v63  }
0x14f: {  	_ = 	snop  }
0x150: {  	[tilespmem:s8], [sflag:$0x1] =	stream.indirect_vreg.gather [hbm4b:s4+s3], $0x80, v4, vm1, $0xb8;
	[tilespmem:$0x18180] =	vst v63  }
0x151: {  	_ = 	snop  }
0x152: {  	[tilespmem:s9], [sflag:$0x1] =	stream.indirect_vreg.gather [hbm4b:s2+s3], $0x80, v3, vm0, $0xb8;
	[tilespmem:$0x18180] =	vst v63  }
0x153: {  	_ = 	snop  }
0x154: {  	[tilespmem:s10], [sflag:$0x1] =	stream.indirect_vreg.gather [hbm4b:s4+s3], $0x80, v3, vm1, $0xb8;
	[tilespmem:$0x18180] =	vst v63  }
0x155: {  	v3 =	vld [tilespmem:$0x110];
	_ =	sdelay $0x4  }
0x156: {  	v61 =	vshrl.u32 v3, $0x3  }
0x157: {  	v4 =	vmul.u32 $0x18, v61  }
0x158: {  	v3 =	vand.u32 $0x7, v3  }
0x159: {  	v3 =	vor.u32 v3, v4  }
0x15a: {  	v4 =	vperm.xlane v3, v0;
	_ =	sdelay $0x1  }
0x15b: {  	v4 =	vadd.s32 v1, v4;
	_ =	sdelay $0x1  }
0x15c: {  	v3 =	vperm.xlane v3, v2;
	_ =	sdelay $0x1  }
0x15d: {  	v3 =	vadd.s32 v1, v3  }
0x15e: {  	[tilespmem:s11], [sflag:$0x1] =	stream.indirect_vreg.gather [hbm4b:s2+s3], $0x80, v4, vm0, $0xb8;
	[tilespmem:$0x18180] =	vst v63  }
0x15f: {  	_ = 	snop  }
0x160: {  	[tilespmem:s12], [sflag:$0x1] =	stream.indirect_vreg.gather [hbm4b:s4+s3], $0x80, v4, vm1, $0xb8;
	[tilespmem:$0x18180] =	vst v63  }
0x161: {  	_ = 	snop  }
0x162: {  	[tilespmem:s13], [sflag:$0x1] =	stream.indirect_vreg.gather [hbm4b:s2+s3], $0x80, v3, vm0, $0xb8;
	[tilespmem:$0x18180] =	vst v63  }
0x163: {  	_ = 	snop  }
0x164: {  	[tilespmem:s14], [sflag:$0x1] =	stream.indirect_vreg.gather [hbm4b:s4+s3], $0x80, v3, vm1, $0xb8;
	[tilespmem:$0x18180] =	vst v63  }
0x165: {  	v3 =	vld [tilespmem:$0x120];
	_ =	sdelay $0x4  }
0x166: {  	v62 =	vshrl.u32 v3, $0x3  }
0x167: {  	v4 =	vmul.u32 $0x18, v62  }
0x168: {  	v3 =	vand.u32 $0x7, v3  }
0x169: {  	v3 =	vor.u32 v3, v4  }
0x16a: {  	v4 =	vperm.xlane v3, v0;
	_ =	sdelay $0x1  }
0x16b: {  	v4 =	vadd.s32 v1, v4;
	_ =	sdelay $0x1  }
0x16c: {  	v3 =	vperm.xlane v3, v2;
	_ =	sdelay $0x1  }
0x16d: {  	v3 =	vadd.s32 v1, v3  }
0x16e: {  	[tilespmem:s15], [sflag:$0x1] =	stream.indirect_vreg.gather [hbm4b:s2+s3], $0x80, v4, vm0, $0xb8;
	[tilespmem:$0x18180] =	vst v63  }
0x16f: {  	_ = 	snop  }
0x170: {  	[tilespmem:s16], [sflag:$0x1] =	stream.indirect_vreg.gather [hbm4b:s4+s3], $0x80, v4, vm1, $0xb8;
	[tilespmem:$0x18180] =	vst v63  }
0x171: {  	_ = 	snop  }
0x172: {  	[tilespmem:s17], [sflag:$0x1] =	stream.indirect_vreg.gather [hbm4b:s2+s3], $0x80, v3, vm0, $0xb8;
	[tilespmem:$0x18180] =	vst v63  }
0x173: {  	_ = 	snop  }
0x174: {  	[tilespmem:s18], [sflag:$0x1] =	stream.indirect_vreg.gather [hbm4b:s4+s3], $0x80, v3, vm1, $0xb8;
	[tilespmem:$0x18180] =	vst v63  }
0x175: {  	v3 =	vld [tilespmem:$0x130];
	_ =	sdelay $0x4  }
0x176: {  	v63 =	vshrl.u32 v3, $0x3  }
0x177: {  	v4 =	vmul.u32 $0x18, v63  }
0x178: {  	v3 =	vand.u32 $0x7, v3  }
0x179: {  	v3 =	vor.u32 v3, v4  }
0x17a: {  	v4 =	vperm.xlane v3, v0;
	_ =	sdelay $0x1  }
0x17b: {  	v4 =	vadd.s32 v1, v4;
	_ =	sdelay $0x1  }
0x17c: {  	v3 =	vperm.xlane v3, v2;
	_ =	sdelay $0x1  }
0x17d: {  	v3 =	vadd.s32 v1, v3  }
0x17e: {  	[tilespmem:s19], [sflag:$0x1] =	stream.indirect_vreg.gather [hbm4b:s2+s3], $0x80, v4, vm0, $0xb8;
	[tilespmem:$0x18180] =	vst v63  }
0x17f: {  	_ = 	snop  }
0x180: {  	[tilespmem:s20], [sflag:$0x1] =	stream.indirect_vreg.gather [hbm4b:s4+s3], $0x80, v4, vm1, $0xb8;
	[tilespmem:$0x18180] =	vst v63  }
0x181: {  	_ = 	snop  }
0x182: {  	[tilespmem:s21], [sflag:$0x1] =	stream.indirect_vreg.gather [hbm4b:s2+s3], $0x80, v3, vm0, $0xb8;
	[tilespmem:$0x18180] =	vst v63  }
0x183: {  	_ = 	snop  }
0x184: {  	[tilespmem:s22], [sflag:$0x1] =	stream.indirect_vreg.gather [hbm4b:s4+s3], $0x80, v3, vm1, $0xb8;
	[tilespmem:$0x18180] =	vst v63  }
0x185: {  	_ =	swait.ge [sflag:s31], $0xC000  }
0x186: {  	[sflag:s31] =	ssyncset.done $0x0  }
0x187: {  	s24 =	rddreg [dreg:$0x5];
	[sflag:s31] =	ssyncadd.s32 $0xFFFF4000  }
0x188: {  	[hbm4b:s24+s3] =	stream.linear.scatter [tilespmem:s23], [sflag:$0x4], $0xC000, $0x38;
	[tilespmem:$0x18180] =	vst v63  }
0x189: {  	_ =	swait.ge [sflag:s29], $0x6000  }
0x18a: {  	[sflag:s29] =	ssyncset.done $0x0  }
0x18b: {  	s24 =	rddreg [dreg:$0x6];
	[sflag:s29] =	ssyncadd.s32 $0xFFFFA000  }
0x18c: {  	[hbm4b:s24+s3] =	stream.linear.scatter [tilespmem:s7], [sflag:$0x3], $0x6000, $0x38;
	[tilespmem:$0x18180] =	vst v63  }
0x18d: {  	p0 =	sne.s32 s5, $0x1;
	_ =	swait.ge [sflag:s1], $0xC000  }
.Ltmp0:
0x18e: {  	[sflag:s1] =	ssyncset.done $0x0;
	(pc) =	sbr.rel @p0 .LBB2_1-.Ltmp0, $4  }
0x18f: {  	[sflag:s1] =	ssyncadd.s32 $0xFFFF4000  }
0x190: {  	_ =	swait.ge [sflag:s30], $0x6000  }
0x191: {  	[sflag:s30] =	ssyncset.done $0x0  }
0x192: {  	s5 =	sadd.s32 $0xFFFFFFFF, s5;
	[sflag:s30] =	ssyncadd.s32 $0xFFFFA000  }
0x193: {  	_ =	sfence.sel $0x180000  }
0x194: {  	[bflag:$0x0] =	sbarrier.arrive $0xFFFF  }
0x195: {  	_ =	strace $0x90000047  }
0x196: {  	s0 =	stileid.u32;
	[bflag:$0x2] =	sbarrier.arrive $0xFFFF  }
0x197: {  	p0 =	sne.s32 s0, $0x0;
	s0 =	rddreg [dreg:$0x2]  }
0x198: {  	s0 =	sadd.s32 @!p0 $0x100000, s0  }
0x199: {  	[sflag:s0] =	ssyncadd.tile.s32 @!p0 $0x1;
	_ =	shalt  }
.Lfunc_end2:
_tile_overlayer_lowered:
.L_overlay_start_2:
0x19a: {  	(tag) =	ssettag $0x2  }
0x19b: {  	s0 =	rddreg [dreg:$0x0];
	s2 =	stileid.u32  }
0x19c: {  	s1 =	rddreg [dreg:$0x1];
	p0 =	sne.s32 s2, $0x0  }
0x19d: {  	s3 =	rddreg [dreg:$0x2];
	[bflag:$0x3] =	sbarrier.arrive $0xFFFF;
	s2 =	simm.s32 @!p0 $0x1C05  }
0x19e: {  	[timem:s3], [sflag:s2] =	dma.local @!p0 [hbm:s0], s1  }
0x19f: {  	s0 =	simm.s32 @!p0 $0x5  }
0x1a0: {  	_ =	swait.ge @!p0 [sflag:s0], s1  }
0x1a1: {  	s1 =	ssub.s32 @!p0 $0x0, s1;
	[sflag:s0] =	ssyncset.done @!p0 $0x0  }
0x1a2: {  	[sflag:s0] =	ssyncadd.s32 @!p0 s1  }
0x1a3: {  	[bflag:$0x3] =	sbarrier.arrive $0xFFFF  }
0x1a4: {  	_ =	shalt  }

</sc_bundles>
